<compile_context>
chip_gen: v7x
topology: tpu7x:2x2x1
jax: 0.10.2.dev20260603
libtpu: 0.0.44.dev20260713+nightly
codegen_flags: <defaults>
</compile_context>

<pallas_src>
import functools

import jax
import jax.numpy as jnp
from jax import lax
from jax.experimental import pallas as pl
from jax.experimental.pallas import tpu as pltpu
from jax.experimental.pallas import tpu_sc as plsc

N_PAD = 10240
BN = 1024

N_EDGE = 320000
NT = 32
R = 320
M_MAX = 10880
ECH = 2000
GCH = 64

_MESH = plsc.VectorSubcoreMesh(core_axis_name="c", subcore_axis_name="s")



def _proj_kernel(act_ref, b_ref, w_ref, a_ref, xp_ref, asdt_ref, *, heads, relu):
    a = act_ref[...]
    if relu:
        a = jnp.maximum(a + b_ref[...], 0.0)
    xp = jnp.dot(a, w_ref[...], preferred_element_type=jnp.float32,
                 precision=lax.Precision.HIGHEST)
    asd = jnp.dot(xp, a_ref[...], preferred_element_type=jnp.float32,
                  precision=lax.Precision.HIGHEST)
    asdt_ref[...] = asd.T
    c = xp.shape[1] // heads
    xp_ref[...] = xp.reshape(BN, heads, c).transpose(1, 0, 2)


def _project(act, b_prev, W, A_cat, heads, relu):
    f_in = act.shape[1]
    hc = W.shape[1]
    c = hc // heads
    grid = N_PAD // BN
    return pl.pallas_call(
        functools.partial(_proj_kernel, heads=heads, relu=relu),
        grid=(grid,),
        in_specs=[
            pl.BlockSpec((BN, f_in), lambda i: (i, 0)),
            pl.BlockSpec((1, f_in), lambda i: (0, 0)),
            pl.BlockSpec((f_in, hc), lambda i: (0, 0)),
            pl.BlockSpec((hc, 2 * heads), lambda i: (0, 0)),
        ],
        out_specs=[
            pl.BlockSpec((heads, BN, c), lambda i: (0, i, 0)),
            pl.BlockSpec((2 * heads, BN), lambda i: (0, i)),
        ],
        out_shape=[
            jax.ShapeDtypeStruct((heads, N_PAD, c), jnp.float32),
            jax.ShapeDtypeStruct((2 * heads, N_PAD), jnp.float32),
        ],
    )(act, b_prev.reshape(1, f_in), W, A_cat)


def _pool_kernel(h_ref, b_ref, o_ref):
    o_ref[...] = jnp.sum(h_ref[...], axis=0, keepdims=True) / 10000.0 + b_ref[...]


def _mean_pool(h, b3):
    return pl.pallas_call(
        _pool_kernel,
        out_shape=jax.ShapeDtypeStruct((1, h.shape[1]), jnp.float32),
    )(h, b3.reshape(1, h.shape[1]))


def _att_mat(att):
    _, H, C = att.shape
    eye = jnp.eye(H, dtype=jnp.float32)
    return (att[0][:, :, None] * eye[:, None, :]).reshape(H * C, H)




def _wid():
    return lax.axis_index("s") * 2 + lax.axis_index("c")


def _memset(ref, words, value):
    def body(i, _):
        ref[pl.ds(i * 16, 16)] = jnp.full((16,), value, ref.dtype)
        return 0
    lax.fori_loop(0, words // 16, body, 0)


def _part_body(src_hbm, dst_hbm, sp_hbm, dp_hbm, sbuf, dbuf, slist, dlist):
    wid = _wid()
    base = wid * R
    _memset(slist, M_MAX + 16, 0)
    _memset(dlist, M_MAX + 16, R)

    def chunk(k, off):
        pltpu.sync_copy(src_hbm.at[pl.ds(k * ECH, ECH)], sbuf)
        pltpu.sync_copy(dst_hbm.at[pl.ds(k * ECH, ECH)], dbuf)

        def step(j, off):
            sv = sbuf[pl.ds(j * 16, 16)]
            dl = dbuf[pl.ds(j * 16, 16)] - base
            ok = off <= M_MAX - 16
            m = jnp.logical_and((dl >= 0) & (dl < R), ok)
            offc = jnp.minimum(off, M_MAX - 16)
            pos = plsc.cumsum(m.astype(jnp.int32))
            idx = offc + pos - 1
            plsc.store_scatter(slist, [idx], sv, mask=m)
            plsc.store_scatter(dlist, [idx], dl, mask=m)
            return off + jnp.max(pos)

        return lax.fori_loop(0, ECH // 16, step, off)

    lax.fori_loop(0, N_EDGE // ECH, chunk, jnp.int32(0))
    pltpu.sync_copy(slist.at[pl.ds(0, M_MAX)],
                    sp_hbm.at[pl.ds(wid * M_MAX, M_MAX)])
    pltpu.sync_copy(dlist.at[pl.ds(0, M_MAX)],
                    dp_hbm.at[pl.ds(wid * M_MAX, M_MAX)])


def _partition(src, dst):
    return pl.kernel(
        _part_body,
        out_type=(
            jax.ShapeDtypeStruct((NT * M_MAX,), jnp.int32),
            jax.ShapeDtypeStruct((NT * M_MAX,), jnp.int32),
        ),
        mesh=_MESH,
        compiler_params=pltpu.CompilerParams(needs_layout_passes=False),
        scratch_types=[
            pltpu.VMEM((ECH,), jnp.int32),
            pltpu.VMEM((ECH,), jnp.int32),
            pltpu.VMEM((M_MAX + 16,), jnp.int32),
            pltpu.VMEM((M_MAX + 16,), jnp.int32),
        ],
    )(src, dst)


CP = 128


def _edge_body(sp_hbm, dp_hbm, asdt_hbm, xp_hbm, agg_hbm,
               slist, dlist, slisth, alb0, alb1, asrc, adst, denom, acc,
               rowbuf0, rowbuf1, sem0, sem1, *, heads):
    wid = _wid()
    base = wid * R
    it16 = jnp.arange(16, dtype=jnp.int32)
    pltpu.sync_copy(sp_hbm.at[pl.ds(wid * M_MAX, M_MAX)], slist)
    pltpu.sync_copy(dp_hbm.at[pl.ds(wid * M_MAX, M_MAX)], dlist)
    pairs = max(heads // 2, 1)
    NG = M_MAX // GCH

    def pair(p, _):
        for t, alb in enumerate([alb0, alb1][: max(heads // pairs, 1)]):
            h = p * (heads // pairs) + t
            pltpu.sync_copy(asdt_hbm.at[pl.ds(h * N_PAD, N_PAD)], asrc)
            pltpu.sync_copy(asdt_hbm.at[pl.ds((heads + h) * N_PAD + base, R)],
                            adst.at[pl.ds(0, R)])
            adst[pl.ds(R, 16)] = jnp.zeros((16,), jnp.float32)
            _memset(denom, R + 16, 0)

            @plsc.parallel_loop(0, M_MAX // 16, unroll=2)
            def p1(j):
                sv = slist[pl.ds(j * 16, 16)]
                dlv = dlist[pl.ds(j * 16, 16)]
                if t == 0:
                    slisth[pl.ds(j * 16, 16)] = sv + p * N_PAD
                e = (plsc.load_gather(asrc, [sv])
                     + plsc.load_gather(adst, [dlv]))
                ex = jnp.exp(jnp.maximum(e, 0.2 * e))
                alb[pl.ds(j * 16, 16)] = ex
                plsc.addupdate_scatter(denom, [dlv], ex)

            def rec(i, _):
                denom[pl.ds(i * 16, 16)] = 1.0 / (denom[pl.ds(i * 16, 16)]
                                                  + 1e-16)
                return 0

            lax.fori_loop(0, (R + 16) // 16, rec, 0)

            @plsc.parallel_loop(0, M_MAX // 16, unroll=2)
            def p2(j):
                dlv = dlist[pl.ds(j * 16, 16)]
                alb[pl.ds(j * 16, 16)] = (alb[pl.ds(j * 16, 16)]
                                          * plsc.load_gather(denom, [dlv]))

        _memset(acc, (R + 1) * CP, 0)
        albb = alb1 if heads > 1 else alb0

        def issue(gidx, buf, sem):
            idx = slisth.at[pl.ds(gidx * GCH, GCH)]
            pltpu.async_copy(xp_hbm.at[idx], buf, sem)

        def drain(buf, sem):
            pltpu.make_async_copy(xp_hbm.at[pl.ds(0, GCH)], buf, sem).wait()

        def process(g, buf):
            @plsc.parallel_loop(0, GCH, unroll=2)
            def edge(k):
                jsp = jnp.full((16,), g * GCH + k, jnp.int32)
                alfa = plsc.load_gather(alb0, [jsp])
                alfb = plsc.load_gather(albb, [jsp])
                ib = plsc.load_gather(dlist, [jsp]) * CP
                ksp = jnp.full((16,), k, jnp.int32)
                for q in range(CP // 16):
                    alf = alfa if q < (CP // 32) else alfb
                    val = plsc.load_gather(buf, [ksp, q * 16 + it16])
                    plsc.addupdate_scatter(acc, [ib + (q * 16) + it16],
                                           val * alf)

        issue(0, rowbuf0, sem0)
        issue(1, rowbuf1, sem1)

        def gpair(gg, _):
            g0 = gg * 2
            for b, (buf, sem) in enumerate([(rowbuf0, sem0),
                                            (rowbuf1, sem1)]):
                g = g0 + b
                drain(buf, sem)
                process(g, buf)
                issue(jnp.minimum(g + 2, NG - 2 + b), buf, sem)
            return 0

        lax.fori_loop(0, NG // 2, gpair, 0)
        drain(rowbuf0, sem0)
        drain(rowbuf1, sem1)
        pltpu.sync_copy(acc.at[pl.ds(0, R * CP)],
                        agg_hbm.at[pl.ds((p * N_PAD + base) * CP, R * CP)])
        return 0

    lax.fori_loop(0, pairs, pair, 0)


def _edge_phase(xp_hm, asdt, sp, dp, heads, c):
    pairs = max(heads // 2, 1)
    xp_flat = (xp_hm.reshape(pairs, heads // pairs, N_PAD, c)
               .transpose(0, 2, 1, 3).reshape(pairs * N_PAD, CP))
    asdt = asdt.reshape(2 * heads * N_PAD)
    agg = pl.kernel(
        functools.partial(_edge_body, heads=heads),
        out_type=jax.ShapeDtypeStruct((pairs * N_PAD * CP,), jnp.float32),
        mesh=_MESH,
        compiler_params=pltpu.CompilerParams(needs_layout_passes=False),
        scratch_types=[
            pltpu.VMEM((M_MAX,), jnp.int32),
            pltpu.VMEM((M_MAX,), jnp.int32),
            pltpu.VMEM((M_MAX,), jnp.int32),
            pltpu.VMEM((M_MAX,), jnp.float32),
            pltpu.VMEM((M_MAX,), jnp.float32),
            pltpu.VMEM((N_PAD,), jnp.float32),
            pltpu.VMEM((R + 16,), jnp.float32),
            pltpu.VMEM((R + 16,), jnp.float32),
            pltpu.VMEM(((R + 1) * CP,), jnp.float32),
            pltpu.VMEM((GCH, CP), jnp.float32),
            pltpu.VMEM((GCH, CP), jnp.float32),
            pltpu.SemaphoreType.DMA,
            pltpu.SemaphoreType.DMA,
        ],
    )(sp, dp, asdt, xp_flat)
    return (agg.reshape(pairs, N_PAD, CP).transpose(1, 0, 2)
            .reshape(N_PAD, heads * c))


def kernel(x, edge_index, W1, as1, ad1, b1, W2, as2, ad2, b2, W3, as3, ad3, b3):
    n = x.shape[0]
    src = edge_index[0].astype(jnp.int32)
    dst = edge_index[1].astype(jnp.int32)
    xpad = jnp.pad(x, ((0, N_PAD - n), (0, 0)))

    A1 = jnp.concatenate([_att_mat(as1), _att_mat(ad1)], axis=1)
    A2 = jnp.concatenate([_att_mat(as2), _att_mat(ad2)], axis=1)
    A3 = jnp.concatenate([_att_mat(as3), _att_mat(ad3)], axis=1)

    sp, dp = _partition(src, dst)

    zero_b = jnp.zeros((x.shape[1],), jnp.float32)
    xp1, asdt1 = _project(xpad, zero_b, W1, A1, 8, False)
    agg1 = _edge_phase(xp1, asdt1, sp, dp, 8, 64)

    xp2, asdt2 = _project(agg1, b1, W2, A2, 8, True)
    agg2 = _edge_phase(xp2, asdt2, sp, dp, 8, 64)

    xp3, asdt3 = _project(agg2, b2, W3, A3, 1, True)
    agg3 = _edge_phase(xp3, asdt3, sp, dp, 1, 128)

    return _mean_pool(agg3, b3)

# --- scband reference (transcript-rebuilt; emitter-appended) ---
"""Pipeline reference for scband-gatmodel-8203387535854 (READ-ONLY COPY).

The authoritative reference and input builder live on the scoring server;
editing this copy changes nothing except your own understanding.
"""

import jax, jax.numpy as jnp
import numpy as np

N_NODES = 10000
N_EDGES = 320000
IN_CH = 128
HID = 64
OUT_CH = 128


def _gat_conv(x, edge_index, W, att_src, att_dst, bias, heads, concat, num_nodes):
    # x: [N, F_in], W: [F_in, heads*C], att_src/att_dst: [1, heads, C], bias: [heads*C] or [C]
    src = edge_index[0]
    dst = edge_index[1]
    C = W.shape[1] // heads
    xp = (x @ W).reshape(num_nodes, heads, C)
    alpha_src = jnp.sum(xp * att_src, axis=-1)  # [N, H]
    alpha_dst = jnp.sum(xp * att_dst, axis=-1)  # [N, H]
    e = alpha_src[src] + alpha_dst[dst]          # [E, H]
    e = jax.nn.leaky_relu(e, negative_slope=0.2)
    # numerically-stable segment softmax over incoming edges of each dst node
    e_max = jax.ops.segment_max(e, dst, num_segments=num_nodes)
    e_max = jnp.where(jnp.isfinite(e_max), e_max, 0.0)
    e_max = jax.lax.stop_gradient(e_max)
    ex = jnp.exp(e - e_max[dst])
    denom = jax.ops.segment_sum(ex, dst, num_segments=num_nodes)
    alpha = ex / (denom[dst] + 1e-16)            # [E, H]
    msg = xp[src] * alpha[:, :, None]            # [E, H, C]
    out = jax.ops.segment_sum(msg, dst, num_segments=num_nodes)  # [N, H, C]
    if concat:
        out = out.reshape(num_nodes, heads * C)
    else:
        out = out.mean(axis=1)
    return out + bias


def setup_inputs(seed: int = 0) -> dict:
    key = jax.random.key(seed)
    ks = jax.random.split(key, 16)
    x = jax.random.normal(ks[0], (N_NODES, IN_CH), dtype=jnp.float32)
    edge_index = jax.random.randint(ks[1], (2, N_EDGES), 0, N_NODES, dtype=jnp.int64)
    s = 0.05
    W1 = jax.random.normal(ks[2], (IN_CH, 8 * HID), dtype=jnp.float32) * s
    as1 = jax.random.normal(ks[3], (1, 8, HID), dtype=jnp.float32) * s
    ad1 = jax.random.normal(ks[4], (1, 8, HID), dtype=jnp.float32) * s
    b1 = jnp.zeros((8 * HID,), dtype=jnp.float32)
    W2 = jax.random.normal(ks[5], (8 * HID, 8 * HID), dtype=jnp.float32) * s
    as2 = jax.random.normal(ks[6], (1, 8, HID), dtype=jnp.float32) * s
    ad2 = jax.random.normal(ks[7], (1, 8, HID), dtype=jnp.float32) * s
    b2 = jnp.zeros((8 * HID,), dtype=jnp.float32)
    W3 = jax.random.normal(ks[8], (8 * HID, OUT_CH), dtype=jnp.float32) * s
    as3 = jax.random.normal(ks[9], (1, 1, OUT_CH), dtype=jnp.float32) * s
    ad3 = jax.random.normal(ks[10], (1, 1, OUT_CH), dtype=jnp.float32) * s
    b3 = jnp.zeros((OUT_CH,), dtype=jnp.float32)
    return {"x": x, "edge_index": edge_index,
            "W1": W1, "as1": as1, "ad1": ad1, "b1": b1,
            "W2": W2, "as2": as2, "ad2": ad2, "b2": b2,
            "W3": W3, "as3": as3, "ad3": ad3, "b3": b3}


def reference(x, edge_index, W1, as1, ad1, b1, W2, as2, ad2, b2, W3, as3, ad3, b3):
    n = x.shape[0]
    h = jax.nn.relu(_gat_conv(x, edge_index, W1, as1, ad1, b1, heads=8, concat=True, num_nodes=n))
    h = jax.nn.relu(_gat_conv(h, edge_index, W2, as2, ad2, b2, heads=8, concat=True, num_nodes=n))
    h = _gat_conv(h, edge_index, W3, as3, ad3, b3, heads=1, concat=False, num_nodes=n)
    # global_mean_pool with all-zero batch ids == mean over all nodes -> [1, out]
    out = jnp.mean(h, axis=0, keepdims=True)
    return out

if __name__ == "__main__":
    import jax
    _d = setup_inputs()
    print(jax.jit(kernel)(*tuple(_d.values())))

</pallas_src>

<mosaic_0001>
#map = affine_map<(d0, d1) -> (0)>
module attributes {stable_mosaic.version = 14 : i64} {
  func.func @_part_body(%arg0: i32, %arg1: i32, %arg2: memref<320000xi32, #tpu.memory_space<hbm>>, %arg3: memref<320000xi32, #tpu.memory_space<hbm>>, %arg4: memref<348160xi32, #tpu.memory_space<hbm>>, %arg5: memref<348160xi32, #tpu.memory_space<hbm>>, %arg6: memref<2000xi32, #tpu.memory_space<vmem>>, %arg7: memref<2000xi32, #tpu.memory_space<vmem>>, %arg8: memref<10896xi32, #tpu.memory_space<vmem>>, %arg9: memref<10896xi32, #tpu.memory_space<vmem>>) attributes {dimension_semantics = [#tpu.dimension_semantics<core_parallel>, #tpu.dimension_semantics<subcore_parallel>], iteration_bounds = array<i64: 2, 16>, scalar_prefetch = 0 : i64, scratch_operands = 4 : i64, tpu.core_type = #tpu.core_type<sc_vector_subcore>, window_params = [{transform_indices = #map}, {transform_indices = #map}, {transform_indices = #map}, {transform_indices = #map}]} {
    %mul3A = arith.constant 2 : i32
    %mul3A_0 = arith.muli %arg1, %mul3A : i32
    %add3A = arith.addi %mul3A_0, %arg0 : i32
    %mul3A_1 = arith.constant 320 : i32
    %mul3A_2 = arith.muli %add3A, %mul3A_1 : i32
    %scan3A = arith.constant 0 : i32
    %scan3A_3 = arith.constant 0 : i32
    %scan3A_4 = arith.constant 681 : i32
    %scan3A_5 = arith.addi %scan3A_3, %scan3A_4 : i32
    %scan3A_6 = arith.constant 1 : i32
    %scan3A_7 = scf.for %scan3A_27 = %scan3A_3 to %scan3A_5 step %scan3A_6 iter_args(%scan3A_28 = %scan3A) -> (i32)  : i32 {
      %broadcast_in_dim3A = arith.constant 0 : i32
      %broadcast_in_dim3A_29 = vector.broadcast %broadcast_in_dim3A : i32 to vector<16xi32>
      %mul3A_30 = arith.constant 16 : i32
      %mul3A_31 = arith.muli %scan3A_27, %mul3A_30 : i32
      %swap3A = arith.index_cast %mul3A_31 : i32 to index
      %swap3A_32 = tpu.vector_load %arg8[%swap3A] {strides = array<i32>} : memref<10896xi32, #tpu.memory_space<vmem>>, vector<16xi32>,
      tpu.vector_store %arg8[%swap3A], %broadcast_in_dim3A_29 {strides = array<i32>} : memref<10896xi32, #tpu.memory_space<vmem>>, vector<16xi32>,
      %scan3A_33 = arith.constant 0 : i32
      scf.yield %scan3A_33 : i32
    }
    %scan3A_8 = arith.constant 681 : i32
    %scan3A_9 = arith.constant 0 : i32
    %scan3A_10 = arith.constant 0 : i32
    %scan3A_11 = arith.constant 681 : i32
    %scan3A_12 = arith.addi %scan3A_10, %scan3A_11 : i32
    %scan3A_13 = arith.constant 1 : i32
    %scan3A_14 = scf.for %scan3A_27 = %scan3A_10 to %scan3A_12 step %scan3A_13 iter_args(%scan3A_28 = %scan3A_9) -> (i32)  : i32 {
      %broadcast_in_dim3A = arith.constant 320 : i32
      %broadcast_in_dim3A_29 = vector.broadcast %broadcast_in_dim3A : i32 to vector<16xi32>
      %mul3A_30 = arith.constant 16 : i32
      %mul3A_31 = arith.muli %scan3A_27, %mul3A_30 : i32
      %swap3A = arith.index_cast %mul3A_31 : i32 to index
      %swap3A_32 = tpu.vector_load %arg9[%swap3A] {strides = array<i32>} : memref<10896xi32, #tpu.memory_space<vmem>>, vector<16xi32>,
      tpu.vector_store %arg9[%swap3A], %broadcast_in_dim3A_29 {strides = array<i32>} : memref<10896xi32, #tpu.memory_space<vmem>>, vector<16xi32>,
      %scan3A_33 = arith.constant 0 : i32
      scf.yield %scan3A_33 : i32
    }
    %scan3A_15 = arith.constant 681 : i32
    %scan3A_16 = arith.constant 0 : i32
    %scan3A_17 = arith.constant 0 : i32
    %scan3A_18 = arith.constant 160 : i32
    %scan3A_19 = arith.addi %scan3A_17, %scan3A_18 : i32
    %scan3A_20 = arith.constant 1 : i32
    %scan3A_21 = scf.for %scan3A_27 = %scan3A_17 to %scan3A_19 step %scan3A_20 iter_args(%scan3A_28 = %scan3A_16) -> (i32)  : i32 {
      %mul3A_29 = arith.constant 2000 : i32
      %mul3A_30 = arith.muli %scan3A_27, %mul3A_29 : i32
      "tpu.region"() ({
        %run_scoped3A = tpu.sem_alloc : memref<!tpu.dma_semaphore, #tpu.memory_space<semaphore_mem>>
        %dma_start3A = tpu.memref_slice %arg2[%mul3A_30] : memref<320000xi32, #tpu.memory_space<hbm>> -> memref<2000xi32, #tpu.memory_space<hbm>>
        %dma_start3A_39 = tpu.memref_slice %arg2[%mul3A_30] : memref<320000xi32, #tpu.memory_space<hbm>> -> memref<2000xi32, #tpu.memory_space<hbm>>
        tpu.enqueue_dma source(%dma_start3A_39 : memref<2000xi32, #tpu.memory_space<hbm>>) target(%arg6 : memref<2000xi32, #tpu.memory_space<vmem>>) target_semaphore(%run_scoped3A : memref<!tpu.dma_semaphore, #tpu.memory_space<semaphore_mem>>)
        %dma_wait3A = tpu.memref_slice %arg2[%mul3A_30] : memref<320000xi32, #tpu.memory_space<hbm>> -> memref<2000xi32, #tpu.memory_space<hbm>>
        %dma_wait3A_40 = tpu.memref_slice %arg2[%mul3A_30] : memref<320000xi32, #tpu.memory_space<hbm>> -> memref<2000xi32, #tpu.memory_space<hbm>>
        tpu.wait_dma2 semaphore(%run_scoped3A : memref<!tpu.dma_semaphore, #tpu.memory_space<semaphore_mem>>) src(%dma_wait3A_40 : memref<2000xi32, #tpu.memory_space<hbm>>) dst(%arg6 : memref<2000xi32, #tpu.memory_space<vmem>>)
        tpu.yield
      }) : () -> ()
      %mul3A_31 = arith.constant 2000 : i32
      %mul3A_32 = arith.muli %scan3A_27, %mul3A_31 : i32
      "tpu.region"() ({
        %run_scoped3A = tpu.sem_alloc : memref<!tpu.dma_semaphore, #tpu.memory_space<semaphore_mem>>
        %dma_start3A = tpu.memref_slice %arg3[%mul3A_32] : memref<320000xi32, #tpu.memory_space<hbm>> -> memref<2000xi32, #tpu.memory_space<hbm>>
        %dma_start3A_39 = tpu.memref_slice %arg3[%mul3A_32] : memref<320000xi32, #tpu.memory_space<hbm>> -> memref<2000xi32, #tpu.memory_space<hbm>>
        tpu.enqueue_dma source(%dma_start3A_39 : memref<2000xi32, #tpu.memory_space<hbm>>) target(%arg7 : memref<2000xi32, #tpu.memory_space<vmem>>) target_semaphore(%run_scoped3A : memref<!tpu.dma_semaphore, #tpu.memory_space<semaphore_mem>>)
        %dma_wait3A = tpu.memref_slice %arg3[%mul3A_32] : memref<320000xi32, #tpu.memory_space<hbm>> -> memref<2000xi32, #tpu.memory_space<hbm>>
        %dma_wait3A_40 = tpu.memref_slice %arg3[%mul3A_32] : memref<320000xi32, #tpu.memory_space<hbm>> -> memref<2000xi32, #tpu.memory_space<hbm>>
        tpu.wait_dma2 semaphore(%run_scoped3A : memref<!tpu.dma_semaphore, #tpu.memory_space<semaphore_mem>>) src(%dma_wait3A_40 : memref<2000xi32, #tpu.memory_space<hbm>>) dst(%arg7 : memref<2000xi32, #tpu.memory_space<vmem>>)
        tpu.yield
      }) : () -> ()
      %scan3A_33 = arith.constant 0 : i32
      %scan3A_34 = arith.constant 125 : i32
      %scan3A_35 = arith.addi %scan3A_33, %scan3A_34 : i32
      %scan3A_36 = arith.constant 1 : i32
      %scan3A_37 = scf.for %scan3A_39 = %scan3A_33 to %scan3A_35 step %scan3A_36 iter_args(%scan3A_40 = %scan3A_28) -> (i32)  : i32 {
        %mul3A_41 = arith.constant 16 : i32
        %mul3A_42 = arith.muli %scan3A_39, %mul3A_41 : i32
        %get3A = arith.index_cast %mul3A_42 : i32 to index
        %get3A_43 = tpu.vector_load %arg6[%get3A] {strides = array<i32>} : memref<2000xi32, #tpu.memory_space<vmem>>, vector<16xi32>,
        %mul3A_44 = arith.constant 16 : i32
        %mul3A_45 = arith.muli %scan3A_39, %mul3A_44 : i32
        %get3A_46 = arith.index_cast %mul3A_45 : i32 to index
        %get3A_47 = tpu.vector_load %arg7[%get3A_46] {strides = array<i32>} : memref<2000xi32, #tpu.memory_space<vmem>>, vector<16xi32>,
        %sub3A = vector.broadcast %mul3A_2 : i32 to vector<16xi32>
        %sub3A_48 = arith.subi %get3A_47, %sub3A : vector<16xi32>
        %le3A = arith.constant 10864 : i32
        %le3A_49 = arith.cmpi sle, %scan3A_40, %le3A : i32
        %ge3A = arith.constant 0 : i32
        %ge3A_50 = vector.broadcast %ge3A : i32 to vector<16xi32>
        %ge3A_51 = arith.cmpi sge, %sub3A_48, %ge3A_50 : vector<16xi32>
        %lt3A = arith.constant 320 : i32
        %lt3A_52 = vector.broadcast %lt3A : i32 to vector<16xi32>
        %lt3A_53 = arith.cmpi slt, %sub3A_48, %lt3A_52 : vector<16xi32>
        %and3A = arith.andi %ge3A_51, %lt3A_53 : vector<16xi1>
        %and3A_54 = vector.broadcast %le3A_49 : i1 to vector<16xi1>
        %and3A_55 = arith.andi %and3A, %and3A_54 : vector<16xi1>
        %min3A = arith.constant 10864 : i32
        %min3A_56 = arith.minsi %scan3A_40, %min3A : i32
        %convert_element_type3A = arith.extui %and3A_55 : vector<16xi1> to vector<16xi32>
        %broadcast_in_dim3A = arith.constant true
        %broadcast_in_dim3A_57 = vector.broadcast %broadcast_in_dim3A : i1 to vector<16xi1>
        %masked_cumsum3A = tpu.scan <sum>, %convert_element_type3A masked %broadcast_in_dim3A_57 : vector<16xi32>, vector<16xi1> -> vector<16xi32>
        %add3A_58 = vector.broadcast %min3A_56 : i32 to vector<16xi32>
        %add3A_59 = arith.addi %add3A_58, %masked_cumsum3A : vector<16xi32>
        %sub3A_60 = arith.constant 1 : i32
        %sub3A_61 = vector.broadcast %sub3A_60 : i32 to vector<16xi32>
        %sub3A_62 = arith.subi %add3A_59, %sub3A_61 : vector<16xi32>
        tpu.vector_store_idx %arg8[%sub3A_62], %get3A_43 masked %and3A_55 : memref<10896xi32, #tpu.memory_space<vmem>>[vector<16xi32>], vector<16xi32>, vector<16xi1>
        tpu.vector_store_idx %arg9[%sub3A_62], %sub3A_48 masked %and3A_55 : memref<10896xi32, #tpu.memory_space<vmem>>[vector<16xi32>], vector<16xi32>, vector<16xi1>
        %reduce_max3A = arith.constant true
        %reduce_max3A_63 = vector.broadcast %reduce_max3A : i1 to vector<16xi1>
        %reduce_max3A_64 = arith.constant -2147483648 : i32
        %reduce_max3A_65 = vector.broadcast %reduce_max3A_64 : i32 to vector<16xi32>
        %reduce_max3A_66 = arith.xori %masked_cumsum3A, %reduce_max3A_65 : vector<16xi32>
        %reduce_max3A_67 = tpu.scan <max>, %reduce_max3A_66 masked %reduce_max3A_63 : vector<16xi32>, vector<16xi1> -> vector<16xi32>
        %reduce_max3A_68 = arith.xori %reduce_max3A_67, %reduce_max3A_65 : vector<16xi32>
        %reduce_max3A_69 = vector.extract %reduce_max3A_68[15] : i32 from vector<16xi32>
        %add3A_70 = arith.addi %scan3A_40, %reduce_max3A_69 : i32
        scf.yield %add3A_70 : i32
      }
      %scan3A_38 = arith.constant 125 : i32
      scf.yield %scan3A_37 : i32
    }
    %scan3A_22 = arith.constant 160 : i32
    %mul3A_23 = arith.constant 10880 : i32
    %mul3A_24 = arith.muli %add3A, %mul3A_23 : i32
    "tpu.region"() ({
      %run_scoped3A = tpu.sem_alloc : memref<!tpu.dma_semaphore, #tpu.memory_space<semaphore_mem>>
      %dma_start3A = arith.constant 0 : i32
      %dma_start3A_27 = tpu.memref_slice %arg8[%dma_start3A] : memref<10896xi32, #tpu.memory_space<vmem>> -> memref<10880xi32, #tpu.memory_space<vmem>>
      %dma_start3A_28 = tpu.memref_slice %arg4[%mul3A_24] : memref<348160xi32, #tpu.memory_space<hbm>> -> memref<10880xi32, #tpu.memory_space<hbm>>
      %dma_start3A_29 = tpu.memref_slice %arg4[%mul3A_24] : memref<348160xi32, #tpu.memory_space<hbm>> -> memref<10880xi32, #tpu.memory_space<hbm>>
      %dma_start3A_30 = arith.constant 0 : i32
      %dma_start3A_31 = tpu.memref_slice %arg8[%dma_start3A_30] : memref<10896xi32, #tpu.memory_space<vmem>> -> memref<10880xi32, #tpu.memory_space<vmem>>
      tpu.enqueue_dma source(%dma_start3A_31 : memref<10880xi32, #tpu.memory_space<vmem>>) target(%dma_start3A_29 : memref<10880xi32, #tpu.memory_space<hbm>>) target_semaphore(%run_scoped3A : memref<!tpu.dma_semaphore, #tpu.memory_space<semaphore_mem>>)
      %dma_wait3A = arith.constant 0 : i32
      %dma_wait3A_32 = tpu.memref_slice %arg8[%dma_wait3A] : memref<10896xi32, #tpu.memory_space<vmem>> -> memref<10880xi32, #tpu.memory_space<vmem>>
      %dma_wait3A_33 = tpu.memref_slice %arg4[%mul3A_24] : memref<348160xi32, #tpu.memory_space<hbm>> -> memref<10880xi32, #tpu.memory_space<hbm>>
      %dma_wait3A_34 = tpu.memref_slice %arg4[%mul3A_24] : memref<348160xi32, #tpu.memory_space<hbm>> -> memref<10880xi32, #tpu.memory_space<hbm>>
      %dma_wait3A_35 = arith.constant 0 : i32
      %dma_wait3A_36 = tpu.memref_slice %arg8[%dma_wait3A_35] : memref<10896xi32, #tpu.memory_space<vmem>> -> memref<10880xi32, #tpu.memory_space<vmem>>
      tpu.wait_dma2 semaphore(%run_scoped3A : memref<!tpu.dma_semaphore, #tpu.memory_space<semaphore_mem>>) src(%dma_wait3A_36 : memref<10880xi32, #tpu.memory_space<vmem>>) dst(%dma_wait3A_34 : memref<10880xi32, #tpu.memory_space<hbm>>)
      tpu.yield
    }) : () -> ()
    %mul3A_25 = arith.constant 10880 : i32
    %mul3A_26 = arith.muli %add3A, %mul3A_25 : i32
    "tpu.region"() ({
      %run_scoped3A = tpu.sem_alloc : memref<!tpu.dma_semaphore, #tpu.memory_space<semaphore_mem>>
      %dma_start3A = arith.constant 0 : i32
      %dma_start3A_27 = tpu.memref_slice %arg9[%dma_start3A] : memref<10896xi32, #tpu.memory_space<vmem>> -> memref<10880xi32, #tpu.memory_space<vmem>>
      %dma_start3A_28 = tpu.memref_slice %arg5[%mul3A_26] : memref<348160xi32, #tpu.memory_space<hbm>> -> memref<10880xi32, #tpu.memory_space<hbm>>
      %dma_start3A_29 = tpu.memref_slice %arg5[%mul3A_26] : memref<348160xi32, #tpu.memory_space<hbm>> -> memref<10880xi32, #tpu.memory_space<hbm>>
      %dma_start3A_30 = arith.constant 0 : i32
      %dma_start3A_31 = tpu.memref_slice %arg9[%dma_start3A_30] : memref<10896xi32, #tpu.memory_space<vmem>> -> memref<10880xi32, #tpu.memory_space<vmem>>
      tpu.enqueue_dma source(%dma_start3A_31 : memref<10880xi32, #tpu.memory_space<vmem>>) target(%dma_start3A_29 : memref<10880xi32, #tpu.memory_space<hbm>>) target_semaphore(%run_scoped3A : memref<!tpu.dma_semaphore, #tpu.memory_space<semaphore_mem>>)
      %dma_wait3A = arith.constant 0 : i32
      %dma_wait3A_32 = tpu.memref_slice %arg9[%dma_wait3A] : memref<10896xi32, #tpu.memory_space<vmem>> -> memref<10880xi32, #tpu.memory_space<vmem>>
      %dma_wait3A_33 = tpu.memref_slice %arg5[%mul3A_26] : memref<348160xi32, #tpu.memory_space<hbm>> -> memref<10880xi32, #tpu.memory_space<hbm>>
      %dma_wait3A_34 = tpu.memref_slice %arg5[%mul3A_26] : memref<348160xi32, #tpu.memory_space<hbm>> -> memref<10880xi32, #tpu.memory_space<hbm>>
      %dma_wait3A_35 = arith.constant 0 : i32
      %dma_wait3A_36 = tpu.memref_slice %arg9[%dma_wait3A_35] : memref<10896xi32, #tpu.memory_space<vmem>> -> memref<10880xi32, #tpu.memory_space<vmem>>
      tpu.wait_dma2 semaphore(%run_scoped3A : memref<!tpu.dma_semaphore, #tpu.memory_space<semaphore_mem>>) src(%dma_wait3A_36 : memref<10880xi32, #tpu.memory_space<vmem>>) dst(%dma_wait3A_34 : memref<10880xi32, #tpu.memory_space<hbm>>)
      tpu.yield
    }) : () -> ()
    return
  }
}

#map = affine_map<(d0, d1) -> (0)>
#map1 = affine_map<(d0, d1) -> (0, 0)>
module attributes {stable_mosaic.version = 14 : i64} {
  func.func @_edge_body(%arg0: i32, %arg1: i32, %arg2: memref<348160xi32, #tpu.memory_space<hbm>>, %arg3: memref<348160xi32, #tpu.memory_space<hbm>>, %arg4: memref<163840xf32, #tpu.memory_space<hbm>>, %arg5: memref<40960x128xf32, #tpu.memory_space<hbm>>, %arg6: memref<5242880xf32, #tpu.memory_space<hbm>>, %arg7: memref<10880xi32, #tpu.memory_space<vmem>>, %arg8: memref<10880xi32, #tpu.memory_space<vmem>>, %arg9: memref<10880xi32, #tpu.memory_space<vmem>>, %arg10: memref<10880xf32, #tpu.memory_space<vmem>>, %arg11: memref<10880xf32, #tpu.memory_space<vmem>>, %arg12: memref<10240xf32, #tpu.memory_space<vmem>>, %arg13: memref<336xf32, #tpu.memory_space<vmem>>, %arg14: memref<336xf32, #tpu.memory_space<vmem>>, %arg15: memref<41088xf32, #tpu.memory_space<vmem>>, %arg16: memref<64x128xf32, #tpu.memory_space<vmem>>, %arg17: memref<64x128xf32, #tpu.memory_space<vmem>>, %arg18: memref<!tpu.dma_semaphore, #tpu.memory_space<semaphore_mem>>, %arg19: memref<!tpu.dma_semaphore, #tpu.memory_space<semaphore_mem>>) attributes {dimension_semantics = [#tpu.dimension_semantics<core_parallel>, #tpu.dimension_semantics<subcore_parallel>], iteration_bounds = array<i64: 2, 16>, scalar_prefetch = 0 : i64, scratch_operands = 13 : i64, tpu.core_type = #tpu.core_type<sc_vector_subcore>, window_params = [{transform_indices = #map}, {transform_indices = #map}, {transform_indices = #map}, {transform_indices = #map1}, {transform_indices = #map}]} {
    %mul3A = arith.constant 2 : i32
    %mul3A_0 = arith.muli %arg1, %mul3A : i32
    %add3A = arith.addi %mul3A_0, %arg0 : i32
    %mul3A_1 = arith.constant 320 : i32
    %mul3A_2 = arith.muli %add3A, %mul3A_1 : i32
    %iota3A = tpu.iota {dimensions = array<i32: 0>} : vector<16xi32>
    %mul3A_3 = arith.constant 10880 : i32
    %mul3A_4 = arith.muli %add3A, %mul3A_3 : i32
    "tpu.region"() ({
      %run_scoped3A = tpu.sem_alloc : memref<!tpu.dma_semaphore, #tpu.memory_space<semaphore_mem>>
      %dma_start3A = tpu.memref_slice %arg2[%mul3A_4] : memref<348160xi32, #tpu.memory_space<hbm>> -> memref<10880xi32, #tpu.memory_space<hbm>>
      %dma_start3A_13 = tpu.memref_slice %arg2[%mul3A_4] : memref<348160xi32, #tpu.memory_space<hbm>> -> memref<10880xi32, #tpu.memory_space<hbm>>
      tpu.enqueue_dma source(%dma_start3A_13 : memref<10880xi32, #tpu.memory_space<hbm>>) target(%arg7 : memref<10880xi32, #tpu.memory_space<vmem>>) target_semaphore(%run_scoped3A : memref<!tpu.dma_semaphore, #tpu.memory_space<semaphore_mem>>)
      %dma_wait3A = tpu.memref_slice %arg2[%mul3A_4] : memref<348160xi32, #tpu.memory_space<hbm>> -> memref<10880xi32, #tpu.memory_space<hbm>>
      %dma_wait3A_14 = tpu.memref_slice %arg2[%mul3A_4] : memref<348160xi32, #tpu.memory_space<hbm>> -> memref<10880xi32, #tpu.memory_space<hbm>>
      tpu.wait_dma2 semaphore(%run_scoped3A : memref<!tpu.dma_semaphore, #tpu.memory_space<semaphore_mem>>) src(%dma_wait3A_14 : memref<10880xi32, #tpu.memory_space<hbm>>) dst(%arg7 : memref<10880xi32, #tpu.memory_space<vmem>>)
      tpu.yield
    }) : () -> ()
    %mul3A_5 = arith.constant 10880 : i32
    %mul3A_6 = arith.muli %add3A, %mul3A_5 : i32
    "tpu.region"() ({
      %run_scoped3A = tpu.sem_alloc : memref<!tpu.dma_semaphore, #tpu.memory_space<semaphore_mem>>
      %dma_start3A = tpu.memref_slice %arg3[%mul3A_6] : memref<348160xi32, #tpu.memory_space<hbm>> -> memref<10880xi32, #tpu.memory_space<hbm>>
      %dma_start3A_13 = tpu.memref_slice %arg3[%mul3A_6] : memref<348160xi32, #tpu.memory_space<hbm>> -> memref<10880xi32, #tpu.memory_space<hbm>>
      tpu.enqueue_dma source(%dma_start3A_13 : memref<10880xi32, #tpu.memory_space<hbm>>) target(%arg8 : memref<10880xi32, #tpu.memory_space<vmem>>) target_semaphore(%run_scoped3A : memref<!tpu.dma_semaphore, #tpu.memory_space<semaphore_mem>>)
      %dma_wait3A = tpu.memref_slice %arg3[%mul3A_6] : memref<348160xi32, #tpu.memory_space<hbm>> -> memref<10880xi32, #tpu.memory_space<hbm>>
      %dma_wait3A_14 = tpu.memref_slice %arg3[%mul3A_6] : memref<348160xi32, #tpu.memory_space<hbm>> -> memref<10880xi32, #tpu.memory_space<hbm>>
      tpu.wait_dma2 semaphore(%run_scoped3A : memref<!tpu.dma_semaphore, #tpu.memory_space<semaphore_mem>>) src(%dma_wait3A_14 : memref<10880xi32, #tpu.memory_space<hbm>>) dst(%arg8 : memref<10880xi32, #tpu.memory_space<vmem>>)
      tpu.yield
    }) : () -> ()
    %scan3A = arith.constant 0 : i32
    %scan3A_7 = arith.constant 0 : i32
    %scan3A_8 = arith.constant 4 : i32
    %scan3A_9 = arith.addi %scan3A_7, %scan3A_8 : i32
    %scan3A_10 = arith.constant 1 : i32
    %scan3A_11 = scf.for %scan3A_13 = %scan3A_7 to %scan3A_9 step %scan3A_10 iter_args(%scan3A_14 = %scan3A) -> (i32)  : i32 {
      %mul3A_15 = arith.constant 2 : i32
      %mul3A_16 = arith.muli %scan3A_13, %mul3A_15 : i32
      %add3A_17 = arith.constant 0 : i32
      %add3A_18 = arith.addi %mul3A_16, %add3A_17 : i32
      %mul3A_19 = arith.constant 10240 : i32
      %mul3A_20 = arith.muli %add3A_18, %mul3A_19 : i32
      "tpu.region"() ({
        %run_scoped3A = tpu.sem_alloc : memref<!tpu.dma_semaphore, #tpu.memory_space<semaphore_mem>>
        %dma_start3A_122 = tpu.memref_slice %arg4[%mul3A_20] : memref<163840xf32, #tpu.memory_space<hbm>> -> memref<10240xf32, #tpu.memory_space<hbm>>
        %dma_start3A_123 = tpu.memref_slice %arg4[%mul3A_20] : memref<163840xf32, #tpu.memory_space<hbm>> -> memref<10240xf32, #tpu.memory_space<hbm>>
        tpu.enqueue_dma source(%dma_start3A_123 : memref<10240xf32, #tpu.memory_space<hbm>>) target(%arg12 : memref<10240xf32, #tpu.memory_space<vmem>>) target_semaphore(%run_scoped3A : memref<!tpu.dma_semaphore, #tpu.memory_space<semaphore_mem>>)
        %dma_wait3A_124 = tpu.memref_slice %arg4[%mul3A_20] : memref<163840xf32, #tpu.memory_space<hbm>> -> memref<10240xf32, #tpu.memory_space<hbm>>
        %dma_wait3A_125 = tpu.memref_slice %arg4[%mul3A_20] : memref<163840xf32, #tpu.memory_space<hbm>> -> memref<10240xf32, #tpu.memory_space<hbm>>
        tpu.wait_dma2 semaphore(%run_scoped3A : memref<!tpu.dma_semaphore, #tpu.memory_space<semaphore_mem>>) src(%dma_wait3A_125 : memref<10240xf32, #tpu.memory_space<hbm>>) dst(%arg12 : memref<10240xf32, #tpu.memory_space<vmem>>)
        tpu.yield
      }) : () -> ()
      %add3A_21 = arith.constant 8 : i32
      %add3A_22 = arith.addi %add3A_21, %add3A_18 : i32
      %mul3A_23 = arith.constant 10240 : i32
      %mul3A_24 = arith.muli %add3A_22, %mul3A_23 : i32
      %add3A_25 = arith.addi %mul3A_24, %mul3A_2 : i32
      "tpu.region"() ({
        %run_scoped3A = tpu.sem_alloc : memref<!tpu.dma_semaphore, #tpu.memory_space<semaphore_mem>>
        %dma_start3A_122 = arith.constant 0 : i32
        %dma_start3A_123 = tpu.memref_slice %arg13[%dma_start3A_122] : memref<336xf32, #tpu.memory_space<vmem>> -> memref<320xf32, #tpu.memory_space<vmem>>
        %dma_start3A_124 = tpu.memref_slice %arg4[%add3A_25] : memref<163840xf32, #tpu.memory_space<hbm>> -> memref<320xf32, #tpu.memory_space<hbm>>
        %dma_start3A_125 = arith.constant 0 : i32
        %dma_start3A_126 = tpu.memref_slice %arg13[%dma_start3A_125] : memref<336xf32, #tpu.memory_space<vmem>> -> memref<320xf32, #tpu.memory_space<vmem>>
        %dma_start3A_127 = tpu.memref_slice %arg4[%add3A_25] : memref<163840xf32, #tpu.memory_space<hbm>> -> memref<320xf32, #tpu.memory_space<hbm>>
        tpu.enqueue_dma source(%dma_start3A_127 : memref<320xf32, #tpu.memory_space<hbm>>) target(%dma_start3A_126 : memref<320xf32, #tpu.memory_space<vmem>>) target_semaphore(%run_scoped3A : memref<!tpu.dma_semaphore, #tpu.memory_space<semaphore_mem>>)
        %dma_wait3A_128 = arith.constant 0 : i32
        %dma_wait3A_129 = tpu.memref_slice %arg13[%dma_wait3A_128] : memref<336xf32, #tpu.memory_space<vmem>> -> memref<320xf32, #tpu.memory_space<vmem>>
        %dma_wait3A_130 = tpu.memref_slice %arg4[%add3A_25] : memref<163840xf32, #tpu.memory_space<hbm>> -> memref<320xf32, #tpu.memory_space<hbm>>
        %dma_wait3A_131 = arith.constant 0 : i32
        %dma_wait3A_132 = tpu.memref_slice %arg13[%dma_wait3A_131] : memref<336xf32, #tpu.memory_space<vmem>> -> memref<320xf32, #tpu.memory_space<vmem>>
        %dma_wait3A_133 = tpu.memref_slice %arg4[%add3A_25] : memref<163840xf32, #tpu.memory_space<hbm>> -> memref<320xf32, #tpu.memory_space<hbm>>
        tpu.wait_dma2 semaphore(%run_scoped3A : memref<!tpu.dma_semaphore, #tpu.memory_space<semaphore_mem>>) src(%dma_wait3A_133 : memref<320xf32, #tpu.memory_space<hbm>>) dst(%dma_wait3A_132 : memref<320xf32, #tpu.memory_space<vmem>>)
        tpu.yield
      }) : () -> ()
      %broadcast_in_dim3A = arith.constant 0.000000e+00 : f32
      %broadcast_in_dim3A_26 = vector.broadcast %broadcast_in_dim3A : f32 to vector<16xf32>
      %swap3A = arith.constant 320 : index
      %swap3A_27 = tpu.vector_load %arg13[%swap3A] {strides = array<i32>} : memref<336xf32, #tpu.memory_space<vmem>>, vector<16xf32>,
      tpu.vector_store %arg13[%swap3A], %broadcast_in_dim3A_26 {strides = array<i32>} : memref<336xf32, #tpu.memory_space<vmem>>, vector<16xf32>,
      %scan3A_28 = arith.constant 0 : i32
      %scan3A_29 = arith.constant 0 : i32
      %scan3A_30 = arith.constant 21 : i32
      %scan3A_31 = arith.addi %scan3A_29, %scan3A_30 : i32
      %scan3A_32 = arith.constant 1 : i32
      %scan3A_33 = scf.for %scan3A_122 = %scan3A_29 to %scan3A_31 step %scan3A_32 iter_args(%scan3A_123 = %scan3A_28) -> (i32)  : i32 {
        %broadcast_in_dim3A_124 = arith.constant 0.000000e+00 : f32
        %broadcast_in_dim3A_125 = vector.broadcast %broadcast_in_dim3A_124 : f32 to vector<16xf32>
        %mul3A_126 = arith.constant 16 : i32
        %mul3A_127 = arith.muli %scan3A_122, %mul3A_126 : i32
        %swap3A_128 = arith.index_cast %mul3A_127 : i32 to index
        %swap3A_129 = tpu.vector_load %arg14[%swap3A_128] {strides = array<i32>} : memref<336xf32, #tpu.memory_space<vmem>>, vector<16xf32>,
        tpu.vector_store %arg14[%swap3A_128], %broadcast_in_dim3A_125 {strides = array<i32>} : memref<336xf32, #tpu.memory_space<vmem>>, vector<16xf32>,
        %scan3A_130 = arith.constant 0 : i32
        scf.yield %scan3A_130 : i32
      }
      %scan3A_34 = arith.constant 21 : i32
      %parallel_loop3A = arith.constant 0 : i32
      %parallel_loop3A_35 = arith.constant 680 : i32
      %parallel_loop3A_36 = arith.constant 1 : i32
      scf.for %parallel_loop3A_122 = %parallel_loop3A to %parallel_loop3A_35 step %parallel_loop3A_36  : i32 {
        %parallel_loop3A_123 = arith.constant 16 : i32
        %parallel_loop3A_124 = arith.muli %parallel_loop3A_122, %parallel_loop3A_123 : i32
        %parallel_loop3A_125 = arith.index_cast %parallel_loop3A_124 : i32 to index
        %parallel_loop3A_126 = tpu.vector_load %arg7[%parallel_loop3A_125] {strides = array<i32>} : memref<10880xi32, #tpu.memory_space<vmem>>, vector<16xi32>,
        %parallel_loop3A_127 = arith.constant 16 : i32
        %parallel_loop3A_128 = arith.muli %parallel_loop3A_122, %parallel_loop3A_127 : i32
        %parallel_loop3A_129 = arith.index_cast %parallel_loop3A_128 : i32 to index
        %parallel_loop3A_130 = tpu.vector_load %arg8[%parallel_loop3A_129] {strides = array<i32>} : memref<10880xi32, #tpu.memory_space<vmem>>, vector<16xi32>,
        %parallel_loop3A_131 = arith.constant 10240 : i32
        %parallel_loop3A_132 = arith.muli %scan3A_13, %parallel_loop3A_131 : i32
        %parallel_loop3A_133 = vector.broadcast %parallel_loop3A_132 : i32 to vector<16xi32>
        %parallel_loop3A_134 = arith.addi %parallel_loop3A_126, %parallel_loop3A_133 : vector<16xi32>
        %parallel_loop3A_135 = arith.constant 16 : i32
        %parallel_loop3A_136 = arith.muli %parallel_loop3A_122, %parallel_loop3A_135 : i32
        %parallel_loop3A_137 = arith.index_cast %parallel_loop3A_136 : i32 to index
        %parallel_loop3A_138 = tpu.vector_load %arg9[%parallel_loop3A_137] {strides = array<i32>} : memref<10880xi32, #tpu.memory_space<vmem>>, vector<16xi32>,
        tpu.vector_store %arg9[%parallel_loop3A_137], %parallel_loop3A_134 {strides = array<i32>} : memref<10880xi32, #tpu.memory_space<vmem>>, vector<16xi32>,
        %parallel_loop3A_139 = tpu.vector_load_idx %arg12[%parallel_loop3A_126] : memref<10240xf32, #tpu.memory_space<vmem>>[vector<16xi32>], vector<16xf32>,
        %parallel_loop3A_140 = tpu.vector_load_idx %arg13[%parallel_loop3A_130] : memref<336xf32, #tpu.memory_space<vmem>>[vector<16xi32>], vector<16xf32>,
        %parallel_loop3A_141 = arith.addf %parallel_loop3A_139, %parallel_loop3A_140 : vector<16xf32>
        %parallel_loop3A_142 = arith.constant 2.000000e-01 : f32
        %parallel_loop3A_143 = vector.broadcast %parallel_loop3A_142 : f32 to vector<16xf32>
        %parallel_loop3A_144 = arith.mulf %parallel_loop3A_143, %parallel_loop3A_141 : vector<16xf32>
        %parallel_loop3A_145 = arith.maximumf %parallel_loop3A_141, %parallel_loop3A_144 : vector<16xf32>
        %parallel_loop3A_146 = math.exp %parallel_loop3A_145 : vector<16xf32>
        %parallel_loop3A_147 = arith.constant 16 : i32
        %parallel_loop3A_148 = arith.muli %parallel_loop3A_122, %parallel_loop3A_147 : i32
        %parallel_loop3A_149 = arith.index_cast %parallel_loop3A_148 : i32 to index
        %parallel_loop3A_150 = tpu.vector_load %arg10[%parallel_loop3A_149] {strides = array<i32>} : memref<10880xf32, #tpu.memory_space<vmem>>, vector<16xf32>,
        tpu.vector_store %arg10[%parallel_loop3A_149], %parallel_loop3A_146 {strides = array<i32>} : memref<10880xf32, #tpu.memory_space<vmem>>, vector<16xf32>,
        tpu.vector_store_idx %arg14[%parallel_loop3A_130], %parallel_loop3A_146 {add = true} : memref<336xf32, #tpu.memory_space<vmem>>[vector<16xi32>], vector<16xf32>,
      } {sc.loop_unroll_factor = 2 : i64, sc.parallel_access}
      %scan3A_37 = arith.constant 0 : i32
      %scan3A_38 = arith.constant 0 : i32
      %scan3A_39 = arith.constant 21 : i32
      %scan3A_40 = arith.addi %scan3A_38, %scan3A_39 : i32
      %scan3A_41 = arith.constant 1 : i32
      %scan3A_42 = scf.for %scan3A_122 = %scan3A_38 to %scan3A_40 step %scan3A_41 iter_args(%scan3A_123 = %scan3A_37) -> (i32)  : i32 {
        %mul3A_124 = arith.constant 16 : i32
        %mul3A_125 = arith.muli %scan3A_122, %mul3A_124 : i32
        %get3A = arith.index_cast %mul3A_125 : i32 to index
        %get3A_126 = tpu.vector_load %arg14[%get3A] {strides = array<i32>} : memref<336xf32, #tpu.memory_space<vmem>>, vector<16xf32>,
        %add3A_127 = arith.constant 1.000000e-16 : f32
        %add3A_128 = vector.broadcast %add3A_127 : f32 to vector<16xf32>
        %add3A_129 = arith.addf %get3A_126, %add3A_128 : vector<16xf32>
        %div3A = arith.constant 1.000000e+00 : f32
        %div3A_130 = vector.broadcast %div3A : f32 to vector<16xf32>
        %div3A_131 = arith.divf %div3A_130, %add3A_129 : vector<16xf32>
        %mul3A_132 = arith.constant 16 : i32
        %mul3A_133 = arith.muli %scan3A_122, %mul3A_132 : i32
        %swap3A_134 = arith.index_cast %mul3A_133 : i32 to index
        %swap3A_135 = tpu.vector_load %arg14[%swap3A_134] {strides = array<i32>} : memref<336xf32, #tpu.memory_space<vmem>>, vector<16xf32>,
        tpu.vector_store %arg14[%swap3A_134], %div3A_131 {strides = array<i32>} : memref<336xf32, #tpu.memory_space<vmem>>, vector<16xf32>,
        %scan3A_136 = arith.constant 0 : i32
        scf.yield %scan3A_136 : i32
      }
      %scan3A_43 = arith.constant 21 : i32
      %parallel_loop3A_44 = arith.constant 0 : i32
      %parallel_loop3A_45 = arith.constant 680 : i32
      %parallel_loop3A_46 = arith.constant 1 : i32
      scf.for %parallel_loop3A_122 = %parallel_loop3A_44 to %parallel_loop3A_45 step %parallel_loop3A_46  : i32 {
        %parallel_loop3A_123 = arith.constant 16 : i32
        %parallel_loop3A_124 = arith.muli %parallel_loop3A_122, %parallel_loop3A_123 : i32
        %parallel_loop3A_125 = arith.index_cast %parallel_loop3A_124 : i32 to index
        %parallel_loop3A_126 = tpu.vector_load %arg8[%parallel_loop3A_125] {strides = array<i32>} : memref<10880xi32, #tpu.memory_space<vmem>>, vector<16xi32>,
        %parallel_loop3A_127 = arith.constant 16 : i32
        %parallel_loop3A_128 = arith.muli %parallel_loop3A_122, %parallel_loop3A_127 : i32
        %parallel_loop3A_129 = arith.index_cast %parallel_loop3A_128 : i32 to index
        %parallel_loop3A_130 = tpu.vector_load %arg10[%parallel_loop3A_129] {strides = array<i32>} : memref<10880xf32, #tpu.memory_space<vmem>>, vector<16xf32>,
        %parallel_loop3A_131 = tpu.vector_load_idx %arg14[%parallel_loop3A_126] : memref<336xf32, #tpu.memory_space<vmem>>[vector<16xi32>], vector<16xf32>,
        %parallel_loop3A_132 = arith.mulf %parallel_loop3A_130, %parallel_loop3A_131 : vector<16xf32>
        %parallel_loop3A_133 = arith.constant 16 : i32
        %parallel_loop3A_134 = arith.muli %parallel_loop3A_122, %parallel_loop3A_133 : i32
        %parallel_loop3A_135 = arith.index_cast %parallel_loop3A_134 : i32 to index
        %parallel_loop3A_136 = tpu.vector_load %arg10[%parallel_loop3A_135] {strides = array<i32>} : memref<10880xf32, #tpu.memory_space<vmem>>, vector<16xf32>,
        tpu.vector_store %arg10[%parallel_loop3A_135], %parallel_loop3A_132 {strides = array<i32>} : memref<10880xf32, #tpu.memory_space<vmem>>, vector<16xf32>,
      } {sc.loop_unroll_factor = 2 : i64, sc.parallel_access}
      %mul3A_47 = arith.constant 2 : i32
      %mul3A_48 = arith.muli %scan3A_13, %mul3A_47 : i32
      %add3A_49 = arith.constant 1 : i32
      %add3A_50 = arith.addi %mul3A_48, %add3A_49 : i32
      %mul3A_51 = arith.constant 10240 : i32
      %mul3A_52 = arith.muli %add3A_50, %mul3A_51 : i32
      "tpu.region"() ({
        %run_scoped3A = tpu.sem_alloc : memref<!tpu.dma_semaphore, #tpu.memory_space<semaphore_mem>>
        %dma_start3A_122 = tpu.memref_slice %arg4[%mul3A_52] : memref<163840xf32, #tpu.memory_space<hbm>> -> memref<10240xf32, #tpu.memory_space<hbm>>
        %dma_start3A_123 = tpu.memref_slice %arg4[%mul3A_52] : memref<163840xf32, #tpu.memory_space<hbm>> -> memref<10240xf32, #tpu.memory_space<hbm>>
        tpu.enqueue_dma source(%dma_start3A_123 : memref<10240xf32, #tpu.memory_space<hbm>>) target(%arg12 : memref<10240xf32, #tpu.memory_space<vmem>>) target_semaphore(%run_scoped3A : memref<!tpu.dma_semaphore, #tpu.memory_space<semaphore_mem>>)
        %dma_wait3A_124 = tpu.memref_slice %arg4[%mul3A_52] : memref<163840xf32, #tpu.memory_space<hbm>> -> memref<10240xf32, #tpu.memory_space<hbm>>
        %dma_wait3A_125 = tpu.memref_slice %arg4[%mul3A_52] : memref<163840xf32, #tpu.memory_space<hbm>> -> memref<10240xf32, #tpu.memory_space<hbm>>
        tpu.wait_dma2 semaphore(%run_scoped3A : memref<!tpu.dma_semaphore, #tpu.memory_space<semaphore_mem>>) src(%dma_wait3A_125 : memref<10240xf32, #tpu.memory_space<hbm>>) dst(%arg12 : memref<10240xf32, #tpu.memory_space<vmem>>)
        tpu.yield
      }) : () -> ()
      %add3A_53 = arith.constant 8 : i32
      %add3A_54 = arith.addi %add3A_53, %add3A_50 : i32
      %mul3A_55 = arith.constant 10240 : i32
      %mul3A_56 = arith.muli %add3A_54, %mul3A_55 : i32
      %add3A_57 = arith.addi %mul3A_56, %mul3A_2 : i32
      "tpu.region"() ({
        %run_scoped3A = tpu.sem_alloc : memref<!tpu.dma_semaphore, #tpu.memory_space<semaphore_mem>>
        %dma_start3A_122 = arith.constant 0 : i32
        %dma_start3A_123 = tpu.memref_slice %arg13[%dma_start3A_122] : memref<336xf32, #tpu.memory_space<vmem>> -> memref<320xf32, #tpu.memory_space<vmem>>
        %dma_start3A_124 = tpu.memref_slice %arg4[%add3A_57] : memref<163840xf32, #tpu.memory_space<hbm>> -> memref<320xf32, #tpu.memory_space<hbm>>
        %dma_start3A_125 = arith.constant 0 : i32
        %dma_start3A_126 = tpu.memref_slice %arg13[%dma_start3A_125] : memref<336xf32, #tpu.memory_space<vmem>> -> memref<320xf32, #tpu.memory_space<vmem>>
        %dma_start3A_127 = tpu.memref_slice %arg4[%add3A_57] : memref<163840xf32, #tpu.memory_space<hbm>> -> memref<320xf32, #tpu.memory_space<hbm>>
        tpu.enqueue_dma source(%dma_start3A_127 : memref<320xf32, #tpu.memory_space<hbm>>) target(%dma_start3A_126 : memref<320xf32, #tpu.memory_space<vmem>>) target_semaphore(%run_scoped3A : memref<!tpu.dma_semaphore, #tpu.memory_space<semaphore_mem>>)
        %dma_wait3A_128 = arith.constant 0 : i32
        %dma_wait3A_129 = tpu.memref_slice %arg13[%dma_wait3A_128] : memref<336xf32, #tpu.memory_space<vmem>> -> memref<320xf32, #tpu.memory_space<vmem>>
        %dma_wait3A_130 = tpu.memref_slice %arg4[%add3A_57] : memref<163840xf32, #tpu.memory_space<hbm>> -> memref<320xf32, #tpu.memory_space<hbm>>
        %dma_wait3A_131 = arith.constant 0 : i32
        %dma_wait3A_132 = tpu.memref_slice %arg13[%dma_wait3A_131] : memref<336xf32, #tpu.memory_space<vmem>> -> memref<320xf32, #tpu.memory_space<vmem>>
        %dma_wait3A_133 = tpu.memref_slice %arg4[%add3A_57] : memref<163840xf32, #tpu.memory_space<hbm>> -> memref<320xf32, #tpu.memory_space<hbm>>
        tpu.wait_dma2 semaphore(%run_scoped3A : memref<!tpu.dma_semaphore, #tpu.memory_space<semaphore_mem>>) src(%dma_wait3A_133 : memref<320xf32, #tpu.memory_space<hbm>>) dst(%dma_wait3A_132 : memref<320xf32, #tpu.memory_space<vmem>>)
        tpu.yield
      }) : () -> ()
      %broadcast_in_dim3A_58 = arith.constant 0.000000e+00 : f32
      %broadcast_in_dim3A_59 = vector.broadcast %broadcast_in_dim3A_58 : f32 to vector<16xf32>
      %swap3A_60 = arith.constant 320 : index
      %swap3A_61 = tpu.vector_load %arg13[%swap3A_60] {strides = array<i32>} : memref<336xf32, #tpu.memory_space<vmem>>, vector<16xf32>,
      tpu.vector_store %arg13[%swap3A_60], %broadcast_in_dim3A_59 {strides = array<i32>} : memref<336xf32, #tpu.memory_space<vmem>>, vector<16xf32>,
      %scan3A_62 = arith.constant 0 : i32
      %scan3A_63 = arith.constant 0 : i32
      %scan3A_64 = arith.constant 21 : i32
      %scan3A_65 = arith.addi %scan3A_63, %scan3A_64 : i32
      %scan3A_66 = arith.constant 1 : i32
      %scan3A_67 = scf.for %scan3A_122 = %scan3A_63 to %scan3A_65 step %scan3A_66 iter_args(%scan3A_123 = %scan3A_62) -> (i32)  : i32 {
        %broadcast_in_dim3A_124 = arith.constant 0.000000e+00 : f32
        %broadcast_in_dim3A_125 = vector.broadcast %broadcast_in_dim3A_124 : f32 to vector<16xf32>
        %mul3A_126 = arith.constant 16 : i32
        %mul3A_127 = arith.muli %scan3A_122, %mul3A_126 : i32
        %swap3A_128 = arith.index_cast %mul3A_127 : i32 to index
        %swap3A_129 = tpu.vector_load %arg14[%swap3A_128] {strides = array<i32>} : memref<336xf32, #tpu.memory_space<vmem>>, vector<16xf32>,
        tpu.vector_store %arg14[%swap3A_128], %broadcast_in_dim3A_125 {strides = array<i32>} : memref<336xf32, #tpu.memory_space<vmem>>, vector<16xf32>,
        %scan3A_130 = arith.constant 0 : i32
        scf.yield %scan3A_130 : i32
      }
      %scan3A_68 = arith.constant 21 : i32
      %parallel_loop3A_69 = arith.constant 0 : i32
      %parallel_loop3A_70 = arith.constant 680 : i32
      %parallel_loop3A_71 = arith.constant 1 : i32
      scf.for %parallel_loop3A_122 = %parallel_loop3A_69 to %parallel_loop3A_70 step %parallel_loop3A_71  : i32 {
        %parallel_loop3A_123 = arith.constant 16 : i32
        %parallel_loop3A_124 = arith.muli %parallel_loop3A_122, %parallel_loop3A_123 : i32
        %parallel_loop3A_125 = arith.index_cast %parallel_loop3A_124 : i32 to index
        %parallel_loop3A_126 = tpu.vector_load %arg7[%parallel_loop3A_125] {strides = array<i32>} : memref<10880xi32, #tpu.memory_space<vmem>>, vector<16xi32>,
        %parallel_loop3A_127 = arith.constant 16 : i32
        %parallel_loop3A_128 = arith.muli %parallel_loop3A_122, %parallel_loop3A_127 : i32
        %parallel_loop3A_129 = arith.index_cast %parallel_loop3A_128 : i32 to index
        %parallel_loop3A_130 = tpu.vector_load %arg8[%parallel_loop3A_129] {strides = array<i32>} : memref<10880xi32, #tpu.memory_space<vmem>>, vector<16xi32>,
        %parallel_loop3A_131 = tpu.vector_load_idx %arg12[%parallel_loop3A_126] : memref<10240xf32, #tpu.memory_space<vmem>>[vector<16xi32>], vector<16xf32>,
        %parallel_loop3A_132 = tpu.vector_load_idx %arg13[%parallel_loop3A_130] : memref<336xf32, #tpu.memory_space<vmem>>[vector<16xi32>], vector<16xf32>,
        %parallel_loop3A_133 = arith.addf %parallel_loop3A_131, %parallel_loop3A_132 : vector<16xf32>
        %parallel_loop3A_134 = arith.constant 2.000000e-01 : f32
        %parallel_loop3A_135 = vector.broadcast %parallel_loop3A_134 : f32 to vector<16xf32>
        %parallel_loop3A_136 = arith.mulf %parallel_loop3A_135, %parallel_loop3A_133 : vector<16xf32>
        %parallel_loop3A_137 = arith.maximumf %parallel_loop3A_133, %parallel_loop3A_136 : vector<16xf32>
        %parallel_loop3A_138 = math.exp %parallel_loop3A_137 : vector<16xf32>
        %parallel_loop3A_139 = arith.constant 16 : i32
        %parallel_loop3A_140 = arith.muli %parallel_loop3A_122, %parallel_loop3A_139 : i32
        %parallel_loop3A_141 = arith.index_cast %parallel_loop3A_140 : i32 to index
        %parallel_loop3A_142 = tpu.vector_load %arg11[%parallel_loop3A_141] {strides = array<i32>} : memref<10880xf32, #tpu.memory_space<vmem>>, vector<16xf32>,
        tpu.vector_store %arg11[%parallel_loop3A_141], %parallel_loop3A_138 {strides = array<i32>} : memref<10880xf32, #tpu.memory_space<vmem>>, vector<16xf32>,
        tpu.vector_store_idx %arg14[%parallel_loop3A_130], %parallel_loop3A_138 {add = true} : memref<336xf32, #tpu.memory_space<vmem>>[vector<16xi32>], vector<16xf32>,
      } {sc.loop_unroll_factor = 2 : i64, sc.parallel_access}
      %scan3A_72 = arith.constant 0 : i32
      %scan3A_73 = arith.constant 0 : i32
      %scan3A_74 = arith.constant 21 : i32
      %scan3A_75 = arith.addi %scan3A_73, %scan3A_74 : i32
      %scan3A_76 = arith.constant 1 : i32
      %scan3A_77 = scf.for %scan3A_122 = %scan3A_73 to %scan3A_75 step %scan3A_76 iter_args(%scan3A_123 = %scan3A_72) -> (i32)  : i32 {
        %mul3A_124 = arith.constant 16 : i32
        %mul3A_125 = arith.muli %scan3A_122, %mul3A_124 : i32
        %get3A = arith.index_cast %mul3A_125 : i32 to index
        %get3A_126 = tpu.vector_load %arg14[%get3A] {strides = array<i32>} : memref<336xf32, #tpu.memory_space<vmem>>, vector<16xf32>,
        %add3A_127 = arith.constant 1.000000e-16 : f32
        %add3A_128 = vector.broadcast %add3A_127 : f32 to vector<16xf32>
        %add3A_129 = arith.addf %get3A_126, %add3A_128 : vector<16xf32>
        %div3A = arith.constant 1.000000e+00 : f32
        %div3A_130 = vector.broadcast %div3A : f32 to vector<16xf32>
        %div3A_131 = arith.divf %div3A_130, %add3A_129 : vector<16xf32>
        %mul3A_132 = arith.constant 16 : i32
        %mul3A_133 = arith.muli %scan3A_122, %mul3A_132 : i32
        %swap3A_134 = arith.index_cast %mul3A_133 : i32 to index
        %swap3A_135 = tpu.vector_load %arg14[%swap3A_134] {strides = array<i32>} : memref<336xf32, #tpu.memory_space<vmem>>, vector<16xf32>,
        tpu.vector_store %arg14[%swap3A_134], %div3A_131 {strides = array<i32>} : memref<336xf32, #tpu.memory_space<vmem>>, vector<16xf32>,
        %scan3A_136 = arith.constant 0 : i32
        scf.yield %scan3A_136 : i32
      }
      %scan3A_78 = arith.constant 21 : i32
      %parallel_loop3A_79 = arith.constant 0 : i32
      %parallel_loop3A_80 = arith.constant 680 : i32
      %parallel_loop3A_81 = arith.constant 1 : i32
      scf.for %parallel_loop3A_122 = %parallel_loop3A_79 to %parallel_loop3A_80 step %parallel_loop3A_81  : i32 {
        %parallel_loop3A_123 = arith.constant 16 : i32
        %parallel_loop3A_124 = arith.muli %parallel_loop3A_122, %parallel_loop3A_123 : i32
        %parallel_loop3A_125 = arith.index_cast %parallel_loop3A_124 : i32 to index
        %parallel_loop3A_126 = tpu.vector_load %arg8[%parallel_loop3A_125] {strides = array<i32>} : memref<10880xi32, #tpu.memory_space<vmem>>, vector<16xi32>,
        %parallel_loop3A_127 = arith.constant 16 : i32
        %parallel_loop3A_128 = arith.muli %parallel_loop3A_122, %parallel_loop3A_127 : i32
        %parallel_loop3A_129 = arith.index_cast %parallel_loop3A_128 : i32 to index
        %parallel_loop3A_130 = tpu.vector_load %arg11[%parallel_loop3A_129] {strides = array<i32>} : memref<10880xf32, #tpu.memory_space<vmem>>, vector<16xf32>,
        %parallel_loop3A_131 = tpu.vector_load_idx %arg14[%parallel_loop3A_126] : memref<336xf32, #tpu.memory_space<vmem>>[vector<16xi32>], vector<16xf32>,
        %parallel_loop3A_132 = arith.mulf %parallel_loop3A_130, %parallel_loop3A_131 : vector<16xf32>
        %parallel_loop3A_133 = arith.constant 16 : i32
        %parallel_loop3A_134 = arith.muli %parallel_loop3A_122, %parallel_loop3A_133 : i32
        %parallel_loop3A_135 = arith.index_cast %parallel_loop3A_134 : i32 to index
        %parallel_loop3A_136 = tpu.vector_load %arg11[%parallel_loop3A_135] {strides = array<i32>} : memref<10880xf32, #tpu.memory_space<vmem>>, vector<16xf32>,
        tpu.vector_store %arg11[%parallel_loop3A_135], %parallel_loop3A_132 {strides = array<i32>} : memref<10880xf32, #tpu.memory_space<vmem>>, vector<16xf32>,
      } {sc.loop_unroll_factor = 2 : i64, sc.parallel_access}
      %scan3A_82 = arith.constant 0 : i32
      %scan3A_83 = arith.constant 0 : i32
      %scan3A_84 = arith.constant 2568 : i32
      %scan3A_85 = arith.addi %scan3A_83, %scan3A_84 : i32
      %scan3A_86 = arith.constant 1 : i32
      %scan3A_87 = scf.for %scan3A_122 = %scan3A_83 to %scan3A_85 step %scan3A_86 iter_args(%scan3A_123 = %scan3A_82) -> (i32)  : i32 {
        %broadcast_in_dim3A_124 = arith.constant 0.000000e+00 : f32
        %broadcast_in_dim3A_125 = vector.broadcast %broadcast_in_dim3A_124 : f32 to vector<16xf32>
        %mul3A_126 = arith.constant 16 : i32
        %mul3A_127 = arith.muli %scan3A_122, %mul3A_126 : i32
        %swap3A_128 = arith.index_cast %mul3A_127 : i32 to index
        %swap3A_129 = tpu.vector_load %arg15[%swap3A_128] {strides = array<i32>} : memref<41088xf32, #tpu.memory_space<vmem>>, vector<16xf32>,
        tpu.vector_store %arg15[%swap3A_128], %broadcast_in_dim3A_125 {strides = array<i32>} : memref<41088xf32, #tpu.memory_space<vmem>>, vector<16xf32>,
        %scan3A_130 = arith.constant 0 : i32
        scf.yield %scan3A_130 : i32
      }
      %scan3A_88 = arith.constant 2568 : i32
      %dma_start3A = arith.constant 0 : i32
      %dma_start3A_89 = tpu.memref_slice %arg9[%dma_start3A] : memref<10880xi32, #tpu.memory_space<vmem>> -> memref<64xi32, #tpu.memory_space<vmem>>
      %dma_start3A_90 = arith.constant 0 : i32
      %dma_start3A_91 = arith.constant 0 : i32
      %dma_start3A_92 = tpu.memref_slice %arg5[%dma_start3A_90, %dma_start3A_91] : memref<40960x128xf32, #tpu.memory_space<hbm>> -> memref<40960x128xf32, #tpu.memory_space<hbm>>
      tpu.enqueue_indirect_dma source(%dma_start3A_92 : memref<40960x128xf32, #tpu.memory_space<hbm>>) target(%arg16 : memref<64x128xf32, #tpu.memory_space<vmem>>) offsets(%dma_start3A_89 : memref<64xi32, #tpu.memory_space<vmem>>) semaphore(%arg18 : memref<!tpu.dma_semaphore, #tpu.memory_space<semaphore_mem>>)
      %dma_start3A_93 = arith.constant 64 : i32
      %dma_start3A_94 = tpu.memref_slice %arg9[%dma_start3A_93] : memref<10880xi32, #tpu.memory_space<vmem>> -> memref<64xi32, #tpu.memory_space<vmem>>
      %dma_start3A_95 = arith.constant 0 : i32
      %dma_start3A_96 = arith.constant 0 : i32
      %dma_start3A_97 = tpu.memref_slice %arg5[%dma_start3A_95, %dma_start3A_96] : memref<40960x128xf32, #tpu.memory_space<hbm>> -> memref<40960x128xf32, #tpu.memory_space<hbm>>
      tpu.enqueue_indirect_dma source(%dma_start3A_97 : memref<40960x128xf32, #tpu.memory_space<hbm>>) target(%arg17 : memref<64x128xf32, #tpu.memory_space<vmem>>) offsets(%dma_start3A_94 : memref<64xi32, #tpu.memory_space<vmem>>) semaphore(%arg19 : memref<!tpu.dma_semaphore, #tpu.memory_space<semaphore_mem>>)
      %scan3A_98 = arith.constant 0 : i32
      %scan3A_99 = arith.constant 0 : i32
      %scan3A_100 = arith.constant 85 : i32
      %scan3A_101 = arith.addi %scan3A_99, %scan3A_100 : i32
      %scan3A_102 = arith.constant 1 : i32
      %scan3A_103 = scf.for %scan3A_122 = %scan3A_99 to %scan3A_101 step %scan3A_102 iter_args(%scan3A_123 = %scan3A_98) -> (i32)  : i32 {
        %mul3A_124 = arith.constant 2 : i32
        %mul3A_125 = arith.muli %scan3A_122, %mul3A_124 : i32
        %add3A_126 = arith.constant 0 : i32
        %add3A_127 = arith.addi %mul3A_125, %add3A_126 : i32
        %dma_wait3A_128 = arith.constant 0 : i32
        %dma_wait3A_129 = arith.constant 0 : i32
        %dma_wait3A_130 = tpu.memref_slice %arg5[%dma_wait3A_128, %dma_wait3A_129] : memref<40960x128xf32, #tpu.memory_space<hbm>> -> memref<64x128xf32, #tpu.memory_space<hbm>>
        %dma_wait3A_131 = arith.constant 0 : i32
        %dma_wait3A_132 = arith.constant 0 : i32
        %dma_wait3A_133 = tpu.memref_slice %arg5[%dma_wait3A_131, %dma_wait3A_132] : memref<40960x128xf32, #tpu.memory_space<hbm>> -> memref<64x128xf32, #tpu.memory_space<hbm>>
        tpu.wait_dma2 semaphore(%arg18 : memref<!tpu.dma_semaphore, #tpu.memory_space<semaphore_mem>>) src(%dma_wait3A_133 : memref<64x128xf32, #tpu.memory_space<hbm>>) dst(%arg16 : memref<64x128xf32, #tpu.memory_space<vmem>>)
        %parallel_loop3A_134 = arith.constant 0 : i32
        %parallel_loop3A_135 = arith.constant 64 : i32
        %parallel_loop3A_136 = arith.constant 1 : i32
        scf.for %parallel_loop3A_168 = %parallel_loop3A_134 to %parallel_loop3A_135 step %parallel_loop3A_136  : i32 {
          %parallel_loop3A_169 = arith.constant 64 : i32
          %parallel_loop3A_170 = arith.muli %add3A_127, %parallel_loop3A_169 : i32
          %parallel_loop3A_171 = arith.addi %parallel_loop3A_170, %parallel_loop3A_168 : i32
          %parallel_loop3A_172 = vector.broadcast %parallel_loop3A_171 : i32 to vector<16xi32>
          %parallel_loop3A_173 = tpu.vector_load_idx %arg10[%parallel_loop3A_172] : memref<10880xf32, #tpu.memory_space<vmem>>[vector<16xi32>], vector<16xf32>,
          %parallel_loop3A_174 = tpu.vector_load_idx %arg11[%parallel_loop3A_172] : memref<10880xf32, #tpu.memory_space<vmem>>[vector<16xi32>], vector<16xf32>,
          %parallel_loop3A_175 = tpu.vector_load_idx %arg8[%parallel_loop3A_172] : memref<10880xi32, #tpu.memory_space<vmem>>[vector<16xi32>], vector<16xi32>,
          %parallel_loop3A_176 = arith.constant 128 : i32
          %parallel_loop3A_177 = vector.broadcast %parallel_loop3A_176 : i32 to vector<16xi32>
          %parallel_loop3A_178 = arith.muli %parallel_loop3A_175, %parallel_loop3A_177 : vector<16xi32>
          %parallel_loop3A_179 = vector.broadcast %parallel_loop3A_168 : i32 to vector<16xi32>
          %parallel_loop3A_180 = arith.constant 0 : i32
          %parallel_loop3A_181 = vector.broadcast %parallel_loop3A_180 : i32 to vector<16xi32>
          %parallel_loop3A_182 = arith.addi %parallel_loop3A_181, %iota3A : vector<16xi32>
          %parallel_loop3A_183 = tpu.vector_load_idx %arg16[%parallel_loop3A_179, %parallel_loop3A_182] : memref<64x128xf32, #tpu.memory_space<vmem>>[vector<16xi32>, vector<16xi32>], vector<16xf32>,
          %parallel_loop3A_184 = arith.constant 0 : i32
          %parallel_loop3A_185 = vector.broadcast %parallel_loop3A_184 : i32 to vector<16xi32>
          %parallel_loop3A_186 = arith.addi %parallel_loop3A_178, %parallel_loop3A_185 : vector<16xi32>
          %parallel_loop3A_187 = arith.addi %parallel_loop3A_186, %iota3A : vector<16xi32>
          %parallel_loop3A_188 = arith.mulf %parallel_loop3A_183, %parallel_loop3A_173 : vector<16xf32>
          tpu.vector_store_idx %arg15[%parallel_loop3A_187], %parallel_loop3A_188 {add = true} : memref<41088xf32, #tpu.memory_space<vmem>>[vector<16xi32>], vector<16xf32>,
          %parallel_loop3A_189 = arith.constant 16 : i32
          %parallel_loop3A_190 = vector.broadcast %parallel_loop3A_189 : i32 to vector<16xi32>
          %parallel_loop3A_191 = arith.addi %parallel_loop3A_190, %iota3A : vector<16xi32>
          %parallel_loop3A_192 = tpu.vector_load_idx %arg16[%parallel_loop3A_179, %parallel_loop3A_191] : memref<64x128xf32, #tpu.memory_space<vmem>>[vector<16xi32>, vector<16xi32>], vector<16xf32>,
          %parallel_loop3A_193 = arith.constant 16 : i32
          %parallel_loop3A_194 = vector.broadcast %parallel_loop3A_193 : i32 to vector<16xi32>
          %parallel_loop3A_195 = arith.addi %parallel_loop3A_178, %parallel_loop3A_194 : vector<16xi32>
          %parallel_loop3A_196 = arith.addi %parallel_loop3A_195, %iota3A : vector<16xi32>
          %parallel_loop3A_197 = arith.mulf %parallel_loop3A_192, %parallel_loop3A_173 : vector<16xf32>
          tpu.vector_store_idx %arg15[%parallel_loop3A_196], %parallel_loop3A_197 {add = true} : memref<41088xf32, #tpu.memory_space<vmem>>[vector<16xi32>], vector<16xf32>,
          %parallel_loop3A_198 = arith.constant 32 : i32
          %parallel_loop3A_199 = vector.broadcast %parallel_loop3A_198 : i32 to vector<16xi32>
          %parallel_loop3A_200 = arith.addi %parallel_loop3A_199, %iota3A : vector<16xi32>
          %parallel_loop3A_201 = tpu.vector_load_idx %arg16[%parallel_loop3A_179, %parallel_loop3A_200] : memref<64x128xf32, #tpu.memory_space<vmem>>[vector<16xi32>, vector<16xi32>], vector<16xf32>,
          %parallel_loop3A_202 = arith.constant 32 : i32
          %parallel_loop3A_203 = vector.broadcast %parallel_loop3A_202 : i32 to vector<16xi32>
          %parallel_loop3A_204 = arith.addi %parallel_loop3A_178, %parallel_loop3A_203 : vector<16xi32>
          %parallel_loop3A_205 = arith.addi %parallel_loop3A_204, %iota3A : vector<16xi32>
          %parallel_loop3A_206 = arith.mulf %parallel_loop3A_201, %parallel_loop3A_173 : vector<16xf32>
          tpu.vector_store_idx %arg15[%parallel_loop3A_205], %parallel_loop3A_206 {add = true} : memref<41088xf32, #tpu.memory_space<vmem>>[vector<16xi32>], vector<16xf32>,
          %parallel_loop3A_207 = arith.constant 48 : i32
          %parallel_loop3A_208 = vector.broadcast %parallel_loop3A_207 : i32 to vector<16xi32>
          %parallel_loop3A_209 = arith.addi %parallel_loop3A_208, %iota3A : vector<16xi32>
          %parallel_loop3A_210 = tpu.vector_load_idx %arg16[%parallel_loop3A_179, %parallel_loop3A_209] : memref<64x128xf32, #tpu.memory_space<vmem>>[vector<16xi32>, vector<16xi32>], vector<16xf32>,
          %parallel_loop3A_211 = arith.constant 48 : i32
          %parallel_loop3A_212 = vector.broadcast %parallel_loop3A_211 : i32 to vector<16xi32>
          %parallel_loop3A_213 = arith.addi %parallel_loop3A_178, %parallel_loop3A_212 : vector<16xi32>
          %parallel_loop3A_214 = arith.addi %parallel_loop3A_213, %iota3A : vector<16xi32>
          %parallel_loop3A_215 = arith.mulf %parallel_loop3A_210, %parallel_loop3A_173 : vector<16xf32>
          tpu.vector_store_idx %arg15[%parallel_loop3A_214], %parallel_loop3A_215 {add = true} : memref<41088xf32, #tpu.memory_space<vmem>>[vector<16xi32>], vector<16xf32>,
          %parallel_loop3A_216 = arith.constant 64 : i32
          %parallel_loop3A_217 = vector.broadcast %parallel_loop3A_216 : i32 to vector<16xi32>
          %parallel_loop3A_218 = arith.addi %parallel_loop3A_217, %iota3A : vector<16xi32>
          %parallel_loop3A_219 = tpu.vector_load_idx %arg16[%parallel_loop3A_179, %parallel_loop3A_218] : memref<64x128xf32, #tpu.memory_space<vmem>>[vector<16xi32>, vector<16xi32>], vector<16xf32>,
          %parallel_loop3A_220 = arith.constant 64 : i32
          %parallel_loop3A_221 = vector.broadcast %parallel_loop3A_220 : i32 to vector<16xi32>
          %parallel_loop3A_222 = arith.addi %parallel_loop3A_178, %parallel_loop3A_221 : vector<16xi32>
          %parallel_loop3A_223 = arith.addi %parallel_loop3A_222, %iota3A : vector<16xi32>
          %parallel_loop3A_224 = arith.mulf %parallel_loop3A_219, %parallel_loop3A_174 : vector<16xf32>
          tpu.vector_store_idx %arg15[%parallel_loop3A_223], %parallel_loop3A_224 {add = true} : memref<41088xf32, #tpu.memory_space<vmem>>[vector<16xi32>], vector<16xf32>,
          %parallel_loop3A_225 = arith.constant 80 : i32
          %parallel_loop3A_226 = vector.broadcast %parallel_loop3A_225 : i32 to vector<16xi32>
          %parallel_loop3A_227 = arith.addi %parallel_loop3A_226, %iota3A : vector<16xi32>
          %parallel_loop3A_228 = tpu.vector_load_idx %arg16[%parallel_loop3A_179, %parallel_loop3A_227] : memref<64x128xf32, #tpu.memory_space<vmem>>[vector<16xi32>, vector<16xi32>], vector<16xf32>,
          %parallel_loop3A_229 = arith.constant 80 : i32
          %parallel_loop3A_230 = vector.broadcast %parallel_loop3A_229 : i32 to vector<16xi32>
          %parallel_loop3A_231 = arith.addi %parallel_loop3A_178, %parallel_loop3A_230 : vector<16xi32>
          %parallel_loop3A_232 = arith.addi %parallel_loop3A_231, %iota3A : vector<16xi32>
          %parallel_loop3A_233 = arith.mulf %parallel_loop3A_228, %parallel_loop3A_174 : vector<16xf32>
          tpu.vector_store_idx %arg15[%parallel_loop3A_232], %parallel_loop3A_233 {add = true} : memref<41088xf32, #tpu.memory_space<vmem>>[vector<16xi32>], vector<16xf32>,
          %parallel_loop3A_234 = arith.constant 96 : i32
          %parallel_loop3A_235 = vector.broadcast %parallel_loop3A_234 : i32 to vector<16xi32>
          %parallel_loop3A_236 = arith.addi %parallel_loop3A_235, %iota3A : vector<16xi32>
          %parallel_loop3A_237 = tpu.vector_load_idx %arg16[%parallel_loop3A_179, %parallel_loop3A_236] : memref<64x128xf32, #tpu.memory_space<vmem>>[vector<16xi32>, vector<16xi32>], vector<16xf32>,
          %parallel_loop3A_238 = arith.constant 96 : i32
          %parallel_loop3A_239 = vector.broadcast %parallel_loop3A_238 : i32 to vector<16xi32>
          %parallel_loop3A_240 = arith.addi %parallel_loop3A_178, %parallel_loop3A_239 : vector<16xi32>
          %parallel_loop3A_241 = arith.addi %parallel_loop3A_240, %iota3A : vector<16xi32>
          %parallel_loop3A_242 = arith.mulf %parallel_loop3A_237, %parallel_loop3A_174 : vector<16xf32>
          tpu.vector_store_idx %arg15[%parallel_loop3A_241], %parallel_loop3A_242 {add = true} : memref<41088xf32, #tpu.memory_space<vmem>>[vector<16xi32>], vector<16xf32>,
          %parallel_loop3A_243 = arith.constant 112 : i32
          %parallel_loop3A_244 = vector.broadcast %parallel_loop3A_243 : i32 to vector<16xi32>
          %parallel_loop3A_245 = arith.addi %parallel_loop3A_244, %iota3A : vector<16xi32>
          %parallel_loop3A_246 = tpu.vector_load_idx %arg16[%parallel_loop3A_179, %parallel_loop3A_245] : memref<64x128xf32, #tpu.memory_space<vmem>>[vector<16xi32>, vector<16xi32>], vector<16xf32>,
          %parallel_loop3A_247 = arith.constant 112 : i32
          %parallel_loop3A_248 = vector.broadcast %parallel_loop3A_247 : i32 to vector<16xi32>
          %parallel_loop3A_249 = arith.addi %parallel_loop3A_178, %parallel_loop3A_248 : vector<16xi32>
          %parallel_loop3A_250 = arith.addi %parallel_loop3A_249, %iota3A : vector<16xi32>
          %parallel_loop3A_251 = arith.mulf %parallel_loop3A_246, %parallel_loop3A_174 : vector<16xf32>
          tpu.vector_store_idx %arg15[%parallel_loop3A_250], %parallel_loop3A_251 {add = true} : memref<41088xf32, #tpu.memory_space<vmem>>[vector<16xi32>], vector<16xf32>,
        } {sc.loop_unroll_factor = 2 : i64, sc.parallel_access}
        %add3A_137 = arith.constant 2 : i32
        %add3A_138 = arith.addi %add3A_127, %add3A_137 : i32
        %min3A = arith.constant 168 : i32
        %min3A_139 = arith.minsi %add3A_138, %min3A : i32
        %mul3A_140 = arith.constant 64 : i32
        %mul3A_141 = arith.muli %min3A_139, %mul3A_140 : i32
        %dma_start3A_142 = tpu.memref_slice %arg9[%mul3A_141] : memref<10880xi32, #tpu.memory_space<vmem>> -> memref<64xi32, #tpu.memory_space<vmem>>
        %dma_start3A_143 = arith.constant 0 : i32
        %dma_start3A_144 = arith.constant 0 : i32
        %dma_start3A_145 = tpu.memref_slice %arg5[%dma_start3A_143, %dma_start3A_144] : memref<40960x128xf32, #tpu.memory_space<hbm>> -> memref<40960x128xf32, #tpu.memory_space<hbm>>
        tpu.enqueue_indirect_dma source(%dma_start3A_145 : memref<40960x128xf32, #tpu.memory_space<hbm>>) target(%arg16 : memref<64x128xf32, #tpu.memory_space<vmem>>) offsets(%dma_start3A_142 : memref<64xi32, #tpu.memory_space<vmem>>) semaphore(%arg18 : memref<!tpu.dma_semaphore, #tpu.memory_space<semaphore_mem>>)
        %add3A_146 = arith.constant 1 : i32
        %add3A_147 = arith.addi %mul3A_125, %add3A_146 : i32
        %dma_wait3A_148 = arith.constant 0 : i32
        %dma_wait3A_149 = arith.constant 0 : i32
        %dma_wait3A_150 = tpu.memref_slice %arg5[%dma_wait3A_148, %dma_wait3A_149] : memref<40960x128xf32, #tpu.memory_space<hbm>> -> memref<64x128xf32, #tpu.memory_space<hbm>>
        %dma_wait3A_151 = arith.constant 0 : i32
        %dma_wait3A_152 = arith.constant 0 : i32
        %dma_wait3A_153 = tpu.memref_slice %arg5[%dma_wait3A_151, %dma_wait3A_152] : memref<40960x128xf32, #tpu.memory_space<hbm>> -> memref<64x128xf32, #tpu.memory_space<hbm>>
        tpu.wait_dma2 semaphore(%arg19 : memref<!tpu.dma_semaphore, #tpu.memory_space<semaphore_mem>>) src(%dma_wait3A_153 : memref<64x128xf32, #tpu.memory_space<hbm>>) dst(%arg17 : memref<64x128xf32, #tpu.memory_space<vmem>>)
        %parallel_loop3A_154 = arith.constant 0 : i32
        %parallel_loop3A_155 = arith.constant 64 : i32
        %parallel_loop3A_156 = arith.constant 1 : i32
        scf.for %parallel_loop3A_168 = %parallel_loop3A_154 to %parallel_loop3A_155 step %parallel_loop3A_156  : i32 {
          %parallel_loop3A_169 = arith.constant 64 : i32
          %parallel_loop3A_170 = arith.muli %add3A_147, %parallel_loop3A_169 : i32
          %parallel_loop3A_171 = arith.addi %parallel_loop3A_170, %parallel_loop3A_168 : i32
          %parallel_loop3A_172 = vector.broadcast %parallel_loop3A_171 : i32 to vector<16xi32>
          %parallel_loop3A_173 = tpu.vector_load_idx %arg10[%parallel_loop3A_172] : memref<10880xf32, #tpu.memory_space<vmem>>[vector<16xi32>], vector<16xf32>,
          %parallel_loop3A_174 = tpu.vector_load_idx %arg11[%parallel_loop3A_172] : memref<10880xf32, #tpu.memory_space<vmem>>[vector<16xi32>], vector<16xf32>,
          %parallel_loop3A_175 = tpu.vector_load_idx %arg8[%parallel_loop3A_172] : memref<10880xi32, #tpu.memory_space<vmem>>[vector<16xi32>], vector<16xi32>,
          %parallel_loop3A_176 = arith.constant 128 : i32
          %parallel_loop3A_177 = vector.broadcast %parallel_loop3A_176 : i32 to vector<16xi32>
          %parallel_loop3A_178 = arith.muli %parallel_loop3A_175, %parallel_loop3A_177 : vector<16xi32>
          %parallel_loop3A_179 = vector.broadcast %parallel_loop3A_168 : i32 to vector<16xi32>
          %parallel_loop3A_180 = arith.constant 0 : i32
          %parallel_loop3A_181 = vector.broadcast %parallel_loop3A_180 : i32 to vector<16xi32>
          %parallel_loop3A_182 = arith.addi %parallel_loop3A_181, %iota3A : vector<16xi32>
          %parallel_loop3A_183 = tpu.vector_load_idx %arg17[%parallel_loop3A_179, %parallel_loop3A_182] : memref<64x128xf32, #tpu.memory_space<vmem>>[vector<16xi32>, vector<16xi32>], vector<16xf32>,
          %parallel_loop3A_184 = arith.constant 0 : i32
          %parallel_loop3A_185 = vector.broadcast %parallel_loop3A_184 : i32 to vector<16xi32>
          %parallel_loop3A_186 = arith.addi %parallel_loop3A_178, %parallel_loop3A_185 : vector<16xi32>
          %parallel_loop3A_187 = arith.addi %parallel_loop3A_186, %iota3A : vector<16xi32>
          %parallel_loop3A_188 = arith.mulf %parallel_loop3A_183, %parallel_loop3A_173 : vector<16xf32>
          tpu.vector_store_idx %arg15[%parallel_loop3A_187], %parallel_loop3A_188 {add = true} : memref<41088xf32, #tpu.memory_space<vmem>>[vector<16xi32>], vector<16xf32>,
          %parallel_loop3A_189 = arith.constant 16 : i32
          %parallel_loop3A_190 = vector.broadcast %parallel_loop3A_189 : i32 to vector<16xi32>
          %parallel_loop3A_191 = arith.addi %parallel_loop3A_190, %iota3A : vector<16xi32>
          %parallel_loop3A_192 = tpu.vector_load_idx %arg17[%parallel_loop3A_179, %parallel_loop3A_191] : memref<64x128xf32, #tpu.memory_space<vmem>>[vector<16xi32>, vector<16xi32>], vector<16xf32>,
          %parallel_loop3A_193 = arith.constant 16 : i32
          %parallel_loop3A_194 = vector.broadcast %parallel_loop3A_193 : i32 to vector<16xi32>
          %parallel_loop3A_195 = arith.addi %parallel_loop3A_178, %parallel_loop3A_194 : vector<16xi32>
          %parallel_loop3A_196 = arith.addi %parallel_loop3A_195, %iota3A : vector<16xi32>
          %parallel_loop3A_197 = arith.mulf %parallel_loop3A_192, %parallel_loop3A_173 : vector<16xf32>
          tpu.vector_store_idx %arg15[%parallel_loop3A_196], %parallel_loop3A_197 {add = true} : memref<41088xf32, #tpu.memory_space<vmem>>[vector<16xi32>], vector<16xf32>,
          %parallel_loop3A_198 = arith.constant 32 : i32
          %parallel_loop3A_199 = vector.broadcast %parallel_loop3A_198 : i32 to vector<16xi32>
          %parallel_loop3A_200 = arith.addi %parallel_loop3A_199, %iota3A : vector<16xi32>
          %parallel_loop3A_201 = tpu.vector_load_idx %arg17[%parallel_loop3A_179, %parallel_loop3A_200] : memref<64x128xf32, #tpu.memory_space<vmem>>[vector<16xi32>, vector<16xi32>], vector<16xf32>,
          %parallel_loop3A_202 = arith.constant 32 : i32
          %parallel_loop3A_203 = vector.broadcast %parallel_loop3A_202 : i32 to vector<16xi32>
          %parallel_loop3A_204 = arith.addi %parallel_loop3A_178, %parallel_loop3A_203 : vector<16xi32>
          %parallel_loop3A_205 = arith.addi %parallel_loop3A_204, %iota3A : vector<16xi32>
          %parallel_loop3A_206 = arith.mulf %parallel_loop3A_201, %parallel_loop3A_173 : vector<16xf32>
          tpu.vector_store_idx %arg15[%parallel_loop3A_205], %parallel_loop3A_206 {add = true} : memref<41088xf32, #tpu.memory_space<vmem>>[vector<16xi32>], vector<16xf32>,
          %parallel_loop3A_207 = arith.constant 48 : i32
          %parallel_loop3A_208 = vector.broadcast %parallel_loop3A_207 : i32 to vector<16xi32>
          %parallel_loop3A_209 = arith.addi %parallel_loop3A_208, %iota3A : vector<16xi32>
          %parallel_loop3A_210 = tpu.vector_load_idx %arg17[%parallel_loop3A_179, %parallel_loop3A_209] : memref<64x128xf32, #tpu.memory_space<vmem>>[vector<16xi32>, vector<16xi32>], vector<16xf32>,
          %parallel_loop3A_211 = arith.constant 48 : i32
          %parallel_loop3A_212 = vector.broadcast %parallel_loop3A_211 : i32 to vector<16xi32>
          %parallel_loop3A_213 = arith.addi %parallel_loop3A_178, %parallel_loop3A_212 : vector<16xi32>
          %parallel_loop3A_214 = arith.addi %parallel_loop3A_213, %iota3A : vector<16xi32>
          %parallel_loop3A_215 = arith.mulf %parallel_loop3A_210, %parallel_loop3A_173 : vector<16xf32>
          tpu.vector_store_idx %arg15[%parallel_loop3A_214], %parallel_loop3A_215 {add = true} : memref<41088xf32, #tpu.memory_space<vmem>>[vector<16xi32>], vector<16xf32>,
          %parallel_loop3A_216 = arith.constant 64 : i32
          %parallel_loop3A_217 = vector.broadcast %parallel_loop3A_216 : i32 to vector<16xi32>
          %parallel_loop3A_218 = arith.addi %parallel_loop3A_217, %iota3A : vector<16xi32>
          %parallel_loop3A_219 = tpu.vector_load_idx %arg17[%parallel_loop3A_179, %parallel_loop3A_218] : memref<64x128xf32, #tpu.memory_space<vmem>>[vector<16xi32>, vector<16xi32>], vector<16xf32>,
          %parallel_loop3A_220 = arith.constant 64 : i32
          %parallel_loop3A_221 = vector.broadcast %parallel_loop3A_220 : i32 to vector<16xi32>
          %parallel_loop3A_222 = arith.addi %parallel_loop3A_178, %parallel_loop3A_221 : vector<16xi32>
          %parallel_loop3A_223 = arith.addi %parallel_loop3A_222, %iota3A : vector<16xi32>
          %parallel_loop3A_224 = arith.mulf %parallel_loop3A_219, %parallel_loop3A_174 : vector<16xf32>
          tpu.vector_store_idx %arg15[%parallel_loop3A_223], %parallel_loop3A_224 {add = true} : memref<41088xf32, #tpu.memory_space<vmem>>[vector<16xi32>], vector<16xf32>,
          %parallel_loop3A_225 = arith.constant 80 : i32
          %parallel_loop3A_226 = vector.broadcast %parallel_loop3A_225 : i32 to vector<16xi32>
          %parallel_loop3A_227 = arith.addi %parallel_loop3A_226, %iota3A : vector<16xi32>
          %parallel_loop3A_228 = tpu.vector_load_idx %arg17[%parallel_loop3A_179, %parallel_loop3A_227] : memref<64x128xf32, #tpu.memory_space<vmem>>[vector<16xi32>, vector<16xi32>], vector<16xf32>,
          %parallel_loop3A_229 = arith.constant 80 : i32
          %parallel_loop3A_230 = vector.broadcast %parallel_loop3A_229 : i32 to vector<16xi32>
          %parallel_loop3A_231 = arith.addi %parallel_loop3A_178, %parallel_loop3A_230 : vector<16xi32>
          %parallel_loop3A_232 = arith.addi %parallel_loop3A_231, %iota3A : vector<16xi32>
          %parallel_loop3A_233 = arith.mulf %parallel_loop3A_228, %parallel_loop3A_174 : vector<16xf32>
          tpu.vector_store_idx %arg15[%parallel_loop3A_232], %parallel_loop3A_233 {add = true} : memref<41088xf32, #tpu.memory_space<vmem>>[vector<16xi32>], vector<16xf32>,
          %parallel_loop3A_234 = arith.constant 96 : i32
          %parallel_loop3A_235 = vector.broadcast %parallel_loop3A_234 : i32 to vector<16xi32>
          %parallel_loop3A_236 = arith.addi %parallel_loop3A_235, %iota3A : vector<16xi32>
          %parallel_loop3A_237 = tpu.vector_load_idx %arg17[%parallel_loop3A_179, %parallel_loop3A_236] : memref<64x128xf32, #tpu.memory_space<vmem>>[vector<16xi32>, vector<16xi32>], vector<16xf32>,
          %parallel_loop3A_238 = arith.constant 96 : i32
          %parallel_loop3A_239 = vector.broadcast %parallel_loop3A_238 : i32 to vector<16xi32>
          %parallel_loop3A_240 = arith.addi %parallel_loop3A_178, %parallel_loop3A_239 : vector<16xi32>
          %parallel_loop3A_241 = arith.addi %parallel_loop3A_240, %iota3A : vector<16xi32>
          %parallel_loop3A_242 = arith.mulf %parallel_loop3A_237, %parallel_loop3A_174 : vector<16xf32>
          tpu.vector_store_idx %arg15[%parallel_loop3A_241], %parallel_loop3A_242 {add = true} : memref<41088xf32, #tpu.memory_space<vmem>>[vector<16xi32>], vector<16xf32>,
          %parallel_loop3A_243 = arith.constant 112 : i32
          %parallel_loop3A_244 = vector.broadcast %parallel_loop3A_243 : i32 to vector<16xi32>
          %parallel_loop3A_245 = arith.addi %parallel_loop3A_244, %iota3A : vector<16xi32>
          %parallel_loop3A_246 = tpu.vector_load_idx %arg17[%parallel_loop3A_179, %parallel_loop3A_245] : memref<64x128xf32, #tpu.memory_space<vmem>>[vector<16xi32>, vector<16xi32>], vector<16xf32>,
          %parallel_loop3A_247 = arith.constant 112 : i32
          %parallel_loop3A_248 = vector.broadcast %parallel_loop3A_247 : i32 to vector<16xi32>
          %parallel_loop3A_249 = arith.addi %parallel_loop3A_178, %parallel_loop3A_248 : vector<16xi32>
          %parallel_loop3A_250 = arith.addi %parallel_loop3A_249, %iota3A : vector<16xi32>
          %parallel_loop3A_251 = arith.mulf %parallel_loop3A_246, %parallel_loop3A_174 : vector<16xf32>
          tpu.vector_store_idx %arg15[%parallel_loop3A_250], %parallel_loop3A_251 {add = true} : memref<41088xf32, #tpu.memory_space<vmem>>[vector<16xi32>], vector<16xf32>,
        } {sc.loop_unroll_factor = 2 : i64, sc.parallel_access}
        %add3A_157 = arith.constant 2 : i32
        %add3A_158 = arith.addi %add3A_147, %add3A_157 : i32
        %min3A_159 = arith.constant 169 : i32
        %min3A_160 = arith.minsi %add3A_158, %min3A_159 : i32
        %mul3A_161 = arith.constant 64 : i32
        %mul3A_162 = arith.muli %min3A_160, %mul3A_161 : i32
        %dma_start3A_163 = tpu.memref_slice %arg9[%mul3A_162] : memref<10880xi32, #tpu.memory_space<vmem>> -> memref<64xi32, #tpu.memory_space<vmem>>
        %dma_start3A_164 = arith.constant 0 : i32
        %dma_start3A_165 = arith.constant 0 : i32
        %dma_start3A_166 = tpu.memref_slice %arg5[%dma_start3A_164, %dma_start3A_165] : memref<40960x128xf32, #tpu.memory_space<hbm>> -> memref<40960x128xf32, #tpu.memory_space<hbm>>
        tpu.enqueue_indirect_dma source(%dma_start3A_166 : memref<40960x128xf32, #tpu.memory_space<hbm>>) target(%arg17 : memref<64x128xf32, #tpu.memory_space<vmem>>) offsets(%dma_start3A_163 : memref<64xi32, #tpu.memory_space<vmem>>) semaphore(%arg19 : memref<!tpu.dma_semaphore, #tpu.memory_space<semaphore_mem>>)
        %scan3A_167 = arith.constant 0 : i32
        scf.yield %scan3A_167 : i32
      }
      %scan3A_104 = arith.constant 85 : i32
      %dma_wait3A = arith.constant 0 : i32
      %dma_wait3A_105 = arith.constant 0 : i32
      %dma_wait3A_106 = tpu.memref_slice %arg5[%dma_wait3A, %dma_wait3A_105] : memref<40960x128xf32, #tpu.memory_space<hbm>> -> memref<64x128xf32, #tpu.memory_space<hbm>>
      %dma_wait3A_107 = arith.constant 0 : i32
      %dma_wait3A_108 = arith.constant 0 : i32
      %dma_wait3A_109 = tpu.memref_slice %arg5[%dma_wait3A_107, %dma_wait3A_108] : memref<40960x128xf32, #tpu.memory_space<hbm>> -> memref<64x128xf32, #tpu.memory_space<hbm>>
      tpu.wait_dma2 semaphore(%arg18 : memref<!tpu.dma_semaphore, #tpu.memory_space<semaphore_mem>>) src(%dma_wait3A_109 : memref<64x128xf32, #tpu.memory_space<hbm>>) dst(%arg16 : memref<64x128xf32, #tpu.memory_space<vmem>>)
      %dma_wait3A_110 = arith.constant 0 : i32
      %dma_wait3A_111 = arith.constant 0 : i32
      %dma_wait3A_112 = tpu.memref_slice %arg5[%dma_wait3A_110, %dma_wait3A_111] : memref<40960x128xf32, #tpu.memory_space<hbm>> -> memref<64x128xf32, #tpu.memory_space<hbm>>
      %dma_wait3A_113 = arith.constant 0 : i32
      %dma_wait3A_114 = arith.constant 0 : i32
      %dma_wait3A_115 = tpu.memref_slice %arg5[%dma_wait3A_113, %dma_wait3A_114] : memref<40960x128xf32, #tpu.memory_space<hbm>> -> memref<64x128xf32, #tpu.memory_space<hbm>>
      tpu.wait_dma2 semaphore(%arg19 : memref<!tpu.dma_semaphore, #tpu.memory_space<semaphore_mem>>) src(%dma_wait3A_115 : memref<64x128xf32, #tpu.memory_space<hbm>>) dst(%arg17 : memref<64x128xf32, #tpu.memory_space<vmem>>)
      %mul3A_116 = arith.constant 10240 : i32
      %mul3A_117 = arith.muli %scan3A_13, %mul3A_116 : i32
      %add3A_118 = arith.addi %mul3A_117, %mul3A_2 : i32
      %mul3A_119 = arith.constant 128 : i32
      %mul3A_120 = arith.muli %add3A_118, %mul3A_119 : i32
      "tpu.region"() ({
        %run_scoped3A = tpu.sem_alloc : memref<!tpu.dma_semaphore, #tpu.memory_space<semaphore_mem>>
        %dma_start3A_122 = arith.constant 0 : i32
        %dma_start3A_123 = tpu.memref_slice %arg15[%dma_start3A_122] : memref<41088xf32, #tpu.memory_space<vmem>> -> memref<40960xf32, #tpu.memory_space<vmem>>
        %dma_start3A_124 = tpu.memref_slice %arg6[%mul3A_120] : memref<5242880xf32, #tpu.memory_space<hbm>> -> memref<40960xf32, #tpu.memory_space<hbm>>
        %dma_start3A_125 = tpu.memref_slice %arg6[%mul3A_120] : memref<5242880xf32, #tpu.memory_space<hbm>> -> memref<40960xf32, #tpu.memory_space<hbm>>
        %dma_start3A_126 = arith.constant 0 : i32
        %dma_start3A_127 = tpu.memref_slice %arg15[%dma_start3A_126] : memref<41088xf32, #tpu.memory_space<vmem>> -> memref<40960xf32, #tpu.memory_space<vmem>>
        tpu.enqueue_dma source(%dma_start3A_127 : memref<40960xf32, #tpu.memory_space<vmem>>) target(%dma_start3A_125 : memref<40960xf32, #tpu.memory_space<hbm>>) target_semaphore(%run_scoped3A : memref<!tpu.dma_semaphore, #tpu.memory_space<semaphore_mem>>)
        %dma_wait3A_128 = arith.constant 0 : i32
        %dma_wait3A_129 = tpu.memref_slice %arg15[%dma_wait3A_128] : memref<41088xf32, #tpu.memory_space<vmem>> -> memref<40960xf32, #tpu.memory_space<vmem>>
        %dma_wait3A_130 = tpu.memref_slice %arg6[%mul3A_120] : memref<5242880xf32, #tpu.memory_space<hbm>> -> memref<40960xf32, #tpu.memory_space<hbm>>
        %dma_wait3A_131 = tpu.memref_slice %arg6[%mul3A_120] : memref<5242880xf32, #tpu.memory_space<hbm>> -> memref<40960xf32, #tpu.memory_space<hbm>>
        %dma_wait3A_132 = arith.constant 0 : i32
        %dma_wait3A_133 = tpu.memref_slice %arg15[%dma_wait3A_132] : memref<41088xf32, #tpu.memory_space<vmem>> -> memref<40960xf32, #tpu.memory_space<vmem>>
        tpu.wait_dma2 semaphore(%run_scoped3A : memref<!tpu.dma_semaphore, #tpu.memory_space<semaphore_mem>>) src(%dma_wait3A_133 : memref<40960xf32, #tpu.memory_space<vmem>>) dst(%dma_wait3A_131 : memref<40960xf32, #tpu.memory_space<hbm>>)
        tpu.yield
      }) : () -> ()
      %scan3A_121 = arith.constant 0 : i32
      scf.yield %scan3A_121 : i32
    }
    %scan3A_12 = arith.constant 4 : i32
    return
  }
}

#map = affine_map<(d0, d1) -> (0)>
#map1 = affine_map<(d0, d1) -> (0, 0)>
module attributes {stable_mosaic.version = 14 : i64} {
  func.func @_edge_body(%arg0: i32, %arg1: i32, %arg2: memref<348160xi32, #tpu.memory_space<hbm>>, %arg3: memref<348160xi32, #tpu.memory_space<hbm>>, %arg4: memref<163840xf32, #tpu.memory_space<hbm>>, %arg5: memref<40960x128xf32, #tpu.memory_space<hbm>>, %arg6: memref<5242880xf32, #tpu.memory_space<hbm>>, %arg7: memref<10880xi32, #tpu.memory_space<vmem>>, %arg8: memref<10880xi32, #tpu.memory_space<vmem>>, %arg9: memref<10880xi32, #tpu.memory_space<vmem>>, %arg10: memref<10880xf32, #tpu.memory_space<vmem>>, %arg11: memref<10880xf32, #tpu.memory_space<vmem>>, %arg12: memref<10240xf32, #tpu.memory_space<vmem>>, %arg13: memref<336xf32, #tpu.memory_space<vmem>>, %arg14: memref<336xf32, #tpu.memory_space<vmem>>, %arg15: memref<41088xf32, #tpu.memory_space<vmem>>, %arg16: memref<64x128xf32, #tpu.memory_space<vmem>>, %arg17: memref<64x128xf32, #tpu.memory_space<vmem>>, %arg18: memref<!tpu.dma_semaphore, #tpu.memory_space<semaphore_mem>>, %arg19: memref<!tpu.dma_semaphore, #tpu.memory_space<semaphore_mem>>) attributes {dimension_semantics = [#tpu.dimension_semantics<core_parallel>, #tpu.dimension_semantics<subcore_parallel>], iteration_bounds = array<i64: 2, 16>, scalar_prefetch = 0 : i64, scratch_operands = 13 : i64, tpu.core_type = #tpu.core_type<sc_vector_subcore>, window_params = [{transform_indices = #map}, {transform_indices = #map}, {transform_indices = #map}, {transform_indices = #map1}, {transform_indices = #map}]} {
    %mul3A = arith.constant 2 : i32
    %mul3A_0 = arith.muli %arg1, %mul3A : i32
    %add3A = arith.addi %mul3A_0, %arg0 : i32
    %mul3A_1 = arith.constant 320 : i32
    %mul3A_2 = arith.muli %add3A, %mul3A_1 : i32
    %iota3A = tpu.iota {dimensions = array<i32: 0>} : vector<16xi32>
    %mul3A_3 = arith.constant 10880 : i32
    %mul3A_4 = arith.muli %add3A, %mul3A_3 : i32
    "tpu.region"() ({
      %run_scoped3A = tpu.sem_alloc : memref<!tpu.dma_semaphore, #tpu.memory_space<semaphore_mem>>
      %dma_start3A = tpu.memref_slice %arg2[%mul3A_4] : memref<348160xi32, #tpu.memory_space<hbm>> -> memref<10880xi32, #tpu.memory_space<hbm>>
      %dma_start3A_13 = tpu.memref_slice %arg2[%mul3A_4] : memref<348160xi32, #tpu.memory_space<hbm>> -> memref<10880xi32, #tpu.memory_space<hbm>>
      tpu.enqueue_dma source(%dma_start3A_13 : memref<10880xi32, #tpu.memory_space<hbm>>) target(%arg7 : memref<10880xi32, #tpu.memory_space<vmem>>) target_semaphore(%run_scoped3A : memref<!tpu.dma_semaphore, #tpu.memory_space<semaphore_mem>>)
      %dma_wait3A = tpu.memref_slice %arg2[%mul3A_4] : memref<348160xi32, #tpu.memory_space<hbm>> -> memref<10880xi32, #tpu.memory_space<hbm>>
      %dma_wait3A_14 = tpu.memref_slice %arg2[%mul3A_4] : memref<348160xi32, #tpu.memory_space<hbm>> -> memref<10880xi32, #tpu.memory_space<hbm>>
      tpu.wait_dma2 semaphore(%run_scoped3A : memref<!tpu.dma_semaphore, #tpu.memory_space<semaphore_mem>>) src(%dma_wait3A_14 : memref<10880xi32, #tpu.memory_space<hbm>>) dst(%arg7 : memref<10880xi32, #tpu.memory_space<vmem>>)
      tpu.yield
    }) : () -> ()
    %mul3A_5 = arith.constant 10880 : i32
    %mul3A_6 = arith.muli %add3A, %mul3A_5 : i32
    "tpu.region"() ({
      %run_scoped3A = tpu.sem_alloc : memref<!tpu.dma_semaphore, #tpu.memory_space<semaphore_mem>>
      %dma_start3A = tpu.memref_slice %arg3[%mul3A_6] : memref<348160xi32, #tpu.memory_space<hbm>> -> memref<10880xi32, #tpu.memory_space<hbm>>
      %dma_start3A_13 = tpu.memref_slice %arg3[%mul3A_6] : memref<348160xi32, #tpu.memory_space<hbm>> -> memref<10880xi32, #tpu.memory_space<hbm>>
      tpu.enqueue_dma source(%dma_start3A_13 : memref<10880xi32, #tpu.memory_space<hbm>>) target(%arg8 : memref<10880xi32, #tpu.memory_space<vmem>>) target_semaphore(%run_scoped3A : memref<!tpu.dma_semaphore, #tpu.memory_space<semaphore_mem>>)
      %dma_wait3A = tpu.memref_slice %arg3[%mul3A_6] : memref<348160xi32, #tpu.memory_space<hbm>> -> memref<10880xi32, #tpu.memory_space<hbm>>
      %dma_wait3A_14 = tpu.memref_slice %arg3[%mul3A_6] : memref<348160xi32, #tpu.memory_space<hbm>> -> memref<10880xi32, #tpu.memory_space<hbm>>
      tpu.wait_dma2 semaphore(%run_scoped3A : memref<!tpu.dma_semaphore, #tpu.memory_space<semaphore_mem>>) src(%dma_wait3A_14 : memref<10880xi32, #tpu.memory_space<hbm>>) dst(%arg8 : memref<10880xi32, #tpu.memory_space<vmem>>)
      tpu.yield
    }) : () -> ()
    %scan3A = arith.constant 0 : i32
    %scan3A_7 = arith.constant 0 : i32
    %scan3A_8 = arith.constant 4 : i32
    %scan3A_9 = arith.addi %scan3A_7, %scan3A_8 : i32
    %scan3A_10 = arith.constant 1 : i32
    %scan3A_11 = scf.for %scan3A_13 = %scan3A_7 to %scan3A_9 step %scan3A_10 iter_args(%scan3A_14 = %scan3A) -> (i32)  : i32 {
      %mul3A_15 = arith.constant 2 : i32
      %mul3A_16 = arith.muli %scan3A_13, %mul3A_15 : i32
      %add3A_17 = arith.constant 0 : i32
      %add3A_18 = arith.addi %mul3A_16, %add3A_17 : i32
      %mul3A_19 = arith.constant 10240 : i32
      %mul3A_20 = arith.muli %add3A_18, %mul3A_19 : i32
      "tpu.region"() ({
        %run_scoped3A = tpu.sem_alloc : memref<!tpu.dma_semaphore, #tpu.memory_space<semaphore_mem>>
        %dma_start3A_122 = tpu.memref_slice %arg4[%mul3A_20] : memref<163840xf32, #tpu.memory_space<hbm>> -> memref<10240xf32, #tpu.memory_space<hbm>>
        %dma_start3A_123 = tpu.memref_slice %arg4[%mul3A_20] : memref<163840xf32, #tpu.memory_space<hbm>> -> memref<10240xf32, #tpu.memory_space<hbm>>
        tpu.enqueue_dma source(%dma_start3A_123 : memref<10240xf32, #tpu.memory_space<hbm>>) target(%arg12 : memref<10240xf32, #tpu.memory_space<vmem>>) target_semaphore(%run_scoped3A : memref<!tpu.dma_semaphore, #tpu.memory_space<semaphore_mem>>)
        %dma_wait3A_124 = tpu.memref_slice %arg4[%mul3A_20] : memref<163840xf32, #tpu.memory_space<hbm>> -> memref<10240xf32, #tpu.memory_space<hbm>>
        %dma_wait3A_125 = tpu.memref_slice %arg4[%mul3A_20] : memref<163840xf32, #tpu.memory_space<hbm>> -> memref<10240xf32, #tpu.memory_space<hbm>>
        tpu.wait_dma2 semaphore(%run_scoped3A : memref<!tpu.dma_semaphore, #tpu.memory_space<semaphore_mem>>) src(%dma_wait3A_125 : memref<10240xf32, #tpu.memory_space<hbm>>) dst(%arg12 : memref<10240xf32, #tpu.memory_space<vmem>>)
        tpu.yield
      }) : () -> ()
      %add3A_21 = arith.constant 8 : i32
      %add3A_22 = arith.addi %add3A_21, %add3A_18 : i32
      %mul3A_23 = arith.constant 10240 : i32
      %mul3A_24 = arith.muli %add3A_22, %mul3A_23 : i32
      %add3A_25 = arith.addi %mul3A_24, %mul3A_2 : i32
      "tpu.region"() ({
        %run_scoped3A = tpu.sem_alloc : memref<!tpu.dma_semaphore, #tpu.memory_space<semaphore_mem>>
        %dma_start3A_122 = arith.constant 0 : i32
        %dma_start3A_123 = tpu.memref_slice %arg13[%dma_start3A_122] : memref<336xf32, #tpu.memory_space<vmem>> -> memref<320xf32, #tpu.memory_space<vmem>>
        %dma_start3A_124 = tpu.memref_slice %arg4[%add3A_25] : memref<163840xf32, #tpu.memory_space<hbm>> -> memref<320xf32, #tpu.memory_space<hbm>>
        %dma_start3A_125 = arith.constant 0 : i32
        %dma_start3A_126 = tpu.memref_slice %arg13[%dma_start3A_125] : memref<336xf32, #tpu.memory_space<vmem>> -> memref<320xf32, #tpu.memory_space<vmem>>
        %dma_start3A_127 = tpu.memref_slice %arg4[%add3A_25] : memref<163840xf32, #tpu.memory_space<hbm>> -> memref<320xf32, #tpu.memory_space<hbm>>
        tpu.enqueue_dma source(%dma_start3A_127 : memref<320xf32, #tpu.memory_space<hbm>>) target(%dma_start3A_126 : memref<320xf32, #tpu.memory_space<vmem>>) target_semaphore(%run_scoped3A : memref<!tpu.dma_semaphore, #tpu.memory_space<semaphore_mem>>)
        %dma_wait3A_128 = arith.constant 0 : i32
        %dma_wait3A_129 = tpu.memref_slice %arg13[%dma_wait3A_128] : memref<336xf32, #tpu.memory_space<vmem>> -> memref<320xf32, #tpu.memory_space<vmem>>
        %dma_wait3A_130 = tpu.memref_slice %arg4[%add3A_25] : memref<163840xf32, #tpu.memory_space<hbm>> -> memref<320xf32, #tpu.memory_space<hbm>>
        %dma_wait3A_131 = arith.constant 0 : i32
        %dma_wait3A_132 = tpu.memref_slice %arg13[%dma_wait3A_131] : memref<336xf32, #tpu.memory_space<vmem>> -> memref<320xf32, #tpu.memory_space<vmem>>
        %dma_wait3A_133 = tpu.memref_slice %arg4[%add3A_25] : memref<163840xf32, #tpu.memory_space<hbm>> -> memref<320xf32, #tpu.memory_space<hbm>>
        tpu.wait_dma2 semaphore(%run_scoped3A : memref<!tpu.dma_semaphore, #tpu.memory_space<semaphore_mem>>) src(%dma_wait3A_133 : memref<320xf32, #tpu.memory_space<hbm>>) dst(%dma_wait3A_132 : memref<320xf32, #tpu.memory_space<vmem>>)
        tpu.yield
      }) : () -> ()
      %broadcast_in_dim3A = arith.constant 0.000000e+00 : f32
      %broadcast_in_dim3A_26 = vector.broadcast %broadcast_in_dim3A : f32 to vector<16xf32>
      %swap3A = arith.constant 320 : index
      %swap3A_27 = tpu.vector_load %arg13[%swap3A] {strides = array<i32>} : memref<336xf32, #tpu.memory_space<vmem>>, vector<16xf32>,
      tpu.vector_store %arg13[%swap3A], %broadcast_in_dim3A_26 {strides = array<i32>} : memref<336xf32, #tpu.memory_space<vmem>>, vector<16xf32>,
      %scan3A_28 = arith.constant 0 : i32
      %scan3A_29 = arith.constant 0 : i32
      %scan3A_30 = arith.constant 21 : i32
      %scan3A_31 = arith.addi %scan3A_29, %scan3A_30 : i32
      %scan3A_32 = arith.constant 1 : i32
      %scan3A_33 = scf.for %scan3A_122 = %scan3A_29 to %scan3A_31 step %scan3A_32 iter_args(%scan3A_123 = %scan3A_28) -> (i32)  : i32 {
        %broadcast_in_dim3A_124 = arith.constant 0.000000e+00 : f32
        %broadcast_in_dim3A_125 = vector.broadcast %broadcast_in_dim3A_124 : f32 to vector<16xf32>
        %mul3A_126 = arith.constant 16 : i32
        %mul3A_127 = arith.muli %scan3A_122, %mul3A_126 : i32
        %swap3A_128 = arith.index_cast %mul3A_127 : i32 to index
        %swap3A_129 = tpu.vector_load %arg14[%swap3A_128] {strides = array<i32>} : memref<336xf32, #tpu.memory_space<vmem>>, vector<16xf32>,
        tpu.vector_store %arg14[%swap3A_128], %broadcast_in_dim3A_125 {strides = array<i32>} : memref<336xf32, #tpu.memory_space<vmem>>, vector<16xf32>,
        %scan3A_130 = arith.constant 0 : i32
        scf.yield %scan3A_130 : i32
      }
      %scan3A_34 = arith.constant 21 : i32
      %parallel_loop3A = arith.constant 0 : i32
      %parallel_loop3A_35 = arith.constant 680 : i32
      %parallel_loop3A_36 = arith.constant 1 : i32
      scf.for %parallel_loop3A_122 = %parallel_loop3A to %parallel_loop3A_35 step %parallel_loop3A_36  : i32 {
        %parallel_loop3A_123 = arith.constant 16 : i32
        %parallel_loop3A_124 = arith.muli %parallel_loop3A_122, %parallel_loop3A_123 : i32
        %parallel_loop3A_125 = arith.index_cast %parallel_loop3A_124 : i32 to index
        %parallel_loop3A_126 = tpu.vector_load %arg7[%parallel_loop3A_125] {strides = array<i32>} : memref<10880xi32, #tpu.memory_space<vmem>>, vector<16xi32>,
        %parallel_loop3A_127 = arith.constant 16 : i32
        %parallel_loop3A_128 = arith.muli %parallel_loop3A_122, %parallel_loop3A_127 : i32
        %parallel_loop3A_129 = arith.index_cast %parallel_loop3A_128 : i32 to index
        %parallel_loop3A_130 = tpu.vector_load %arg8[%parallel_loop3A_129] {strides = array<i32>} : memref<10880xi32, #tpu.memory_space<vmem>>, vector<16xi32>,
        %parallel_loop3A_131 = arith.constant 10240 : i32
        %parallel_loop3A_132 = arith.muli %scan3A_13, %parallel_loop3A_131 : i32
        %parallel_loop3A_133 = vector.broadcast %parallel_loop3A_132 : i32 to vector<16xi32>
        %parallel_loop3A_134 = arith.addi %parallel_loop3A_126, %parallel_loop3A_133 : vector<16xi32>
        %parallel_loop3A_135 = arith.constant 16 : i32
        %parallel_loop3A_136 = arith.muli %parallel_loop3A_122, %parallel_loop3A_135 : i32
        %parallel_loop3A_137 = arith.index_cast %parallel_loop3A_136 : i32 to index
        %parallel_loop3A_138 = tpu.vector_load %arg9[%parallel_loop3A_137] {strides = array<i32>} : memref<10880xi32, #tpu.memory_space<vmem>>, vector<16xi32>,
        tpu.vector_store %arg9[%parallel_loop3A_137], %parallel_loop3A_134 {strides = array<i32>} : memref<10880xi32, #tpu.memory_space<vmem>>, vector<16xi32>,
        %parallel_loop3A_139 = tpu.vector_load_idx %arg12[%parallel_loop3A_126] : memref<10240xf32, #tpu.memory_space<vmem>>[vector<16xi32>], vector<16xf32>,
        %parallel_loop3A_140 = tpu.vector_load_idx %arg13[%parallel_loop3A_130] : memref<336xf32, #tpu.memory_space<vmem>>[vector<16xi32>], vector<16xf32>,
        %parallel_loop3A_141 = arith.addf %parallel_loop3A_139, %parallel_loop3A_140 : vector<16xf32>
        %parallel_loop3A_142 = arith.constant 2.000000e-01 : f32
        %parallel_loop3A_143 = vector.broadcast %parallel_loop3A_142 : f32 to vector<16xf32>
        %parallel_loop3A_144 = arith.mulf %parallel_loop3A_143, %parallel_loop3A_141 : vector<16xf32>
        %parallel_loop3A_145 = arith.maximumf %parallel_loop3A_141, %parallel_loop3A_144 : vector<16xf32>
        %parallel_loop3A_146 = math.exp %parallel_loop3A_145 : vector<16xf32>
        %parallel_loop3A_147 = arith.constant 16 : i32
        %parallel_loop3A_148 = arith.muli %parallel_loop3A_122, %parallel_loop3A_147 : i32
        %parallel_loop3A_149 = arith.index_cast %parallel_loop3A_148 : i32 to index
        %parallel_loop3A_150 = tpu.vector_load %arg10[%parallel_loop3A_149] {strides = array<i32>} : memref<10880xf32, #tpu.memory_space<vmem>>, vector<16xf32>,
        tpu.vector_store %arg10[%parallel_loop3A_149], %parallel_loop3A_146 {strides = array<i32>} : memref<10880xf32, #tpu.memory_space<vmem>>, vector<16xf32>,
        tpu.vector_store_idx %arg14[%parallel_loop3A_130], %parallel_loop3A_146 {add = true} : memref<336xf32, #tpu.memory_space<vmem>>[vector<16xi32>], vector<16xf32>,
      } {sc.loop_unroll_factor = 2 : i64, sc.parallel_access}
      %scan3A_37 = arith.constant 0 : i32
      %scan3A_38 = arith.constant 0 : i32
      %scan3A_39 = arith.constant 21 : i32
      %scan3A_40 = arith.addi %scan3A_38, %scan3A_39 : i32
      %scan3A_41 = arith.constant 1 : i32
      %scan3A_42 = scf.for %scan3A_122 = %scan3A_38 to %scan3A_40 step %scan3A_41 iter_args(%scan3A_123 = %scan3A_37) -> (i32)  : i32 {
        %mul3A_124 = arith.constant 16 : i32
        %mul3A_125 = arith.muli %scan3A_122, %mul3A_124 : i32
        %get3A = arith.index_cast %mul3A_125 : i32 to index
        %get3A_126 = tpu.vector_load %arg14[%get3A] {strides = array<i32>} : memref<336xf32, #tpu.memory_space<vmem>>, vector<16xf32>,
        %add3A_127 = arith.constant 1.000000e-16 : f32
        %add3A_128 = vector.broadcast %add3A_127 : f32 to vector<16xf32>
        %add3A_129 = arith.addf %get3A_126, %add3A_128 : vector<16xf32>
        %div3A = arith.constant 1.000000e+00 : f32
        %div3A_130 = vector.broadcast %div3A : f32 to vector<16xf32>
        %div3A_131 = arith.divf %div3A_130, %add3A_129 : vector<16xf32>
        %mul3A_132 = arith.constant 16 : i32
        %mul3A_133 = arith.muli %scan3A_122, %mul3A_132 : i32
        %swap3A_134 = arith.index_cast %mul3A_133 : i32 to index
        %swap3A_135 = tpu.vector_load %arg14[%swap3A_134] {strides = array<i32>} : memref<336xf32, #tpu.memory_space<vmem>>, vector<16xf32>,
        tpu.vector_store %arg14[%swap3A_134], %div3A_131 {strides = array<i32>} : memref<336xf32, #tpu.memory_space<vmem>>, vector<16xf32>,
        %scan3A_136 = arith.constant 0 : i32
        scf.yield %scan3A_136 : i32
      }
      %scan3A_43 = arith.constant 21 : i32
      %parallel_loop3A_44 = arith.constant 0 : i32
      %parallel_loop3A_45 = arith.constant 680 : i32
      %parallel_loop3A_46 = arith.constant 1 : i32
      scf.for %parallel_loop3A_122 = %parallel_loop3A_44 to %parallel_loop3A_45 step %parallel_loop3A_46  : i32 {
        %parallel_loop3A_123 = arith.constant 16 : i32
        %parallel_loop3A_124 = arith.muli %parallel_loop3A_122, %parallel_loop3A_123 : i32
        %parallel_loop3A_125 = arith.index_cast %parallel_loop3A_124 : i32 to index
        %parallel_loop3A_126 = tpu.vector_load %arg8[%parallel_loop3A_125] {strides = array<i32>} : memref<10880xi32, #tpu.memory_space<vmem>>, vector<16xi32>,
        %parallel_loop3A_127 = arith.constant 16 : i32
        %parallel_loop3A_128 = arith.muli %parallel_loop3A_122, %parallel_loop3A_127 : i32
        %parallel_loop3A_129 = arith.index_cast %parallel_loop3A_128 : i32 to index
        %parallel_loop3A_130 = tpu.vector_load %arg10[%parallel_loop3A_129] {strides = array<i32>} : memref<10880xf32, #tpu.memory_space<vmem>>, vector<16xf32>,
        %parallel_loop3A_131 = tpu.vector_load_idx %arg14[%parallel_loop3A_126] : memref<336xf32, #tpu.memory_space<vmem>>[vector<16xi32>], vector<16xf32>,
        %parallel_loop3A_132 = arith.mulf %parallel_loop3A_130, %parallel_loop3A_131 : vector<16xf32>
        %parallel_loop3A_133 = arith.constant 16 : i32
        %parallel_loop3A_134 = arith.muli %parallel_loop3A_122, %parallel_loop3A_133 : i32
        %parallel_loop3A_135 = arith.index_cast %parallel_loop3A_134 : i32 to index
        %parallel_loop3A_136 = tpu.vector_load %arg10[%parallel_loop3A_135] {strides = array<i32>} : memref<10880xf32, #tpu.memory_space<vmem>>, vector<16xf32>,
        tpu.vector_store %arg10[%parallel_loop3A_135], %parallel_loop3A_132 {strides = array<i32>} : memref<10880xf32, #tpu.memory_space<vmem>>, vector<16xf32>,
      } {sc.loop_unroll_factor = 2 : i64, sc.parallel_access}
      %mul3A_47 = arith.constant 2 : i32
      %mul3A_48 = arith.muli %scan3A_13, %mul3A_47 : i32
      %add3A_49 = arith.constant 1 : i32
      %add3A_50 = arith.addi %mul3A_48, %add3A_49 : i32
      %mul3A_51 = arith.constant 10240 : i32
      %mul3A_52 = arith.muli %add3A_50, %mul3A_51 : i32
      "tpu.region"() ({
        %run_scoped3A = tpu.sem_alloc : memref<!tpu.dma_semaphore, #tpu.memory_space<semaphore_mem>>
        %dma_start3A_122 = tpu.memref_slice %arg4[%mul3A_52] : memref<163840xf32, #tpu.memory_space<hbm>> -> memref<10240xf32, #tpu.memory_space<hbm>>
        %dma_start3A_123 = tpu.memref_slice %arg4[%mul3A_52] : memref<163840xf32, #tpu.memory_space<hbm>> -> memref<10240xf32, #tpu.memory_space<hbm>>
        tpu.enqueue_dma source(%dma_start3A_123 : memref<10240xf32, #tpu.memory_space<hbm>>) target(%arg12 : memref<10240xf32, #tpu.memory_space<vmem>>) target_semaphore(%run_scoped3A : memref<!tpu.dma_semaphore, #tpu.memory_space<semaphore_mem>>)
        %dma_wait3A_124 = tpu.memref_slice %arg4[%mul3A_52] : memref<163840xf32, #tpu.memory_space<hbm>> -> memref<10240xf32, #tpu.memory_space<hbm>>
        %dma_wait3A_125 = tpu.memref_slice %arg4[%mul3A_52] : memref<163840xf32, #tpu.memory_space<hbm>> -> memref<10240xf32, #tpu.memory_space<hbm>>
        tpu.wait_dma2 semaphore(%run_scoped3A : memref<!tpu.dma_semaphore, #tpu.memory_space<semaphore_mem>>) src(%dma_wait3A_125 : memref<10240xf32, #tpu.memory_space<hbm>>) dst(%arg12 : memref<10240xf32, #tpu.memory_space<vmem>>)
        tpu.yield
      }) : () -> ()
      %add3A_53 = arith.constant 8 : i32
      %add3A_54 = arith.addi %add3A_53, %add3A_50 : i32
      %mul3A_55 = arith.constant 10240 : i32
      %mul3A_56 = arith.muli %add3A_54, %mul3A_55 : i32
      %add3A_57 = arith.addi %mul3A_56, %mul3A_2 : i32
      "tpu.region"() ({
        %run_scoped3A = tpu.sem_alloc : memref<!tpu.dma_semaphore, #tpu.memory_space<semaphore_mem>>
        %dma_start3A_122 = arith.constant 0 : i32
        %dma_start3A_123 = tpu.memref_slice %arg13[%dma_start3A_122] : memref<336xf32, #tpu.memory_space<vmem>> -> memref<320xf32, #tpu.memory_space<vmem>>
        %dma_start3A_124 = tpu.memref_slice %arg4[%add3A_57] : memref<163840xf32, #tpu.memory_space<hbm>> -> memref<320xf32, #tpu.memory_space<hbm>>
        %dma_start3A_125 = arith.constant 0 : i32
        %dma_start3A_126 = tpu.memref_slice %arg13[%dma_start3A_125] : memref<336xf32, #tpu.memory_space<vmem>> -> memref<320xf32, #tpu.memory_space<vmem>>
        %dma_start3A_127 = tpu.memref_slice %arg4[%add3A_57] : memref<163840xf32, #tpu.memory_space<hbm>> -> memref<320xf32, #tpu.memory_space<hbm>>
        tpu.enqueue_dma source(%dma_start3A_127 : memref<320xf32, #tpu.memory_space<hbm>>) target(%dma_start3A_126 : memref<320xf32, #tpu.memory_space<vmem>>) target_semaphore(%run_scoped3A : memref<!tpu.dma_semaphore, #tpu.memory_space<semaphore_mem>>)
        %dma_wait3A_128 = arith.constant 0 : i32
        %dma_wait3A_129 = tpu.memref_slice %arg13[%dma_wait3A_128] : memref<336xf32, #tpu.memory_space<vmem>> -> memref<320xf32, #tpu.memory_space<vmem>>
        %dma_wait3A_130 = tpu.memref_slice %arg4[%add3A_57] : memref<163840xf32, #tpu.memory_space<hbm>> -> memref<320xf32, #tpu.memory_space<hbm>>
        %dma_wait3A_131 = arith.constant 0 : i32
        %dma_wait3A_132 = tpu.memref_slice %arg13[%dma_wait3A_131] : memref<336xf32, #tpu.memory_space<vmem>> -> memref<320xf32, #tpu.memory_space<vmem>>
        %dma_wait3A_133 = tpu.memref_slice %arg4[%add3A_57] : memref<163840xf32, #tpu.memory_space<hbm>> -> memref<320xf32, #tpu.memory_space<hbm>>
        tpu.wait_dma2 semaphore(%run_scoped3A : memref<!tpu.dma_semaphore, #tpu.memory_space<semaphore_mem>>) src(%dma_wait3A_133 : memref<320xf32, #tpu.memory_space<hbm>>) dst(%dma_wait3A_132 : memref<320xf32, #tpu.memory_space<vmem>>)
        tpu.yield
      }) : () -> ()
      %broadcast_in_dim3A_58 = arith.constant 0.000000e+00 : f32
      %broadcast_in_dim3A_59 = vector.broadcast %broadcast_in_dim3A_58 : f32 to vector<16xf32>
      %swap3A_60 = arith.constant 320 : index
      %swap3A_61 = tpu.vector_load %arg13[%swap3A_60] {strides = array<i32>} : memref<336xf32, #tpu.memory_space<vmem>>, vector<16xf32>,
      tpu.vector_store %arg13[%swap3A_60], %broadcast_in_dim3A_59 {strides = array<i32>} : memref<336xf32, #tpu.memory_space<vmem>>, vector<16xf32>,
      %scan3A_62 = arith.constant 0 : i32
      %scan3A_63 = arith.constant 0 : i32
      %scan3A_64 = arith.constant 21 : i32
      %scan3A_65 = arith.addi %scan3A_63, %scan3A_64 : i32
      %scan3A_66 = arith.constant 1 : i32
      %scan3A_67 = scf.for %scan3A_122 = %scan3A_63 to %scan3A_65 step %scan3A_66 iter_args(%scan3A_123 = %scan3A_62) -> (i32)  : i32 {
        %broadcast_in_dim3A_124 = arith.constant 0.000000e+00 : f32
        %broadcast_in_dim3A_125 = vector.broadcast %broadcast_in_dim3A_124 : f32 to vector<16xf32>
        %mul3A_126 = arith.constant 16 : i32
        %mul3A_127 = arith.muli %scan3A_122, %mul3A_126 : i32
        %swap3A_128 = arith.index_cast %mul3A_127 : i32 to index
        %swap3A_129 = tpu.vector_load %arg14[%swap3A_128] {strides = array<i32>} : memref<336xf32, #tpu.memory_space<vmem>>, vector<16xf32>,
        tpu.vector_store %arg14[%swap3A_128], %broadcast_in_dim3A_125 {strides = array<i32>} : memref<336xf32, #tpu.memory_space<vmem>>, vector<16xf32>,
        %scan3A_130 = arith.constant 0 : i32
        scf.yield %scan3A_130 : i32
      }
      %scan3A_68 = arith.constant 21 : i32
      %parallel_loop3A_69 = arith.constant 0 : i32
      %parallel_loop3A_70 = arith.constant 680 : i32
      %parallel_loop3A_71 = arith.constant 1 : i32
      scf.for %parallel_loop3A_122 = %parallel_loop3A_69 to %parallel_loop3A_70 step %parallel_loop3A_71  : i32 {
        %parallel_loop3A_123 = arith.constant 16 : i32
        %parallel_loop3A_124 = arith.muli %parallel_loop3A_122, %parallel_loop3A_123 : i32
        %parallel_loop3A_125 = arith.index_cast %parallel_loop3A_124 : i32 to index
        %parallel_loop3A_126 = tpu.vector_load %arg7[%parallel_loop3A_125] {strides = array<i32>} : memref<10880xi32, #tpu.memory_space<vmem>>, vector<16xi32>,
        %parallel_loop3A_127 = arith.constant 16 : i32
        %parallel_loop3A_128 = arith.muli %parallel_loop3A_122, %parallel_loop3A_127 : i32
        %parallel_loop3A_129 = arith.index_cast %parallel_loop3A_128 : i32 to index
        %parallel_loop3A_130 = tpu.vector_load %arg8[%parallel_loop3A_129] {strides = array<i32>} : memref<10880xi32, #tpu.memory_space<vmem>>, vector<16xi32>,
        %parallel_loop3A_131 = tpu.vector_load_idx %arg12[%parallel_loop3A_126] : memref<10240xf32, #tpu.memory_space<vmem>>[vector<16xi32>], vector<16xf32>,
        %parallel_loop3A_132 = tpu.vector_load_idx %arg13[%parallel_loop3A_130] : memref<336xf32, #tpu.memory_space<vmem>>[vector<16xi32>], vector<16xf32>,
        %parallel_loop3A_133 = arith.addf %parallel_loop3A_131, %parallel_loop3A_132 : vector<16xf32>
        %parallel_loop3A_134 = arith.constant 2.000000e-01 : f32
        %parallel_loop3A_135 = vector.broadcast %parallel_loop3A_134 : f32 to vector<16xf32>
        %parallel_loop3A_136 = arith.mulf %parallel_loop3A_135, %parallel_loop3A_133 : vector<16xf32>
        %parallel_loop3A_137 = arith.maximumf %parallel_loop3A_133, %parallel_loop3A_136 : vector<16xf32>
        %parallel_loop3A_138 = math.exp %parallel_loop3A_137 : vector<16xf32>
        %parallel_loop3A_139 = arith.constant 16 : i32
        %parallel_loop3A_140 = arith.muli %parallel_loop3A_122, %parallel_loop3A_139 : i32
        %parallel_loop3A_141 = arith.index_cast %parallel_loop3A_140 : i32 to index
        %parallel_loop3A_142 = tpu.vector_load %arg11[%parallel_loop3A_141] {strides = array<i32>} : memref<10880xf32, #tpu.memory_space<vmem>>, vector<16xf32>,
        tpu.vector_store %arg11[%parallel_loop3A_141], %parallel_loop3A_138 {strides = array<i32>} : memref<10880xf32, #tpu.memory_space<vmem>>, vector<16xf32>,
        tpu.vector_store_idx %arg14[%parallel_loop3A_130], %parallel_loop3A_138 {add = true} : memref<336xf32, #tpu.memory_space<vmem>>[vector<16xi32>], vector<16xf32>,
      } {sc.loop_unroll_factor = 2 : i64, sc.parallel_access}
      %scan3A_72 = arith.constant 0 : i32
      %scan3A_73 = arith.constant 0 : i32
      %scan3A_74 = arith.constant 21 : i32
      %scan3A_75 = arith.addi %scan3A_73, %scan3A_74 : i32
      %scan3A_76 = arith.constant 1 : i32
      %scan3A_77 = scf.for %scan3A_122 = %scan3A_73 to %scan3A_75 step %scan3A_76 iter_args(%scan3A_123 = %scan3A_72) -> (i32)  : i32 {
        %mul3A_124 = arith.constant 16 : i32
        %mul3A_125 = arith.muli %scan3A_122, %mul3A_124 : i32
        %get3A = arith.index_cast %mul3A_125 : i32 to index
        %get3A_126 = tpu.vector_load %arg14[%get3A] {strides = array<i32>} : memref<336xf32, #tpu.memory_space<vmem>>, vector<16xf32>,
        %add3A_127 = arith.constant 1.000000e-16 : f32
        %add3A_128 = vector.broadcast %add3A_127 : f32 to vector<16xf32>
        %add3A_129 = arith.addf %get3A_126, %add3A_128 : vector<16xf32>
        %div3A = arith.constant 1.000000e+00 : f32
        %div3A_130 = vector.broadcast %div3A : f32 to vector<16xf32>
        %div3A_131 = arith.divf %div3A_130, %add3A_129 : vector<16xf32>
        %mul3A_132 = arith.constant 16 : i32
        %mul3A_133 = arith.muli %scan3A_122, %mul3A_132 : i32
        %swap3A_134 = arith.index_cast %mul3A_133 : i32 to index
        %swap3A_135 = tpu.vector_load %arg14[%swap3A_134] {strides = array<i32>} : memref<336xf32, #tpu.memory_space<vmem>>, vector<16xf32>,
        tpu.vector_store %arg14[%swap3A_134], %div3A_131 {strides = array<i32>} : memref<336xf32, #tpu.memory_space<vmem>>, vector<16xf32>,
        %scan3A_136 = arith.constant 0 : i32
        scf.yield %scan3A_136 : i32
      }
      %scan3A_78 = arith.constant 21 : i32
      %parallel_loop3A_79 = arith.constant 0 : i32
      %parallel_loop3A_80 = arith.constant 680 : i32
      %parallel_loop3A_81 = arith.constant 1 : i32
      scf.for %parallel_loop3A_122 = %parallel_loop3A_79 to %parallel_loop3A_80 step %parallel_loop3A_81  : i32 {
        %parallel_loop3A_123 = arith.constant 16 : i32
        %parallel_loop3A_124 = arith.muli %parallel_loop3A_122, %parallel_loop3A_123 : i32
        %parallel_loop3A_125 = arith.index_cast %parallel_loop3A_124 : i32 to index
        %parallel_loop3A_126 = tpu.vector_load %arg8[%parallel_loop3A_125] {strides = array<i32>} : memref<10880xi32, #tpu.memory_space<vmem>>, vector<16xi32>,
        %parallel_loop3A_127 = arith.constant 16 : i32
        %parallel_loop3A_128 = arith.muli %parallel_loop3A_122, %parallel_loop3A_127 : i32
        %parallel_loop3A_129 = arith.index_cast %parallel_loop3A_128 : i32 to index
        %parallel_loop3A_130 = tpu.vector_load %arg11[%parallel_loop3A_129] {strides = array<i32>} : memref<10880xf32, #tpu.memory_space<vmem>>, vector<16xf32>,
        %parallel_loop3A_131 = tpu.vector_load_idx %arg14[%parallel_loop3A_126] : memref<336xf32, #tpu.memory_space<vmem>>[vector<16xi32>], vector<16xf32>,
        %parallel_loop3A_132 = arith.mulf %parallel_loop3A_130, %parallel_loop3A_131 : vector<16xf32>
        %parallel_loop3A_133 = arith.constant 16 : i32
        %parallel_loop3A_134 = arith.muli %parallel_loop3A_122, %parallel_loop3A_133 : i32
        %parallel_loop3A_135 = arith.index_cast %parallel_loop3A_134 : i32 to index
        %parallel_loop3A_136 = tpu.vector_load %arg11[%parallel_loop3A_135] {strides = array<i32>} : memref<10880xf32, #tpu.memory_space<vmem>>, vector<16xf32>,
        tpu.vector_store %arg11[%parallel_loop3A_135], %parallel_loop3A_132 {strides = array<i32>} : memref<10880xf32, #tpu.memory_space<vmem>>, vector<16xf32>,
      } {sc.loop_unroll_factor = 2 : i64, sc.parallel_access}
      %scan3A_82 = arith.constant 0 : i32
      %scan3A_83 = arith.constant 0 : i32
      %scan3A_84 = arith.constant 2568 : i32
      %scan3A_85 = arith.addi %scan3A_83, %scan3A_84 : i32
      %scan3A_86 = arith.constant 1 : i32
      %scan3A_87 = scf.for %scan3A_122 = %scan3A_83 to %scan3A_85 step %scan3A_86 iter_args(%scan3A_123 = %scan3A_82) -> (i32)  : i32 {
        %broadcast_in_dim3A_124 = arith.constant 0.000000e+00 : f32
        %broadcast_in_dim3A_125 = vector.broadcast %broadcast_in_dim3A_124 : f32 to vector<16xf32>
        %mul3A_126 = arith.constant 16 : i32
        %mul3A_127 = arith.muli %scan3A_122, %mul3A_126 : i32
        %swap3A_128 = arith.index_cast %mul3A_127 : i32 to index
        %swap3A_129 = tpu.vector_load %arg15[%swap3A_128] {strides = array<i32>} : memref<41088xf32, #tpu.memory_space<vmem>>, vector<16xf32>,
        tpu.vector_store %arg15[%swap3A_128], %broadcast_in_dim3A_125 {strides = array<i32>} : memref<41088xf32, #tpu.memory_space<vmem>>, vector<16xf32>,
        %scan3A_130 = arith.constant 0 : i32
        scf.yield %scan3A_130 : i32
      }
      %scan3A_88 = arith.constant 2568 : i32
      %dma_start3A = arith.constant 0 : i32
      %dma_start3A_89 = tpu.memref_slice %arg9[%dma_start3A] : memref<10880xi32, #tpu.memory_space<vmem>> -> memref<64xi32, #tpu.memory_space<vmem>>
      %dma_start3A_90 = arith.constant 0 : i32
      %dma_start3A_91 = arith.constant 0 : i32
      %dma_start3A_92 = tpu.memref_slice %arg5[%dma_start3A_90, %dma_start3A_91] : memref<40960x128xf32, #tpu.memory_space<hbm>> -> memref<40960x128xf32, #tpu.memory_space<hbm>>
      tpu.enqueue_indirect_dma source(%dma_start3A_92 : memref<40960x128xf32, #tpu.memory_space<hbm>>) target(%arg16 : memref<64x128xf32, #tpu.memory_space<vmem>>) offsets(%dma_start3A_89 : memref<64xi32, #tpu.memory_space<vmem>>) semaphore(%arg18 : memref<!tpu.dma_semaphore, #tpu.memory_space<semaphore_mem>>)
      %dma_start3A_93 = arith.constant 64 : i32
      %dma_start3A_94 = tpu.memref_slice %arg9[%dma_start3A_93] : memref<10880xi32, #tpu.memory_space<vmem>> -> memref<64xi32, #tpu.memory_space<vmem>>
      %dma_start3A_95 = arith.constant 0 : i32
      %dma_start3A_96 = arith.constant 0 : i32
      %dma_start3A_97 = tpu.memref_slice %arg5[%dma_start3A_95, %dma_start3A_96] : memref<40960x128xf32, #tpu.memory_space<hbm>> -> memref<40960x128xf32, #tpu.memory_space<hbm>>
      tpu.enqueue_indirect_dma source(%dma_start3A_97 : memref<40960x128xf32, #tpu.memory_space<hbm>>) target(%arg17 : memref<64x128xf32, #tpu.memory_space<vmem>>) offsets(%dma_start3A_94 : memref<64xi32, #tpu.memory_space<vmem>>) semaphore(%arg19 : memref<!tpu.dma_semaphore, #tpu.memory_space<semaphore_mem>>)
      %scan3A_98 = arith.constant 0 : i32
      %scan3A_99 = arith.constant 0 : i32
      %scan3A_100 = arith.constant 85 : i32
      %scan3A_101 = arith.addi %scan3A_99, %scan3A_100 : i32
      %scan3A_102 = arith.constant 1 : i32
      %scan3A_103 = scf.for %scan3A_122 = %scan3A_99 to %scan3A_101 step %scan3A_102 iter_args(%scan3A_123 = %scan3A_98) -> (i32)  : i32 {
        %mul3A_124 = arith.constant 2 : i32
        %mul3A_125 = arith.muli %scan3A_122, %mul3A_124 : i32
        %add3A_126 = arith.constant 0 : i32
        %add3A_127 = arith.addi %mul3A_125, %add3A_126 : i32
        %dma_wait3A_128 = arith.constant 0 : i32
        %dma_wait3A_129 = arith.constant 0 : i32
        %dma_wait3A_130 = tpu.memref_slice %arg5[%dma_wait3A_128, %dma_wait3A_129] : memref<40960x128xf32, #tpu.memory_space<hbm>> -> memref<64x128xf32, #tpu.memory_space<hbm>>
        %dma_wait3A_131 = arith.constant 0 : i32
        %dma_wait3A_132 = arith.constant 0 : i32
        %dma_wait3A_133 = tpu.memref_slice %arg5[%dma_wait3A_131, %dma_wait3A_132] : memref<40960x128xf32, #tpu.memory_space<hbm>> -> memref<64x128xf32, #tpu.memory_space<hbm>>
        tpu.wait_dma2 semaphore(%arg18 : memref<!tpu.dma_semaphore, #tpu.memory_space<semaphore_mem>>) src(%dma_wait3A_133 : memref<64x128xf32, #tpu.memory_space<hbm>>) dst(%arg16 : memref<64x128xf32, #tpu.memory_space<vmem>>)
        %parallel_loop3A_134 = arith.constant 0 : i32
        %parallel_loop3A_135 = arith.constant 64 : i32
        %parallel_loop3A_136 = arith.constant 1 : i32
        scf.for %parallel_loop3A_168 = %parallel_loop3A_134 to %parallel_loop3A_135 step %parallel_loop3A_136  : i32 {
          %parallel_loop3A_169 = arith.constant 64 : i32
          %parallel_loop3A_170 = arith.muli %add3A_127, %parallel_loop3A_169 : i32
          %parallel_loop3A_171 = arith.addi %parallel_loop3A_170, %parallel_loop3A_168 : i32
          %parallel_loop3A_172 = vector.broadcast %parallel_loop3A_171 : i32 to vector<16xi32>
          %parallel_loop3A_173 = tpu.vector_load_idx %arg10[%parallel_loop3A_172] : memref<10880xf32, #tpu.memory_space<vmem>>[vector<16xi32>], vector<16xf32>,
          %parallel_loop3A_174 = tpu.vector_load_idx %arg11[%parallel_loop3A_172] : memref<10880xf32, #tpu.memory_space<vmem>>[vector<16xi32>], vector<16xf32>,
          %parallel_loop3A_175 = tpu.vector_load_idx %arg8[%parallel_loop3A_172] : memref<10880xi32, #tpu.memory_space<vmem>>[vector<16xi32>], vector<16xi32>,
          %parallel_loop3A_176 = arith.constant 128 : i32
          %parallel_loop3A_177 = vector.broadcast %parallel_loop3A_176 : i32 to vector<16xi32>
          %parallel_loop3A_178 = arith.muli %parallel_loop3A_175, %parallel_loop3A_177 : vector<16xi32>
          %parallel_loop3A_179 = vector.broadcast %parallel_loop3A_168 : i32 to vector<16xi32>
          %parallel_loop3A_180 = arith.constant 0 : i32
          %parallel_loop3A_181 = vector.broadcast %parallel_loop3A_180 : i32 to vector<16xi32>
          %parallel_loop3A_182 = arith.addi %parallel_loop3A_181, %iota3A : vector<16xi32>
          %parallel_loop3A_183 = tpu.vector_load_idx %arg16[%parallel_loop3A_179, %parallel_loop3A_182] : memref<64x128xf32, #tpu.memory_space<vmem>>[vector<16xi32>, vector<16xi32>], vector<16xf32>,
          %parallel_loop3A_184 = arith.constant 0 : i32
          %parallel_loop3A_185 = vector.broadcast %parallel_loop3A_184 : i32 to vector<16xi32>
          %parallel_loop3A_186 = arith.addi %parallel_loop3A_178, %parallel_loop3A_185 : vector<16xi32>
          %parallel_loop3A_187 = arith.addi %parallel_loop3A_186, %iota3A : vector<16xi32>
          %parallel_loop3A_188 = arith.mulf %parallel_loop3A_183, %parallel_loop3A_173 : vector<16xf32>
          tpu.vector_store_idx %arg15[%parallel_loop3A_187], %parallel_loop3A_188 {add = true} : memref<41088xf32, #tpu.memory_space<vmem>>[vector<16xi32>], vector<16xf32>,
          %parallel_loop3A_189 = arith.constant 16 : i32
          %parallel_loop3A_190 = vector.broadcast %parallel_loop3A_189 : i32 to vector<16xi32>
          %parallel_loop3A_191 = arith.addi %parallel_loop3A_190, %iota3A : vector<16xi32>
          %parallel_loop3A_192 = tpu.vector_load_idx %arg16[%parallel_loop3A_179, %parallel_loop3A_191] : memref<64x128xf32, #tpu.memory_space<vmem>>[vector<16xi32>, vector<16xi32>], vector<16xf32>,
          %parallel_loop3A_193 = arith.constant 16 : i32
          %parallel_loop3A_194 = vector.broadcast %parallel_loop3A_193 : i32 to vector<16xi32>
          %parallel_loop3A_195 = arith.addi %parallel_loop3A_178, %parallel_loop3A_194 : vector<16xi32>
          %parallel_loop3A_196 = arith.addi %parallel_loop3A_195, %iota3A : vector<16xi32>
          %parallel_loop3A_197 = arith.mulf %parallel_loop3A_192, %parallel_loop3A_173 : vector<16xf32>
          tpu.vector_store_idx %arg15[%parallel_loop3A_196], %parallel_loop3A_197 {add = true} : memref<41088xf32, #tpu.memory_space<vmem>>[vector<16xi32>], vector<16xf32>,
          %parallel_loop3A_198 = arith.constant 32 : i32
          %parallel_loop3A_199 = vector.broadcast %parallel_loop3A_198 : i32 to vector<16xi32>
          %parallel_loop3A_200 = arith.addi %parallel_loop3A_199, %iota3A : vector<16xi32>
          %parallel_loop3A_201 = tpu.vector_load_idx %arg16[%parallel_loop3A_179, %parallel_loop3A_200] : memref<64x128xf32, #tpu.memory_space<vmem>>[vector<16xi32>, vector<16xi32>], vector<16xf32>,
          %parallel_loop3A_202 = arith.constant 32 : i32
          %parallel_loop3A_203 = vector.broadcast %parallel_loop3A_202 : i32 to vector<16xi32>
          %parallel_loop3A_204 = arith.addi %parallel_loop3A_178, %parallel_loop3A_203 : vector<16xi32>
          %parallel_loop3A_205 = arith.addi %parallel_loop3A_204, %iota3A : vector<16xi32>
          %parallel_loop3A_206 = arith.mulf %parallel_loop3A_201, %parallel_loop3A_173 : vector<16xf32>
          tpu.vector_store_idx %arg15[%parallel_loop3A_205], %parallel_loop3A_206 {add = true} : memref<41088xf32, #tpu.memory_space<vmem>>[vector<16xi32>], vector<16xf32>,
          %parallel_loop3A_207 = arith.constant 48 : i32
          %parallel_loop3A_208 = vector.broadcast %parallel_loop3A_207 : i32 to vector<16xi32>
          %parallel_loop3A_209 = arith.addi %parallel_loop3A_208, %iota3A : vector<16xi32>
          %parallel_loop3A_210 = tpu.vector_load_idx %arg16[%parallel_loop3A_179, %parallel_loop3A_209] : memref<64x128xf32, #tpu.memory_space<vmem>>[vector<16xi32>, vector<16xi32>], vector<16xf32>,
          %parallel_loop3A_211 = arith.constant 48 : i32
          %parallel_loop3A_212 = vector.broadcast %parallel_loop3A_211 : i32 to vector<16xi32>
          %parallel_loop3A_213 = arith.addi %parallel_loop3A_178, %parallel_loop3A_212 : vector<16xi32>
          %parallel_loop3A_214 = arith.addi %parallel_loop3A_213, %iota3A : vector<16xi32>
          %parallel_loop3A_215 = arith.mulf %parallel_loop3A_210, %parallel_loop3A_173 : vector<16xf32>
          tpu.vector_store_idx %arg15[%parallel_loop3A_214], %parallel_loop3A_215 {add = true} : memref<41088xf32, #tpu.memory_space<vmem>>[vector<16xi32>], vector<16xf32>,
          %parallel_loop3A_216 = arith.constant 64 : i32
          %parallel_loop3A_217 = vector.broadcast %parallel_loop3A_216 : i32 to vector<16xi32>
          %parallel_loop3A_218 = arith.addi %parallel_loop3A_217, %iota3A : vector<16xi32>
          %parallel_loop3A_219 = tpu.vector_load_idx %arg16[%parallel_loop3A_179, %parallel_loop3A_218] : memref<64x128xf32, #tpu.memory_space<vmem>>[vector<16xi32>, vector<16xi32>], vector<16xf32>,
          %parallel_loop3A_220 = arith.constant 64 : i32
          %parallel_loop3A_221 = vector.broadcast %parallel_loop3A_220 : i32 to vector<16xi32>
          %parallel_loop3A_222 = arith.addi %parallel_loop3A_178, %parallel_loop3A_221 : vector<16xi32>
          %parallel_loop3A_223 = arith.addi %parallel_loop3A_222, %iota3A : vector<16xi32>
          %parallel_loop3A_224 = arith.mulf %parallel_loop3A_219, %parallel_loop3A_174 : vector<16xf32>
          tpu.vector_store_idx %arg15[%parallel_loop3A_223], %parallel_loop3A_224 {add = true} : memref<41088xf32, #tpu.memory_space<vmem>>[vector<16xi32>], vector<16xf32>,
          %parallel_loop3A_225 = arith.constant 80 : i32
          %parallel_loop3A_226 = vector.broadcast %parallel_loop3A_225 : i32 to vector<16xi32>
          %parallel_loop3A_227 = arith.addi %parallel_loop3A_226, %iota3A : vector<16xi32>
          %parallel_loop3A_228 = tpu.vector_load_idx %arg16[%parallel_loop3A_179, %parallel_loop3A_227] : memref<64x128xf32, #tpu.memory_space<vmem>>[vector<16xi32>, vector<16xi32>], vector<16xf32>,
          %parallel_loop3A_229 = arith.constant 80 : i32
          %parallel_loop3A_230 = vector.broadcast %parallel_loop3A_229 : i32 to vector<16xi32>
          %parallel_loop3A_231 = arith.addi %parallel_loop3A_178, %parallel_loop3A_230 : vector<16xi32>
          %parallel_loop3A_232 = arith.addi %parallel_loop3A_231, %iota3A : vector<16xi32>
          %parallel_loop3A_233 = arith.mulf %parallel_loop3A_228, %parallel_loop3A_174 : vector<16xf32>
          tpu.vector_store_idx %arg15[%parallel_loop3A_232], %parallel_loop3A_233 {add = true} : memref<41088xf32, #tpu.memory_space<vmem>>[vector<16xi32>], vector<16xf32>,
          %parallel_loop3A_234 = arith.constant 96 : i32
          %parallel_loop3A_235 = vector.broadcast %parallel_loop3A_234 : i32 to vector<16xi32>
          %parallel_loop3A_236 = arith.addi %parallel_loop3A_235, %iota3A : vector<16xi32>
          %parallel_loop3A_237 = tpu.vector_load_idx %arg16[%parallel_loop3A_179, %parallel_loop3A_236] : memref<64x128xf32, #tpu.memory_space<vmem>>[vector<16xi32>, vector<16xi32>], vector<16xf32>,
          %parallel_loop3A_238 = arith.constant 96 : i32
          %parallel_loop3A_239 = vector.broadcast %parallel_loop3A_238 : i32 to vector<16xi32>
          %parallel_loop3A_240 = arith.addi %parallel_loop3A_178, %parallel_loop3A_239 : vector<16xi32>
          %parallel_loop3A_241 = arith.addi %parallel_loop3A_240, %iota3A : vector<16xi32>
          %parallel_loop3A_242 = arith.mulf %parallel_loop3A_237, %parallel_loop3A_174 : vector<16xf32>
          tpu.vector_store_idx %arg15[%parallel_loop3A_241], %parallel_loop3A_242 {add = true} : memref<41088xf32, #tpu.memory_space<vmem>>[vector<16xi32>], vector<16xf32>,
          %parallel_loop3A_243 = arith.constant 112 : i32
          %parallel_loop3A_244 = vector.broadcast %parallel_loop3A_243 : i32 to vector<16xi32>
          %parallel_loop3A_245 = arith.addi %parallel_loop3A_244, %iota3A : vector<16xi32>
          %parallel_loop3A_246 = tpu.vector_load_idx %arg16[%parallel_loop3A_179, %parallel_loop3A_245] : memref<64x128xf32, #tpu.memory_space<vmem>>[vector<16xi32>, vector<16xi32>], vector<16xf32>,
          %parallel_loop3A_247 = arith.constant 112 : i32
          %parallel_loop3A_248 = vector.broadcast %parallel_loop3A_247 : i32 to vector<16xi32>
          %parallel_loop3A_249 = arith.addi %parallel_loop3A_178, %parallel_loop3A_248 : vector<16xi32>
          %parallel_loop3A_250 = arith.addi %parallel_loop3A_249, %iota3A : vector<16xi32>
          %parallel_loop3A_251 = arith.mulf %parallel_loop3A_246, %parallel_loop3A_174 : vector<16xf32>
          tpu.vector_store_idx %arg15[%parallel_loop3A_250], %parallel_loop3A_251 {add = true} : memref<41088xf32, #tpu.memory_space<vmem>>[vector<16xi32>], vector<16xf32>,
        } {sc.loop_unroll_factor = 2 : i64, sc.parallel_access}
        %add3A_137 = arith.constant 2 : i32
        %add3A_138 = arith.addi %add3A_127, %add3A_137 : i32
        %min3A = arith.constant 168 : i32
        %min3A_139 = arith.minsi %add3A_138, %min3A : i32
        %mul3A_140 = arith.constant 64 : i32
        %mul3A_141 = arith.muli %min3A_139, %mul3A_140 : i32
        %dma_start3A_142 = tpu.memref_slice %arg9[%mul3A_141] : memref<10880xi32, #tpu.memory_space<vmem>> -> memref<64xi32, #tpu.memory_space<vmem>>
        %dma_start3A_143 = arith.constant 0 : i32
        %dma_start3A_144 = arith.constant 0 : i32
        %dma_start3A_145 = tpu.memref_slice %arg5[%dma_start3A_143, %dma_start3A_144] : memref<40960x128xf32, #tpu.memory_space<hbm>> -> memref<40960x128xf32, #tpu.memory_space<hbm>>
        tpu.enqueue_indirect_dma source(%dma_start3A_145 : memref<40960x128xf32, #tpu.memory_space<hbm>>) target(%arg16 : memref<64x128xf32, #tpu.memory_space<vmem>>) offsets(%dma_start3A_142 : memref<64xi32, #tpu.memory_space<vmem>>) semaphore(%arg18 : memref<!tpu.dma_semaphore, #tpu.memory_space<semaphore_mem>>)
        %add3A_146 = arith.constant 1 : i32
        %add3A_147 = arith.addi %mul3A_125, %add3A_146 : i32
        %dma_wait3A_148 = arith.constant 0 : i32
        %dma_wait3A_149 = arith.constant 0 : i32
        %dma_wait3A_150 = tpu.memref_slice %arg5[%dma_wait3A_148, %dma_wait3A_149] : memref<40960x128xf32, #tpu.memory_space<hbm>> -> memref<64x128xf32, #tpu.memory_space<hbm>>
        %dma_wait3A_151 = arith.constant 0 : i32
        %dma_wait3A_152 = arith.constant 0 : i32
        %dma_wait3A_153 = tpu.memref_slice %arg5[%dma_wait3A_151, %dma_wait3A_152] : memref<40960x128xf32, #tpu.memory_space<hbm>> -> memref<64x128xf32, #tpu.memory_space<hbm>>
        tpu.wait_dma2 semaphore(%arg19 : memref<!tpu.dma_semaphore, #tpu.memory_space<semaphore_mem>>) src(%dma_wait3A_153 : memref<64x128xf32, #tpu.memory_space<hbm>>) dst(%arg17 : memref<64x128xf32, #tpu.memory_space<vmem>>)
        %parallel_loop3A_154 = arith.constant 0 : i32
        %parallel_loop3A_155 = arith.constant 64 : i32
        %parallel_loop3A_156 = arith.constant 1 : i32
        scf.for %parallel_loop3A_168 = %parallel_loop3A_154 to %parallel_loop3A_155 step %parallel_loop3A_156  : i32 {
          %parallel_loop3A_169 = arith.constant 64 : i32
          %parallel_loop3A_170 = arith.muli %add3A_147, %parallel_loop3A_169 : i32
          %parallel_loop3A_171 = arith.addi %parallel_loop3A_170, %parallel_loop3A_168 : i32
          %parallel_loop3A_172 = vector.broadcast %parallel_loop3A_171 : i32 to vector<16xi32>
          %parallel_loop3A_173 = tpu.vector_load_idx %arg10[%parallel_loop3A_172] : memref<10880xf32, #tpu.memory_space<vmem>>[vector<16xi32>], vector<16xf32>,
          %parallel_loop3A_174 = tpu.vector_load_idx %arg11[%parallel_loop3A_172] : memref<10880xf32, #tpu.memory_space<vmem>>[vector<16xi32>], vector<16xf32>,
          %parallel_loop3A_175 = tpu.vector_load_idx %arg8[%parallel_loop3A_172] : memref<10880xi32, #tpu.memory_space<vmem>>[vector<16xi32>], vector<16xi32>,
          %parallel_loop3A_176 = arith.constant 128 : i32
          %parallel_loop3A_177 = vector.broadcast %parallel_loop3A_176 : i32 to vector<16xi32>
          %parallel_loop3A_178 = arith.muli %parallel_loop3A_175, %parallel_loop3A_177 : vector<16xi32>
          %parallel_loop3A_179 = vector.broadcast %parallel_loop3A_168 : i32 to vector<16xi32>
          %parallel_loop3A_180 = arith.constant 0 : i32
          %parallel_loop3A_181 = vector.broadcast %parallel_loop3A_180 : i32 to vector<16xi32>
          %parallel_loop3A_182 = arith.addi %parallel_loop3A_181, %iota3A : vector<16xi32>
          %parallel_loop3A_183 = tpu.vector_load_idx %arg17[%parallel_loop3A_179, %parallel_loop3A_182] : memref<64x128xf32, #tpu.memory_space<vmem>>[vector<16xi32>, vector<16xi32>], vector<16xf32>,
          %parallel_loop3A_184 = arith.constant 0 : i32
          %parallel_loop3A_185 = vector.broadcast %parallel_loop3A_184 : i32 to vector<16xi32>
          %parallel_loop3A_186 = arith.addi %parallel_loop3A_178, %parallel_loop3A_185 : vector<16xi32>
          %parallel_loop3A_187 = arith.addi %parallel_loop3A_186, %iota3A : vector<16xi32>
          %parallel_loop3A_188 = arith.mulf %parallel_loop3A_183, %parallel_loop3A_173 : vector<16xf32>
          tpu.vector_store_idx %arg15[%parallel_loop3A_187], %parallel_loop3A_188 {add = true} : memref<41088xf32, #tpu.memory_space<vmem>>[vector<16xi32>], vector<16xf32>,
          %parallel_loop3A_189 = arith.constant 16 : i32
          %parallel_loop3A_190 = vector.broadcast %parallel_loop3A_189 : i32 to vector<16xi32>
          %parallel_loop3A_191 = arith.addi %parallel_loop3A_190, %iota3A : vector<16xi32>
          %parallel_loop3A_192 = tpu.vector_load_idx %arg17[%parallel_loop3A_179, %parallel_loop3A_191] : memref<64x128xf32, #tpu.memory_space<vmem>>[vector<16xi32>, vector<16xi32>], vector<16xf32>,
          %parallel_loop3A_193 = arith.constant 16 : i32
          %parallel_loop3A_194 = vector.broadcast %parallel_loop3A_193 : i32 to vector<16xi32>
          %parallel_loop3A_195 = arith.addi %parallel_loop3A_178, %parallel_loop3A_194 : vector<16xi32>
          %parallel_loop3A_196 = arith.addi %parallel_loop3A_195, %iota3A : vector<16xi32>
          %parallel_loop3A_197 = arith.mulf %parallel_loop3A_192, %parallel_loop3A_173 : vector<16xf32>
          tpu.vector_store_idx %arg15[%parallel_loop3A_196], %parallel_loop3A_197 {add = true} : memref<41088xf32, #tpu.memory_space<vmem>>[vector<16xi32>], vector<16xf32>,
          %parallel_loop3A_198 = arith.constant 32 : i32
          %parallel_loop3A_199 = vector.broadcast %parallel_loop3A_198 : i32 to vector<16xi32>
          %parallel_loop3A_200 = arith.addi %parallel_loop3A_199, %iota3A : vector<16xi32>
          %parallel_loop3A_201 = tpu.vector_load_idx %arg17[%parallel_loop3A_179, %parallel_loop3A_200] : memref<64x128xf32, #tpu.memory_space<vmem>>[vector<16xi32>, vector<16xi32>], vector<16xf32>,
          %parallel_loop3A_202 = arith.constant 32 : i32
          %parallel_loop3A_203 = vector.broadcast %parallel_loop3A_202 : i32 to vector<16xi32>
          %parallel_loop3A_204 = arith.addi %parallel_loop3A_178, %parallel_loop3A_203 : vector<16xi32>
          %parallel_loop3A_205 = arith.addi %parallel_loop3A_204, %iota3A : vector<16xi32>
          %parallel_loop3A_206 = arith.mulf %parallel_loop3A_201, %parallel_loop3A_173 : vector<16xf32>
          tpu.vector_store_idx %arg15[%parallel_loop3A_205], %parallel_loop3A_206 {add = true} : memref<41088xf32, #tpu.memory_space<vmem>>[vector<16xi32>], vector<16xf32>,
          %parallel_loop3A_207 = arith.constant 48 : i32
          %parallel_loop3A_208 = vector.broadcast %parallel_loop3A_207 : i32 to vector<16xi32>
          %parallel_loop3A_209 = arith.addi %parallel_loop3A_208, %iota3A : vector<16xi32>
          %parallel_loop3A_210 = tpu.vector_load_idx %arg17[%parallel_loop3A_179, %parallel_loop3A_209] : memref<64x128xf32, #tpu.memory_space<vmem>>[vector<16xi32>, vector<16xi32>], vector<16xf32>,
          %parallel_loop3A_211 = arith.constant 48 : i32
          %parallel_loop3A_212 = vector.broadcast %parallel_loop3A_211 : i32 to vector<16xi32>
          %parallel_loop3A_213 = arith.addi %parallel_loop3A_178, %parallel_loop3A_212 : vector<16xi32>
          %parallel_loop3A_214 = arith.addi %parallel_loop3A_213, %iota3A : vector<16xi32>
          %parallel_loop3A_215 = arith.mulf %parallel_loop3A_210, %parallel_loop3A_173 : vector<16xf32>
          tpu.vector_store_idx %arg15[%parallel_loop3A_214], %parallel_loop3A_215 {add = true} : memref<41088xf32, #tpu.memory_space<vmem>>[vector<16xi32>], vector<16xf32>,
          %parallel_loop3A_216 = arith.constant 64 : i32
          %parallel_loop3A_217 = vector.broadcast %parallel_loop3A_216 : i32 to vector<16xi32>
          %parallel_loop3A_218 = arith.addi %parallel_loop3A_217, %iota3A : vector<16xi32>
          %parallel_loop3A_219 = tpu.vector_load_idx %arg17[%parallel_loop3A_179, %parallel_loop3A_218] : memref<64x128xf32, #tpu.memory_space<vmem>>[vector<16xi32>, vector<16xi32>], vector<16xf32>,
          %parallel_loop3A_220 = arith.constant 64 : i32
          %parallel_loop3A_221 = vector.broadcast %parallel_loop3A_220 : i32 to vector<16xi32>
          %parallel_loop3A_222 = arith.addi %parallel_loop3A_178, %parallel_loop3A_221 : vector<16xi32>
          %parallel_loop3A_223 = arith.addi %parallel_loop3A_222, %iota3A : vector<16xi32>
          %parallel_loop3A_224 = arith.mulf %parallel_loop3A_219, %parallel_loop3A_174 : vector<16xf32>
          tpu.vector_store_idx %arg15[%parallel_loop3A_223], %parallel_loop3A_224 {add = true} : memref<41088xf32, #tpu.memory_space<vmem>>[vector<16xi32>], vector<16xf32>,
          %parallel_loop3A_225 = arith.constant 80 : i32
          %parallel_loop3A_226 = vector.broadcast %parallel_loop3A_225 : i32 to vector<16xi32>
          %parallel_loop3A_227 = arith.addi %parallel_loop3A_226, %iota3A : vector<16xi32>
          %parallel_loop3A_228 = tpu.vector_load_idx %arg17[%parallel_loop3A_179, %parallel_loop3A_227] : memref<64x128xf32, #tpu.memory_space<vmem>>[vector<16xi32>, vector<16xi32>], vector<16xf32>,
          %parallel_loop3A_229 = arith.constant 80 : i32
          %parallel_loop3A_230 = vector.broadcast %parallel_loop3A_229 : i32 to vector<16xi32>
          %parallel_loop3A_231 = arith.addi %parallel_loop3A_178, %parallel_loop3A_230 : vector<16xi32>
          %parallel_loop3A_232 = arith.addi %parallel_loop3A_231, %iota3A : vector<16xi32>
          %parallel_loop3A_233 = arith.mulf %parallel_loop3A_228, %parallel_loop3A_174 : vector<16xf32>
          tpu.vector_store_idx %arg15[%parallel_loop3A_232], %parallel_loop3A_233 {add = true} : memref<41088xf32, #tpu.memory_space<vmem>>[vector<16xi32>], vector<16xf32>,
          %parallel_loop3A_234 = arith.constant 96 : i32
          %parallel_loop3A_235 = vector.broadcast %parallel_loop3A_234 : i32 to vector<16xi32>
          %parallel_loop3A_236 = arith.addi %parallel_loop3A_235, %iota3A : vector<16xi32>
          %parallel_loop3A_237 = tpu.vector_load_idx %arg17[%parallel_loop3A_179, %parallel_loop3A_236] : memref<64x128xf32, #tpu.memory_space<vmem>>[vector<16xi32>, vector<16xi32>], vector<16xf32>,
          %parallel_loop3A_238 = arith.constant 96 : i32
          %parallel_loop3A_239 = vector.broadcast %parallel_loop3A_238 : i32 to vector<16xi32>
          %parallel_loop3A_240 = arith.addi %parallel_loop3A_178, %parallel_loop3A_239 : vector<16xi32>
          %parallel_loop3A_241 = arith.addi %parallel_loop3A_240, %iota3A : vector<16xi32>
          %parallel_loop3A_242 = arith.mulf %parallel_loop3A_237, %parallel_loop3A_174 : vector<16xf32>
          tpu.vector_store_idx %arg15[%parallel_loop3A_241], %parallel_loop3A_242 {add = true} : memref<41088xf32, #tpu.memory_space<vmem>>[vector<16xi32>], vector<16xf32>,
          %parallel_loop3A_243 = arith.constant 112 : i32
          %parallel_loop3A_244 = vector.broadcast %parallel_loop3A_243 : i32 to vector<16xi32>
          %parallel_loop3A_245 = arith.addi %parallel_loop3A_244, %iota3A : vector<16xi32>
          %parallel_loop3A_246 = tpu.vector_load_idx %arg17[%parallel_loop3A_179, %parallel_loop3A_245] : memref<64x128xf32, #tpu.memory_space<vmem>>[vector<16xi32>, vector<16xi32>], vector<16xf32>,
          %parallel_loop3A_247 = arith.constant 112 : i32
          %parallel_loop3A_248 = vector.broadcast %parallel_loop3A_247 : i32 to vector<16xi32>
          %parallel_loop3A_249 = arith.addi %parallel_loop3A_178, %parallel_loop3A_248 : vector<16xi32>
          %parallel_loop3A_250 = arith.addi %parallel_loop3A_249, %iota3A : vector<16xi32>
          %parallel_loop3A_251 = arith.mulf %parallel_loop3A_246, %parallel_loop3A_174 : vector<16xf32>
          tpu.vector_store_idx %arg15[%parallel_loop3A_250], %parallel_loop3A_251 {add = true} : memref<41088xf32, #tpu.memory_space<vmem>>[vector<16xi32>], vector<16xf32>,
        } {sc.loop_unroll_factor = 2 : i64, sc.parallel_access}
        %add3A_157 = arith.constant 2 : i32
        %add3A_158 = arith.addi %add3A_147, %add3A_157 : i32
        %min3A_159 = arith.constant 169 : i32
        %min3A_160 = arith.minsi %add3A_158, %min3A_159 : i32
        %mul3A_161 = arith.constant 64 : i32
        %mul3A_162 = arith.muli %min3A_160, %mul3A_161 : i32
        %dma_start3A_163 = tpu.memref_slice %arg9[%mul3A_162] : memref<10880xi32, #tpu.memory_space<vmem>> -> memref<64xi32, #tpu.memory_space<vmem>>
        %dma_start3A_164 = arith.constant 0 : i32
        %dma_start3A_165 = arith.constant 0 : i32
        %dma_start3A_166 = tpu.memref_slice %arg5[%dma_start3A_164, %dma_start3A_165] : memref<40960x128xf32, #tpu.memory_space<hbm>> -> memref<40960x128xf32, #tpu.memory_space<hbm>>
        tpu.enqueue_indirect_dma source(%dma_start3A_166 : memref<40960x128xf32, #tpu.memory_space<hbm>>) target(%arg17 : memref<64x128xf32, #tpu.memory_space<vmem>>) offsets(%dma_start3A_163 : memref<64xi32, #tpu.memory_space<vmem>>) semaphore(%arg19 : memref<!tpu.dma_semaphore, #tpu.memory_space<semaphore_mem>>)
        %scan3A_167 = arith.constant 0 : i32
        scf.yield %scan3A_167 : i32
      }
      %scan3A_104 = arith.constant 85 : i32
      %dma_wait3A = arith.constant 0 : i32
      %dma_wait3A_105 = arith.constant 0 : i32
      %dma_wait3A_106 = tpu.memref_slice %arg5[%dma_wait3A, %dma_wait3A_105] : memref<40960x128xf32, #tpu.memory_space<hbm>> -> memref<64x128xf32, #tpu.memory_space<hbm>>
      %dma_wait3A_107 = arith.constant 0 : i32
      %dma_wait3A_108 = arith.constant 0 : i32
      %dma_wait3A_109 = tpu.memref_slice %arg5[%dma_wait3A_107, %dma_wait3A_108] : memref<40960x128xf32, #tpu.memory_space<hbm>> -> memref<64x128xf32, #tpu.memory_space<hbm>>
      tpu.wait_dma2 semaphore(%arg18 : memref<!tpu.dma_semaphore, #tpu.memory_space<semaphore_mem>>) src(%dma_wait3A_109 : memref<64x128xf32, #tpu.memory_space<hbm>>) dst(%arg16 : memref<64x128xf32, #tpu.memory_space<vmem>>)
      %dma_wait3A_110 = arith.constant 0 : i32
      %dma_wait3A_111 = arith.constant 0 : i32
      %dma_wait3A_112 = tpu.memref_slice %arg5[%dma_wait3A_110, %dma_wait3A_111] : memref<40960x128xf32, #tpu.memory_space<hbm>> -> memref<64x128xf32, #tpu.memory_space<hbm>>
      %dma_wait3A_113 = arith.constant 0 : i32
      %dma_wait3A_114 = arith.constant 0 : i32
      %dma_wait3A_115 = tpu.memref_slice %arg5[%dma_wait3A_113, %dma_wait3A_114] : memref<40960x128xf32, #tpu.memory_space<hbm>> -> memref<64x128xf32, #tpu.memory_space<hbm>>
      tpu.wait_dma2 semaphore(%arg19 : memref<!tpu.dma_semaphore, #tpu.memory_space<semaphore_mem>>) src(%dma_wait3A_115 : memref<64x128xf32, #tpu.memory_space<hbm>>) dst(%arg17 : memref<64x128xf32, #tpu.memory_space<vmem>>)
      %mul3A_116 = arith.constant 10240 : i32
      %mul3A_117 = arith.muli %scan3A_13, %mul3A_116 : i32
      %add3A_118 = arith.addi %mul3A_117, %mul3A_2 : i32
      %mul3A_119 = arith.constant 128 : i32
      %mul3A_120 = arith.muli %add3A_118, %mul3A_119 : i32
      "tpu.region"() ({
        %run_scoped3A = tpu.sem_alloc : memref<!tpu.dma_semaphore, #tpu.memory_space<semaphore_mem>>
        %dma_start3A_122 = arith.constant 0 : i32
        %dma_start3A_123 = tpu.memref_slice %arg15[%dma_start3A_122] : memref<41088xf32, #tpu.memory_space<vmem>> -> memref<40960xf32, #tpu.memory_space<vmem>>
        %dma_start3A_124 = tpu.memref_slice %arg6[%mul3A_120] : memref<5242880xf32, #tpu.memory_space<hbm>> -> memref<40960xf32, #tpu.memory_space<hbm>>
        %dma_start3A_125 = tpu.memref_slice %arg6[%mul3A_120] : memref<5242880xf32, #tpu.memory_space<hbm>> -> memref<40960xf32, #tpu.memory_space<hbm>>
        %dma_start3A_126 = arith.constant 0 : i32
        %dma_start3A_127 = tpu.memref_slice %arg15[%dma_start3A_126] : memref<41088xf32, #tpu.memory_space<vmem>> -> memref<40960xf32, #tpu.memory_space<vmem>>
        tpu.enqueue_dma source(%dma_start3A_127 : memref<40960xf32, #tpu.memory_space<vmem>>) target(%dma_start3A_125 : memref<40960xf32, #tpu.memory_space<hbm>>) target_semaphore(%run_scoped3A : memref<!tpu.dma_semaphore, #tpu.memory_space<semaphore_mem>>)
        %dma_wait3A_128 = arith.constant 0 : i32
        %dma_wait3A_129 = tpu.memref_slice %arg15[%dma_wait3A_128] : memref<41088xf32, #tpu.memory_space<vmem>> -> memref<40960xf32, #tpu.memory_space<vmem>>
        %dma_wait3A_130 = tpu.memref_slice %arg6[%mul3A_120] : memref<5242880xf32, #tpu.memory_space<hbm>> -> memref<40960xf32, #tpu.memory_space<hbm>>
        %dma_wait3A_131 = tpu.memref_slice %arg6[%mul3A_120] : memref<5242880xf32, #tpu.memory_space<hbm>> -> memref<40960xf32, #tpu.memory_space<hbm>>
        %dma_wait3A_132 = arith.constant 0 : i32
        %dma_wait3A_133 = tpu.memref_slice %arg15[%dma_wait3A_132] : memref<41088xf32, #tpu.memory_space<vmem>> -> memref<40960xf32, #tpu.memory_space<vmem>>
        tpu.wait_dma2 semaphore(%run_scoped3A : memref<!tpu.dma_semaphore, #tpu.memory_space<semaphore_mem>>) src(%dma_wait3A_133 : memref<40960xf32, #tpu.memory_space<vmem>>) dst(%dma_wait3A_131 : memref<40960xf32, #tpu.memory_space<hbm>>)
        tpu.yield
      }) : () -> ()
      %scan3A_121 = arith.constant 0 : i32
      scf.yield %scan3A_121 : i32
    }
    %scan3A_12 = arith.constant 4 : i32
    return
  }
}

#map = affine_map<(d0, d1) -> (0)>
#map1 = affine_map<(d0, d1) -> (0, 0)>
module attributes {stable_mosaic.version = 14 : i64} {
  func.func @_edge_body(%arg0: i32, %arg1: i32, %arg2: memref<348160xi32, #tpu.memory_space<hbm>>, %arg3: memref<348160xi32, #tpu.memory_space<hbm>>, %arg4: memref<20480xf32, #tpu.memory_space<hbm>>, %arg5: memref<10240x128xf32, #tpu.memory_space<hbm>>, %arg6: memref<1310720xf32, #tpu.memory_space<hbm>>, %arg7: memref<10880xi32, #tpu.memory_space<vmem>>, %arg8: memref<10880xi32, #tpu.memory_space<vmem>>, %arg9: memref<10880xi32, #tpu.memory_space<vmem>>, %arg10: memref<10880xf32, #tpu.memory_space<vmem>>, %arg11: memref<10880xf32, #tpu.memory_space<vmem>>, %arg12: memref<10240xf32, #tpu.memory_space<vmem>>, %arg13: memref<336xf32, #tpu.memory_space<vmem>>, %arg14: memref<336xf32, #tpu.memory_space<vmem>>, %arg15: memref<41088xf32, #tpu.memory_space<vmem>>, %arg16: memref<64x128xf32, #tpu.memory_space<vmem>>, %arg17: memref<64x128xf32, #tpu.memory_space<vmem>>, %arg18: memref<!tpu.dma_semaphore, #tpu.memory_space<semaphore_mem>>, %arg19: memref<!tpu.dma_semaphore, #tpu.memory_space<semaphore_mem>>) attributes {dimension_semantics = [#tpu.dimension_semantics<core_parallel>, #tpu.dimension_semantics<subcore_parallel>], iteration_bounds = array<i64: 2, 16>, scalar_prefetch = 0 : i64, scratch_operands = 13 : i64, tpu.core_type = #tpu.core_type<sc_vector_subcore>, window_params = [{transform_indices = #map}, {transform_indices = #map}, {transform_indices = #map}, {transform_indices = #map1}, {transform_indices = #map}]} {
    %mul3A = arith.constant 2 : i32
    %mul3A_0 = arith.muli %arg1, %mul3A : i32
    %add3A = arith.addi %mul3A_0, %arg0 : i32
    %mul3A_1 = arith.constant 320 : i32
    %mul3A_2 = arith.muli %add3A, %mul3A_1 : i32
    %iota3A = tpu.iota {dimensions = array<i32: 0>} : vector<16xi32>
    %mul3A_3 = arith.constant 10880 : i32
    %mul3A_4 = arith.muli %add3A, %mul3A_3 : i32
    "tpu.region"() ({
      %run_scoped3A = tpu.sem_alloc : memref<!tpu.dma_semaphore, #tpu.memory_space<semaphore_mem>>
      %dma_start3A_81 = tpu.memref_slice %arg2[%mul3A_4] : memref<348160xi32, #tpu.memory_space<hbm>> -> memref<10880xi32, #tpu.memory_space<hbm>>
      %dma_start3A_82 = tpu.memref_slice %arg2[%mul3A_4] : memref<348160xi32, #tpu.memory_space<hbm>> -> memref<10880xi32, #tpu.memory_space<hbm>>
      tpu.enqueue_dma source(%dma_start3A_82 : memref<10880xi32, #tpu.memory_space<hbm>>) target(%arg7 : memref<10880xi32, #tpu.memory_space<vmem>>) target_semaphore(%run_scoped3A : memref<!tpu.dma_semaphore, #tpu.memory_space<semaphore_mem>>)
      %dma_wait3A_83 = tpu.memref_slice %arg2[%mul3A_4] : memref<348160xi32, #tpu.memory_space<hbm>> -> memref<10880xi32, #tpu.memory_space<hbm>>
      %dma_wait3A_84 = tpu.memref_slice %arg2[%mul3A_4] : memref<348160xi32, #tpu.memory_space<hbm>> -> memref<10880xi32, #tpu.memory_space<hbm>>
      tpu.wait_dma2 semaphore(%run_scoped3A : memref<!tpu.dma_semaphore, #tpu.memory_space<semaphore_mem>>) src(%dma_wait3A_84 : memref<10880xi32, #tpu.memory_space<hbm>>) dst(%arg7 : memref<10880xi32, #tpu.memory_space<vmem>>)
      tpu.yield
    }) : () -> ()
    %mul3A_5 = arith.constant 10880 : i32
    %mul3A_6 = arith.muli %add3A, %mul3A_5 : i32
    "tpu.region"() ({
      %run_scoped3A = tpu.sem_alloc : memref<!tpu.dma_semaphore, #tpu.memory_space<semaphore_mem>>
      %dma_start3A_81 = tpu.memref_slice %arg3[%mul3A_6] : memref<348160xi32, #tpu.memory_space<hbm>> -> memref<10880xi32, #tpu.memory_space<hbm>>
      %dma_start3A_82 = tpu.memref_slice %arg3[%mul3A_6] : memref<348160xi32, #tpu.memory_space<hbm>> -> memref<10880xi32, #tpu.memory_space<hbm>>
      tpu.enqueue_dma source(%dma_start3A_82 : memref<10880xi32, #tpu.memory_space<hbm>>) target(%arg8 : memref<10880xi32, #tpu.memory_space<vmem>>) target_semaphore(%run_scoped3A : memref<!tpu.dma_semaphore, #tpu.memory_space<semaphore_mem>>)
      %dma_wait3A_83 = tpu.memref_slice %arg3[%mul3A_6] : memref<348160xi32, #tpu.memory_space<hbm>> -> memref<10880xi32, #tpu.memory_space<hbm>>
      %dma_wait3A_84 = tpu.memref_slice %arg3[%mul3A_6] : memref<348160xi32, #tpu.memory_space<hbm>> -> memref<10880xi32, #tpu.memory_space<hbm>>
      tpu.wait_dma2 semaphore(%run_scoped3A : memref<!tpu.dma_semaphore, #tpu.memory_space<semaphore_mem>>) src(%dma_wait3A_84 : memref<10880xi32, #tpu.memory_space<hbm>>) dst(%arg8 : memref<10880xi32, #tpu.memory_space<vmem>>)
      tpu.yield
    }) : () -> ()
    %scan3A = arith.constant 0 : i32
    %scan3A_7 = arith.constant 0 : i32
    %mul3A_8 = arith.constant 1 : i32
    %mul3A_9 = arith.muli %scan3A_7, %mul3A_8 : i32
    %add3A_10 = arith.constant 0 : i32
    %add3A_11 = arith.addi %mul3A_9, %add3A_10 : i32
    %mul3A_12 = arith.constant 10240 : i32
    %mul3A_13 = arith.muli %add3A_11, %mul3A_12 : i32
    "tpu.region"() ({
      %run_scoped3A = tpu.sem_alloc : memref<!tpu.dma_semaphore, #tpu.memory_space<semaphore_mem>>
      %dma_start3A_81 = tpu.memref_slice %arg4[%mul3A_13] : memref<20480xf32, #tpu.memory_space<hbm>> -> memref<10240xf32, #tpu.memory_space<hbm>>
      %dma_start3A_82 = tpu.memref_slice %arg4[%mul3A_13] : memref<20480xf32, #tpu.memory_space<hbm>> -> memref<10240xf32, #tpu.memory_space<hbm>>
      tpu.enqueue_dma source(%dma_start3A_82 : memref<10240xf32, #tpu.memory_space<hbm>>) target(%arg12 : memref<10240xf32, #tpu.memory_space<vmem>>) target_semaphore(%run_scoped3A : memref<!tpu.dma_semaphore, #tpu.memory_space<semaphore_mem>>)
      %dma_wait3A_83 = tpu.memref_slice %arg4[%mul3A_13] : memref<20480xf32, #tpu.memory_space<hbm>> -> memref<10240xf32, #tpu.memory_space<hbm>>
      %dma_wait3A_84 = tpu.memref_slice %arg4[%mul3A_13] : memref<20480xf32, #tpu.memory_space<hbm>> -> memref<10240xf32, #tpu.memory_space<hbm>>
      tpu.wait_dma2 semaphore(%run_scoped3A : memref<!tpu.dma_semaphore, #tpu.memory_space<semaphore_mem>>) src(%dma_wait3A_84 : memref<10240xf32, #tpu.memory_space<hbm>>) dst(%arg12 : memref<10240xf32, #tpu.memory_space<vmem>>)
      tpu.yield
    }) : () -> ()
    %add3A_14 = arith.constant 1 : i32
    %add3A_15 = arith.addi %add3A_14, %add3A_11 : i32
    %mul3A_16 = arith.constant 10240 : i32
    %mul3A_17 = arith.muli %add3A_15, %mul3A_16 : i32
    %add3A_18 = arith.addi %mul3A_17, %mul3A_2 : i32
    "tpu.region"() ({
      %run_scoped3A = tpu.sem_alloc : memref<!tpu.dma_semaphore, #tpu.memory_space<semaphore_mem>>
      %dma_start3A_81 = arith.constant 0 : i32
      %dma_start3A_82 = tpu.memref_slice %arg13[%dma_start3A_81] : memref<336xf32, #tpu.memory_space<vmem>> -> memref<320xf32, #tpu.memory_space<vmem>>
      %dma_start3A_83 = tpu.memref_slice %arg4[%add3A_18] : memref<20480xf32, #tpu.memory_space<hbm>> -> memref<320xf32, #tpu.memory_space<hbm>>
      %dma_start3A_84 = arith.constant 0 : i32
      %dma_start3A_85 = tpu.memref_slice %arg13[%dma_start3A_84] : memref<336xf32, #tpu.memory_space<vmem>> -> memref<320xf32, #tpu.memory_space<vmem>>
      %dma_start3A_86 = tpu.memref_slice %arg4[%add3A_18] : memref<20480xf32, #tpu.memory_space<hbm>> -> memref<320xf32, #tpu.memory_space<hbm>>
      tpu.enqueue_dma source(%dma_start3A_86 : memref<320xf32, #tpu.memory_space<hbm>>) target(%dma_start3A_85 : memref<320xf32, #tpu.memory_space<vmem>>) target_semaphore(%run_scoped3A : memref<!tpu.dma_semaphore, #tpu.memory_space<semaphore_mem>>)
      %dma_wait3A_87 = arith.constant 0 : i32
      %dma_wait3A_88 = tpu.memref_slice %arg13[%dma_wait3A_87] : memref<336xf32, #tpu.memory_space<vmem>> -> memref<320xf32, #tpu.memory_space<vmem>>
      %dma_wait3A_89 = tpu.memref_slice %arg4[%add3A_18] : memref<20480xf32, #tpu.memory_space<hbm>> -> memref<320xf32, #tpu.memory_space<hbm>>
      %dma_wait3A_90 = arith.constant 0 : i32
      %dma_wait3A_91 = tpu.memref_slice %arg13[%dma_wait3A_90] : memref<336xf32, #tpu.memory_space<vmem>> -> memref<320xf32, #tpu.memory_space<vmem>>
      %dma_wait3A_92 = tpu.memref_slice %arg4[%add3A_18] : memref<20480xf32, #tpu.memory_space<hbm>> -> memref<320xf32, #tpu.memory_space<hbm>>
      tpu.wait_dma2 semaphore(%run_scoped3A : memref<!tpu.dma_semaphore, #tpu.memory_space<semaphore_mem>>) src(%dma_wait3A_92 : memref<320xf32, #tpu.memory_space<hbm>>) dst(%dma_wait3A_91 : memref<320xf32, #tpu.memory_space<vmem>>)
      tpu.yield
    }) : () -> ()
    %broadcast_in_dim3A = arith.constant 0.000000e+00 : f32
    %broadcast_in_dim3A_19 = vector.broadcast %broadcast_in_dim3A : f32 to vector<16xf32>
    %swap3A = arith.constant 320 : index
    %swap3A_20 = tpu.vector_load %arg13[%swap3A] {strides = array<i32>} : memref<336xf32, #tpu.memory_space<vmem>>, vector<16xf32>,
    tpu.vector_store %arg13[%swap3A], %broadcast_in_dim3A_19 {strides = array<i32>} : memref<336xf32, #tpu.memory_space<vmem>>, vector<16xf32>,
    %scan3A_21 = arith.constant 0 : i32
    %scan3A_22 = arith.constant 0 : i32
    %scan3A_23 = arith.constant 21 : i32
    %scan3A_24 = arith.addi %scan3A_22, %scan3A_23 : i32
    %scan3A_25 = arith.constant 1 : i32
    %scan3A_26 = scf.for %scan3A_81 = %scan3A_22 to %scan3A_24 step %scan3A_25 iter_args(%scan3A_82 = %scan3A_21) -> (i32)  : i32 {
      %broadcast_in_dim3A_83 = arith.constant 0.000000e+00 : f32
      %broadcast_in_dim3A_84 = vector.broadcast %broadcast_in_dim3A_83 : f32 to vector<16xf32>
      %mul3A_85 = arith.constant 16 : i32
      %mul3A_86 = arith.muli %scan3A_81, %mul3A_85 : i32
      %swap3A_87 = arith.index_cast %mul3A_86 : i32 to index
      %swap3A_88 = tpu.vector_load %arg14[%swap3A_87] {strides = array<i32>} : memref<336xf32, #tpu.memory_space<vmem>>, vector<16xf32>,
      tpu.vector_store %arg14[%swap3A_87], %broadcast_in_dim3A_84 {strides = array<i32>} : memref<336xf32, #tpu.memory_space<vmem>>, vector<16xf32>,
      %scan3A_89 = arith.constant 0 : i32
      scf.yield %scan3A_89 : i32
    }
    %scan3A_27 = arith.constant 21 : i32
    %parallel_loop3A = arith.constant 0 : i32
    %parallel_loop3A_28 = arith.constant 680 : i32
    %parallel_loop3A_29 = arith.constant 1 : i32
    scf.for %parallel_loop3A_81 = %parallel_loop3A to %parallel_loop3A_28 step %parallel_loop3A_29  : i32 {
      %parallel_loop3A_82 = arith.constant 16 : i32
      %parallel_loop3A_83 = arith.muli %parallel_loop3A_81, %parallel_loop3A_82 : i32
      %parallel_loop3A_84 = arith.index_cast %parallel_loop3A_83 : i32 to index
      %parallel_loop3A_85 = tpu.vector_load %arg7[%parallel_loop3A_84] {strides = array<i32>} : memref<10880xi32, #tpu.memory_space<vmem>>, vector<16xi32>,
      %parallel_loop3A_86 = arith.constant 16 : i32
      %parallel_loop3A_87 = arith.muli %parallel_loop3A_81, %parallel_loop3A_86 : i32
      %parallel_loop3A_88 = arith.index_cast %parallel_loop3A_87 : i32 to index
      %parallel_loop3A_89 = tpu.vector_load %arg8[%parallel_loop3A_88] {strides = array<i32>} : memref<10880xi32, #tpu.memory_space<vmem>>, vector<16xi32>,
      %parallel_loop3A_90 = arith.constant 10240 : i32
      %parallel_loop3A_91 = arith.muli %scan3A_7, %parallel_loop3A_90 : i32
      %parallel_loop3A_92 = vector.broadcast %parallel_loop3A_91 : i32 to vector<16xi32>
      %parallel_loop3A_93 = arith.addi %parallel_loop3A_85, %parallel_loop3A_92 : vector<16xi32>
      %parallel_loop3A_94 = arith.constant 16 : i32
      %parallel_loop3A_95 = arith.muli %parallel_loop3A_81, %parallel_loop3A_94 : i32
      %parallel_loop3A_96 = arith.index_cast %parallel_loop3A_95 : i32 to index
      %parallel_loop3A_97 = tpu.vector_load %arg9[%parallel_loop3A_96] {strides = array<i32>} : memref<10880xi32, #tpu.memory_space<vmem>>, vector<16xi32>,
      tpu.vector_store %arg9[%parallel_loop3A_96], %parallel_loop3A_93 {strides = array<i32>} : memref<10880xi32, #tpu.memory_space<vmem>>, vector<16xi32>,
      %parallel_loop3A_98 = tpu.vector_load_idx %arg12[%parallel_loop3A_85] : memref<10240xf32, #tpu.memory_space<vmem>>[vector<16xi32>], vector<16xf32>,
      %parallel_loop3A_99 = tpu.vector_load_idx %arg13[%parallel_loop3A_89] : memref<336xf32, #tpu.memory_space<vmem>>[vector<16xi32>], vector<16xf32>,
      %parallel_loop3A_100 = arith.addf %parallel_loop3A_98, %parallel_loop3A_99 : vector<16xf32>
      %parallel_loop3A_101 = arith.constant 2.000000e-01 : f32
      %parallel_loop3A_102 = vector.broadcast %parallel_loop3A_101 : f32 to vector<16xf32>
      %parallel_loop3A_103 = arith.mulf %parallel_loop3A_102, %parallel_loop3A_100 : vector<16xf32>
      %parallel_loop3A_104 = arith.maximumf %parallel_loop3A_100, %parallel_loop3A_103 : vector<16xf32>
      %parallel_loop3A_105 = math.exp %parallel_loop3A_104 : vector<16xf32>
      %parallel_loop3A_106 = arith.constant 16 : i32
      %parallel_loop3A_107 = arith.muli %parallel_loop3A_81, %parallel_loop3A_106 : i32
      %parallel_loop3A_108 = arith.index_cast %parallel_loop3A_107 : i32 to index
      %parallel_loop3A_109 = tpu.vector_load %arg10[%parallel_loop3A_108] {strides = array<i32>} : memref<10880xf32, #tpu.memory_space<vmem>>, vector<16xf32>,
      tpu.vector_store %arg10[%parallel_loop3A_108], %parallel_loop3A_105 {strides = array<i32>} : memref<10880xf32, #tpu.memory_space<vmem>>, vector<16xf32>,
      tpu.vector_store_idx %arg14[%parallel_loop3A_89], %parallel_loop3A_105 {add = true} : memref<336xf32, #tpu.memory_space<vmem>>[vector<16xi32>], vector<16xf32>,
    } {sc.loop_unroll_factor = 2 : i64, sc.parallel_access}
    %scan3A_30 = arith.constant 0 : i32
    %scan3A_31 = arith.constant 0 : i32
    %scan3A_32 = arith.constant 21 : i32
    %scan3A_33 = arith.addi %scan3A_31, %scan3A_32 : i32
    %scan3A_34 = arith.constant 1 : i32
    %scan3A_35 = scf.for %scan3A_81 = %scan3A_31 to %scan3A_33 step %scan3A_34 iter_args(%scan3A_82 = %scan3A_30) -> (i32)  : i32 {
      %mul3A_83 = arith.constant 16 : i32
      %mul3A_84 = arith.muli %scan3A_81, %mul3A_83 : i32
      %get3A = arith.index_cast %mul3A_84 : i32 to index
      %get3A_85 = tpu.vector_load %arg14[%get3A] {strides = array<i32>} : memref<336xf32, #tpu.memory_space<vmem>>, vector<16xf32>,
      %add3A_86 = arith.constant 1.000000e-16 : f32
      %add3A_87 = vector.broadcast %add3A_86 : f32 to vector<16xf32>
      %add3A_88 = arith.addf %get3A_85, %add3A_87 : vector<16xf32>
      %div3A = arith.constant 1.000000e+00 : f32
      %div3A_89 = vector.broadcast %div3A : f32 to vector<16xf32>
      %div3A_90 = arith.divf %div3A_89, %add3A_88 : vector<16xf32>
      %mul3A_91 = arith.constant 16 : i32
      %mul3A_92 = arith.muli %scan3A_81, %mul3A_91 : i32
      %swap3A_93 = arith.index_cast %mul3A_92 : i32 to index
      %swap3A_94 = tpu.vector_load %arg14[%swap3A_93] {strides = array<i32>} : memref<336xf32, #tpu.memory_space<vmem>>, vector<16xf32>,
      tpu.vector_store %arg14[%swap3A_93], %div3A_90 {strides = array<i32>} : memref<336xf32, #tpu.memory_space<vmem>>, vector<16xf32>,
      %scan3A_95 = arith.constant 0 : i32
      scf.yield %scan3A_95 : i32
    }
    %scan3A_36 = arith.constant 21 : i32
    %parallel_loop3A_37 = arith.constant 0 : i32
    %parallel_loop3A_38 = arith.constant 680 : i32
    %parallel_loop3A_39 = arith.constant 1 : i32
    scf.for %parallel_loop3A_81 = %parallel_loop3A_37 to %parallel_loop3A_38 step %parallel_loop3A_39  : i32 {
      %parallel_loop3A_82 = arith.constant 16 : i32
      %parallel_loop3A_83 = arith.muli %parallel_loop3A_81, %parallel_loop3A_82 : i32
      %parallel_loop3A_84 = arith.index_cast %parallel_loop3A_83 : i32 to index
      %parallel_loop3A_85 = tpu.vector_load %arg8[%parallel_loop3A_84] {strides = array<i32>} : memref<10880xi32, #tpu.memory_space<vmem>>, vector<16xi32>,
      %parallel_loop3A_86 = arith.constant 16 : i32
      %parallel_loop3A_87 = arith.muli %parallel_loop3A_81, %parallel_loop3A_86 : i32
      %parallel_loop3A_88 = arith.index_cast %parallel_loop3A_87 : i32 to index
      %parallel_loop3A_89 = tpu.vector_load %arg10[%parallel_loop3A_88] {strides = array<i32>} : memref<10880xf32, #tpu.memory_space<vmem>>, vector<16xf32>,
      %parallel_loop3A_90 = tpu.vector_load_idx %arg14[%parallel_loop3A_85] : memref<336xf32, #tpu.memory_space<vmem>>[vector<16xi32>], vector<16xf32>,
      %parallel_loop3A_91 = arith.mulf %parallel_loop3A_89, %parallel_loop3A_90 : vector<16xf32>
      %parallel_loop3A_92 = arith.constant 16 : i32
      %parallel_loop3A_93 = arith.muli %parallel_loop3A_81, %parallel_loop3A_92 : i32
      %parallel_loop3A_94 = arith.index_cast %parallel_loop3A_93 : i32 to index
      %parallel_loop3A_95 = tpu.vector_load %arg10[%parallel_loop3A_94] {strides = array<i32>} : memref<10880xf32, #tpu.memory_space<vmem>>, vector<16xf32>,
      tpu.vector_store %arg10[%parallel_loop3A_94], %parallel_loop3A_91 {strides = array<i32>} : memref<10880xf32, #tpu.memory_space<vmem>>, vector<16xf32>,
    } {sc.loop_unroll_factor = 2 : i64, sc.parallel_access}
    %scan3A_40 = arith.constant 0 : i32
    %scan3A_41 = arith.constant 0 : i32
    %scan3A_42 = arith.constant 2568 : i32
    %scan3A_43 = arith.addi %scan3A_41, %scan3A_42 : i32
    %scan3A_44 = arith.constant 1 : i32
    %scan3A_45 = scf.for %scan3A_81 = %scan3A_41 to %scan3A_43 step %scan3A_44 iter_args(%scan3A_82 = %scan3A_40) -> (i32)  : i32 {
      %broadcast_in_dim3A_83 = arith.constant 0.000000e+00 : f32
      %broadcast_in_dim3A_84 = vector.broadcast %broadcast_in_dim3A_83 : f32 to vector<16xf32>
      %mul3A_85 = arith.constant 16 : i32
      %mul3A_86 = arith.muli %scan3A_81, %mul3A_85 : i32
      %swap3A_87 = arith.index_cast %mul3A_86 : i32 to index
      %swap3A_88 = tpu.vector_load %arg15[%swap3A_87] {strides = array<i32>} : memref<41088xf32, #tpu.memory_space<vmem>>, vector<16xf32>,
      tpu.vector_store %arg15[%swap3A_87], %broadcast_in_dim3A_84 {strides = array<i32>} : memref<41088xf32, #tpu.memory_space<vmem>>, vector<16xf32>,
      %scan3A_89 = arith.constant 0 : i32
      scf.yield %scan3A_89 : i32
    }
    %scan3A_46 = arith.constant 2568 : i32
    %dma_start3A = arith.constant 0 : i32
    %dma_start3A_47 = tpu.memref_slice %arg9[%dma_start3A] : memref<10880xi32, #tpu.memory_space<vmem>> -> memref<64xi32, #tpu.memory_space<vmem>>
    %dma_start3A_48 = arith.constant 0 : i32
    %dma_start3A_49 = arith.constant 0 : i32
    %dma_start3A_50 = tpu.memref_slice %arg5[%dma_start3A_48, %dma_start3A_49] : memref<10240x128xf32, #tpu.memory_space<hbm>> -> memref<10240x128xf32, #tpu.memory_space<hbm>>
    tpu.enqueue_indirect_dma source(%dma_start3A_50 : memref<10240x128xf32, #tpu.memory_space<hbm>>) target(%arg16 : memref<64x128xf32, #tpu.memory_space<vmem>>) offsets(%dma_start3A_47 : memref<64xi32, #tpu.memory_space<vmem>>) semaphore(%arg18 : memref<!tpu.dma_semaphore, #tpu.memory_space<semaphore_mem>>)
    %dma_start3A_51 = arith.constant 64 : i32
    %dma_start3A_52 = tpu.memref_slice %arg9[%dma_start3A_51] : memref<10880xi32, #tpu.memory_space<vmem>> -> memref<64xi32, #tpu.memory_space<vmem>>
    %dma_start3A_53 = arith.constant 0 : i32
    %dma_start3A_54 = arith.constant 0 : i32
    %dma_start3A_55 = tpu.memref_slice %arg5[%dma_start3A_53, %dma_start3A_54] : memref<10240x128xf32, #tpu.memory_space<hbm>> -> memref<10240x128xf32, #tpu.memory_space<hbm>>
    tpu.enqueue_indirect_dma source(%dma_start3A_55 : memref<10240x128xf32, #tpu.memory_space<hbm>>) target(%arg17 : memref<64x128xf32, #tpu.memory_space<vmem>>) offsets(%dma_start3A_52 : memref<64xi32, #tpu.memory_space<vmem>>) semaphore(%arg19 : memref<!tpu.dma_semaphore, #tpu.memory_space<semaphore_mem>>)
    %scan3A_56 = arith.constant 0 : i32
    %scan3A_57 = arith.constant 0 : i32
    %scan3A_58 = arith.constant 85 : i32
    %scan3A_59 = arith.addi %scan3A_57, %scan3A_58 : i32
    %scan3A_60 = arith.constant 1 : i32
    %scan3A_61 = scf.for %scan3A_81 = %scan3A_57 to %scan3A_59 step %scan3A_60 iter_args(%scan3A_82 = %scan3A_56) -> (i32)  : i32 {
      %mul3A_83 = arith.constant 2 : i32
      %mul3A_84 = arith.muli %scan3A_81, %mul3A_83 : i32
      %add3A_85 = arith.constant 0 : i32
      %add3A_86 = arith.addi %mul3A_84, %add3A_85 : i32
      %dma_wait3A_87 = arith.constant 0 : i32
      %dma_wait3A_88 = arith.constant 0 : i32
      %dma_wait3A_89 = tpu.memref_slice %arg5[%dma_wait3A_87, %dma_wait3A_88] : memref<10240x128xf32, #tpu.memory_space<hbm>> -> memref<64x128xf32, #tpu.memory_space<hbm>>
      %dma_wait3A_90 = arith.constant 0 : i32
      %dma_wait3A_91 = arith.constant 0 : i32
      %dma_wait3A_92 = tpu.memref_slice %arg5[%dma_wait3A_90, %dma_wait3A_91] : memref<10240x128xf32, #tpu.memory_space<hbm>> -> memref<64x128xf32, #tpu.memory_space<hbm>>
      tpu.wait_dma2 semaphore(%arg18 : memref<!tpu.dma_semaphore, #tpu.memory_space<semaphore_mem>>) src(%dma_wait3A_92 : memref<64x128xf32, #tpu.memory_space<hbm>>) dst(%arg16 : memref<64x128xf32, #tpu.memory_space<vmem>>)
      %parallel_loop3A_93 = arith.constant 0 : i32
      %parallel_loop3A_94 = arith.constant 64 : i32
      %parallel_loop3A_95 = arith.constant 1 : i32
      scf.for %parallel_loop3A_127 = %parallel_loop3A_93 to %parallel_loop3A_94 step %parallel_loop3A_95  : i32 {
        %parallel_loop3A_128 = arith.constant 64 : i32
        %parallel_loop3A_129 = arith.muli %add3A_86, %parallel_loop3A_128 : i32
        %parallel_loop3A_130 = arith.addi %parallel_loop3A_129, %parallel_loop3A_127 : i32
        %parallel_loop3A_131 = vector.broadcast %parallel_loop3A_130 : i32 to vector<16xi32>
        %parallel_loop3A_132 = tpu.vector_load_idx %arg10[%parallel_loop3A_131] : memref<10880xf32, #tpu.memory_space<vmem>>[vector<16xi32>], vector<16xf32>,
        %parallel_loop3A_133 = tpu.vector_load_idx %arg10[%parallel_loop3A_131] : memref<10880xf32, #tpu.memory_space<vmem>>[vector<16xi32>], vector<16xf32>,
        %parallel_loop3A_134 = tpu.vector_load_idx %arg8[%parallel_loop3A_131] : memref<10880xi32, #tpu.memory_space<vmem>>[vector<16xi32>], vector<16xi32>,
        %parallel_loop3A_135 = arith.constant 128 : i32
        %parallel_loop3A_136 = vector.broadcast %parallel_loop3A_135 : i32 to vector<16xi32>
        %parallel_loop3A_137 = arith.muli %parallel_loop3A_134, %parallel_loop3A_136 : vector<16xi32>
        %parallel_loop3A_138 = vector.broadcast %parallel_loop3A_127 : i32 to vector<16xi32>
        %parallel_loop3A_139 = arith.constant 0 : i32
        %parallel_loop3A_140 = vector.broadcast %parallel_loop3A_139 : i32 to vector<16xi32>
        %parallel_loop3A_141 = arith.addi %parallel_loop3A_140, %iota3A : vector<16xi32>
        %parallel_loop3A_142 = tpu.vector_load_idx %arg16[%parallel_loop3A_138, %parallel_loop3A_141] : memref<64x128xf32, #tpu.memory_space<vmem>>[vector<16xi32>, vector<16xi32>], vector<16xf32>,
        %parallel_loop3A_143 = arith.constant 0 : i32
        %parallel_loop3A_144 = vector.broadcast %parallel_loop3A_143 : i32 to vector<16xi32>
        %parallel_loop3A_145 = arith.addi %parallel_loop3A_137, %parallel_loop3A_144 : vector<16xi32>
        %parallel_loop3A_146 = arith.addi %parallel_loop3A_145, %iota3A : vector<16xi32>
        %parallel_loop3A_147 = arith.mulf %parallel_loop3A_142, %parallel_loop3A_132 : vector<16xf32>
        tpu.vector_store_idx %arg15[%parallel_loop3A_146], %parallel_loop3A_147 {add = true} : memref<41088xf32, #tpu.memory_space<vmem>>[vector<16xi32>], vector<16xf32>,
        %parallel_loop3A_148 = arith.constant 16 : i32
        %parallel_loop3A_149 = vector.broadcast %parallel_loop3A_148 : i32 to vector<16xi32>
        %parallel_loop3A_150 = arith.addi %parallel_loop3A_149, %iota3A : vector<16xi32>
        %parallel_loop3A_151 = tpu.vector_load_idx %arg16[%parallel_loop3A_138, %parallel_loop3A_150] : memref<64x128xf32, #tpu.memory_space<vmem>>[vector<16xi32>, vector<16xi32>], vector<16xf32>,
        %parallel_loop3A_152 = arith.constant 16 : i32
        %parallel_loop3A_153 = vector.broadcast %parallel_loop3A_152 : i32 to vector<16xi32>
        %parallel_loop3A_154 = arith.addi %parallel_loop3A_137, %parallel_loop3A_153 : vector<16xi32>
        %parallel_loop3A_155 = arith.addi %parallel_loop3A_154, %iota3A : vector<16xi32>
        %parallel_loop3A_156 = arith.mulf %parallel_loop3A_151, %parallel_loop3A_132 : vector<16xf32>
        tpu.vector_store_idx %arg15[%parallel_loop3A_155], %parallel_loop3A_156 {add = true} : memref<41088xf32, #tpu.memory_space<vmem>>[vector<16xi32>], vector<16xf32>,
        %parallel_loop3A_157 = arith.constant 32 : i32
        %parallel_loop3A_158 = vector.broadcast %parallel_loop3A_157 : i32 to vector<16xi32>
        %parallel_loop3A_159 = arith.addi %parallel_loop3A_158, %iota3A : vector<16xi32>
        %parallel_loop3A_160 = tpu.vector_load_idx %arg16[%parallel_loop3A_138, %parallel_loop3A_159] : memref<64x128xf32, #tpu.memory_space<vmem>>[vector<16xi32>, vector<16xi32>], vector<16xf32>,
        %parallel_loop3A_161 = arith.constant 32 : i32
        %parallel_loop3A_162 = vector.broadcast %parallel_loop3A_161 : i32 to vector<16xi32>
        %parallel_loop3A_163 = arith.addi %parallel_loop3A_137, %parallel_loop3A_162 : vector<16xi32>
        %parallel_loop3A_164 = arith.addi %parallel_loop3A_163, %iota3A : vector<16xi32>
        %parallel_loop3A_165 = arith.mulf %parallel_loop3A_160, %parallel_loop3A_132 : vector<16xf32>
        tpu.vector_store_idx %arg15[%parallel_loop3A_164], %parallel_loop3A_165 {add = true} : memref<41088xf32, #tpu.memory_space<vmem>>[vector<16xi32>], vector<16xf32>,
        %parallel_loop3A_166 = arith.constant 48 : i32
        %parallel_loop3A_167 = vector.broadcast %parallel_loop3A_166 : i32 to vector<16xi32>
        %parallel_loop3A_168 = arith.addi %parallel_loop3A_167, %iota3A : vector<16xi32>
        %parallel_loop3A_169 = tpu.vector_load_idx %arg16[%parallel_loop3A_138, %parallel_loop3A_168] : memref<64x128xf32, #tpu.memory_space<vmem>>[vector<16xi32>, vector<16xi32>], vector<16xf32>,
        %parallel_loop3A_170 = arith.constant 48 : i32
        %parallel_loop3A_171 = vector.broadcast %parallel_loop3A_170 : i32 to vector<16xi32>
        %parallel_loop3A_172 = arith.addi %parallel_loop3A_137, %parallel_loop3A_171 : vector<16xi32>
        %parallel_loop3A_173 = arith.addi %parallel_loop3A_172, %iota3A : vector<16xi32>
        %parallel_loop3A_174 = arith.mulf %parallel_loop3A_169, %parallel_loop3A_132 : vector<16xf32>
        tpu.vector_store_idx %arg15[%parallel_loop3A_173], %parallel_loop3A_174 {add = true} : memref<41088xf32, #tpu.memory_space<vmem>>[vector<16xi32>], vector<16xf32>,
        %parallel_loop3A_175 = arith.constant 64 : i32
        %parallel_loop3A_176 = vector.broadcast %parallel_loop3A_175 : i32 to vector<16xi32>
        %parallel_loop3A_177 = arith.addi %parallel_loop3A_176, %iota3A : vector<16xi32>
        %parallel_loop3A_178 = tpu.vector_load_idx %arg16[%parallel_loop3A_138, %parallel_loop3A_177] : memref<64x128xf32, #tpu.memory_space<vmem>>[vector<16xi32>, vector<16xi32>], vector<16xf32>,
        %parallel_loop3A_179 = arith.constant 64 : i32
        %parallel_loop3A_180 = vector.broadcast %parallel_loop3A_179 : i32 to vector<16xi32>
        %parallel_loop3A_181 = arith.addi %parallel_loop3A_137, %parallel_loop3A_180 : vector<16xi32>
        %parallel_loop3A_182 = arith.addi %parallel_loop3A_181, %iota3A : vector<16xi32>
        %parallel_loop3A_183 = arith.mulf %parallel_loop3A_178, %parallel_loop3A_133 : vector<16xf32>
        tpu.vector_store_idx %arg15[%parallel_loop3A_182], %parallel_loop3A_183 {add = true} : memref<41088xf32, #tpu.memory_space<vmem>>[vector<16xi32>], vector<16xf32>,
        %parallel_loop3A_184 = arith.constant 80 : i32
        %parallel_loop3A_185 = vector.broadcast %parallel_loop3A_184 : i32 to vector<16xi32>
        %parallel_loop3A_186 = arith.addi %parallel_loop3A_185, %iota3A : vector<16xi32>
        %parallel_loop3A_187 = tpu.vector_load_idx %arg16[%parallel_loop3A_138, %parallel_loop3A_186] : memref<64x128xf32, #tpu.memory_space<vmem>>[vector<16xi32>, vector<16xi32>], vector<16xf32>,
        %parallel_loop3A_188 = arith.constant 80 : i32
        %parallel_loop3A_189 = vector.broadcast %parallel_loop3A_188 : i32 to vector<16xi32>
        %parallel_loop3A_190 = arith.addi %parallel_loop3A_137, %parallel_loop3A_189 : vector<16xi32>
        %parallel_loop3A_191 = arith.addi %parallel_loop3A_190, %iota3A : vector<16xi32>
        %parallel_loop3A_192 = arith.mulf %parallel_loop3A_187, %parallel_loop3A_133 : vector<16xf32>
        tpu.vector_store_idx %arg15[%parallel_loop3A_191], %parallel_loop3A_192 {add = true} : memref<41088xf32, #tpu.memory_space<vmem>>[vector<16xi32>], vector<16xf32>,
        %parallel_loop3A_193 = arith.constant 96 : i32
        %parallel_loop3A_194 = vector.broadcast %parallel_loop3A_193 : i32 to vector<16xi32>
        %parallel_loop3A_195 = arith.addi %parallel_loop3A_194, %iota3A : vector<16xi32>
        %parallel_loop3A_196 = tpu.vector_load_idx %arg16[%parallel_loop3A_138, %parallel_loop3A_195] : memref<64x128xf32, #tpu.memory_space<vmem>>[vector<16xi32>, vector<16xi32>], vector<16xf32>,
        %parallel_loop3A_197 = arith.constant 96 : i32
        %parallel_loop3A_198 = vector.broadcast %parallel_loop3A_197 : i32 to vector<16xi32>
        %parallel_loop3A_199 = arith.addi %parallel_loop3A_137, %parallel_loop3A_198 : vector<16xi32>
        %parallel_loop3A_200 = arith.addi %parallel_loop3A_199, %iota3A : vector<16xi32>
        %parallel_loop3A_201 = arith.mulf %parallel_loop3A_196, %parallel_loop3A_133 : vector<16xf32>
        tpu.vector_store_idx %arg15[%parallel_loop3A_200], %parallel_loop3A_201 {add = true} : memref<41088xf32, #tpu.memory_space<vmem>>[vector<16xi32>], vector<16xf32>,
        %parallel_loop3A_202 = arith.constant 112 : i32
        %parallel_loop3A_203 = vector.broadcast %parallel_loop3A_202 : i32 to vector<16xi32>
        %parallel_loop3A_204 = arith.addi %parallel_loop3A_203, %iota3A : vector<16xi32>
        %parallel_loop3A_205 = tpu.vector_load_idx %arg16[%parallel_loop3A_138, %parallel_loop3A_204] : memref<64x128xf32, #tpu.memory_space<vmem>>[vector<16xi32>, vector<16xi32>], vector<16xf32>,
        %parallel_loop3A_206 = arith.constant 112 : i32
        %parallel_loop3A_207 = vector.broadcast %parallel_loop3A_206 : i32 to vector<16xi32>
        %parallel_loop3A_208 = arith.addi %parallel_loop3A_137, %parallel_loop3A_207 : vector<16xi32>
        %parallel_loop3A_209 = arith.addi %parallel_loop3A_208, %iota3A : vector<16xi32>
        %parallel_loop3A_210 = arith.mulf %parallel_loop3A_205, %parallel_loop3A_133 : vector<16xf32>
        tpu.vector_store_idx %arg15[%parallel_loop3A_209], %parallel_loop3A_210 {add = true} : memref<41088xf32, #tpu.memory_space<vmem>>[vector<16xi32>], vector<16xf32>,
      } {sc.loop_unroll_factor = 2 : i64, sc.parallel_access}
      %add3A_96 = arith.constant 2 : i32
      %add3A_97 = arith.addi %add3A_86, %add3A_96 : i32
      %min3A = arith.constant 168 : i32
      %min3A_98 = arith.minsi %add3A_97, %min3A : i32
      %mul3A_99 = arith.constant 64 : i32
      %mul3A_100 = arith.muli %min3A_98, %mul3A_99 : i32
      %dma_start3A_101 = tpu.memref_slice %arg9[%mul3A_100] : memref<10880xi32, #tpu.memory_space<vmem>> -> memref<64xi32, #tpu.memory_space<vmem>>
      %dma_start3A_102 = arith.constant 0 : i32
      %dma_start3A_103 = arith.constant 0 : i32
      %dma_start3A_104 = tpu.memref_slice %arg5[%dma_start3A_102, %dma_start3A_103] : memref<10240x128xf32, #tpu.memory_space<hbm>> -> memref<10240x128xf32, #tpu.memory_space<hbm>>
      tpu.enqueue_indirect_dma source(%dma_start3A_104 : memref<10240x128xf32, #tpu.memory_space<hbm>>) target(%arg16 : memref<64x128xf32, #tpu.memory_space<vmem>>) offsets(%dma_start3A_101 : memref<64xi32, #tpu.memory_space<vmem>>) semaphore(%arg18 : memref<!tpu.dma_semaphore, #tpu.memory_space<semaphore_mem>>)
      %add3A_105 = arith.constant 1 : i32
      %add3A_106 = arith.addi %mul3A_84, %add3A_105 : i32
      %dma_wait3A_107 = arith.constant 0 : i32
      %dma_wait3A_108 = arith.constant 0 : i32
      %dma_wait3A_109 = tpu.memref_slice %arg5[%dma_wait3A_107, %dma_wait3A_108] : memref<10240x128xf32, #tpu.memory_space<hbm>> -> memref<64x128xf32, #tpu.memory_space<hbm>>
      %dma_wait3A_110 = arith.constant 0 : i32
      %dma_wait3A_111 = arith.constant 0 : i32
      %dma_wait3A_112 = tpu.memref_slice %arg5[%dma_wait3A_110, %dma_wait3A_111] : memref<10240x128xf32, #tpu.memory_space<hbm>> -> memref<64x128xf32, #tpu.memory_space<hbm>>
      tpu.wait_dma2 semaphore(%arg19 : memref<!tpu.dma_semaphore, #tpu.memory_space<semaphore_mem>>) src(%dma_wait3A_112 : memref<64x128xf32, #tpu.memory_space<hbm>>) dst(%arg17 : memref<64x128xf32, #tpu.memory_space<vmem>>)
      %parallel_loop3A_113 = arith.constant 0 : i32
      %parallel_loop3A_114 = arith.constant 64 : i32
      %parallel_loop3A_115 = arith.constant 1 : i32
      scf.for %parallel_loop3A_127 = %parallel_loop3A_113 to %parallel_loop3A_114 step %parallel_loop3A_115  : i32 {
        %parallel_loop3A_128 = arith.constant 64 : i32
        %parallel_loop3A_129 = arith.muli %add3A_106, %parallel_loop3A_128 : i32
        %parallel_loop3A_130 = arith.addi %parallel_loop3A_129, %parallel_loop3A_127 : i32
        %parallel_loop3A_131 = vector.broadcast %parallel_loop3A_130 : i32 to vector<16xi32>
        %parallel_loop3A_132 = tpu.vector_load_idx %arg10[%parallel_loop3A_131] : memref<10880xf32, #tpu.memory_space<vmem>>[vector<16xi32>], vector<16xf32>,
        %parallel_loop3A_133 = tpu.vector_load_idx %arg10[%parallel_loop3A_131] : memref<10880xf32, #tpu.memory_space<vmem>>[vector<16xi32>], vector<16xf32>,
        %parallel_loop3A_134 = tpu.vector_load_idx %arg8[%parallel_loop3A_131] : memref<10880xi32, #tpu.memory_space<vmem>>[vector<16xi32>], vector<16xi32>,
        %parallel_loop3A_135 = arith.constant 128 : i32
        %parallel_loop3A_136 = vector.broadcast %parallel_loop3A_135 : i32 to vector<16xi32>
        %parallel_loop3A_137 = arith.muli %parallel_loop3A_134, %parallel_loop3A_136 : vector<16xi32>
        %parallel_loop3A_138 = vector.broadcast %parallel_loop3A_127 : i32 to vector<16xi32>
        %parallel_loop3A_139 = arith.constant 0 : i32
        %parallel_loop3A_140 = vector.broadcast %parallel_loop3A_139 : i32 to vector<16xi32>
        %parallel_loop3A_141 = arith.addi %parallel_loop3A_140, %iota3A : vector<16xi32>
        %parallel_loop3A_142 = tpu.vector_load_idx %arg17[%parallel_loop3A_138, %parallel_loop3A_141] : memref<64x128xf32, #tpu.memory_space<vmem>>[vector<16xi32>, vector<16xi32>], vector<16xf32>,
        %parallel_loop3A_143 = arith.constant 0 : i32
        %parallel_loop3A_144 = vector.broadcast %parallel_loop3A_143 : i32 to vector<16xi32>
        %parallel_loop3A_145 = arith.addi %parallel_loop3A_137, %parallel_loop3A_144 : vector<16xi32>
        %parallel_loop3A_146 = arith.addi %parallel_loop3A_145, %iota3A : vector<16xi32>
        %parallel_loop3A_147 = arith.mulf %parallel_loop3A_142, %parallel_loop3A_132 : vector<16xf32>
        tpu.vector_store_idx %arg15[%parallel_loop3A_146], %parallel_loop3A_147 {add = true} : memref<41088xf32, #tpu.memory_space<vmem>>[vector<16xi32>], vector<16xf32>,
        %parallel_loop3A_148 = arith.constant 16 : i32
        %parallel_loop3A_149 = vector.broadcast %parallel_loop3A_148 : i32 to vector<16xi32>
        %parallel_loop3A_150 = arith.addi %parallel_loop3A_149, %iota3A : vector<16xi32>
        %parallel_loop3A_151 = tpu.vector_load_idx %arg17[%parallel_loop3A_138, %parallel_loop3A_150] : memref<64x128xf32, #tpu.memory_space<vmem>>[vector<16xi32>, vector<16xi32>], vector<16xf32>,
        %parallel_loop3A_152 = arith.constant 16 : i32
        %parallel_loop3A_153 = vector.broadcast %parallel_loop3A_152 : i32 to vector<16xi32>
        %parallel_loop3A_154 = arith.addi %parallel_loop3A_137, %parallel_loop3A_153 : vector<16xi32>
        %parallel_loop3A_155 = arith.addi %parallel_loop3A_154, %iota3A : vector<16xi32>
        %parallel_loop3A_156 = arith.mulf %parallel_loop3A_151, %parallel_loop3A_132 : vector<16xf32>
        tpu.vector_store_idx %arg15[%parallel_loop3A_155], %parallel_loop3A_156 {add = true} : memref<41088xf32, #tpu.memory_space<vmem>>[vector<16xi32>], vector<16xf32>,
        %parallel_loop3A_157 = arith.constant 32 : i32
        %parallel_loop3A_158 = vector.broadcast %parallel_loop3A_157 : i32 to vector<16xi32>
        %parallel_loop3A_159 = arith.addi %parallel_loop3A_158, %iota3A : vector<16xi32>
        %parallel_loop3A_160 = tpu.vector_load_idx %arg17[%parallel_loop3A_138, %parallel_loop3A_159] : memref<64x128xf32, #tpu.memory_space<vmem>>[vector<16xi32>, vector<16xi32>], vector<16xf32>,
        %parallel_loop3A_161 = arith.constant 32 : i32
        %parallel_loop3A_162 = vector.broadcast %parallel_loop3A_161 : i32 to vector<16xi32>
        %parallel_loop3A_163 = arith.addi %parallel_loop3A_137, %parallel_loop3A_162 : vector<16xi32>
        %parallel_loop3A_164 = arith.addi %parallel_loop3A_163, %iota3A : vector<16xi32>
        %parallel_loop3A_165 = arith.mulf %parallel_loop3A_160, %parallel_loop3A_132 : vector<16xf32>
        tpu.vector_store_idx %arg15[%parallel_loop3A_164], %parallel_loop3A_165 {add = true} : memref<41088xf32, #tpu.memory_space<vmem>>[vector<16xi32>], vector<16xf32>,
        %parallel_loop3A_166 = arith.constant 48 : i32
        %parallel_loop3A_167 = vector.broadcast %parallel_loop3A_166 : i32 to vector<16xi32>
        %parallel_loop3A_168 = arith.addi %parallel_loop3A_167, %iota3A : vector<16xi32>
        %parallel_loop3A_169 = tpu.vector_load_idx %arg17[%parallel_loop3A_138, %parallel_loop3A_168] : memref<64x128xf32, #tpu.memory_space<vmem>>[vector<16xi32>, vector<16xi32>], vector<16xf32>,
        %parallel_loop3A_170 = arith.constant 48 : i32
        %parallel_loop3A_171 = vector.broadcast %parallel_loop3A_170 : i32 to vector<16xi32>
        %parallel_loop3A_172 = arith.addi %parallel_loop3A_137, %parallel_loop3A_171 : vector<16xi32>
        %parallel_loop3A_173 = arith.addi %parallel_loop3A_172, %iota3A : vector<16xi32>
        %parallel_loop3A_174 = arith.mulf %parallel_loop3A_169, %parallel_loop3A_132 : vector<16xf32>
        tpu.vector_store_idx %arg15[%parallel_loop3A_173], %parallel_loop3A_174 {add = true} : memref<41088xf32, #tpu.memory_space<vmem>>[vector<16xi32>], vector<16xf32>,
        %parallel_loop3A_175 = arith.constant 64 : i32
        %parallel_loop3A_176 = vector.broadcast %parallel_loop3A_175 : i32 to vector<16xi32>
        %parallel_loop3A_177 = arith.addi %parallel_loop3A_176, %iota3A : vector<16xi32>
        %parallel_loop3A_178 = tpu.vector_load_idx %arg17[%parallel_loop3A_138, %parallel_loop3A_177] : memref<64x128xf32, #tpu.memory_space<vmem>>[vector<16xi32>, vector<16xi32>], vector<16xf32>,
        %parallel_loop3A_179 = arith.constant 64 : i32
        %parallel_loop3A_180 = vector.broadcast %parallel_loop3A_179 : i32 to vector<16xi32>
        %parallel_loop3A_181 = arith.addi %parallel_loop3A_137, %parallel_loop3A_180 : vector<16xi32>
        %parallel_loop3A_182 = arith.addi %parallel_loop3A_181, %iota3A : vector<16xi32>
        %parallel_loop3A_183 = arith.mulf %parallel_loop3A_178, %parallel_loop3A_133 : vector<16xf32>
        tpu.vector_store_idx %arg15[%parallel_loop3A_182], %parallel_loop3A_183 {add = true} : memref<41088xf32, #tpu.memory_space<vmem>>[vector<16xi32>], vector<16xf32>,
        %parallel_loop3A_184 = arith.constant 80 : i32
        %parallel_loop3A_185 = vector.broadcast %parallel_loop3A_184 : i32 to vector<16xi32>
        %parallel_loop3A_186 = arith.addi %parallel_loop3A_185, %iota3A : vector<16xi32>
        %parallel_loop3A_187 = tpu.vector_load_idx %arg17[%parallel_loop3A_138, %parallel_loop3A_186] : memref<64x128xf32, #tpu.memory_space<vmem>>[vector<16xi32>, vector<16xi32>], vector<16xf32>,
        %parallel_loop3A_188 = arith.constant 80 : i32
        %parallel_loop3A_189 = vector.broadcast %parallel_loop3A_188 : i32 to vector<16xi32>
        %parallel_loop3A_190 = arith.addi %parallel_loop3A_137, %parallel_loop3A_189 : vector<16xi32>
        %parallel_loop3A_191 = arith.addi %parallel_loop3A_190, %iota3A : vector<16xi32>
        %parallel_loop3A_192 = arith.mulf %parallel_loop3A_187, %parallel_loop3A_133 : vector<16xf32>
        tpu.vector_store_idx %arg15[%parallel_loop3A_191], %parallel_loop3A_192 {add = true} : memref<41088xf32, #tpu.memory_space<vmem>>[vector<16xi32>], vector<16xf32>,
        %parallel_loop3A_193 = arith.constant 96 : i32
        %parallel_loop3A_194 = vector.broadcast %parallel_loop3A_193 : i32 to vector<16xi32>
        %parallel_loop3A_195 = arith.addi %parallel_loop3A_194, %iota3A : vector<16xi32>
        %parallel_loop3A_196 = tpu.vector_load_idx %arg17[%parallel_loop3A_138, %parallel_loop3A_195] : memref<64x128xf32, #tpu.memory_space<vmem>>[vector<16xi32>, vector<16xi32>], vector<16xf32>,
        %parallel_loop3A_197 = arith.constant 96 : i32
        %parallel_loop3A_198 = vector.broadcast %parallel_loop3A_197 : i32 to vector<16xi32>
        %parallel_loop3A_199 = arith.addi %parallel_loop3A_137, %parallel_loop3A_198 : vector<16xi32>
        %parallel_loop3A_200 = arith.addi %parallel_loop3A_199, %iota3A : vector<16xi32>
        %parallel_loop3A_201 = arith.mulf %parallel_loop3A_196, %parallel_loop3A_133 : vector<16xf32>
        tpu.vector_store_idx %arg15[%parallel_loop3A_200], %parallel_loop3A_201 {add = true} : memref<41088xf32, #tpu.memory_space<vmem>>[vector<16xi32>], vector<16xf32>,
        %parallel_loop3A_202 = arith.constant 112 : i32
        %parallel_loop3A_203 = vector.broadcast %parallel_loop3A_202 : i32 to vector<16xi32>
        %parallel_loop3A_204 = arith.addi %parallel_loop3A_203, %iota3A : vector<16xi32>
        %parallel_loop3A_205 = tpu.vector_load_idx %arg17[%parallel_loop3A_138, %parallel_loop3A_204] : memref<64x128xf32, #tpu.memory_space<vmem>>[vector<16xi32>, vector<16xi32>], vector<16xf32>,
        %parallel_loop3A_206 = arith.constant 112 : i32
        %parallel_loop3A_207 = vector.broadcast %parallel_loop3A_206 : i32 to vector<16xi32>
        %parallel_loop3A_208 = arith.addi %parallel_loop3A_137, %parallel_loop3A_207 : vector<16xi32>
        %parallel_loop3A_209 = arith.addi %parallel_loop3A_208, %iota3A : vector<16xi32>
        %parallel_loop3A_210 = arith.mulf %parallel_loop3A_205, %parallel_loop3A_133 : vector<16xf32>
        tpu.vector_store_idx %arg15[%parallel_loop3A_209], %parallel_loop3A_210 {add = true} : memref<41088xf32, #tpu.memory_space<vmem>>[vector<16xi32>], vector<16xf32>,
      } {sc.loop_unroll_factor = 2 : i64, sc.parallel_access}
      %add3A_116 = arith.constant 2 : i32
      %add3A_117 = arith.addi %add3A_106, %add3A_116 : i32
      %min3A_118 = arith.constant 169 : i32
      %min3A_119 = arith.minsi %add3A_117, %min3A_118 : i32
      %mul3A_120 = arith.constant 64 : i32
      %mul3A_121 = arith.muli %min3A_119, %mul3A_120 : i32
      %dma_start3A_122 = tpu.memref_slice %arg9[%mul3A_121] : memref<10880xi32, #tpu.memory_space<vmem>> -> memref<64xi32, #tpu.memory_space<vmem>>
      %dma_start3A_123 = arith.constant 0 : i32
      %dma_start3A_124 = arith.constant 0 : i32
      %dma_start3A_125 = tpu.memref_slice %arg5[%dma_start3A_123, %dma_start3A_124] : memref<10240x128xf32, #tpu.memory_space<hbm>> -> memref<10240x128xf32, #tpu.memory_space<hbm>>
      tpu.enqueue_indirect_dma source(%dma_start3A_125 : memref<10240x128xf32, #tpu.memory_space<hbm>>) target(%arg17 : memref<64x128xf32, #tpu.memory_space<vmem>>) offsets(%dma_start3A_122 : memref<64xi32, #tpu.memory_space<vmem>>) semaphore(%arg19 : memref<!tpu.dma_semaphore, #tpu.memory_space<semaphore_mem>>)
      %scan3A_126 = arith.constant 0 : i32
      scf.yield %scan3A_126 : i32
    }
    %scan3A_62 = arith.constant 85 : i32
    %dma_wait3A = arith.constant 0 : i32
    %dma_wait3A_63 = arith.constant 0 : i32
    %dma_wait3A_64 = tpu.memref_slice %arg5[%dma_wait3A, %dma_wait3A_63] : memref<10240x128xf32, #tpu.memory_space<hbm>> -> memref<64x128xf32, #tpu.memory_space<hbm>>
    %dma_wait3A_65 = arith.constant 0 : i32
    %dma_wait3A_66 = arith.constant 0 : i32
    %dma_wait3A_67 = tpu.memref_slice %arg5[%dma_wait3A_65, %dma_wait3A_66] : memref<10240x128xf32, #tpu.memory_space<hbm>> -> memref<64x128xf32, #tpu.memory_space<hbm>>
    tpu.wait_dma2 semaphore(%arg18 : memref<!tpu.dma_semaphore, #tpu.memory_space<semaphore_mem>>) src(%dma_wait3A_67 : memref<64x128xf32, #tpu.memory_space<hbm>>) dst(%arg16 : memref<64x128xf32, #tpu.memory_space<vmem>>)
    %dma_wait3A_68 = arith.constant 0 : i32
    %dma_wait3A_69 = arith.constant 0 : i32
    %dma_wait3A_70 = tpu.memref_slice %arg5[%dma_wait3A_68, %dma_wait3A_69] : memref<10240x128xf32, #tpu.memory_space<hbm>> -> memref<64x128xf32, #tpu.memory_space<hbm>>
    %dma_wait3A_71 = arith.constant 0 : i32
    %dma_wait3A_72 = arith.constant 0 : i32
    %dma_wait3A_73 = tpu.memref_slice %arg5[%dma_wait3A_71, %dma_wait3A_72] : memref<10240x128xf32, #tpu.memory_space<hbm>> -> memref<64x128xf32, #tpu.memory_space<hbm>>
    tpu.wait_dma2 semaphore(%arg19 : memref<!tpu.dma_semaphore, #tpu.memory_space<semaphore_mem>>) src(%dma_wait3A_73 : memref<64x128xf32, #tpu.memory_space<hbm>>) dst(%arg17 : memref<64x128xf32, #tpu.memory_space<vmem>>)
    %mul3A_74 = arith.constant 10240 : i32
    %mul3A_75 = arith.muli %scan3A_7, %mul3A_74 : i32
    %add3A_76 = arith.addi %mul3A_75, %mul3A_2 : i32
    %mul3A_77 = arith.constant 128 : i32
    %mul3A_78 = arith.muli %add3A_76, %mul3A_77 : i32
    "tpu.region"() ({
      %run_scoped3A = tpu.sem_alloc : memref<!tpu.dma_semaphore, #tpu.memory_space<semaphore_mem>>
      %dma_start3A_81 = arith.constant 0 : i32
      %dma_start3A_82 = tpu.memref_slice %arg15[%dma_start3A_81] : memref<41088xf32, #tpu.memory_space<vmem>> -> memref<40960xf32, #tpu.memory_space<vmem>>
      %dma_start3A_83 = tpu.memref_slice %arg6[%mul3A_78] : memref<1310720xf32, #tpu.memory_space<hbm>> -> memref<40960xf32, #tpu.memory_space<hbm>>
      %dma_start3A_84 = tpu.memref_slice %arg6[%mul3A_78] : memref<1310720xf32, #tpu.memory_space<hbm>> -> memref<40960xf32, #tpu.memory_space<hbm>>
      %dma_start3A_85 = arith.constant 0 : i32
      %dma_start3A_86 = tpu.memref_slice %arg15[%dma_start3A_85] : memref<41088xf32, #tpu.memory_space<vmem>> -> memref<40960xf32, #tpu.memory_space<vmem>>
      tpu.enqueue_dma source(%dma_start3A_86 : memref<40960xf32, #tpu.memory_space<vmem>>) target(%dma_start3A_84 : memref<40960xf32, #tpu.memory_space<hbm>>) target_semaphore(%run_scoped3A : memref<!tpu.dma_semaphore, #tpu.memory_space<semaphore_mem>>)
      %dma_wait3A_87 = arith.constant 0 : i32
      %dma_wait3A_88 = tpu.memref_slice %arg15[%dma_wait3A_87] : memref<41088xf32, #tpu.memory_space<vmem>> -> memref<40960xf32, #tpu.memory_space<vmem>>
      %dma_wait3A_89 = tpu.memref_slice %arg6[%mul3A_78] : memref<1310720xf32, #tpu.memory_space<hbm>> -> memref<40960xf32, #tpu.memory_space<hbm>>
      %dma_wait3A_90 = tpu.memref_slice %arg6[%mul3A_78] : memref<1310720xf32, #tpu.memory_space<hbm>> -> memref<40960xf32, #tpu.memory_space<hbm>>
      %dma_wait3A_91 = arith.constant 0 : i32
      %dma_wait3A_92 = tpu.memref_slice %arg15[%dma_wait3A_91] : memref<41088xf32, #tpu.memory_space<vmem>> -> memref<40960xf32, #tpu.memory_space<vmem>>
      tpu.wait_dma2 semaphore(%run_scoped3A : memref<!tpu.dma_semaphore, #tpu.memory_space<semaphore_mem>>) src(%dma_wait3A_92 : memref<40960xf32, #tpu.memory_space<vmem>>) dst(%dma_wait3A_90 : memref<40960xf32, #tpu.memory_space<hbm>>)
      tpu.yield
    }) : () -> ()
    %scan3A_79 = arith.constant 0 : i32
    %scan3A_80 = arith.constant 1 : i32
    return
  }
}

module attributes {stable_mosaic.version = 14 : i64} {
  func.func @_proj_kernel(%arg0: i32, %arg1: memref<1024x128xf32, #tpu.memory_space<vmem>>, %arg2: memref<1x128xf32, #tpu.memory_space<vmem>>, %arg3: memref<128x512xf32, #tpu.memory_space<vmem>>, %arg4: memref<512x16xf32, #tpu.memory_space<vmem>>, %arg5: memref<8x1024x64xf32, #tpu.memory_space<vmem>>, %arg6: memref<16x1024xf32, #tpu.memory_space<vmem>>) attributes {dimension_semantics = [#tpu.dimension_semantics<arbitrary>], iteration_bounds = array<i64: 10>, scalar_prefetch = 0 : i64, scratch_operands = 0 : i64, tpu.core_type = #tpu.core_type<tc>, window_params = [{transform_indices = @transform_0, window_bounds = array<i64: 1024, 128>}, {pipeline_mode = #tpu.pipeline_mode<synchronous>, transform_indices = @transform_1, window_bounds = array<i64: 1, 128>}, {pipeline_mode = #tpu.pipeline_mode<synchronous>, transform_indices = @transform_2, window_bounds = array<i64: 128, 512>}, {pipeline_mode = #tpu.pipeline_mode<synchronous>, transform_indices = @transform_3, window_bounds = array<i64: 512, 16>}, {transform_indices = @transform_4, window_bounds = array<i64: 8, 1024, 64>}, {transform_indices = @transform_5, window_bounds = array<i64: 16, 1024>}]} {
    %get3A = arith.constant 0 : index
    %get3A_0 = arith.constant 0 : index
    %get3A_1 = vector.load %arg1[%get3A, %get3A_0] : memref<1024x128xf32, #tpu.memory_space<vmem>>, vector<1024x128xf32>
    %get3A_2 = arith.constant 0 : index
    %get3A_3 = arith.constant 0 : index
    %get3A_4 = vector.load %arg3[%get3A_2, %get3A_3] : memref<128x512xf32, #tpu.memory_space<vmem>>, vector<128x512xf32>
    %dot_general3A = arith.constant dense<0.000000e+00> : vector<1024x512xf32>
    %dot_general3A_5 = tpu.matmul %get3A_1, %get3A_4, %dot_general3A {dimension_numbers = #tpu.dot_dimension_numbers<[1], [0], [0], [1], [0, 0, 1, 1], [], []>, precision = #tpu.contract_precision<fp32>, transpose_lhs_hint = false} : vector<1024x128xf32>, vector<128x512xf32>, vector<1024x512xf32> -> vector<1024x512xf32>
    %get3A_6 = arith.constant 0 : index
    %get3A_7 = arith.constant 0 : index
    %get3A_8 = vector.load %arg4[%get3A_6, %get3A_7] : memref<512x16xf32, #tpu.memory_space<vmem>>, vector<512x16xf32>
    %dot_general3A_9 = arith.constant dense<0.000000e+00> : vector<1024x16xf32>
    %dot_general3A_10 = tpu.matmul %dot_general3A_5, %get3A_8, %dot_general3A_9 {dimension_numbers = #tpu.dot_dimension_numbers<[1], [0], [0], [1], [0, 0, 1, 1], [], []>, precision = #tpu.contract_precision<fp32>, transpose_lhs_hint = false} : vector<1024x512xf32>, vector<512x16xf32>, vector<1024x16xf32> -> vector<1024x16xf32>
    %transpose3A = tpu.transpose %dot_general3A_10, [1, 0] : vector<1024x16xf32> -> vector<16x1024xf32>
    %swap3A = arith.constant 0 : index
    %swap3A_11 = arith.constant 0 : index
    %swap3A_12 = vector.load %arg6[%swap3A, %swap3A_11] : memref<16x1024xf32, #tpu.memory_space<vmem>>, vector<16x1024xf32>
    tpu.vector_store %arg6[%swap3A, %swap3A_11], %transpose3A {strides = array<i32>} : memref<16x1024xf32, #tpu.memory_space<vmem>>, vector<16x1024xf32>,
    %reshape3A = vector.shape_cast %dot_general3A_5 : vector<1024x512xf32> to vector<1024x8x64xf32>
    %transpose3A_13 = tpu.transpose %reshape3A, [1, 0, 2] : vector<1024x8x64xf32> -> vector<8x1024x64xf32>
    %swap3A_14 = arith.constant 0 : index
    %swap3A_15 = arith.constant 0 : index
    %swap3A_16 = arith.constant 0 : index
    %swap3A_17 = vector.load %arg5[%swap3A_14, %swap3A_15, %swap3A_16] : memref<8x1024x64xf32, #tpu.memory_space<vmem>>, vector<8x1024x64xf32>
    tpu.vector_store %arg5[%swap3A_14, %swap3A_15, %swap3A_16], %transpose3A_13 {strides = array<i32>} : memref<8x1024x64xf32, #tpu.memory_space<vmem>>, vector<8x1024x64xf32>,
    return
  }
  func.func @transform_0(%arg0: i32) -> (i32, i32) {
    %c0_i32 = arith.constant 0 : i32
    %c0_i32_0 = arith.constant 0 : i32
    return %arg0, %c0_i32 : i32, i32
  }
  func.func @transform_1(%arg0: i32) -> (i32, i32) {
    %c0_i32 = arith.constant 0 : i32
    %c0_i32_0 = arith.constant 0 : i32
    %c0_i32_1 = arith.constant 0 : i32
    return %c0_i32, %c0_i32_0 : i32, i32
  }
  func.func @transform_2(%arg0: i32) -> (i32, i32) {
    %c0_i32 = arith.constant 0 : i32
    %c0_i32_0 = arith.constant 0 : i32
    %c0_i32_1 = arith.constant 0 : i32
    return %c0_i32, %c0_i32_0 : i32, i32
  }
  func.func @transform_3(%arg0: i32) -> (i32, i32) {
    %c0_i32 = arith.constant 0 : i32
    %c0_i32_0 = arith.constant 0 : i32
    %c0_i32_1 = arith.constant 0 : i32
    return %c0_i32, %c0_i32_0 : i32, i32
  }
  func.func @transform_4(%arg0: i32) -> (i32, i32, i32) {
    %c0_i32 = arith.constant 0 : i32
    %c0_i32_0 = arith.constant 0 : i32
    %c0_i32_1 = arith.constant 0 : i32
    return %c0_i32, %arg0, %c0_i32_0 : i32, i32, i32
  }
  func.func @transform_5(%arg0: i32) -> (i32, i32) {
    %c0_i32 = arith.constant 0 : i32
    %c0_i32_0 = arith.constant 0 : i32
    return %c0_i32, %arg0 : i32, i32
  }
}

module attributes {stable_mosaic.version = 14 : i64} {
  func.func @_proj_kernel(%arg0: i32, %arg1: memref<1024x512xf32, #tpu.memory_space<vmem>>, %arg2: memref<1x512xf32, #tpu.memory_space<vmem>>, %arg3: memref<512x512xf32, #tpu.memory_space<vmem>>, %arg4: memref<512x16xf32, #tpu.memory_space<vmem>>, %arg5: memref<8x1024x64xf32, #tpu.memory_space<vmem>>, %arg6: memref<16x1024xf32, #tpu.memory_space<vmem>>) attributes {dimension_semantics = [#tpu.dimension_semantics<arbitrary>], iteration_bounds = array<i64: 10>, scalar_prefetch = 0 : i64, scratch_operands = 0 : i64, tpu.core_type = #tpu.core_type<tc>, window_params = [{transform_indices = @transform_0, window_bounds = array<i64: 1024, 512>}, {pipeline_mode = #tpu.pipeline_mode<synchronous>, transform_indices = @transform_1, window_bounds = array<i64: 1, 512>}, {pipeline_mode = #tpu.pipeline_mode<synchronous>, transform_indices = @transform_2, window_bounds = array<i64: 512, 512>}, {pipeline_mode = #tpu.pipeline_mode<synchronous>, transform_indices = @transform_3, window_bounds = array<i64: 512, 16>}, {transform_indices = @transform_4, window_bounds = array<i64: 8, 1024, 64>}, {transform_indices = @transform_5, window_bounds = array<i64: 16, 1024>}]} {
    %get3A = arith.constant 0 : index
    %get3A_0 = arith.constant 0 : index
    %get3A_1 = vector.load %arg1[%get3A, %get3A_0] : memref<1024x512xf32, #tpu.memory_space<vmem>>, vector<1024x512xf32>
    %get3A_2 = arith.constant 0 : index
    %get3A_3 = arith.constant 0 : index
    %get3A_4 = vector.load %arg2[%get3A_2, %get3A_3] : memref<1x512xf32, #tpu.memory_space<vmem>>, vector<1x512xf32>
    %add3A = vector.broadcast %get3A_4 : vector<1x512xf32> to vector<1024x512xf32>
    %add3A_5 = arith.addf %get3A_1, %add3A : vector<1024x512xf32>
    %max3A = arith.constant 0.000000e+00 : f32
    %max3A_6 = vector.broadcast %max3A : f32 to vector<1024x512xf32>
    %max3A_7 = arith.maximumf %add3A_5, %max3A_6 : vector<1024x512xf32>
    %get3A_8 = arith.constant 0 : index
    %get3A_9 = arith.constant 0 : index
    %get3A_10 = vector.load %arg3[%get3A_8, %get3A_9] : memref<512x512xf32, #tpu.memory_space<vmem>>, vector<512x512xf32>
    %dot_general3A = arith.constant dense<0.000000e+00> : vector<1024x512xf32>
    %dot_general3A_11 = tpu.matmul %max3A_7, %get3A_10, %dot_general3A {dimension_numbers = #tpu.dot_dimension_numbers<[1], [0], [0], [1], [0, 0, 1, 1], [], []>, precision = #tpu.contract_precision<fp32>, transpose_lhs_hint = false} : vector<1024x512xf32>, vector<512x512xf32>, vector<1024x512xf32> -> vector<1024x512xf32>
    %get3A_12 = arith.constant 0 : index
    %get3A_13 = arith.constant 0 : index
    %get3A_14 = vector.load %arg4[%get3A_12, %get3A_13] : memref<512x16xf32, #tpu.memory_space<vmem>>, vector<512x16xf32>
    %dot_general3A_15 = arith.constant dense<0.000000e+00> : vector<1024x16xf32>
    %dot_general3A_16 = tpu.matmul %dot_general3A_11, %get3A_14, %dot_general3A_15 {dimension_numbers = #tpu.dot_dimension_numbers<[1], [0], [0], [1], [0, 0, 1, 1], [], []>, precision = #tpu.contract_precision<fp32>, transpose_lhs_hint = false} : vector<1024x512xf32>, vector<512x16xf32>, vector<1024x16xf32> -> vector<1024x16xf32>
    %transpose3A = tpu.transpose %dot_general3A_16, [1, 0] : vector<1024x16xf32> -> vector<16x1024xf32>
    %swap3A = arith.constant 0 : index
    %swap3A_17 = arith.constant 0 : index
    %swap3A_18 = vector.load %arg6[%swap3A, %swap3A_17] : memref<16x1024xf32, #tpu.memory_space<vmem>>, vector<16x1024xf32>
    tpu.vector_store %arg6[%swap3A, %swap3A_17], %transpose3A {strides = array<i32>} : memref<16x1024xf32, #tpu.memory_space<vmem>>, vector<16x1024xf32>,
    %reshape3A = vector.shape_cast %dot_general3A_11 : vector<1024x512xf32> to vector<1024x8x64xf32>
    %transpose3A_19 = tpu.transpose %reshape3A, [1, 0, 2] : vector<1024x8x64xf32> -> vector<8x1024x64xf32>
    %swap3A_20 = arith.constant 0 : index
    %swap3A_21 = arith.constant 0 : index
    %swap3A_22 = arith.constant 0 : index
    %swap3A_23 = vector.load %arg5[%swap3A_20, %swap3A_21, %swap3A_22] : memref<8x1024x64xf32, #tpu.memory_space<vmem>>, vector<8x1024x64xf32>
    tpu.vector_store %arg5[%swap3A_20, %swap3A_21, %swap3A_22], %transpose3A_19 {strides = array<i32>} : memref<8x1024x64xf32, #tpu.memory_space<vmem>>, vector<8x1024x64xf32>,
    return
  }
  func.func @transform_0(%arg0: i32) -> (i32, i32) {
    %c0_i32 = arith.constant 0 : i32
    %c0_i32_0 = arith.constant 0 : i32
    return %arg0, %c0_i32 : i32, i32
  }
  func.func @transform_1(%arg0: i32) -> (i32, i32) {
    %c0_i32 = arith.constant 0 : i32
    %c0_i32_0 = arith.constant 0 : i32
    %c0_i32_1 = arith.constant 0 : i32
    return %c0_i32, %c0_i32_0 : i32, i32
  }
  func.func @transform_2(%arg0: i32) -> (i32, i32) {
    %c0_i32 = arith.constant 0 : i32
    %c0_i32_0 = arith.constant 0 : i32
    %c0_i32_1 = arith.constant 0 : i32
    return %c0_i32, %c0_i32_0 : i32, i32
  }
  func.func @transform_3(%arg0: i32) -> (i32, i32) {
    %c0_i32 = arith.constant 0 : i32
    %c0_i32_0 = arith.constant 0 : i32
    %c0_i32_1 = arith.constant 0 : i32
    return %c0_i32, %c0_i32_0 : i32, i32
  }
  func.func @transform_4(%arg0: i32) -> (i32, i32, i32) {
    %c0_i32 = arith.constant 0 : i32
    %c0_i32_0 = arith.constant 0 : i32
    %c0_i32_1 = arith.constant 0 : i32
    return %c0_i32, %arg0, %c0_i32_0 : i32, i32, i32
  }
  func.func @transform_5(%arg0: i32) -> (i32, i32) {
    %c0_i32 = arith.constant 0 : i32
    %c0_i32_0 = arith.constant 0 : i32
    return %c0_i32, %arg0 : i32, i32
  }
}

module attributes {stable_mosaic.version = 14 : i64} {
  func.func @_proj_kernel(%arg0: i32, %arg1: memref<1024x512xf32, #tpu.memory_space<vmem>>, %arg2: memref<1x512xf32, #tpu.memory_space<vmem>>, %arg3: memref<512x128xf32, #tpu.memory_space<vmem>>, %arg4: memref<128x2xf32, #tpu.memory_space<vmem>>, %arg5: memref<1x1024x128xf32, #tpu.memory_space<vmem>>, %arg6: memref<2x1024xf32, #tpu.memory_space<vmem>>) attributes {dimension_semantics = [#tpu.dimension_semantics<arbitrary>], iteration_bounds = array<i64: 10>, scalar_prefetch = 0 : i64, scratch_operands = 0 : i64, tpu.core_type = #tpu.core_type<tc>, window_params = [{transform_indices = @transform_0, window_bounds = array<i64: 1024, 512>}, {pipeline_mode = #tpu.pipeline_mode<synchronous>, transform_indices = @transform_1, window_bounds = array<i64: 1, 512>}, {pipeline_mode = #tpu.pipeline_mode<synchronous>, transform_indices = @transform_2, window_bounds = array<i64: 512, 128>}, {pipeline_mode = #tpu.pipeline_mode<synchronous>, transform_indices = @transform_3, window_bounds = array<i64: 128, 2>}, {transform_indices = @transform_4, window_bounds = array<i64: 1, 1024, 128>}, {transform_indices = @transform_5, window_bounds = array<i64: 2, 1024>}]} {
    %get3A = arith.constant 0 : index
    %get3A_0 = arith.constant 0 : index
    %get3A_1 = vector.load %arg1[%get3A, %get3A_0] : memref<1024x512xf32, #tpu.memory_space<vmem>>, vector<1024x512xf32>
    %get3A_2 = arith.constant 0 : index
    %get3A_3 = arith.constant 0 : index
    %get3A_4 = vector.load %arg2[%get3A_2, %get3A_3] : memref<1x512xf32, #tpu.memory_space<vmem>>, vector<1x512xf32>
    %add3A = vector.broadcast %get3A_4 : vector<1x512xf32> to vector<1024x512xf32>
    %add3A_5 = arith.addf %get3A_1, %add3A : vector<1024x512xf32>
    %max3A = arith.constant 0.000000e+00 : f32
    %max3A_6 = vector.broadcast %max3A : f32 to vector<1024x512xf32>
    %max3A_7 = arith.maximumf %add3A_5, %max3A_6 : vector<1024x512xf32>
    %get3A_8 = arith.constant 0 : index
    %get3A_9 = arith.constant 0 : index
    %get3A_10 = vector.load %arg3[%get3A_8, %get3A_9] : memref<512x128xf32, #tpu.memory_space<vmem>>, vector<512x128xf32>
    %dot_general3A = arith.constant dense<0.000000e+00> : vector<1024x128xf32>
    %dot_general3A_11 = tpu.matmul %max3A_7, %get3A_10, %dot_general3A {dimension_numbers = #tpu.dot_dimension_numbers<[1], [0], [0], [1], [0, 0, 1, 1], [], []>, precision = #tpu.contract_precision<fp32>, transpose_lhs_hint = false} : vector<1024x512xf32>, vector<512x128xf32>, vector<1024x128xf32> -> vector<1024x128xf32>
    %get3A_12 = arith.constant 0 : index
    %get3A_13 = arith.constant 0 : index
    %get3A_14 = vector.load %arg4[%get3A_12, %get3A_13] : memref<128x2xf32, #tpu.memory_space<vmem>>, vector<128x2xf32>
    %dot_general3A_15 = arith.constant dense<0.000000e+00> : vector<1024x2xf32>
    %dot_general3A_16 = tpu.matmul %dot_general3A_11, %get3A_14, %dot_general3A_15 {dimension_numbers = #tpu.dot_dimension_numbers<[1], [0], [0], [1], [0, 0, 1, 1], [], []>, precision = #tpu.contract_precision<fp32>, transpose_lhs_hint = false} : vector<1024x128xf32>, vector<128x2xf32>, vector<1024x2xf32> -> vector<1024x2xf32>
    %transpose3A = tpu.transpose %dot_general3A_16, [1, 0] : vector<1024x2xf32> -> vector<2x1024xf32>
    %swap3A = arith.constant 0 : index
    %swap3A_17 = arith.constant 0 : index
    %swap3A_18 = vector.load %arg6[%swap3A, %swap3A_17] : memref<2x1024xf32, #tpu.memory_space<vmem>>, vector<2x1024xf32>
    tpu.vector_store %arg6[%swap3A, %swap3A_17], %transpose3A {strides = array<i32>} : memref<2x1024xf32, #tpu.memory_space<vmem>>, vector<2x1024xf32>,
    %reshape3A = vector.shape_cast %dot_general3A_11 : vector<1024x128xf32> to vector<1024x1x128xf32>
    %transpose3A_19 = tpu.transpose %reshape3A, [1, 0, 2] : vector<1024x1x128xf32> -> vector<1x1024x128xf32>
    %swap3A_20 = arith.constant 0 : index
    %swap3A_21 = arith.constant 0 : index
    %swap3A_22 = arith.constant 0 : index
    %swap3A_23 = vector.load %arg5[%swap3A_20, %swap3A_21, %swap3A_22] : memref<1x1024x128xf32, #tpu.memory_space<vmem>>, vector<1x1024x128xf32>
    tpu.vector_store %arg5[%swap3A_20, %swap3A_21, %swap3A_22], %transpose3A_19 {strides = array<i32>} : memref<1x1024x128xf32, #tpu.memory_space<vmem>>, vector<1x1024x128xf32>,
    return
  }
  func.func @transform_0(%arg0: i32) -> (i32, i32) {
    %c0_i32 = arith.constant 0 : i32
    %c0_i32_0 = arith.constant 0 : i32
    return %arg0, %c0_i32 : i32, i32
  }
  func.func @transform_1(%arg0: i32) -> (i32, i32) {
    %c0_i32 = arith.constant 0 : i32
    %c0_i32_0 = arith.constant 0 : i32
    %c0_i32_1 = arith.constant 0 : i32
    return %c0_i32, %c0_i32_0 : i32, i32
  }
  func.func @transform_2(%arg0: i32) -> (i32, i32) {
    %c0_i32 = arith.constant 0 : i32
    %c0_i32_0 = arith.constant 0 : i32
    %c0_i32_1 = arith.constant 0 : i32
    return %c0_i32, %c0_i32_0 : i32, i32
  }
  func.func @transform_3(%arg0: i32) -> (i32, i32) {
    %c0_i32 = arith.constant 0 : i32
    %c0_i32_0 = arith.constant 0 : i32
    %c0_i32_1 = arith.constant 0 : i32
    return %c0_i32, %c0_i32_0 : i32, i32
  }
  func.func @transform_4(%arg0: i32) -> (i32, i32, i32) {
    %c0_i32 = arith.constant 0 : i32
    %c0_i32_0 = arith.constant 0 : i32
    %c0_i32_1 = arith.constant 0 : i32
    return %c0_i32, %arg0, %c0_i32_0 : i32, i32, i32
  }
  func.func @transform_5(%arg0: i32) -> (i32, i32) {
    %c0_i32 = arith.constant 0 : i32
    %c0_i32_0 = arith.constant 0 : i32
    return %c0_i32, %arg0 : i32, i32
  }
}

module attributes {stable_mosaic.version = 14 : i64} {
  func.func @_pool_kernel(%arg0: memref<10240x128xf32, #tpu.memory_space<vmem>>, %arg1: memref<1x128xf32, #tpu.memory_space<vmem>>, %arg2: memref<1x128xf32, #tpu.memory_space<vmem>>) attributes {dimension_semantics = [], scalar_prefetch = 0 : i64, scratch_operands = 0 : i64, tpu.core_type = #tpu.core_type<tc>} {
    %get3A = arith.constant 0 : index
    %get3A_0 = arith.constant 0 : index
    %get3A_1 = vector.load %arg0[%get3A, %get3A_0] : memref<10240x128xf32, #tpu.memory_space<vmem>>, vector<10240x128xf32>
    %reduce_sum3A = arith.constant dense<0.000000e+00> : vector<128xf32>
    %reduce_sum3A_2 = vector.multi_reduction <add>, %get3A_1, %reduce_sum3A [0] : vector<10240x128xf32> to vector<128xf32>
    %broadcast_in_dim3A = vector.shape_cast %reduce_sum3A_2 : vector<128xf32> to vector<1x128xf32>
    %div3A = arith.constant 1.000000e+04 : f32
    %div3A_3 = vector.broadcast %div3A : f32 to vector<1x128xf32>
    %div3A_4 = arith.divf %broadcast_in_dim3A, %div3A_3 : vector<1x128xf32>
    %get3A_5 = arith.constant 0 : index
    %get3A_6 = arith.constant 0 : index
    %get3A_7 = vector.load %arg1[%get3A_5, %get3A_6] : memref<1x128xf32, #tpu.memory_space<vmem>>, vector<1x128xf32>
    %add3A = arith.addf %div3A_4, %get3A_7 : vector<1x128xf32>
    %swap3A = arith.constant 0 : index
    %swap3A_8 = arith.constant 0 : index
    %swap3A_9 = vector.load %arg2[%swap3A, %swap3A_8] : memref<1x128xf32, #tpu.memory_space<vmem>>, vector<1x128xf32>
    tpu.vector_store %arg2[%swap3A, %swap3A_8], %add3A {strides = array<i32>} : memref<1x128xf32, #tpu.memory_space<vmem>>, vector<1x128xf32>,
    return
  }
}

</mosaic_0001>

<sc_bundles>
// kernel: kernel.10.cloned.1.call-start
scs
__scs_entry_jumppad:
0x0: {  	(pc) =	sbr.rel $0x88, $3  }
0x1: {  	(tag) =	ssettag $0x0;
	lr =	simm.s32 $0x1  }
0x2: {  	[smem:$0x3F93] =	sst lr;
	_ =	strace $0xD0000000  }
0x3: {  	_ = 	snop  }
0x4: {  	_ = 	snop  }
0x5: {  	_ = 	snop  }
0x6: {  	_ = 	snop  }
0x7: {  	_ = 	snop  }
__scs_overlays_trampoline_lowered:
0x8: {  	[smem:$0x3FA2] =	sst s0  }
0x9: {  	[smem:$0x3FA3] =	sst s1  }
0xa: {  	[smem:$0x3FA4] =	sst s2  }
0xb: {  	[smem:$0x3FA5] =	sst s3  }
0xc: {  	[smem:$0x3FA6] =	sst s4  }
0xd: {  	[smem:$0x3FA7] =	sst s5  }
0xe: {  	[smem:$0x3FA8] =	sst s6  }
0xf: {  	[smem:$0x3FA9] =	sst s7  }
0x10: {  	[smem:$0x3FAA] =	sst s8  }
0x11: {  	[smem:$0x3FAB] =	sst s9;
	s0 =	simm.s32 @!p0 $0x0  }
0x12: {  	s1 =	sld [smem:$0x3F91];
	s0 =	simm.s32 @p0 $0x1  }
0x13: {  	[smem:$0x3FAC] =	sst s0;
	s0 =	simm.s32 @!p1 $0x0  }
0x14: {  	s2 =	sld [smem:$0x3F90];
	s0 =	simm.s32 @p1 $0x1  }
0x15: {  	[smem:$0x3FAD] =	sst s0;
	s0 =	simm.s32 @!p2 $0x0  }
0x16: {  	s3 =	sld [smem:$0x3FDB];
	s0 =	simm.s32 @p2 $0x1  }
0x17: {  	s4 =	simm.s32 $0x1BF5;
	[smem:$0x3FAF] =	sst s0  }
0x18: {  	s0 =	sld [smem:$0x3F92];
	_ =	swait.ge [sflag:s4], $0x0  }
0x19: {  	s7 =	sld [smem:$0x3F93]  }
0x1a: {  	s8 =	sadd.s32 $0xFFFFE003, lr  }
0x1b: {  	s9 =	sadd.s32 $0xFFFFFEF7, lr;
	s5 =	simm.s32 $0xFFFFFFFF;
	p2 =	slt.u32 s8, $0xFFFFF086  }
0x1c: {  	p1 =	slt.u32 s9, $0xF7A;
	s5 =	simm.s32 @!p2 $0x0  }
0x1d: {  	s5 =	simm.s32 @p1 $0x1;
	p0 =	seq.s32 s7, s2  }
0x1e: {  	s7 =	smul.u32 @!p0 $0xF7A, s2;
	p2 =	seq.s32 @!p0 s5, $0x0  }
0x1f: {  	s9 =	smul.u32 $0xF7A, s1;
	s8 =	simm.s32 @!p0 $0x1BF5;
	p2 =	por !p2, p0  }
0x20: {  	[sflag:s8] =	ssyncset.s32 @!p0 $0xFFFFF086;
	s6 =	sadd.s32 @!p0 s3, s7;
	s7 =	simm.s32 @!p0 $0x108  }
0x21: {  	s3 =	sadd.s32 s3, s9;
	s6 =	sadd.s32 @!p0 $0x88, s6;
	s7 =	simm.s32 @p2 $0x1082  }
0x22: {  	[simem:s7], [sflag:s8] =	dma.local @!p0 [hbm:s6], $0xF7A  }
0x23: {  	s9 =	sor.u32 $0xD0000000, s2;
	s6 =	simm.s32 $0x108;
	_ =	swait.ge @!p0 [sflag:s8], $0x0  }
0x24: {  	s3 =	sadd.s32 $0x88, s3;
	s6 =	simm.s32 @!p1 $0x1082;
	[sflag:s4] =	ssyncset.s32 $0xFFFFF086  }
0x25: {  	[simem:s6], [sflag:s4] =	dma.local [hbm:s3], $0xF7A  }
0x26: {  	[smem:$0x3F93] =	sst s1;
	(tag) =	ssettag s2;
	_ =	strace s9  }
0x27: {  	s1 =	sld [smem:$0x3FA3]  }
0x28: {  	s2 =	sld [smem:$0x3FA4]  }
0x29: {  	s4 =	sld [smem:$0x3FA6]  }
0x2a: {  	p0 =	seq.s32 s5, $0x0;
	s5 =	sld [smem:$0x3FA7]  }
0x2b: {  	s6 =	sld [smem:$0x3FA8]  }
0x2c: {  	s7 =	sld [smem:$0x3FA9]  }
0x2d: {  	s3 =	simm.s32 $0x108;
	s8 =	sld [smem:$0x3FAA]  }
0x2e: {  	s3 =	simm.s32 @!p0 $0x1082;
	s9 =	sld [smem:$0x3FAB]  }
0x2f: {  	lr =	sadd.s32 s0, s3;
	s0 =	sld [smem:$0x3FA2]  }
0x30: {  	s3 =	sld [smem:$0x3FA5]  }
0x31: {  	[smem:$0x3FAE] =	sst s10  }
0x32: {  	s10 =	sld [smem:$0x3FAC];
	_ =	sdelay $0x3  }
0x33: {  	p0 =	seq.s32 s10, $0x1;
	s10 =	sld [smem:$0x3FAE];
	_ =	sdelay $0x3  }
0x34: {  	[smem:$0x3FAE] =	sst s10  }
0x35: {  	s10 =	sld [smem:$0x3FAD];
	_ =	sdelay $0x3  }
0x36: {  	p1 =	seq.s32 s10, $0x1;
	s10 =	sld [smem:$0x3FAE];
	_ =	sdelay $0x3  }
0x37: {  	[smem:$0x3FAE] =	sst s10  }
0x38: {  	s10 =	sld [smem:$0x3FAF]  }
0x39: {  	_ = 	snop;
	(pc) =	sbr.ind lr, $3  }
0x3a: {  	_ = 	snop  }
0x3b: {  	_ = 	snop  }
0x3c: {  	p2 =	seq.s32 s10, $0x1;
	s10 =	sld [smem:$0x3FAE]  }
0x3d: {  	_ =	shalt  }
0x3e: {  	_ =	shalt  }
0x3f: {  	_ =	shalt  }
0x40: {  	_ =	shalt  }
0x41: {  	_ =	shalt  }
0x42: {  	_ =	shalt  }
0x43: {  	_ =	shalt  }
0x44: {  	_ =	shalt  }
0x45: {  	_ =	shalt  }
0x46: {  	_ =	shalt  }
0x47: {  	_ =	shalt  }
0x48: {  	_ =	shalt  }
0x49: {  	_ =	shalt  }
0x4a: {  	_ =	shalt  }
0x4b: {  	_ =	shalt  }
0x4c: {  	_ =	shalt  }
0x4d: {  	_ =	shalt  }
0x4e: {  	_ =	shalt  }
0x4f: {  	_ =	shalt  }
0x50: {  	_ =	shalt  }
0x51: {  	_ =	shalt  }
0x52: {  	_ =	shalt  }
0x53: {  	_ =	shalt  }
0x54: {  	_ =	shalt  }
0x55: {  	_ =	shalt  }
0x56: {  	_ =	shalt  }
0x57: {  	_ =	shalt  }
0x58: {  	_ =	shalt  }
0x59: {  	_ =	shalt  }
0x5a: {  	_ =	shalt  }
0x5b: {  	_ =	shalt  }
0x5c: {  	_ =	shalt  }
0x5d: {  	_ =	shalt  }
0x5e: {  	_ =	shalt  }
0x5f: {  	_ =	shalt  }
0x60: {  	_ =	shalt  }
0x61: {  	_ =	shalt  }
0x62: {  	_ =	shalt  }
0x63: {  	_ =	shalt  }
0x64: {  	_ =	shalt  }
0x65: {  	_ =	shalt  }
0x66: {  	_ =	shalt  }
0x67: {  	_ =	shalt  }
0x68: {  	_ =	shalt  }
0x69: {  	_ =	shalt  }
0x6a: {  	_ =	shalt  }
0x6b: {  	_ =	shalt  }
0x6c: {  	_ =	shalt  }
0x6d: {  	_ =	shalt  }
0x6e: {  	_ =	shalt  }
0x6f: {  	_ =	shalt  }
0x70: {  	_ =	shalt  }
0x71: {  	_ =	shalt  }
0x72: {  	_ =	shalt  }
0x73: {  	_ =	shalt  }
0x74: {  	_ =	shalt  }
0x75: {  	_ =	shalt  }
0x76: {  	_ =	shalt  }
0x77: {  	_ =	shalt  }
0x78: {  	_ =	shalt  }
0x79: {  	_ =	shalt  }
0x7a: {  	_ =	shalt  }
0x7b: {  	_ =	shalt  }
0x7c: {  	_ =	shalt  }
0x7d: {  	_ =	shalt  }
0x7e: {  	_ =	shalt  }
0x7f: {  	_ =	shalt  }
0x80: {  	_ =	shalt  }
0x81: {  	_ =	shalt  }
0x82: {  	_ =	shalt  }
0x83: {  	_ =	shalt  }
0x84: {  	_ =	shalt  }
0x85: {  	_ =	shalt  }
0x86: {  	_ =	shalt  }
0x87: {  	_ =	shalt  }
.Lfunc_end0:
.L_simem_size_0:
called_computation_lowered:
.L_overlay_start_0:
0x88: {  	s2 =	sld [smem:$0x3FD9]  }
0x89: {  	s3 =	sld [smem:$0x3FFE];
	_ =	sdelay $0x1  }
0x8a: {  	s1 =	srdreg.scid  }
0x8b: {  	s0 =	sand.u32 $0x1, s1  }
0x8c: {  	s16 =	sshll.u32 s0, $0xA;
	s2 =	sadd.s32 s3, s2  }
0x8d: {  	s2 =	sadd.s32 s2, s16  }
0x8e: {  	[smem:$0x3FBA] =	sst s2  }
0x8f: {  	_ = 	snop  }
0x90: {  	(tm) =	ssettm $0x1  }
0x91: {  	s17 =	sld [smem:$0x3FFB];
	_ =	sdelay $0x3  }
0x92: {  	_ =	strace s17  }
0x93: {  	s2 =	sld [smem:$0x3FFC];
	_ =	sdelay $0x3  }
0x94: {  	_ =	strace s2  }
0x95: {  	s2 =	sld [smem:$0x3FFD];
	_ =	sdelay $0x3  }
0x96: {  	_ =	strace s2  }
0x97: {  	_ =	strace $0x8FFFFFFF  }
0x98: {  	s18 =	sld [smem:$0x3FDB];
	_ =	sdelay $0x1  }
0x99: {  	s19 =	simm.s32 $_scs_section_size  }
0x9a: {  	s4 =	simm.s32 $_size__tile_overlayer_lowered;
	s5 =	simm.s32 $_tile_overlayer_lowered  }
0x9b: {  	s22 =	simm.s32 $0x1BFF;
	s21 =	sshll.u32 s5, $0x1;
	s2 =	sadd.s32 s19, s18  }
0x9c: {  	s6 =	simm.s32 $0x0;
	s20 =	sshll.u32 s4, $0x1;
	s4 =	sadd.s32 s21, s2  }
0x9d: {  	[timem:s6], [sflag:s22] =	dma.local [hbm:s4], s20  }
0x9e: {  	_ =	swait.ge [sflag:s22], s20  }
0x9f: {  	s3 =	ssub.s32 $0x0, s20;
	[sflag:s22] =	ssyncset.done $0x0  }
0xa0: {  	[sflag:s22] =	ssyncadd.s32 s3;
	_ =	sdelay $0x1  }
0xa1: {  	s23 =	simm.s32 $0x1B8B  }
0xa2: {  	_ =	swait.ge [sflag:s23], $0x1  }
0xa3: {  	[sflag:s23] =	ssyncset.done $0x0  }
0xa4: {  	s25 =	simm.s32 $0x1B8E;
	s24 =	sld [smem:$0x3FFE];
	[sflag:s23] =	ssyncadd.s32 $0xFFFFFFFF  }
0xa5: {  	s26 =	simm.s32 $execute0_lowered;
	[smem:$0x3FD2] =	sst s25  }
0xa6: {  	s4 =	sshll.u32 s26, $0x1;
	_ =	strace $0x80000046;
	[dreg:$0x1] =	wrdreg $0xFFFFFFFF  }
0xa7: {  	s28 =	simm.s32 $_size_execute0_lowered;
	s2 =	sadd.s32 s2, s4;
	[dreg:$0x0] =	wrdreg $0x0  }
0xa8: {  	s4 =	sshll.u32 s28, $0x1;
	[dreg:$0x2] =	wrdreg s2  }
0xa9: {  	[dreg:$0x3] =	wrdreg s4  }
0xaa: {  	[dreg:$0x4] =	wrdreg $0xC0  }
0xab: {  	_ =	task [dreg:s6], $0x5FFFF  }
0xac: {  	[dreg:$0x1] =	wrdreg $0xFFFFFFFF  }
0xad: {  	[dreg:$0x0] =	wrdreg $0x60  }
0xae: {  	[dreg:$0x2] =	wrdreg s24  }
0xaf: {  	[dreg:$0x3] =	wrdreg $0x9  }
0xb0: {  	_ =	task.clear_ibuf [dreg:s6], $0x4FFFF;
	_ =	strace $0x90000046  }
0xb1: {  	s29 =	simm.s32 $0x9;
	_ =	strace $0x80000048  }
0xb2: {  	_ =	swait.ge [sflag:s29], $0x1  }
0xb3: {  	[sflag:s29] =	ssyncadd.s32 $0xFFFFFFFF  }
0xb4: {  	_ =	strace $0x90000048  }
0xb5: {  	_ =	sfence  }
0xb6: {  	s30 =	sld [smem:$0x0];
	_ =	sdelay $0x2  }
0xb7: {  	s31 =	sshll.u32 s1, $0xD;
	s1 =	sshrl.u32 s1, $0x2  }
0xb8: {  	s3 =	sand.u32 $0x4000, s31;
	s1 =	sadd.s32 s1, s30  }
0xb9: {  	s0 =	sor.u32 s3, s0;
	s1 =	sshll.u32 s1, $0x11  }
0xba: {  	s0 =	sor.u32 s1, s0  }
0xbb: {  	s0 =	sadd.s32 $0x8F2B, s0  }
0xbc: {  	[sflag:s0] =	ssyncadd.remote.s32 $0x1  }
0xbd: {  	_ =	sfence.sel $0xFFFF  }
0xbe: {  	[dreg:$0x0] =	wrdreg $0xFFFFFFFF;
	(pc) =	sbr.abs _section_cstart, $3  }
0xbf: {  	[dreg:$0x1] =	wrdreg $0xFFFFFFFF  }
0xc0: {  	_ =	task.clear_ibuf [dreg:s6], $0x2FFFF;
	_ =	strace $0x9FFFFFFF  }
0xc1: {  	(tm) =	ssettm $0x7FFFFFFF  }
tec
execute0_lowered:
.L_overlay_start_1:
0x0: {  	(tag) =	ssettag $0x1  }
0x1: {  	s5 =	rddreg [dreg:$0x0]  }
0x2: {  	s0 =	rddreg [dreg:$0x1]  }
0x3: {  	s3 =	srdreg.scid;
	s1 =	stileid.u32;
	s2 =	simm.s32 $0x0  }
0x4: {  	s10 =	simm.s32 $0x1000;
	s6 =	sand.u32 $0x1, s3;
	s30 =	sshll.u32 s1, $0x1  }
0x5: {  	s11 =	simm.s32 $0x3B00;
	s12 =	simm.s32 $0x0;
	s7 =	sor.u32 s6, s30  }
0x6: {  	[smem:$0x7FF] =	sst s2;
	s6 =	ssub.s32 $0x2, s6;
	s8 =	smul.u32 $0x550, s7  }
0x7: {  	s3 =	sadd.s32 $0xD800, s5;
	s31 =	sshrl.u32 s6, $0x1;
	s7 =	smul.u32 $0xFFFFFEC0, s7  }
0x8: {  	s4 =	sadd.s32 $0x3A00, s5;
	_ =	strace $0x80000047;
	s9 =	ssub.s32 s6, s31  }
0x9: {  	s8 =	sadd.s32 s8, s5;
	v0 =	vmov s7;
	s7 =	smax.u32 s9, $0x1;
	s9 =	simm.s32 $0x800  }
0xa: {  	v1 =	vimm.s32 $0x0;
	v2 =	vimm.s32 $0x140;
	vm0 =	vmxor vm0, vm0;
	s5 =	sadd.s32 $0x17600, s8;
	s6 =	sadd.s32 $0x22000, s8;
	s8 =	simm.s32 $0x1  }
.LBB2_1:
0xb: {  	s13 =	simm.s32 $0x40;
	s14 =	simm.s32 $0x0  }
.LBB2_2:
0xc: {  	p0 =	sne.s32 s13, $0xAA00;
	[tilespmem:s14+$0x1000] =	vst v1;
	s14 =	smov.u32 s13;
	s13 =	sadd.s32 $0x40, s13  }
.Ltmp0:
0xd: {  	(pc) =	sbr.rel @p0 .LBB2_2-.Ltmp0, $2  }
0xe: {  	_ =	sdelay $0x2  }
0xf: {  	s14 =	sshra.s32 s14, $0x2  }
0x10: {  	[tilespmem:s14+$0x1000] =	vst v1;
	s14 =	simm.s32 $0x0;
	s13 =	simm.s32 $0x40;
	s15 =	simm.s32 $0x0  }
.LBB2_4:
0x11: {  	p0 =	sne.s32 s13, $0xAA00;
	[tilespmem:s15+$0x3B00] =	vst v2;
	s15 =	smov.u32 s13;
	s13 =	sadd.s32 $0x40, s13  }
.Ltmp1:
0x12: {  	(pc) =	sbr.rel @p0 .LBB2_4-.Ltmp1, $2  }
0x13: {  	_ =	sdelay $0x2  }
0x14: {  	s15 =	sshra.s32 s15, $0x2  }
0x15: {  	[tilespmem:s15+$0x3B00] =	vst v2;
	s13 =	simm.s32 $0x0  }
.LBB2_6:
0x16: {  	s15 =	smul.u32 $0xFA, s13;
	_ =	sdelay $0x1  }
0x17: {  	s17 =	simm.s32 $0x0;
	s16 =	sadd.s32 s3, s15  }
0x18: {  	[tilespmem:s17], [sflag:$0x1] =	stream.linear.gather [hbm4b:s16+s17], $0x7D0, $0x38;
	[tilespmem:$0x6600] =	vst v63  }
0x19: {  	_ =	swait.ge [sflag:s8], $0x7D0  }
0x1a: {  	[sflag:s8] =	ssyncset.done $0x0  }
0x1b: {  	s15 =	sadd.s32 s4, s15;
	[sflag:s8] =	ssyncadd.s32 $0xFFFFF830  }
0x1c: {  	[tilespmem:s9], [sflag:$0x1] =	stream.linear.gather [hbm4b:s15+s17], $0x7D0, $0x38;
	[tilespmem:$0x6600] =	vst v63  }
0x1d: {  	_ =	swait.ge [sflag:s8], $0x7D0  }
0x1e: {  	[sflag:s8] =	ssyncset.done $0x0  }
0x1f: {  	s31 =	simm.s32 $0x0;
	[sflag:s8] =	ssyncadd.s32 $0xFFFFF830  }
0x20: {  	v3 =	vld [tilespmem:s31+$0x800];
	_ =	sdelay $0x4  }
0x21: {  	p0 =	slt.s32 s14, $0x2A71;
	vm1 =	vmmov vm0;
	v3 =	vadd.s32 v0, v3  }
0x22: {  	vm1 =	vmneg @p0 vm1;
	vm2 =	vlt.u32 v3, $0x140  }
0x23: {  	vm1 =	vmand vm1, vm2  }
0x24: {  	v4 =	vsel vm1, $0x1, v1  }
0x25: {  	(xrf0) =	vadd.scan.msk.s32 $0xffff, v4;
	_ =	sdelay $0x5  }
0x26: {  	v5, _, _ =	vpop (xrf0)  }
0x27: {  	v6 =	vxor.u32 $0x80000000, v5  }
0x28: {  	(xrf0) =	vmax.scan.msk.u32 $0xffff, v6;
	_ =	sdelay $0x5  }
0x29: {  	v63, _, _ =	vpop (xrf0)  }
0x2a: {  	p0 =	slt.s32 s14, $0x2A70;
	s16 =	smov.u32 s14;
	(v2sf) =	vpush v63, $0xF  }
0x2b: {  	s16 =	simm.s32 @!p0 $0x2A70  }
0x2c: {  	v61 =	vmov s16  }
0x2d: {  	v4 =	vadd.s32 $0xFFFFFFFF, v61  }
0x2e: {  	v4 =	vbroadcast v4, $0x0;
	_ =	sdelay $0x1  }
0x2f: {  	v62 =	vld [tilespmem:s31+$0x0];
	v4 =	vadd.s32 v5, v4;
	_ =	sdelay $0x4  }
0x30: {  	[tilespmem:v4+s10+$0x0] =	vst.idx.msk vm1, v62  }
0x31: {  	s16 =	simm.s32 $0x10;
	s15 =	simm.s32 $0x80;
	[tilespmem:v4+s11+$0x0] =	vst.idx.msk vm1, v3  }
.LBB2_7:
0x32: {  	p0 =	sne.s32 s15, $0x1F00;
	v3 =	vld [tilespmem:s16+$0x800];
	_ =	sdelay $0x1  }
0x33: {  	s17 =	spop (v2sf)  }
0x34: {  	s14 =	sadd.s32 s17, s14  }
0x35: {  	s14 =	sadd.s32 $0x80000000, s14  }
0x36: {  	vm2 =	vmmov vm0;
	v3 =	vadd.s32 v0, v3;
	p1 =	slt.s32 s14, $0x2A71;
	p2 =	slt.s32 s14, $0x2A70;
	s17 =	smov.u32 s14  }
0x37: {  	vm1 =	vlt.u32 v3, $0x140;
	vm2 =	vmneg @p1 vm2;
	s17 =	simm.s32 @!p2 $0x2A70  }
0x38: {  	vm1 =	vmand vm2, vm1;
	v4 =	vmov s17  }
0x39: {  	v5 =	vsel vm1, $0x1, v1;
	v4 =	vadd.s32 $0xFFFFFFFF, v4  }
0x3a: {  	v4 =	vbroadcast v4, $0x0;
	(xrf0) =	vadd.scan.msk.s32 $0xffff, v5;
	_ =	sdelay $0x5  }
0x3b: {  	v5, _, _ =	vpop (xrf0)  }
0x3c: {  	v6 =	vld [tilespmem:s16+$0x0];
	v4 =	vadd.s32 v5, v4;
	v5 =	vxor.u32 $0x80000000, v5  }
0x3d: {  	(xrf0) =	vmax.scan.msk.u32 $0xffff, v5;
	_ =	sdelay $0x3  }
0x3e: {  	[tilespmem:v4+s10+$0x0] =	vst.idx.msk vm1, v6  }
0x3f: {  	[tilespmem:v4+s11+$0x0] =	vst.idx.msk vm1, v3  }
0x40: {  	v3, _, _ =	vpop (xrf0)  }
0x41: {  	(v2sf) =	vpush v3, $0xF;
	_ =	sdelay $0x7  }
.Ltmp2:
0x42: {  	(pc) =	sbr.rel @p0 .LBB2_7-.Ltmp2, $2  }
0x43: {  	_ =	sdelay $0x2  }
0x44: {  	s16 =	sshra.s32 s15, $0x2;
	s15 =	sadd.s32 $0x40, s15  }
0x45: {  	v3 =	vld [tilespmem:s16+$0x800];
	_ =	sdelay $0x1  }
0x46: {  	s15 =	spop (v2sf)  }
0x47: {  	s14 =	sadd.s32 s15, s14  }
0x48: {  	s14 =	sadd.s32 $0x80000000, s14  }
0x49: {  	vm1 =	vmmov vm0;
	v3 =	vadd.s32 v0, v3;
	p0 =	slt.s32 s14, $0x2A71  }
0x4a: {  	vm2 =	vlt.u32 v3, $0x140;
	vm1 =	vmneg @p0 vm1  }
0x4b: {  	vm1 =	vmand vm1, vm2  }
0x4c: {  	v4 =	vsel vm1, $0x1, v1  }
0x4d: {  	(xrf0) =	vadd.scan.msk.s32 $0xffff, v4;
	_ =	sdelay $0x5  }
0x4e: {  	v4, _, _ =	vpop (xrf0)  }
0x4f: {  	v5 =	vxor.u32 $0x80000000, v4  }
0x50: {  	(xrf0) =	vmax.scan.msk.u32 $0xffff, v5;
	_ =	sdelay $0x5  }
0x51: {  	v5, _, _ =	vpop (xrf0)  }
0x52: {  	(v2sf) =	vpush v5, $0xF;
	_ =	sdelay $0x4  }
0x53: {  	s15 =	smov.u32 s14;
	p0 =	slt.s32 s14, $0x2A70  }
0x54: {  	s15 =	simm.s32 @!p0 $0x2A70  }
0x55: {  	v63 =	vmov s15  }
0x56: {  	v5 =	vadd.s32 $0xFFFFFFFF, v63  }
0x57: {  	v5 =	vbroadcast v5, $0x0;
	_ =	sdelay $0x1  }
0x58: {  	v6 =	vld [tilespmem:s16+$0x0];
	s13 =	sadd.s32 $0x1, s13;
	v4 =	vadd.s32 v4, v5  }
0x59: {  	p0 =	sne.s32 s13, $0xA0  }
.Ltmp3:
0x5a: {  	_ = 	snop;
	(pc) =	sbr.rel @p0 .LBB2_6-.Ltmp3, $4  }
0x5b: {  	_ = 	snop  }
0x5c: {  	s31 =	spop (v2sf)  }
0x5d: {  	[tilespmem:v4+s10+$0x0] =	vst.idx.msk vm1, v6;
	s14 =	sadd.s32 s31, s14  }
0x5e: {  	[tilespmem:v4+s11+$0x0] =	vst.idx.msk vm1, v3;
	s14 =	sadd.s32 $0x80000000, s14  }
0x5f: {  	[hbm4b:s5+s2] =	stream.linear.scatter [tilespmem:s10], [sflag:$0x1], $0x2A80, $0x38;
	[tilespmem:$0x6600] =	vst v63  }
0x60: {  	s12 =	sadd.s32 $0x1, s12;
	_ =	swait.ge [sflag:s8], $0x2A80  }
0x61: {  	p0 =	sne.s32 s12, s7;
	[sflag:s8] =	ssyncset.done $0x0  }
.Ltmp4:
0x62: {  	[sflag:s8] =	ssyncadd.s32 $0xFFFFD580;
	(pc) =	sbr.rel @p0 .LBB2_1-.Ltmp4, $4  }
0x63: {  	[hbm4b:s6+s2] =	stream.linear.scatter [tilespmem:s11], [sflag:$0x1], $0x2A80, $0x38;
	[tilespmem:$0x6600] =	vst v63  }
0x64: {  	_ =	swait.ge [sflag:s8], $0x2A80  }
0x65: {  	[sflag:s8] =	ssyncset.done $0x0  }
0x66: {  	[sflag:s8] =	ssyncadd.s32 $0xFFFFD580  }
0x67: {  	_ =	sfence.sel $0x180000  }
0x68: {  	[bflag:$0x0] =	sbarrier.arrive $0xFFFF  }
0x69: {  	p0 =	sne.s32 s1, $0x0;
	_ =	strace $0x90000047  }
0x6a: {  	s0 =	sadd.s32 @!p0 $0x100000, s0;
	[bflag:$0x2] =	sbarrier.arrive $0xFFFF  }
0x6b: {  	[sflag:s0] =	ssyncadd.tile.s32 @!p0 $0x1;
	_ =	shalt  }
.Lfunc_end2:
_tile_overlayer_lowered:
.L_overlay_start_2:
0x6c: {  	(tag) =	ssettag $0x2  }
0x6d: {  	s0 =	rddreg [dreg:$0x0];
	s2 =	stileid.u32  }
0x6e: {  	s1 =	rddreg [dreg:$0x1];
	p0 =	sne.s32 s2, $0x0  }
0x6f: {  	s3 =	rddreg [dreg:$0x2];
	[bflag:$0x3] =	sbarrier.arrive $0xFFFF;
	s2 =	simm.s32 @!p0 $0x1C01  }
0x70: {  	[timem:s3], [sflag:s2] =	dma.local @!p0 [hbm:s0], s1  }
0x71: {  	s0 =	simm.s32 @!p0 $0x1  }
0x72: {  	_ =	swait.ge @!p0 [sflag:s0], s1  }
0x73: {  	s1 =	ssub.s32 @!p0 $0x0, s1;
	[sflag:s0] =	ssyncset.done @!p0 $0x0  }
0x74: {  	[sflag:s0] =	ssyncadd.s32 @!p0 s1  }
0x75: {  	[bflag:$0x3] =	sbarrier.arrive $0xFFFF  }
0x76: {  	_ =	shalt  }

// kernel: kernel.13.cloned.1.call-start
scs
__scs_entry_jumppad:
0x0: {  	(pc) =	sbr.rel $0x88, $3  }
0x1: {  	(tag) =	ssettag $0x0;
	lr =	simm.s32 $0x1  }
0x2: {  	[smem:$0x3F93] =	sst lr;
	_ =	strace $0xD0000000  }
0x3: {  	_ = 	snop  }
0x4: {  	_ = 	snop  }
0x5: {  	_ = 	snop  }
0x6: {  	_ = 	snop  }
0x7: {  	_ = 	snop  }
__scs_overlays_trampoline_lowered:
0x8: {  	[smem:$0x3FA2] =	sst s0  }
0x9: {  	[smem:$0x3FA3] =	sst s1  }
0xa: {  	[smem:$0x3FA4] =	sst s2  }
0xb: {  	[smem:$0x3FA5] =	sst s3  }
0xc: {  	[smem:$0x3FA6] =	sst s4  }
0xd: {  	[smem:$0x3FA7] =	sst s5  }
0xe: {  	[smem:$0x3FA8] =	sst s6  }
0xf: {  	[smem:$0x3FA9] =	sst s7  }
0x10: {  	[smem:$0x3FAA] =	sst s8  }
0x11: {  	[smem:$0x3FAB] =	sst s9;
	s0 =	simm.s32 @!p0 $0x0  }
0x12: {  	s1 =	sld [smem:$0x3F91];
	s0 =	simm.s32 @p0 $0x1  }
0x13: {  	[smem:$0x3FAC] =	sst s0;
	s0 =	simm.s32 @!p1 $0x0  }
0x14: {  	s2 =	sld [smem:$0x3F90];
	s0 =	simm.s32 @p1 $0x1  }
0x15: {  	[smem:$0x3FAD] =	sst s0;
	s0 =	simm.s32 @!p2 $0x0  }
0x16: {  	s3 =	sld [smem:$0x3FDB];
	s0 =	simm.s32 @p2 $0x1  }
0x17: {  	s4 =	simm.s32 $0x1BF5;
	[smem:$0x3FAF] =	sst s0  }
0x18: {  	s0 =	sld [smem:$0x3F92];
	_ =	swait.ge [sflag:s4], $0x0  }
0x19: {  	s7 =	sld [smem:$0x3F93]  }
0x1a: {  	s8 =	sadd.s32 $0xFFFFE003, lr  }
0x1b: {  	s9 =	sadd.s32 $0xFFFFFEF7, lr;
	s5 =	simm.s32 $0xFFFFFFFF;
	p2 =	slt.u32 s8, $0xFFFFF086  }
0x1c: {  	p1 =	slt.u32 s9, $0xF7A;
	s5 =	simm.s32 @!p2 $0x0  }
0x1d: {  	s5 =	simm.s32 @p1 $0x1;
	p0 =	seq.s32 s7, s2  }
0x1e: {  	s7 =	smul.u32 @!p0 $0xF7A, s2;
	p2 =	seq.s32 @!p0 s5, $0x0  }
0x1f: {  	s9 =	smul.u32 $0xF7A, s1;
	s8 =	simm.s32 @!p0 $0x1BF5;
	p2 =	por !p2, p0  }
0x20: {  	[sflag:s8] =	ssyncset.s32 @!p0 $0xFFFFF086;
	s6 =	sadd.s32 @!p0 s3, s7;
	s7 =	simm.s32 @!p0 $0x108  }
0x21: {  	s3 =	sadd.s32 s3, s9;
	s6 =	sadd.s32 @!p0 $0x88, s6;
	s7 =	simm.s32 @p2 $0x1082  }
0x22: {  	[simem:s7], [sflag:s8] =	dma.local @!p0 [hbm:s6], $0xF7A  }
0x23: {  	s9 =	sor.u32 $0xD0000000, s2;
	s6 =	simm.s32 $0x108;
	_ =	swait.ge @!p0 [sflag:s8], $0x0  }
0x24: {  	s3 =	sadd.s32 $0x88, s3;
	s6 =	simm.s32 @!p1 $0x1082;
	[sflag:s4] =	ssyncset.s32 $0xFFFFF086  }
0x25: {  	[simem:s6], [sflag:s4] =	dma.local [hbm:s3], $0xF7A  }
0x26: {  	[smem:$0x3F93] =	sst s1;
	(tag) =	ssettag s2;
	_ =	strace s9  }
0x27: {  	s1 =	sld [smem:$0x3FA3]  }
0x28: {  	s2 =	sld [smem:$0x3FA4]  }
0x29: {  	s4 =	sld [smem:$0x3FA6]  }
0x2a: {  	p0 =	seq.s32 s5, $0x0;
	s5 =	sld [smem:$0x3FA7]  }
0x2b: {  	s6 =	sld [smem:$0x3FA8]  }
0x2c: {  	s7 =	sld [smem:$0x3FA9]  }
0x2d: {  	s3 =	simm.s32 $0x108;
	s8 =	sld [smem:$0x3FAA]  }
0x2e: {  	s3 =	simm.s32 @!p0 $0x1082;
	s9 =	sld [smem:$0x3FAB]  }
0x2f: {  	lr =	sadd.s32 s0, s3;
	s0 =	sld [smem:$0x3FA2]  }
0x30: {  	s3 =	sld [smem:$0x3FA5]  }
0x31: {  	[smem:$0x3FAE] =	sst s10  }
0x32: {  	s10 =	sld [smem:$0x3FAC];
	_ =	sdelay $0x3  }
0x33: {  	p0 =	seq.s32 s10, $0x1;
	s10 =	sld [smem:$0x3FAE];
	_ =	sdelay $0x3  }
0x34: {  	[smem:$0x3FAE] =	sst s10  }
0x35: {  	s10 =	sld [smem:$0x3FAD];
	_ =	sdelay $0x3  }
0x36: {  	p1 =	seq.s32 s10, $0x1;
	s10 =	sld [smem:$0x3FAE];
	_ =	sdelay $0x3  }
0x37: {  	[smem:$0x3FAE] =	sst s10  }
0x38: {  	s10 =	sld [smem:$0x3FAF]  }
0x39: {  	_ = 	snop;
	(pc) =	sbr.ind lr, $3  }
0x3a: {  	_ = 	snop  }
0x3b: {  	_ = 	snop  }
0x3c: {  	p2 =	seq.s32 s10, $0x1;
	s10 =	sld [smem:$0x3FAE]  }
0x3d: {  	_ =	shalt  }
0x3e: {  	_ =	shalt  }
0x3f: {  	_ =	shalt  }
0x40: {  	_ =	shalt  }
0x41: {  	_ =	shalt  }
0x42: {  	_ =	shalt  }
0x43: {  	_ =	shalt  }
0x44: {  	_ =	shalt  }
0x45: {  	_ =	shalt  }
0x46: {  	_ =	shalt  }
0x47: {  	_ =	shalt  }
0x48: {  	_ =	shalt  }
0x49: {  	_ =	shalt  }
0x4a: {  	_ =	shalt  }
0x4b: {  	_ =	shalt  }
0x4c: {  	_ =	shalt  }
0x4d: {  	_ =	shalt  }
0x4e: {  	_ =	shalt  }
0x4f: {  	_ =	shalt  }
0x50: {  	_ =	shalt  }
0x51: {  	_ =	shalt  }
0x52: {  	_ =	shalt  }
0x53: {  	_ =	shalt  }
0x54: {  	_ =	shalt  }
0x55: {  	_ =	shalt  }
0x56: {  	_ =	shalt  }
0x57: {  	_ =	shalt  }
0x58: {  	_ =	shalt  }
0x59: {  	_ =	shalt  }
0x5a: {  	_ =	shalt  }
0x5b: {  	_ =	shalt  }
0x5c: {  	_ =	shalt  }
0x5d: {  	_ =	shalt  }
0x5e: {  	_ =	shalt  }
0x5f: {  	_ =	shalt  }
0x60: {  	_ =	shalt  }
0x61: {  	_ =	shalt  }
0x62: {  	_ =	shalt  }
0x63: {  	_ =	shalt  }
0x64: {  	_ =	shalt  }
0x65: {  	_ =	shalt  }
0x66: {  	_ =	shalt  }
0x67: {  	_ =	shalt  }
0x68: {  	_ =	shalt  }
0x69: {  	_ =	shalt  }
0x6a: {  	_ =	shalt  }
0x6b: {  	_ =	shalt  }
0x6c: {  	_ =	shalt  }
0x6d: {  	_ =	shalt  }
0x6e: {  	_ =	shalt  }
0x6f: {  	_ =	shalt  }
0x70: {  	_ =	shalt  }
0x71: {  	_ =	shalt  }
0x72: {  	_ =	shalt  }
0x73: {  	_ =	shalt  }
0x74: {  	_ =	shalt  }
0x75: {  	_ =	shalt  }
0x76: {  	_ =	shalt  }
0x77: {  	_ =	shalt  }
0x78: {  	_ =	shalt  }
0x79: {  	_ =	shalt  }
0x7a: {  	_ =	shalt  }
0x7b: {  	_ =	shalt  }
0x7c: {  	_ =	shalt  }
0x7d: {  	_ =	shalt  }
0x7e: {  	_ =	shalt  }
0x7f: {  	_ =	shalt  }
0x80: {  	_ =	shalt  }
0x81: {  	_ =	shalt  }
0x82: {  	_ =	shalt  }
0x83: {  	_ =	shalt  }
0x84: {  	_ =	shalt  }
0x85: {  	_ =	shalt  }
0x86: {  	_ =	shalt  }
0x87: {  	_ =	shalt  }
.Lfunc_end0:
.L_simem_size_0:
called_computation.1_lowered:
.L_overlay_start_0:
0x88: {  	s2 =	sld [smem:$0x3FD9]  }
0x89: {  	s3 =	sld [smem:$0x3FFE];
	_ =	sdelay $0x1  }
0x8a: {  	s1 =	srdreg.scid  }
0x8b: {  	s0 =	sand.u32 $0x1, s1  }
0x8c: {  	s16 =	sshll.u32 s0, $0xA;
	s2 =	sadd.s32 s3, s2  }
0x8d: {  	s2 =	sadd.s32 s2, s16  }
0x8e: {  	[smem:$0x3FBA] =	sst s2  }
0x8f: {  	_ = 	snop  }
0x90: {  	(tm) =	ssettm $0x1  }
0x91: {  	s17 =	sld [smem:$0x3FFB];
	_ =	sdelay $0x3  }
0x92: {  	_ =	strace s17  }
0x93: {  	s2 =	sld [smem:$0x3FFC];
	_ =	sdelay $0x3  }
0x94: {  	_ =	strace s2  }
0x95: {  	s2 =	sld [smem:$0x3FFD];
	_ =	sdelay $0x3  }
0x96: {  	_ =	strace s2  }
0x97: {  	_ =	strace $0x8FFFFFFF  }
0x98: {  	s18 =	sld [smem:$0x3FDB];
	_ =	sdelay $0x1  }
0x99: {  	s19 =	simm.s32 $_scs_section_size  }
0x9a: {  	s4 =	simm.s32 $_size__tile_overlayer_lowered;
	s5 =	simm.s32 $_tile_overlayer_lowered  }
0x9b: {  	s22 =	simm.s32 $0x1BFF;
	s21 =	sshll.u32 s5, $0x1;
	s2 =	sadd.s32 s19, s18  }
0x9c: {  	s6 =	simm.s32 $0x0;
	s20 =	sshll.u32 s4, $0x1;
	s4 =	sadd.s32 s21, s2  }
0x9d: {  	[timem:s6], [sflag:s22] =	dma.local [hbm:s4], s20  }
0x9e: {  	_ =	swait.ge [sflag:s22], s20  }
0x9f: {  	s3 =	ssub.s32 $0x0, s20;
	[sflag:s22] =	ssyncset.done $0x0  }
0xa0: {  	[sflag:s22] =	ssyncadd.s32 s3;
	_ =	sdelay $0x1  }
0xa1: {  	s23 =	simm.s32 $0x1B8B  }
0xa2: {  	_ =	swait.ge [sflag:s23], $0x1  }
0xa3: {  	[sflag:s23] =	ssyncset.done $0x0  }
0xa4: {  	s25 =	simm.s32 $0x1B8E;
	s24 =	sld [smem:$0x3FFE];
	[sflag:s23] =	ssyncadd.s32 $0xFFFFFFFF  }
0xa5: {  	s26 =	simm.s32 $execute0_lowered;
	[smem:$0x3FD2] =	sst s25  }
0xa6: {  	s4 =	sshll.u32 s26, $0x1;
	_ =	strace $0x80000049;
	[dreg:$0x1] =	wrdreg $0xFFFFFFFF  }
0xa7: {  	s28 =	simm.s32 $_size_execute0_lowered;
	s2 =	sadd.s32 s2, s4;
	[dreg:$0x0] =	wrdreg $0x0  }
0xa8: {  	s4 =	sshll.u32 s28, $0x1;
	[dreg:$0x2] =	wrdreg s2  }
0xa9: {  	[dreg:$0x3] =	wrdreg s4  }
0xaa: {  	[dreg:$0x4] =	wrdreg $0xC0  }
0xab: {  	_ =	task [dreg:s6], $0x5FFFF  }
0xac: {  	[dreg:$0x1] =	wrdreg $0xFFFFFFFF  }
0xad: {  	[dreg:$0x0] =	wrdreg $0x60  }
0xae: {  	[dreg:$0x2] =	wrdreg s24  }
0xaf: {  	[dreg:$0x3] =	wrdreg $0x9  }
0xb0: {  	_ =	task.clear_ibuf [dreg:s6], $0x4FFFF;
	_ =	strace $0x90000049  }
0xb1: {  	s29 =	simm.s32 $0x9;
	_ =	strace $0x8000004B  }
0xb2: {  	_ =	swait.ge [sflag:s29], $0x1  }
0xb3: {  	[sflag:s29] =	ssyncadd.s32 $0xFFFFFFFF  }
0xb4: {  	_ =	strace $0x9000004B  }
0xb5: {  	_ =	sfence  }
0xb6: {  	s30 =	sld [smem:$0x0];
	_ =	sdelay $0x2  }
0xb7: {  	s31 =	sshll.u32 s1, $0xD;
	s1 =	sshrl.u32 s1, $0x2  }
0xb8: {  	s3 =	sand.u32 $0x4000, s31;
	s1 =	sadd.s32 s1, s30  }
0xb9: {  	s0 =	sor.u32 s3, s0;
	s1 =	sshll.u32 s1, $0x11  }
0xba: {  	s0 =	sor.u32 s1, s0  }
0xbb: {  	s0 =	sadd.s32 $0x8F2B, s0  }
0xbc: {  	[sflag:s0] =	ssyncadd.remote.s32 $0x1  }
0xbd: {  	_ =	sfence.sel $0xFFFF  }
0xbe: {  	[dreg:$0x0] =	wrdreg $0xFFFFFFFF;
	(pc) =	sbr.abs _section_cstart, $3  }
0xbf: {  	[dreg:$0x1] =	wrdreg $0xFFFFFFFF  }
0xc0: {  	_ =	task.clear_ibuf [dreg:s6], $0x2FFFF;
	_ =	strace $0x9FFFFFFF  }
0xc1: {  	(tm) =	ssettm $0x7FFFFFFF  }
tec
execute0_lowered:
.L_overlay_start_1:
0x0: {  	(tag) =	ssettag $0x1  }
0x1: {  	s0 =	srdreg.scid;
	s1 =	stileid.u32  }
0x2: {  	s6 =	rddreg [dreg:$0x0];
	s2 =	simm.s32 $0x0;
	s12 =	simm.s32 $0x3  }
0x3: {  	s13 =	simm.s32 $0x2A80;
	s14 =	simm.s32 $0xD480;
	s15 =	simm.s32 $0xFC80  }
0x4: {  	s16 =	simm.s32 $0xFE00;
	s17 =	simm.s32 $0x40;
	s19 =	simm.s32 $0x1A000  }
0x5: {  	s20 =	simm.s32 $0x5540;
	s21 =	simm.s32 $0x1C000;
	s22 =	simm.s32 $0x1  }
0x6: {  	s23 =	simm.s32 $0x7F80;
	s24 =	simm.s32 $0xAA00;
	s25 =	simm.s32 $0xFF80  }
0x7: {  	s26 =	simm.s32 $0x2;
	s0 =	sand.u32 $0x1, s0;
	s1 =	sshll.u32 s1, $0x1  }
0x8: {  	[smem:$0x7FF] =	sst s2;
	s1 =	sor.u32 s0, s1;
	s0 =	ssub.s32 $0x2, s0  }
0x9: {  	s5 =	sadd.s32 $0x2CA00, s6;
	s3 =	smul.u32 $0x550, s1;
	s8 =	sshrl.u32 s0, $0x1  }
0xa: {  	_ =	strace $0x8000004A;
	s4 =	smul.u32 $0x140, s1;
	s0 =	ssub.s32 s0, s8  }
0xb: {  	v0 =	vlaneseq.u32;
	s1 =	simm.s32 $0x0;
	s7 =	sadd.s32 s3, s6;
	s0 =	smax.u32 s0, $0x1  }
0xc: {  	v1 =	vimm.f32 $0.0e+00;
	v2 =	vor.u32 $0x10, v0;
	s3 =	sadd.s32 $0xCCA00, s6;
	s30 =	sadd.s32 $0x17600, s7;
	[dreg:$0x4] =	wrdreg s0  }
0xd: {  	v3 =	vor.u32 $0x20, v0;
	v4 =	vor.u32 $0x30, v0;
	v5 =	vor.u32 $0x40, v0;
	s6 =	sadd.s32 $0xD1A00, s6;
	s31 =	sadd.s32 $0x22000, s7;
	[dreg:$0x2] =	wrdreg s30  }
0xe: {  	v6 =	vor.u32 $0x50, v0;
	v7 =	vor.u32 $0x60, v0;
	v8 =	vor.u32 $0x70, v0;
	s9 =	sor.u32 $0x14000, s4;
	s10 =	sadd.s32 $0x16800, s4;
	[dreg:$0x3] =	wrdreg s31  }
.LBB2_1:
0xf: {  	[dreg:$0x5] =	wrdreg s1  }
0x10: {  	s0 =	rddreg [dreg:$0x2]  }
0x11: {  	[tilespmem:s2], [sflag:$0x3] =	stream.linear.gather [hbm4b:s0+s2], $0x2A80, $0x38;
	[tilespmem:$0x1E000] =	vst v63  }
0x12: {  	_ =	swait.ge [sflag:s12], $0x2A80  }
0x13: {  	[sflag:s12] =	ssyncset.done $0x0  }
0x14: {  	s31 =	rddreg [dreg:$0x3];
	[sflag:s12] =	ssyncadd.s32 $0xFFFFD580  }
0x15: {  	[tilespmem:s13], [sflag:$0x3] =	stream.linear.gather [hbm4b:s31+s2], $0x2A80, $0x38;
	[tilespmem:$0x1E000] =	vst v63  }
0x16: {  	_ =	swait.ge [sflag:s12], $0x2A80  }
0x17: {  	[sflag:s12] =	ssyncset.done $0x0  }
0x18: {  	s29 =	simm.s32 $0x0;
	[sflag:s12] =	ssyncadd.s32 $0xFFFFD580  }
.LBB2_2:
0x19: {  	s0 =	smul.u32 $0xA00, s29;
	_ =	sdelay $0x1  }
0x1a: {  	s1 =	sadd.s32 s3, s0;
	s0 =	smul.u32 $0x5000, s29  }
0x1b: {  	[tilespmem:s14], [sflag:$0x3] =	stream.linear.gather [hbm4b:s1+s2], $0x2800, $0x38;
	[tilespmem:$0x1E000] =	vst v63  }
0x1c: {  	_ =	swait.ge [sflag:s12], $0x2800;
	s11 =	sadd.s32 s0, s9  }
0x1d: {  	[sflag:s12] =	ssyncset.done $0x0;
	s1 =	sshrl.u32 s11, $0x3  }
0x1e: {  	[sflag:s12] =	ssyncadd.s32 $0xFFFFD800;
	s1 =	sadd.s32 s3, s1  }
0x1f: {  	[tilespmem:s15], [sflag:$0x3] =	stream.linear.gather [hbm4b:s1+s2], $0x140, $0x38;
	[tilespmem:$0x1E000] =	vst v63  }
0x20: {  	_ =	swait.ge [sflag:s12], $0x140  }
0x21: {  	[sflag:s12] =	ssyncset.done $0x0  }
0x22: {  	[sflag:s12] =	ssyncadd.s32 $0xFFFFFEC0  }
0x23: {  	[tilespmem:$0xFDC0] =	vst v1  }
0x24: {  	[tilespmem:$0xFE00] =	vst v1  }
0x25: {  	[tilespmem:$0xFE10] =	vst v1  }
0x26: {  	[tilespmem:$0xFE20] =	vst v1  }
0x27: {  	[tilespmem:$0xFE30] =	vst v1  }
0x28: {  	[tilespmem:$0xFE40] =	vst v1  }
0x29: {  	[tilespmem:$0xFE50] =	vst v1  }
0x2a: {  	[tilespmem:$0xFE60] =	vst v1  }
0x2b: {  	[tilespmem:$0xFE70] =	vst v1  }
0x2c: {  	[tilespmem:$0xFE80] =	vst v1  }
0x2d: {  	[tilespmem:$0xFE90] =	vst v1  }
0x2e: {  	[tilespmem:$0xFEA0] =	vst v1  }
0x2f: {  	[tilespmem:$0xFEB0] =	vst v1  }
0x30: {  	[tilespmem:$0xFEC0] =	vst v1  }
0x31: {  	[tilespmem:$0xFED0] =	vst v1  }
0x32: {  	[tilespmem:$0xFEE0] =	vst v1  }
0x33: {  	[tilespmem:$0xFEF0] =	vst v1  }
0x34: {  	[tilespmem:$0xFF00] =	vst v1  }
0x35: {  	[tilespmem:$0xFF10] =	vst v1  }
0x36: {  	[tilespmem:$0xFF20] =	vst v1  }
0x37: {  	[tilespmem:$0xFF30] =	vst v1  }
0x38: {  	s18 =	simm.s32 $0x2A90;
	[tilespmem:$0xFF40] =	vst v1  }
0x39: {  	s7 =	simm.s32 $0x10;
	v10 =	vld [tilespmem:s18+$0x0]  }
0x3a: {  	v11 =	vld [tilespmem:s7+$0x0];
	_ =	sdelay $0x1  }
0x3b: {  	s30 =	smul.u32 $0x2800, s29;
	_ =	sdelay $0x1  }
0x3c: {  	v15 =	vmov s30;
	v13 =	vld [tilespmem:s7+$0xFFFFFFF0]  }
0x3d: {  	s8 =	simm.s32 $0x5510;
	v9 =	vld [tilespmem:s18+$0xFFFFFFF0];
	s18 =	simm.s32 $0x30;
	v12 =	vadd.s32 v15, v11  }
0x3e: {  	v16 =	vld [tilespmem:s18+$0x0];
	[tilespmem:s8+$0x0] =	vst v12  }
0x3f: {  	v12 =	vld.idx.msk [tilespmem:v10+s15+$0x0], $0xffff  }
0x40: {  	s11 =	simm.s32 $0x2AB0;
	v14 =	vld.idx.msk [tilespmem:v11+s14+$0x0], $0xffff  }
0x41: {  	v11 =	vld [tilespmem:s11+$0x0];
	_ =	sdelay $0x1  }
0x42: {  	v19 =	vld [tilespmem:s18+$0xFFFFFFF0];
	s18 =	simm.s32 $0x50;
	v17 =	vadd.s32 v15, v13  }
0x43: {  	v23 =	vld [tilespmem:s18+$0x0];
	[tilespmem:s8+$0xFFFFFFF0] =	vst v17  }
0x44: {  	v17 =	vld.idx.msk [tilespmem:v9+s15+$0x0], $0xffff;
	v14 =	vadd.f32 v12, v14  }
0x45: {  	s7 =	simm.s32 $0x5530;
	v18 =	vadd.s32 v15, v16;
	v20 =	vld.idx.msk [tilespmem:v13+s14+$0x0], $0xffff  }
0x46: {  	[tilespmem:s7+$0x0] =	vst v18;
	v12 =	vld [tilespmem:s11+$0xFFFFFFF0];
	v13 =	vmul.f32 $2.000000030e-01, v14  }
0x47: {  	v16 =	vld.idx.msk [tilespmem:v16+s14+$0x0], $0xffff  }
0x48: {  	v21 =	vld.idx.msk [tilespmem:v11+s15+$0x0], $0xffff;
	v14 =	vmax.f32 v14, v13  }
0x49: {  	s11 =	simm.s32 $0x2AD0;
	v14 =	vmul.f32 $1.442695020e+00, v14  }
0x4a: {  	v22 =	vadd.s32 v15, v19;
	v13 =	vld [tilespmem:s11+$0x0]  }
0x4b: {  	v18 =	vld [tilespmem:s18+$0xFFFFFFF0];
	[tilespmem:s7+$0xFFFFFFF0] =	vst v22;
	v17 =	vadd.f32 v17, v20;
	(erf) = vpow2.f32 v14  }
0x4c: {  	v26 =	vld.idx.msk [tilespmem:v19+s14+$0x0], $0xffff  }
0x4d: {  	s18 =	simm.s32 $0x5550;
	v22 =	vadd.s32 v15, v23;
	v14 =	vld [tilespmem:s11+$0xFFFFFFF0];
	v16 =	vadd.f32 v21, v16;
	v21 =	vmul.f32 $2.000000030e-01, v17  }
0x4e: {  	[tilespmem:s18+$0x0] =	vst v22;
	v24 =	vld.idx.msk [tilespmem:v12+s15+$0x0], $0xffff  }
0x4f: {  	v25 =	vld.idx.msk [tilespmem:v23+s14+$0x0], $0xffff;
	s11 =	simm.s32 $0x70;
	v27 =	vmul.f32 $2.000000030e-01, v16;
	v17 =	vmax.f32 v17, v21  }
0x50: {  	v19 =	vld [tilespmem:s11+$0x0];
	v17 =	vmul.f32 $1.442695020e+00, v17  }
0x51: {  	v20 =	vld [tilespmem:s11+$0xFFFFFFF0];
	v27 =	vmax.f32 v16, v27  }
0x52: {  	s8 =	simm.s32 $0x2AF0;
	v22 =	vld.idx.msk [tilespmem:v13+s15+$0x0], $0xffff;
	v27 =	vmul.f32 $1.442695020e+00, v27;
	(erf) = vpow2.f32 v17  }
0x53: {  	v21 =	vadd.s32 v15, v18;
	v16 =	vld [tilespmem:s8+$0x0];
	v23 =	vadd.f32 v24, v26  }
0x54: {  	s28 =	simm.s32 $0x6;
	s1 =	simm.s32 $0x7F90;
	[tilespmem:s18+$0xFFFFFFF0] =	vst v21;
	v17 =	vld [tilespmem:s8+$0xFFFFFFF0];
	v24 =	vpop (erf);
	(erf) = vpow2.f32 v27  }
0x55: {  	s31 =	simm.s32 $0x90;
	s7 =	simm.s32 $0x7F90;
	s11 =	simm.s32 $0x5570;
	v21 =	vld.idx.msk [tilespmem:v14+s15+$0x0], $0xffff;
	v26 =	vmul.f32 $2.000000030e-01, v23;
	[tilespmem:s1+$0x0] =	vst v24  }
.LBB2_3:
0x56: {  	s28 =	sadd.s32 $0x2, s28;
	v27 =	vld.idx.msk [tilespmem:v18+s14+$0x0], $0xffff;
	s1 =	sadd.s32 $0x20, s1;
	v18 =	vmov v20  }
0x57: {  	v29 =	vadd.f32 v22, v25;
	v28 =	vld [tilespmem:s31+$0x0];
	p0 =	slt.u32 s28, $0x2A6  }
0x58: {  	v22 =	vadd.s32 v15, v19;
	s8 =	sadd.s32 $0x20, s8;
	[tilespmem:v10+s16+$0x0] =	vst.idx.add.f32.msk $0xffff, v24;
	v10 =	vmovc v11;
	v11 =	vmov v13;
	v13 =	vmov v16  }
0x59: {  	v23 =	vmax.f32 v23, v26;
	v24 =	vmul.f32 $2.000000030e-01, v29;
	v20 =	vld [tilespmem:s31+$0xFFFFFFF0];
	[tilespmem:s11+$0x0] =	vst v22  }
0x5a: {  	v25 =	vadd.s32 v15, v18;
	v26 =	vmul.f32 $1.442695020e+00, v23;
	v22 =	vld.idx.msk [tilespmem:v16+s15+$0x0], $0xffff  }
.Ltmp0:
0x5b: {  	v30 =	vmax.f32 v29, v24;
	[tilespmem:s11+$0xFFFFFFF0] =	vst v25;
	v25 =	vld.idx.msk [tilespmem:v19+s14+$0x0], $0xffff;
	v29 =	vpop (erf);
	(pc) =	sbr.rel @p0 .LBB2_3-.Ltmp0, $4  }
0x5c: {  	v23 =	vadd.f32 v21, v27;
	v27 =	vmul.f32 $1.442695020e+00, v30;
	v16 =	vld [tilespmem:s8+$0x0];
	(erf) = vpow2.f32 v26;
	[tilespmem:s7+$0xFFFFFFF0] =	vst v29;
	v19 =	vmovc v28;
	s7 =	smov.u32 s1  }
0x5d: {  	v21 =	vld.idx.msk [tilespmem:v17+s15+$0x0], $0xffff;
	v24 =	vpop (erf)  }
0x5e: {  	s11 =	sadd.s32 $0x20, s11;
	v26 =	vmul.f32 $2.000000030e-01, v23;
	(erf) = vpow2.f32 v27;
	[tilespmem:v9+s16+$0x0] =	vst.idx.add.f32.msk $0xffff, v29;
	v9 =	vmovc v12;
	v12 =	vmovc v14;
	v14 =	vmov v17  }
0x5f: {  	s31 =	sadd.s32 $0x20, s31;
	v17 =	vld [tilespmem:s8+$0xFFFFFFF0];
	[tilespmem:s1+$0x0] =	vst v24  }
0x60: {  	_ =	sdelay $0x2  }
0x61: {  	v27 =	vadd.s32 v15, v19  }
0x62: {  	v18 =	vld.idx.msk [tilespmem:v18+s14+$0x0], $0xffff;
	[tilespmem:s11+$0x0] =	vst v27  }
0x63: {  	v15 =	vadd.s32 v15, v20;
	v27 =	vld.idx.msk [tilespmem:v16+s15+$0x0], $0xffff  }
0x64: {  	[tilespmem:s11+$0xFFFFFFF0] =	vst v15;
	v15 =	vld.idx.msk [tilespmem:v19+s14+$0x0], $0xffff  }
0x65: {  	v49 =	vadd.f32 v22, v25;
	v51 =	vld.idx.msk [tilespmem:v20+s14+$0x0], $0xffff  }
0x66: {  	v50 =	vld.idx.msk [tilespmem:v17+s15+$0x0], $0xffff  }
0x67: {  	v23 =	vmax.f32 v23, v26;
	v25 =	vmul.f32 $2.000000030e-01, v49;
	v18 =	vadd.f32 v21, v18  }
0x68: {  	v52 =	vmul.f32 $1.442695020e+00, v23  }
0x69: {  	v19 =	vmax.f32 v49, v25;
	v53 =	vmul.f32 $2.000000030e-01, v18;
	v15 =	vadd.f32 v27, v15  }
0x6a: {  	(erf) = vpow2.f32 v52;
	v19 =	vmul.f32 $1.442695020e+00, v19  }
0x6b: {  	v54 =	vmul.f32 $2.000000030e-01, v15;
	v18 =	vmax.f32 v18, v53;
	v20 =	vadd.f32 v50, v51  }
0x6c: {  	(erf) = vpow2.f32 v19;
	v18 =	vmul.f32 $1.442695020e+00, v18  }
0x6d: {  	v15 =	vmax.f32 v15, v54;
	v55 =	vmul.f32 $2.000000030e-01, v20  }
0x6e: {  	v15 =	vmul.f32 $1.442695020e+00, v15;
	(erf) = vpow2.f32 v18  }
0x6f: {  	[tilespmem:v10+s16+$0x0] =	vst.idx.add.f32.msk $0xffff, v24;
	v10 =	vpop (erf);
	v56 =	vmax.f32 v20, v55  }
0x70: {  	[tilespmem:s7+$0xFFFFFFF0] =	vst v10;
	(erf) = vpow2.f32 v15;
	v15 =	vmul.f32 $1.442695020e+00, v56  }
0x71: {  	s1 =	sadd.s32 $0x20, s1;
	v57 =	vpop (erf);
	[tilespmem:v9+s16+$0x0] =	vst.idx.add.f32.msk $0xffff, v10  }
0x72: {  	[tilespmem:s1+$0x0] =	vst v57;
	(erf) = vpow2.f32 v15  }
0x73: {  	[tilespmem:v11+s16+$0x0] =	vst.idx.add.f32.msk $0xffff, v57;
	v9 =	vpop (erf)  }
0x74: {  	[tilespmem:s1+$0xFFFFFFF0] =	vst v9  }
0x75: {  	s1 =	sadd.s32 $0x20, s1;
	[tilespmem:v12+s16+$0x0] =	vst.idx.add.f32.msk $0xffff, v9;
	v10 =	vpop (erf)  }
0x76: {  	[tilespmem:s1+$0x0] =	vst v10  }
0x77: {  	[tilespmem:v13+s16+$0x0] =	vst.idx.add.f32.msk $0xffff, v10;
	v9 =	vpop (erf)  }
0x78: {  	[tilespmem:s1+$0xFFFFFFF0] =	vst v9  }
0x79: {  	s1 =	sadd.s32 $0x20, s1;
	v10 =	vpop (erf);
	[tilespmem:v14+s16+$0x0] =	vst.idx.add.f32.msk $0xffff, v9  }
0x7a: {  	[tilespmem:s1+$0x0] =	vst v10  }
0x7b: {  	[tilespmem:v16+s16+$0x0] =	vst.idx.add.f32.msk $0xffff, v10;
	v9 =	vpop (erf)  }
0x7c: {  	[tilespmem:s1+$0xFFFFFFF0] =	vst v9  }
0x7d: {  	[tilespmem:v17+s16+$0x0] =	vst.idx.add.f32.msk $0xffff, v9  }
0x7e: {  	v9 =	vld [tilespmem:$0xFE00]  }
0x7f: {  	v10 =	vld [tilespmem:$0xFE10]  }
0x80: {  	v11 =	vld [tilespmem:$0xFE20]  }
0x81: {  	v12 =	vld [tilespmem:$0xFE30]  }
0x82: {  	v13 =	vld [tilespmem:$0xFE40]  }
0x83: {  	v14 =	vld [tilespmem:$0xFE50];
	v9 =	vadd.f32 $1.000000020e-16, v9  }
0x84: {  	v15 =	vld [tilespmem:$0xFE60];
	v10 =	vadd.f32 $1.000000020e-16, v10  }
0x85: {  	(erf) = vrcp.f32 v9;
	v9 =	vadd.f32 $1.000000020e-16, v11;
	v11 =	vld [tilespmem:$0xFE70]  }
0x86: {  	(erf) = vrcp.f32 v10;
	v10 =	vadd.f32 $1.000000020e-16, v12;
	v12 =	vld [tilespmem:$0xFE80]  }
0x87: {  	(erf) = vrcp.f32 v9;
	v9 =	vadd.f32 $1.000000020e-16, v13;
	v13 =	vld [tilespmem:$0xFE90]  }
0x88: {  	(erf) = vrcp.f32 v10;
	v10 =	vadd.f32 $1.000000020e-16, v14;
	v14 =	vld [tilespmem:$0xFEA0]  }
0x89: {  	(erf) = vrcp.f32 v9;
	v9 =	vadd.f32 $1.000000020e-16, v15;
	v15 =	vld [tilespmem:$0xFEB0]  }
0x8a: {  	(erf) = vrcp.f32 v10;
	v10 =	vadd.f32 $1.000000020e-16, v11;
	v11 =	vld [tilespmem:$0xFEC0]  }
0x8b: {  	(erf) = vrcp.f32 v9;
	v9 =	vadd.f32 $1.000000020e-16, v12;
	v12 =	vld [tilespmem:$0xFED0]  }
0x8c: {  	(erf) = vrcp.f32 v10;
	v10 =	vadd.f32 $1.000000020e-16, v13;
	v13 =	vld [tilespmem:$0xFEE0]  }
0x8d: {  	(erf) = vrcp.f32 v9;
	v9 =	vadd.f32 $1.000000020e-16, v14;
	v14 =	vld [tilespmem:$0xFEF0]  }
0x8e: {  	v58 =	vpop (erf);
	(erf) = vrcp.f32 v10;
	v10 =	vadd.f32 $1.000000020e-16, v15;
	v15 =	vld [tilespmem:$0xFF00]  }
0x8f: {  	v59 =	vpop (erf);
	(erf) = vrcp.f32 v9;
	v9 =	vadd.f32 $1.000000020e-16, v11;
	v11 =	vld [tilespmem:$0xFF10]  }
0x90: {  	[tilespmem:$0xFE00] =	vst v58;
	v60 =	vpop (erf);
	(erf) = vrcp.f32 v10;
	v10 =	vadd.f32 $1.000000020e-16, v12;
	v12 =	vld [tilespmem:$0xFF20]  }
0x91: {  	[tilespmem:$0xFE10] =	vst v59;
	v61 =	vpop (erf);
	(erf) = vrcp.f32 v9;
	v9 =	vadd.f32 $1.000000020e-16, v13;
	v13 =	vld [tilespmem:$0xFF30]  }
0x92: {  	[tilespmem:$0xFE20] =	vst v60;
	v62 =	vpop (erf);
	(erf) = vrcp.f32 v10;
	v10 =	vadd.f32 $1.000000020e-16, v14;
	v14 =	vld [tilespmem:$0xFF40]  }
0x93: {  	[tilespmem:$0xFE30] =	vst v61;
	v63 =	vpop (erf);
	(erf) = vrcp.f32 v9;
	v9 =	vadd.f32 $1.000000020e-16, v15  }
0x94: {  	[tilespmem:$0xFE40] =	vst v62;
	v15 =	vpop (erf);
	(erf) = vrcp.f32 v10;
	v10 =	vadd.f32 $1.000000020e-16, v11  }
0x95: {  	[tilespmem:$0xFE50] =	vst v63;
	v11 =	vpop (erf);
	(erf) = vrcp.f32 v9;
	v9 =	vadd.f32 $1.000000020e-16, v12  }
0x96: {  	[tilespmem:$0xFE70] =	vst v11;
	v11 =	vpop (erf);
	(erf) = vrcp.f32 v10;
	v10 =	vadd.f32 $1.000000020e-16, v13  }
0x97: {  	[tilespmem:$0xFE80] =	vst v11;
	v11 =	vpop (erf);
	(erf) = vrcp.f32 v9;
	v9 =	vadd.f32 $1.000000020e-16, v14  }
0x98: {  	[tilespmem:$0xFE60] =	vst v15  }
0x99: {  	[tilespmem:$0xFE90] =	vst v11;
	v11 =	vpop (erf);
	(erf) = vrcp.f32 v10  }
0x9a: {  	[tilespmem:$0xFEA0] =	vst v11;
	v10 =	vpop (erf);
	(erf) = vrcp.f32 v9  }
0x9b: {  	v9 =	vpop (erf);
	[tilespmem:$0xFEB0] =	vst v10  }
0x9c: {  	v10 =	vpop (erf);
	[tilespmem:$0xFEC0] =	vst v9  }
0x9d: {  	v9 =	vpop (erf);
	[tilespmem:$0xFED0] =	vst v10  }
0x9e: {  	v10 =	vpop (erf);
	[tilespmem:$0xFEE0] =	vst v9  }
0x9f: {  	v9 =	vpop (erf);
	[tilespmem:$0xFEF0] =	vst v10  }
0xa0: {  	v10 =	vpop (erf);
	[tilespmem:$0xFF00] =	vst v9  }
0xa1: {  	v9 =	vpop (erf);
	[tilespmem:$0xFF10] =	vst v10  }
0xa2: {  	[tilespmem:$0xFF20] =	vst v9;
	v9 =	vpop (erf)  }
0xa3: {  	[tilespmem:$0xFF30] =	vst v9;
	v9 =	vpop (erf)  }
0xa4: {  	s28 =	simm.s32 $0x2A90;
	[tilespmem:$0xFF40] =	vst v9  }
0xa5: {  	v9 =	vld [tilespmem:s28+$0x0]  }
0xa6: {  	v10 =	vld [tilespmem:s28+$0xFFFFFFF0];
	_ =	sdelay $0x2  }
0xa7: {  	s1 =	simm.s32 $0x7F90  }
0xa8: {  	s31 =	simm.s32 $0x2AB0;
	v11 =	vld [tilespmem:s1+$0x0]  }
0xa9: {  	v12 =	vld [tilespmem:s31+$0x0]  }
0xaa: {  	v14 =	vld [tilespmem:s1+$0xFFFFFFF0]  }
0xab: {  	v9 =	vld.idx.msk [tilespmem:v9+s16+$0x0], $0xffff  }
0xac: {  	v13 =	vld.idx.msk [tilespmem:v10+s16+$0x0], $0xffff  }
0xad: {  	v10 =	vld [tilespmem:s31+$0xFFFFFFF0];
	_ =	sdelay $0x2  }
0xae: {  	s7 =	simm.s32 $0x7FB0;
	v11 =	vmul.f32 v9, v11  }
0xaf: {  	v9 =	vld [tilespmem:s7+$0x0]  }
0xb0: {  	s8 =	simm.s32 $0x2;
	s11 =	simm.s32 $0x2AD0;
	[tilespmem:s1+$0x0] =	vst v11;
	v11 =	vld.idx.msk [tilespmem:v12+s16+$0x0], $0xffff;
	v12 =	vmul.f32 v13, v14  }
.LBB2_5:
0xb1: {  	v13 =	vld [tilespmem:s11+$0x0];
	s8 =	sadd.s32 $0x2, s8  }
0xb2: {  	v14 =	vld [tilespmem:s11+$0xFFFFFFF0];
	p0 =	slt.u32 s8, $0x2A6;
	[tilespmem:s1+$0xFFFFFFF0] =	vst v12;
	s1 =	smov.u32 s7  }
0xb3: {  	v12 =	vld.idx.msk [tilespmem:v10+s16+$0x0], $0xffff  }
0xb4: {  	v15 =	vld [tilespmem:s7+$0xFFFFFFF0]  }
.Ltmp1:
0xb5: {  	(pc) =	sbr.rel @p0 .LBB2_5-.Ltmp1, $4  }
0xb6: {  	v11 =	vmul.f32 v11, v9  }
0xb7: {  	s7 =	sadd.s32 $0x20, s7;
	v10 =	vmov v14  }
0xb8: {  	v9 =	vld [tilespmem:s7+$0x0];
	[tilespmem:s1+$0x0] =	vst v11  }
0xb9: {  	s11 =	sadd.s32 $0x20, s11;
	v11 =	vld.idx.msk [tilespmem:v13+s16+$0x0], $0xffff;
	v12 =	vmul.f32 v12, v15  }
0xba: {  	_ =	sdelay $0x3  }
0xbb: {  	v10 =	vld.idx.msk [tilespmem:v10+s16+$0x0], $0xffff  }
0xbc: {  	v13 =	vld [tilespmem:s7+$0xFFFFFFF0];
	_ =	sdelay $0x3  }
0xbd: {  	v9 =	vmul.f32 v11, v9  }
0xbe: {  	s28 =	sshrl.u32 s0, $0x3;
	[tilespmem:s1+$0xFFFFFFF0] =	vst v12;
	v10 =	vmul.f32 v10, v13  }
0xbf: {  	s1 =	sadd.s32 s3, s28;
	[tilespmem:s7+$0x0] =	vst v9  }
0xc0: {  	s1 =	sadd.s32 $0x500, s1;
	[tilespmem:s7+$0xFFFFFFF0] =	vst v10  }
0xc1: {  	[tilespmem:s14], [sflag:$0x3] =	stream.linear.gather [hbm4b:s1+s2], $0x2800, $0x38;
	[tilespmem:$0x1E000] =	vst v63  }
0xc2: {  	s31 =	sadd.s32 s0, s10;
	_ =	swait.ge [sflag:s12], $0x2800  }
0xc3: {  	s0 =	sshrl.u32 s31, $0x3;
	[sflag:s12] =	ssyncset.done $0x0  }
0xc4: {  	s0 =	sadd.s32 s3, s0;
	[sflag:s12] =	ssyncadd.s32 $0xFFFFD800  }
0xc5: {  	[tilespmem:s15], [sflag:$0x3] =	stream.linear.gather [hbm4b:s0+s2], $0x140, $0x38;
	[tilespmem:$0x1E000] =	vst v63  }
0xc6: {  	_ =	swait.ge [sflag:s12], $0x140  }
0xc7: {  	[sflag:s12] =	ssyncset.done $0x0  }
0xc8: {  	[sflag:s12] =	ssyncadd.s32 $0xFFFFFEC0  }
0xc9: {  	[tilespmem:$0xFDC0] =	vst v1  }
0xca: {  	[tilespmem:$0xFE00] =	vst v1  }
0xcb: {  	[tilespmem:$0xFE10] =	vst v1  }
0xcc: {  	[tilespmem:$0xFE20] =	vst v1  }
0xcd: {  	[tilespmem:$0xFE30] =	vst v1  }
0xce: {  	[tilespmem:$0xFE40] =	vst v1  }
0xcf: {  	[tilespmem:$0xFE50] =	vst v1  }
0xd0: {  	[tilespmem:$0xFE60] =	vst v1  }
0xd1: {  	[tilespmem:$0xFE70] =	vst v1  }
0xd2: {  	[tilespmem:$0xFE80] =	vst v1  }
0xd3: {  	[tilespmem:$0xFE90] =	vst v1  }
0xd4: {  	[tilespmem:$0xFEA0] =	vst v1  }
0xd5: {  	[tilespmem:$0xFEB0] =	vst v1  }
0xd6: {  	[tilespmem:$0xFEC0] =	vst v1  }
0xd7: {  	[tilespmem:$0xFED0] =	vst v1  }
0xd8: {  	[tilespmem:$0xFEE0] =	vst v1  }
0xd9: {  	[tilespmem:$0xFEF0] =	vst v1  }
0xda: {  	[tilespmem:$0xFF00] =	vst v1  }
0xdb: {  	[tilespmem:$0xFF10] =	vst v1  }
0xdc: {  	[tilespmem:$0xFF20] =	vst v1  }
0xdd: {  	[tilespmem:$0xFF30] =	vst v1  }
0xde: {  	s1 =	simm.s32 $0x10;
	[tilespmem:$0xFF40] =	vst v1  }
0xdf: {  	s7 =	simm.s32 $0x2A90;
	v10 =	vld [tilespmem:s1+$0x0]  }
0xe0: {  	v16 =	vld [tilespmem:s7+$0x0];
	_ =	sdelay $0x3  }
0xe1: {  	v12 =	vld [tilespmem:s1+$0xFFFFFFF0]  }
0xe2: {  	v9 =	vld [tilespmem:s7+$0xFFFFFFF0];
	_ =	sdelay $0x1  }
0xe3: {  	v10 =	vld.idx.msk [tilespmem:v10+s14+$0x0], $0xffff  }
0xe4: {  	s8 =	simm.s32 $0x30;
	v13 =	vld.idx.msk [tilespmem:v16+s15+$0x0], $0xffff  }
0xe5: {  	s11 =	simm.s32 $0x2AB0;
	v14 =	vld [tilespmem:s8+$0x0]  }
0xe6: {  	v11 =	vld [tilespmem:s11+$0x0]  }
0xe7: {  	v17 =	vld [tilespmem:s8+$0xFFFFFFF0]  }
0xe8: {  	v12 =	vld.idx.msk [tilespmem:v12+s14+$0x0], $0xffff  }
0xe9: {  	v15 =	vld.idx.msk [tilespmem:v9+s15+$0x0], $0xffff;
	v13 =	vadd.f32 v13, v10  }
0xea: {  	v10 =	vld [tilespmem:s11+$0xFFFFFFF0]  }
0xeb: {  	v18 =	vmul.f32 $2.000000030e-01, v13;
	_ =	sdelay $0x1  }
0xec: {  	v14 =	vld.idx.msk [tilespmem:v14+s14+$0x0], $0xffff;
	v13 =	vmax.f32 v13, v18  }
0xed: {  	v20 =	vld.idx.msk [tilespmem:v11+s15+$0x0], $0xffff;
	v15 =	vadd.f32 v15, v12;
	v19 =	vmul.f32 $1.442695020e+00, v13  }
0xee: {  	s18 =	simm.s32 $0x50;
	v17 =	vld.idx.msk [tilespmem:v17+s14+$0x0], $0xffff  }
0xef: {  	s28 =	simm.s32 $0x2AD0;
	v18 =	vld [tilespmem:s18+$0x0];
	(erf) = vpow2.f32 v19;
	v19 =	vmul.f32 $2.000000030e-01, v15  }
0xf0: {  	v13 =	vld [tilespmem:s28+$0x0]  }
0xf1: {  	v15 =	vmax.f32 v15, v19;
	v19 =	vld.idx.msk [tilespmem:v10+s15+$0x0], $0xffff;
	_ =	sdelay $0x2  }
0xf2: {  	v20 =	vadd.f32 v20, v14  }
0xf3: {  	s31 =	simm.s32 $0x70;
	v21 =	vld [tilespmem:s18+$0xFFFFFFF0]  }
0xf4: {  	v23 =	vld [tilespmem:s31+$0x0];
	v15 =	vmul.f32 $1.442695020e+00, v15;
	v19 =	vadd.f32 v19, v17;
	v17 =	vmul.f32 $2.000000030e-01, v20  }
0xf5: {  	v12 =	vld [tilespmem:s28+$0xFFFFFFF0]  }
0xf6: {  	v18 =	vld.idx.msk [tilespmem:v18+s14+$0x0], $0xffff;
	(erf) = vpow2.f32 v15;
	v17 =	vmax.f32 v20, v17  }
0xf7: {  	s1 =	simm.s32 $0x2AF0;
	v22 =	vld.idx.msk [tilespmem:v13+s15+$0x0], $0xffff;
	v63 =	vmul.f32 $1.442695020e+00, v17  }
0xf8: {  	s0 =	simm.s32 $0xAA10;
	v15 =	vld [tilespmem:s1+$0x0];
	v24 =	vpop (erf)  }
0xf9: {  	[tilespmem:s0+$0x0] =	vst v24;
	(erf) = vpow2.f32 v63  }
0xfa: {  	[tilespmem:v16+s16+$0x0] =	vst.idx.add.f32.msk $0xffff, v24;
	v16 =	vmul.f32 $2.000000030e-01, v19  }
0xfb: {  	v14 =	vld [tilespmem:s1+$0xFFFFFFF0]  }
0xfc: {  	v20 =	vld [tilespmem:s31+$0xFFFFFFF0];
	v22 =	vadd.f32 v22, v18;
	v16 =	vmax.f32 v19, v16  }
0xfd: {  	v17 =	vld.idx.msk [tilespmem:v21+s14+$0x0], $0xffff  }
0xfe: {  	v18 =	vld.idx.msk [tilespmem:v12+s15+$0x0], $0xffff;
	v25 =	vmul.f32 $2.000000030e-01, v22;
	v26 =	vmul.f32 $1.442695020e+00, v16  }
0xff: {  	v19 =	vld.idx.msk [tilespmem:v23+s14+$0x0], $0xffff;
	v16 =	vpop (erf)  }
0x100: {  	s7 =	simm.s32 $0x6;
	s8 =	simm.s32 $0x90;
	v21 =	vld.idx.msk [tilespmem:v15+s15+$0x0], $0xffff;
	v22 =	vmax.f32 v22, v25;
	(erf) = vpow2.f32 v26;
	[tilespmem:s0+$0xFFFFFFF0] =	vst v16  }
.LBB2_7:
0x101: {  	v23 =	vld [tilespmem:s8+$0x0];
	s1 =	sadd.s32 $0x20, s1;
	v22 =	vmul.f32 $1.442695020e+00, v22  }
0x102: {  	s0 =	sadd.s32 $0x20, s0;
	v24 =	vld [tilespmem:s1+$0x0];
	v25 =	vpop (erf)  }
0x103: {  	s7 =	sadd.s32 $0x2, s7;
	v27 =	vadd.f32 v18, v17;
	v26 =	vld [tilespmem:s1+$0xFFFFFFF0];
	(erf) = vpow2.f32 v22;
	[tilespmem:s0+$0x0] =	vst v25  }
0x104: {  	p0 =	slt.u32 s7, $0x2A6;
	[tilespmem:v11+s16+$0x0] =	vst.idx.add.f32.msk $0xffff, v25;
	v11 =	vmov v13;
	v13 =	vmov v15  }
0x105: {  	v22 =	vmul.f32 $2.000000030e-01, v27;
	v25 =	vld [tilespmem:s8+$0xFFFFFFF0]  }
.Ltmp2:
0x106: {  	v17 =	vld.idx.msk [tilespmem:v20+s14+$0x0], $0xffff;
	v20 =	vadd.f32 v21, v19;
	(pc) =	sbr.rel @p0 .LBB2_7-.Ltmp2, $4  }
0x107: {  	v19 =	vmax.f32 v27, v22;
	v18 =	vld.idx.msk [tilespmem:v14+s15+$0x0], $0xffff;
	v15 =	vmov v24  }
0x108: {  	v27 =	vmul.f32 $1.442695020e+00, v19;
	v22 =	vmul.f32 $2.000000030e-01, v20;
	[tilespmem:v9+s16+$0x0] =	vst.idx.add.f32.msk $0xffff, v16;
	v9 =	vmovc v10;
	v10 =	vmovc v12;
	v12 =	vmov v14  }
0x109: {  	v14 =	vmov v26;
	v19 =	vld.idx.msk [tilespmem:v23+s14+$0x0], $0xffff;
	v16 =	vpop (erf)  }
0x10a: {  	s8 =	sadd.s32 $0x20, s8;
	v21 =	vld.idx.msk [tilespmem:v24+s15+$0x0], $0xffff;
	v22 =	vmax.f32 v20, v22;
	(erf) = vpow2.f32 v27;
	[tilespmem:s0+$0xFFFFFFF0] =	vst v16;
	v20 =	vmov v25  }
0x10b: {  	_ =	sdelay $0x3  }
0x10c: {  	v20 =	vld.idx.msk [tilespmem:v20+s14+$0x0], $0xffff  }
0x10d: {  	v23 =	vld.idx.msk [tilespmem:v14+s15+$0x0], $0xffff  }
0x10e: {  	v17 =	vadd.f32 v18, v17;
	_ =	sdelay $0x1  }
0x10f: {  	v53 =	vmul.f32 $2.000000030e-01, v17;
	v51 =	vadd.f32 v21, v19  }
0x110: {  	v52 =	vmul.f32 $1.442695020e+00, v22  }
0x111: {  	v17 =	vmax.f32 v17, v53;
	v55 =	vadd.f32 v23, v20;
	v54 =	vmul.f32 $2.000000030e-01, v51  }
0x112: {  	(erf) = vpow2.f32 v52;
	v17 =	vmul.f32 $1.442695020e+00, v17  }
0x113: {  	v20 =	vmul.f32 $2.000000030e-01, v55;
	v18 =	vmax.f32 v51, v54  }
0x114: {  	(erf) = vpow2.f32 v17;
	v18 =	vmul.f32 $1.442695020e+00, v18  }
0x115: {  	v56 =	vmax.f32 v55, v20  }
0x116: {  	v17 =	vmul.f32 $1.442695020e+00, v56;
	(erf) = vpow2.f32 v18  }
0x117: {  	s0 =	sadd.s32 $0x20, s0;
	[tilespmem:v9+s16+$0x0] =	vst.idx.add.f32.msk $0xffff, v16;
	v57 =	vpop (erf)  }
0x118: {  	[tilespmem:s0+$0x0] =	vst v57;
	(erf) = vpow2.f32 v17  }
0x119: {  	[tilespmem:v11+s16+$0x0] =	vst.idx.add.f32.msk $0xffff, v57;
	v9 =	vpop (erf)  }
0x11a: {  	[tilespmem:s0+$0xFFFFFFF0] =	vst v9  }
0x11b: {  	s0 =	sadd.s32 $0x20, s0;
	[tilespmem:v10+s16+$0x0] =	vst.idx.add.f32.msk $0xffff, v9;
	v11 =	vpop (erf)  }
0x11c: {  	[tilespmem:s0+$0x0] =	vst v11  }
0x11d: {  	[tilespmem:v13+s16+$0x0] =	vst.idx.add.f32.msk $0xffff, v11;
	v9 =	vpop (erf)  }
0x11e: {  	[tilespmem:s0+$0xFFFFFFF0] =	vst v9  }
0x11f: {  	s0 =	sadd.s32 $0x20, s0;
	[tilespmem:v12+s16+$0x0] =	vst.idx.add.f32.msk $0xffff, v9;
	v10 =	vpop (erf)  }
0x120: {  	[tilespmem:s0+$0x0] =	vst v10  }
0x121: {  	v9 =	vpop (erf);
	[tilespmem:v15+s16+$0x0] =	vst.idx.add.f32.msk $0xffff, v10  }
0x122: {  	[tilespmem:s0+$0xFFFFFFF0] =	vst v9  }
0x123: {  	[tilespmem:v14+s16+$0x0] =	vst.idx.add.f32.msk $0xffff, v9  }
0x124: {  	v9 =	vld [tilespmem:$0xFE00]  }
0x125: {  	v10 =	vld [tilespmem:$0xFE10]  }
0x126: {  	v11 =	vld [tilespmem:$0xFE20]  }
0x127: {  	v12 =	vld [tilespmem:$0xFE30]  }
0x128: {  	v13 =	vld [tilespmem:$0xFE40]  }
0x129: {  	v14 =	vld [tilespmem:$0xFE50];
	v9 =	vadd.f32 $1.000000020e-16, v9  }
0x12a: {  	v15 =	vld [tilespmem:$0xFE60];
	v10 =	vadd.f32 $1.000000020e-16, v10  }
0x12b: {  	(erf) = vrcp.f32 v9;
	v9 =	vadd.f32 $1.000000020e-16, v11;
	v11 =	vld [tilespmem:$0xFE70]  }
0x12c: {  	(erf) = vrcp.f32 v10;
	v10 =	vadd.f32 $1.000000020e-16, v12;
	v12 =	vld [tilespmem:$0xFE80]  }
0x12d: {  	(erf) = vrcp.f32 v9;
	v9 =	vadd.f32 $1.000000020e-16, v13;
	v13 =	vld [tilespmem:$0xFE90]  }
0x12e: {  	(erf) = vrcp.f32 v10;
	v10 =	vadd.f32 $1.000000020e-16, v14;
	v14 =	vld [tilespmem:$0xFEA0]  }
0x12f: {  	(erf) = vrcp.f32 v9;
	v9 =	vadd.f32 $1.000000020e-16, v15;
	v15 =	vld [tilespmem:$0xFEB0]  }
0x130: {  	(erf) = vrcp.f32 v10;
	v10 =	vadd.f32 $1.000000020e-16, v11;
	v11 =	vld [tilespmem:$0xFEC0]  }
0x131: {  	(erf) = vrcp.f32 v9;
	v9 =	vadd.f32 $1.000000020e-16, v12;
	v12 =	vld [tilespmem:$0xFED0]  }
0x132: {  	(erf) = vrcp.f32 v10;
	v10 =	vadd.f32 $1.000000020e-16, v13;
	v13 =	vld [tilespmem:$0xFEE0]  }
0x133: {  	(erf) = vrcp.f32 v9;
	v9 =	vadd.f32 $1.000000020e-16, v14;
	v14 =	vld [tilespmem:$0xFEF0]  }
0x134: {  	v58 =	vpop (erf);
	(erf) = vrcp.f32 v10;
	v10 =	vadd.f32 $1.000000020e-16, v15;
	v15 =	vld [tilespmem:$0xFF00]  }
0x135: {  	v59 =	vpop (erf);
	(erf) = vrcp.f32 v9;
	v9 =	vadd.f32 $1.000000020e-16, v11;
	v11 =	vld [tilespmem:$0xFF10]  }
0x136: {  	[tilespmem:$0xFE00] =	vst v58;
	v60 =	vpop (erf);
	(erf) = vrcp.f32 v10;
	v10 =	vadd.f32 $1.000000020e-16, v12;
	v12 =	vld [tilespmem:$0xFF20]  }
0x137: {  	[tilespmem:$0xFE10] =	vst v59;
	v61 =	vpop (erf);
	(erf) = vrcp.f32 v9;
	v9 =	vadd.f32 $1.000000020e-16, v13;
	v13 =	vld [tilespmem:$0xFF30]  }
0x138: {  	[tilespmem:$0xFE20] =	vst v60;
	v62 =	vpop (erf);
	(erf) = vrcp.f32 v10;
	v10 =	vadd.f32 $1.000000020e-16, v14;
	v14 =	vld [tilespmem:$0xFF40]  }
0x139: {  	[tilespmem:$0xFE30] =	vst v61;
	v63 =	vpop (erf);
	(erf) = vrcp.f32 v9;
	v9 =	vadd.f32 $1.000000020e-16, v15  }
0x13a: {  	[tilespmem:$0xFE40] =	vst v62;
	v15 =	vpop (erf);
	(erf) = vrcp.f32 v10;
	v10 =	vadd.f32 $1.000000020e-16, v11  }
0x13b: {  	[tilespmem:$0xFE50] =	vst v63;
	v11 =	vpop (erf);
	(erf) = vrcp.f32 v9;
	v9 =	vadd.f32 $1.000000020e-16, v12  }
0x13c: {  	[tilespmem:$0xFE70] =	vst v11;
	v11 =	vpop (erf);
	(erf) = vrcp.f32 v10;
	v10 =	vadd.f32 $1.000000020e-16, v13  }
0x13d: {  	[tilespmem:$0xFE80] =	vst v11;
	v11 =	vpop (erf);
	(erf) = vrcp.f32 v9;
	v9 =	vadd.f32 $1.000000020e-16, v14  }
0x13e: {  	[tilespmem:$0xFE60] =	vst v15  }
0x13f: {  	[tilespmem:$0xFE90] =	vst v11;
	v11 =	vpop (erf);
	(erf) = vrcp.f32 v10  }
0x140: {  	[tilespmem:$0xFEA0] =	vst v11;
	v10 =	vpop (erf);
	(erf) = vrcp.f32 v9  }
0x141: {  	v9 =	vpop (erf);
	[tilespmem:$0xFEB0] =	vst v10  }
0x142: {  	v10 =	vpop (erf);
	[tilespmem:$0xFEC0] =	vst v9  }
0x143: {  	v9 =	vpop (erf);
	[tilespmem:$0xFED0] =	vst v10  }
0x144: {  	v10 =	vpop (erf);
	[tilespmem:$0xFEE0] =	vst v9  }
0x145: {  	v9 =	vpop (erf);
	[tilespmem:$0xFEF0] =	vst v10  }
0x146: {  	v10 =	vpop (erf);
	[tilespmem:$0xFF00] =	vst v9  }
0x147: {  	v9 =	vpop (erf);
	[tilespmem:$0xFF10] =	vst v10  }
0x148: {  	[tilespmem:$0xFF20] =	vst v9;
	v9 =	vpop (erf)  }
0x149: {  	[tilespmem:$0xFF30] =	vst v9;
	v9 =	vpop (erf)  }
0x14a: {  	s31 =	simm.s32 $0x2A90;
	[tilespmem:$0xFF40] =	vst v9  }
0x14b: {  	v9 =	vld [tilespmem:s31+$0x0]  }
0x14c: {  	v10 =	vld [tilespmem:s31+$0xFFFFFFF0];
	_ =	sdelay $0x2  }
0x14d: {  	s0 =	simm.s32 $0xAA10  }
0x14e: {  	s1 =	simm.s32 $0x2AB0;
	v11 =	vld [tilespmem:s0+$0x0]  }
0x14f: {  	v12 =	vld [tilespmem:s1+$0x0]  }
0x150: {  	v14 =	vld [tilespmem:s0+$0xFFFFFFF0]  }
0x151: {  	v9 =	vld.idx.msk [tilespmem:v9+s16+$0x0], $0xffff  }
0x152: {  	v13 =	vld.idx.msk [tilespmem:v10+s16+$0x0], $0xffff  }
0x153: {  	v10 =	vld [tilespmem:s1+$0xFFFFFFF0];
	_ =	sdelay $0x2  }
0x154: {  	s1 =	simm.s32 $0xAA30;
	v11 =	vmul.f32 v9, v11  }
0x155: {  	v9 =	vld [tilespmem:s1+$0x0]  }
0x156: {  	s7 =	simm.s32 $0x2;
	s8 =	simm.s32 $0x2AD0;
	[tilespmem:s0+$0x0] =	vst v11;
	v11 =	vld.idx.msk [tilespmem:v12+s16+$0x0], $0xffff;
	v12 =	vmul.f32 v13, v14  }
.LBB2_9:
0x157: {  	v13 =	vld [tilespmem:s8+$0x0];
	s7 =	sadd.s32 $0x2, s7  }
0x158: {  	v14 =	vld [tilespmem:s8+$0xFFFFFFF0];
	p0 =	slt.u32 s7, $0x2A6;
	[tilespmem:s0+$0xFFFFFFF0] =	vst v12;
	s0 =	smov.u32 s1  }
0x159: {  	v12 =	vld.idx.msk [tilespmem:v10+s16+$0x0], $0xffff  }
0x15a: {  	v15 =	vld [tilespmem:s1+$0xFFFFFFF0]  }
.Ltmp3:
0x15b: {  	(pc) =	sbr.rel @p0 .LBB2_9-.Ltmp3, $4  }
0x15c: {  	v11 =	vmul.f32 v11, v9  }
0x15d: {  	s1 =	sadd.s32 $0x20, s1;
	v10 =	vmov v14  }
0x15e: {  	v9 =	vld [tilespmem:s1+$0x0];
	[tilespmem:s0+$0x0] =	vst v11  }
0x15f: {  	s8 =	sadd.s32 $0x20, s8;
	v11 =	vld.idx.msk [tilespmem:v13+s16+$0x0], $0xffff;
	v12 =	vmul.f32 v12, v15  }
0x160: {  	_ =	sdelay $0x3  }
0x161: {  	v10 =	vld.idx.msk [tilespmem:v10+s16+$0x0], $0xffff  }
0x162: {  	v13 =	vld [tilespmem:s1+$0xFFFFFFF0];
	_ =	sdelay $0x1  }
0x163: {  	p0 =	por $0x1, $0x1  }
.Ltmp4:
0x164: {  	_ = 	snop;
	(pc) =	sbr.rel @!p0 .LBB2_12-.Ltmp4, $4  }
0x165: {  	v9 =	vmul.f32 v11, v9  }
0x166: {  	[tilespmem:s0+$0xFFFFFFF0] =	vst v12;
	v10 =	vmul.f32 v10, v13  }
0x167: {  	[tilespmem:s1+$0x0] =	vst v9  }
0x168: {  	s31 =	simm.s32 $0x0;
	s0 =	simm.s32 $0x40;
	[tilespmem:s1+$0xFFFFFFF0] =	vst v10;
	s1 =	simm.s32 $0x0  }
.LBB2_11:
0x169: {  	p0 =	sne.s32 s0, $0x281C0;
	[tilespmem:s1+$0xFF80] =	vst v1;
	s1 =	smov.u32 s0;
	s0 =	sadd.s32 $0x40, s0  }
.Ltmp5:
0x16a: {  	(pc) =	sbr.rel @p0 .LBB2_11-.Ltmp5, $2  }
0x16b: {  	_ =	sdelay $0x2  }
0x16c: {  	s1 =	sshra.s32 s1, $0x2  }
.LBB2_12:
0x16d: {  	[tilespmem:s1+$0xFF80] =	vst v1;
	s0 =	simm.s32 $0x5500  }
0x16e: {  	[tilespmem:s19], [sflag:$0x1] =	stream.indirect.gather [hbm4b:s5+s17], $0x80, s0, s17, $0xb8;
	[tilespmem:$0x1E000] =	vst v63  }
0x16f: {  	s1 =	simm.s32 $0x0  }
0x170: {  	[tilespmem:s21], [sflag:$0x2] =	stream.indirect.gather [hbm4b:s5+s17], $0x80, s20, s17, $0xb8;
	[tilespmem:$0x1E000] =	vst v63  }
.LBB2_13:
0x171: {  	s0 =	sadd.s32 $0x0, s31  }
0x172: {  	v9 =	vmov s0  }
0x173: {  	v9 =	vand.u32 $0xFFFFFFFE, v9  }
0x174: {  	v10 =	vbroadcast v9, $0x0;
	_ =	sdelay $0x1  }
0x175: {  	s0 =	sadd.s32 $0x1, s0  }
0x176: {  	_ =	swait.ge [sflag:s22], $0x2000;
	s7 =	simm.s32 $0x0;
	v11 =	vmov s0  }
0x177: {  	[sflag:s22] =	ssyncset.done $0x0;
	v9 =	vor.u32 s7, v0  }
0x178: {  	[sflag:s22] =	ssyncadd.s32 $0xFFFFE000  }
0x179: {  	v12 =	vld.idx.msk [tilespmem:v10+s13+$0x0], $0xffff  }
0x17a: {  	s8 =	simm.s32 $0x80  }
0x17b: {  	v14 =	vor.u32 s8, v0;
	v13 =	vld.idx.msk [tilespmem:v11+s13+$0x0], $0xffff  }
0x17c: {  	v15 =	vld.idx.msk [tilespmem:v9+s19+$0x0], $0xffff  }
0x17d: {  	v16 =	vld.idx.msk [tilespmem:v10+s23+$0x0], $0xffff  }
0x17e: {  	v9 =	vshll.u32 v12, $0x7  }
0x17f: {  	v12 =	vor.u32 v0, v9  }
0x180: {  	v18 =	vor.u32 s7, v2;
	v14 =	vld.idx.msk [tilespmem:v14+s19+$0x0], $0xffff  }
0x181: {  	v17 =	vld.idx.msk [tilespmem:v11+s23+$0x0], $0xffff  }
0x182: {  	v13 =	vshll.u32 v13, $0x7;
	v15 =	vmul.f32 v15, v16  }
0x183: {  	v10 =	vld.idx.msk [tilespmem:v10+s24+$0x0], $0xffff;
	v19 =	vor.u32 v0, v13  }
0x184: {  	v20 =	vor.u32 s8, v2;
	[tilespmem:v12+s25+$0x0] =	vst.idx.add.f32.msk $0xffff, v15  }
0x185: {  	v12 =	vld.idx.msk [tilespmem:v18+s19+$0x0], $0xffff  }
0x186: {  	v14 =	vmul.f32 v14, v17  }
0x187: {  	v11 =	vld.idx.msk [tilespmem:v11+s24+$0x0], $0xffff;
	v15 =	vor.u32 v2, v9  }
0x188: {  	[tilespmem:v19+s25+$0x0] =	vst.idx.add.f32.msk $0xffff, v14;
	v14 =	vor.u32 s7, v3  }
0x189: {  	v18 =	vld.idx.msk [tilespmem:v20+s19+$0x0], $0xffff  }
0x18a: {  	v12 =	vmul.f32 v12, v16  }
0x18b: {  	v19 =	vor.u32 v2, v13  }
0x18c: {  	v20 =	vor.u32 s8, v3;
	[tilespmem:v15+s25+$0x0] =	vst.idx.add.f32.msk $0xffff, v12  }
0x18d: {  	v12 =	vld.idx.msk [tilespmem:v14+s19+$0x0], $0xffff  }
0x18e: {  	v14 =	vmul.f32 v18, v17  }
0x18f: {  	v15 =	vor.u32 v3, v9  }
0x190: {  	[tilespmem:v19+s25+$0x0] =	vst.idx.add.f32.msk $0xffff, v14;
	v14 =	vor.u32 s7, v4  }
0x191: {  	v18 =	vld.idx.msk [tilespmem:v20+s19+$0x0], $0xffff  }
0x192: {  	s28 =	sadd.s32 $0x2, s31;
	v12 =	vmul.f32 v12, v16  }
0x193: {  	v19 =	vor.u32 v3, v13;
	v20 =	vmov s28  }
0x194: {  	v21 =	vor.u32 s8, v4;
	s0 =	sadd.s32 $0x1, s28;
	[tilespmem:v15+s25+$0x0] =	vst.idx.add.f32.msk $0xffff, v12;
	v12 =	vand.u32 $0xFFFFFFFE, v20  }
0x195: {  	v20 =	vmov s0;
	v14 =	vld.idx.msk [tilespmem:v14+s19+$0x0], $0xffff;
	v22 =	vbroadcast v12, $0x0  }
0x196: {  	v12 =	vmul.f32 v18, v17  }
0x197: {  	v15 =	vor.u32 v4, v9  }
0x198: {  	s11 =	simm.s32 $0x180;
	[tilespmem:v19+s25+$0x0] =	vst.idx.add.f32.msk $0xffff, v12;
	v12 =	vor.u32 s7, v5  }
0x199: {  	v23 =	vor.u32 s11, v0;
	v18 =	vld.idx.msk [tilespmem:v21+s19+$0x0], $0xffff  }
0x19a: {  	s0 =	simm.s32 $0x100;
	v21 =	vld.idx.msk [tilespmem:v20+s13+$0x0], $0xffff;
	v14 =	vmul.f32 v14, v16  }
0x19b: {  	v19 =	vor.u32 s0, v0;
	v16 =	vld.idx.msk [tilespmem:v22+s13+$0x0], $0xffff  }
0x19c: {  	[tilespmem:v15+s25+$0x0] =	vst.idx.add.f32.msk $0xffff, v14  }
0x19d: {  	v14 =	vld.idx.msk [tilespmem:v12+s19+$0x0], $0xffff  }
0x19e: {  	v23 =	vld.idx.msk [tilespmem:v23+s19+$0x0], $0xffff  }
0x19f: {  	v26 =	vor.u32 v5, v9;
	v25 =	vld.idx.msk [tilespmem:v22+s23+$0x0], $0xffff  }
0x1a0: {  	v27 =	vor.u32 s7, v6;
	v24 =	vld.idx.msk [tilespmem:v19+s19+$0x0], $0xffff  }
0x1a1: {  	v19 =	vld.idx.msk [tilespmem:v20+s23+$0x0], $0xffff;
	v15 =	vshll.u32 v16, $0x7  }
0x1a2: {  	v32 =	vshll.u32 v21, $0x7;
	v28 =	vor.u32 v0, v15;
	v14 =	vmul.f32 v14, v10  }
0x1a3: {  	v12 =	vld.idx.msk [tilespmem:v20+s24+$0x0], $0xffff;
	v21 =	vor.u32 v0, v32  }
0x1a4: {  	v20 =	vor.u32 s0, v2;
	[tilespmem:v26+s25+$0x0] =	vst.idx.add.f32.msk $0xffff, v14  }
0x1a5: {  	v24 =	vmul.f32 v24, v25;
	v14 =	vor.u32 v4, v13;
	v26 =	vld.idx.msk [tilespmem:v27+s19+$0x0], $0xffff  }
0x1a6: {  	v16 =	vld.idx.msk [tilespmem:v22+s24+$0x0], $0xffff;
	v22 =	vor.u32 s11, v2;
	v23 =	vmul.f32 v23, v19  }
0x1a7: {  	[tilespmem:v28+s25+$0x0] =	vst.idx.add.f32.msk $0xffff, v24;
	v24 =	vor.u32 v6, v9  }
0x1a8: {  	v17 =	vmul.f32 v18, v17;
	v18 =	vor.u32 s7, v7;
	[tilespmem:v21+s25+$0x0] =	vst.idx.add.f32.msk $0xffff, v23  }
0x1a9: {  	v27 =	vor.u32 s8, v5;
	v20 =	vld.idx.msk [tilespmem:v20+s19+$0x0], $0xffff  }
0x1aa: {  	[tilespmem:v14+s25+$0x0] =	vst.idx.add.f32.msk $0xffff, v17;
	v17 =	vmul.f32 v26, v10  }
0x1ab: {  	v21 =	vld.idx.msk [tilespmem:v22+s19+$0x0], $0xffff;
	v22 =	vor.u32 v2, v15  }
0x1ac: {  	v14 =	vor.u32 s0, v3;
	[tilespmem:v24+s25+$0x0] =	vst.idx.add.f32.msk $0xffff, v17  }
0x1ad: {  	v23 =	vor.u32 v2, v32;
	v18 =	vld.idx.msk [tilespmem:v18+s19+$0x0], $0xffff  }
0x1ae: {  	v29 =	vor.u32 s11, v3;
	v26 =	vld.idx.msk [tilespmem:v27+s19+$0x0], $0xffff;
	v28 =	vmul.f32 v20, v25  }
0x1af: {  	v36 =	vor.u32 v7, v9  }
0x1b0: {  	v24 =	vor.u32 v5, v13;
	[tilespmem:v22+s25+$0x0] =	vst.idx.add.f32.msk $0xffff, v28;
	v22 =	vmul.f32 v21, v19  }
0x1b1: {  	v39 =	vor.u32 s7, v8;
	v17 =	vor.u32 s8, v6;
	v38 =	vld.idx.msk [tilespmem:v14+s19+$0x0], $0xffff  }
0x1b2: {  	v31 =	vor.u32 s11, v4;
	v33 =	vor.u32 v3, v32;
	[tilespmem:v23+s25+$0x0] =	vst.idx.add.f32.msk $0xffff, v22;
	v37 =	vmul.f32 v18, v10  }
0x1b3: {  	v30 =	vor.u32 v6, v32;
	v27 =	vor.u32 s8, v7;
	v14 =	vmul.f32 v26, v11;
	v35 =	vld.idx.msk [tilespmem:v29+s19+$0x0], $0xffff  }
0x1b4: {  	v20 =	vor.u32 s8, v8;
	v28 =	vor.u32 v6, v13;
	[tilespmem:v36+s25+$0x0] =	vst.idx.add.f32.msk $0xffff, v37;
	v37 =	vor.u32 v3, v15  }
0x1b5: {  	v21 =	vor.u32 v7, v13;
	v13 =	vor.u32 v8, v13;
	[tilespmem:v24+s25+$0x0] =	vst.idx.add.f32.msk $0xffff, v14;
	v36 =	vor.u32 s0, v4  }
0x1b6: {  	v26 =	vor.u32 s11, v5;
	v22 =	vor.u32 s11, v6;
	v23 =	vor.u32 s11, v7;
	v34 =	vld.idx.msk [tilespmem:v17+s19+$0x0], $0xffff  }
0x1b7: {  	v29 =	vor.u32 v4, v32;
	v24 =	vor.u32 v5, v32;
	v38 =	vmul.f32 v38, v25  }
0x1b8: {  	s7 =	simm.s32 $0x4;
	s8 =	simm.s32 $0x6;
	v14 =	vor.u32 v8, v32;
	v17 =	vor.u32 s11, v8;
	v18 =	vor.u32 v7, v32;
	s11 =	sadd.s32 $0x4, s31;
	v32 =	vld.idx.msk [tilespmem:v39+s19+$0x0], $0xffff  }
.LBB2_14:
0x1b9: {  	p0 =	slt.u32 s8, $0x3E;
	v39 =	vmov s11;
	s11 =	sadd.s32 $0x1, s11;
	[tilespmem:v37+s25+$0x0] =	vst.idx.add.f32.msk $0xffff, v38;
	v35 =	vmul.f32 v35, v19  }
0x1ba: {  	v37 =	vand.u32 $0xFFFFFFFE, v39;
	v38 =	vmov s11;
	v36 =	vld.idx.msk [tilespmem:v36+s19+$0x0], $0xffff  }
0x1bb: {  	v34 =	vmul.f32 v34, v11;
	v37 =	vbroadcast v37, $0x0;
	[tilespmem:v33+s25+$0x0] =	vst.idx.add.f32.msk $0xffff, v35;
	v33 =	vor.u32 v8, v9  }
0x1bc: {  	v9 =	vmov v15;
	v35 =	vld.idx.msk [tilespmem:v31+s19+$0x0], $0xffff  }
0x1bd: {  	v15 =	vor.u32 v4, v9;
	[tilespmem:v28+s25+$0x0] =	vst.idx.add.f32.msk $0xffff, v34;
	v28 =	vmov v30  }
0x1be: {  	s11 =	sshll.u32 s7, $0x7;
	s7 =	smov.u32 s8;
	v30 =	vor.u32 s0, v5;
	v31 =	vmul.f32 v32, v10;
	v10 =	vmovc v16;
	v32 =	vld.idx.msk [tilespmem:v27+s19+$0x0], $0xffff;
	v27 =	vmov v23  }
0x1bf: {  	s28 =	sadd.s32 $0x80, s11;
	v16 =	vor.u32 s11, v0;
	v34 =	vld.idx.msk [tilespmem:v38+s13+$0x0], $0xffff  }
0x1c0: {  	v39 =	vor.u32 s28, v0;
	v40 =	vor.u32 s28, v2;
	v25 =	vmul.f32 v36, v25;
	[tilespmem:v33+s25+$0x0] =	vst.idx.add.f32.msk $0xffff, v31  }
0x1c1: {  	v41 =	vor.u32 s28, v5;
	v36 =	vor.u32 s28, v3;
	v31 =	vor.u32 s28, v4;
	v33 =	vld.idx.msk [tilespmem:v37+s13+$0x0], $0xffff  }
0x1c2: {  	v42 =	vor.u32 s28, v6;
	v23 =	vor.u32 s28, v7;
	v35 =	vmul.f32 v35, v19;
	[tilespmem:v15+s25+$0x0] =	vst.idx.add.f32.msk $0xffff, v25  }
0x1c3: {  	v43 =	vor.u32 s28, v8;
	v44 =	vld.idx.msk [tilespmem:v30+s19+$0x0], $0xffff  }
0x1c4: {  	v32 =	vmul.f32 v32, v11;
	v45 =	vld.idx.msk [tilespmem:v16+s19+$0x0], $0xffff  }
0x1c5: {  	v34 =	vshll.u32 v34, $0x7;
	v25 =	vld.idx.msk [tilespmem:v37+s23+$0x0], $0xffff  }
0x1c6: {  	v48 =	vor.u32 v5, v9;
	v46 =	vor.u32 v0, v34;
	v47 =	vor.u32 v2, v34;
	v19 =	vld.idx.msk [tilespmem:v38+s23+$0x0], $0xffff  }
0x1c7: {  	v49 =	vor.u32 s0, v6;
	v15 =	vshll.u32 v33, $0x7;
	v33 =	vor.u32 v3, v34;
	v39 =	vld.idx.msk [tilespmem:v39+s19+$0x0], $0xffff  }
0x1c8: {  	v51 =	vor.u32 v4, v34;
	v52 =	vor.u32 v5, v34;
	v50 =	vor.u32 v0, v15;
	v38 =	vld.idx.msk [tilespmem:v38+s24+$0x0], $0xffff  }
0x1c9: {  	v53 =	vor.u32 s11, v2;
	v30 =	vor.u32 v6, v34;
	v44 =	vmul.f32 v44, v10;
	[tilespmem:v29+s25+$0x0] =	vst.idx.add.f32.msk $0xffff, v35  }
0x1ca: {  	v54 =	vor.u32 v8, v34;
	v35 =	vor.u32 v7, v34;
	v29 =	vmov v51;
	v16 =	vld.idx.msk [tilespmem:v37+s24+$0x0], $0xffff  }
0x1cb: {  	v34 =	vmul.f32 v45, v25;
	[tilespmem:v48+s25+$0x0] =	vst.idx.add.f32.msk $0xffff, v44  }
0x1cc: {  	v37 =	vld.idx.msk [tilespmem:v49+s19+$0x0], $0xffff  }
0x1cd: {  	[tilespmem:v50+s25+$0x0] =	vst.idx.add.f32.msk $0xffff, v34;
	v34 =	vmul.f32 v39, v19  }
0x1ce: {  	v39 =	vld.idx.msk [tilespmem:v53+s19+$0x0], $0xffff  }
0x1cf: {  	[tilespmem:v46+s25+$0x0] =	vst.idx.add.f32.msk $0xffff, v34;
	v34 =	vor.u32 v6, v9  }
0x1d0: {  	v44 =	vor.u32 s0, v7;
	v40 =	vld.idx.msk [tilespmem:v40+s19+$0x0], $0xffff  }
0x1d1: {  	v45 =	vor.u32 v2, v15;
	v46 =	vld.idx.msk [tilespmem:v26+s19+$0x0], $0xffff;
	v26 =	vmov v41  }
0x1d2: {  	v41 =	vor.u32 s11, v3;
	v37 =	vmul.f32 v37, v10;
	[tilespmem:v21+s25+$0x0] =	vst.idx.add.f32.msk $0xffff, v32;
	v21 =	vmovc v18;
	v18 =	vmov v35  }
0x1d3: {  	v32 =	vld.idx.msk [tilespmem:v20+s19+$0x0], $0xffff;
	v20 =	vmov v17;
	v17 =	vmov v43  }
0x1d4: {  	v35 =	vmul.f32 v39, v25;
	[tilespmem:v34+s25+$0x0] =	vst.idx.add.f32.msk $0xffff, v37  }
0x1d5: {  	v34 =	vld.idx.msk [tilespmem:v44+s19+$0x0], $0xffff  }
0x1d6: {  	[tilespmem:v45+s25+$0x0] =	vst.idx.add.f32.msk $0xffff, v35;
	v35 =	vmul.f32 v40, v19  }
0x1d7: {  	v40 =	vmul.f32 v46, v12;
	v39 =	vld.idx.msk [tilespmem:v41+s19+$0x0], $0xffff  }
0x1d8: {  	v41 =	vor.u32 v7, v9;
	[tilespmem:v47+s25+$0x0] =	vst.idx.add.f32.msk $0xffff, v35  }
0x1d9: {  	v43 =	vor.u32 s0, v8;
	s0 =	smov.u32 s11;
	v32 =	vmul.f32 v32, v11;
	v11 =	vmovc v12;
	v12 =	vmov v38;
	v35 =	vld.idx.msk [tilespmem:v36+s19+$0x0], $0xffff  }
.Ltmp6:
0x1da: {  	v37 =	vor.u32 v3, v15;
	[tilespmem:v24+s25+$0x0] =	vst.idx.add.f32.msk $0xffff, v40;
	v24 =	vmov v52;
	(pc) =	sbr.rel @p0 .LBB2_14-.Ltmp6, $4  }
0x1db: {  	v36 =	vor.u32 s0, v4;
	v40 =	vmul.f32 v34, v10;
	v34 =	vld.idx.msk [tilespmem:v22+s19+$0x0], $0xffff;
	v22 =	vmov v42  }
0x1dc: {  	[tilespmem:v13+s25+$0x0] =	vst.idx.add.f32.msk $0xffff, v32;
	v13 =	vmov v14;
	v14 =	vmov v54  }
0x1dd: {  	v38 =	vmul.f32 v39, v25;
	[tilespmem:v41+s25+$0x0] =	vst.idx.add.f32.msk $0xffff, v40  }
0x1de: {  	s8 =	sadd.s32 $0x2, s8;
	s11 =	sadd.s32 s7, s31;
	v32 =	vld.idx.msk [tilespmem:v43+s19+$0x0], $0xffff  }
0x1df: {  	v39 =	vmov s11  }
0x1e0: {  	v39 =	vand.u32 $0xFFFFFFFE, v39  }
0x1e1: {  	v39 =	vbroadcast v39, $0x0;
	_ =	sdelay $0x1  }
0x1e2: {  	s8 =	sadd.s32 $0x1, s11  }
0x1e3: {  	s18 =	sshll.u32 s7, $0x7;
	v40 =	vmov s8  }
0x1e4: {  	v41 =	vor.u32 s18, v0;
	_ =	sdelay $0x1  }
0x1e5: {  	s7 =	sadd.s32 $0x80, s18;
	v42 =	vld.idx.msk [tilespmem:v39+s13+$0x0], $0xffff  }
0x1e6: {  	v43 =	vor.u32 s7, v0  }
0x1e7: {  	v44 =	vld.idx.msk [tilespmem:v40+s13+$0x0], $0xffff  }
0x1e8: {  	v41 =	vld.idx.msk [tilespmem:v41+s19+$0x0], $0xffff  }
0x1e9: {  	v45 =	vld.idx.msk [tilespmem:v39+s23+$0x0], $0xffff  }
0x1ea: {  	v46 =	vld.idx.msk [tilespmem:v40+s23+$0x0], $0xffff;
	v42 =	vshll.u32 v42, $0x7  }
0x1eb: {  	v43 =	vld.idx.msk [tilespmem:v43+s19+$0x0], $0xffff;
	v47 =	vor.u32 v0, v42  }
0x1ec: {  	v48 =	vor.u32 s18, v2;
	v44 =	vshll.u32 v44, $0x7  }
0x1ed: {  	v49 =	vor.u32 v0, v44  }
0x1ee: {  	v50 =	vor.u32 s7, v2;
	v40 =	vld.idx.msk [tilespmem:v40+s24+$0x0], $0xffff;
	v41 =	vmul.f32 v41, v45  }
0x1ef: {  	v39 =	vld.idx.msk [tilespmem:v39+s24+$0x0], $0xffff  }
0x1f0: {  	v56 =	vmul.f32 v43, v46;
	[tilespmem:v47+s25+$0x0] =	vst.idx.add.f32.msk $0xffff, v41  }
0x1f1: {  	v57 =	vld.idx.msk [tilespmem:v48+s19+$0x0], $0xffff  }
0x1f2: {  	[tilespmem:v49+s25+$0x0] =	vst.idx.add.f32.msk $0xffff, v56  }
0x1f3: {  	v58 =	vor.u32 v2, v42;
	v41 =	vld.idx.msk [tilespmem:v50+s19+$0x0], $0xffff  }
0x1f4: {  	[tilespmem:v37+s25+$0x0] =	vst.idx.add.f32.msk $0xffff, v38;
	v35 =	vmul.f32 v35, v19;
	v59 =	vor.u32 s18, v3  }
0x1f5: {  	v36 =	vld.idx.msk [tilespmem:v36+s19+$0x0], $0xffff;
	v60 =	vor.u32 v2, v44  }
0x1f6: {  	[tilespmem:v33+s25+$0x0] =	vst.idx.add.f32.msk $0xffff, v35;
	v61 =	vor.u32 s7, v3;
	v62 =	vmul.f32 v57, v45  }
0x1f7: {  	v31 =	vld.idx.msk [tilespmem:v31+s19+$0x0], $0xffff  }
0x1f8: {  	v63 =	vor.u32 v4, v15;
	v48 =	vmul.f32 v41, v46;
	[tilespmem:v58+s25+$0x0] =	vst.idx.add.f32.msk $0xffff, v62  }
0x1f9: {  	v37 =	vld.idx.msk [tilespmem:v59+s19+$0x0], $0xffff  }
0x1fa: {  	v34 =	vmul.f32 v34, v11;
	v49 =	vor.u32 s0, v5;
	[tilespmem:v60+s25+$0x0] =	vst.idx.add.f32.msk $0xffff, v48  }
0x1fb: {  	v25 =	vmul.f32 v36, v25;
	v50 =	vor.u32 v3, v42;
	v33 =	vld.idx.msk [tilespmem:v61+s19+$0x0], $0xffff  }
0x1fc: {  	[tilespmem:v28+s25+$0x0] =	vst.idx.add.f32.msk $0xffff, v34;
	v28 =	vor.u32 s18, v4  }
0x1fd: {  	[tilespmem:v63+s25+$0x0] =	vst.idx.add.f32.msk $0xffff, v25;
	v25 =	vor.u32 v3, v44  }
0x1fe: {  	v51 =	vor.u32 s7, v4;
	v27 =	vld.idx.msk [tilespmem:v27+s19+$0x0], $0xffff;
	v37 =	vmul.f32 v37, v45  }
0x1ff: {  	v52 =	vld.idx.msk [tilespmem:v49+s19+$0x0], $0xffff  }
0x200: {  	v33 =	vmul.f32 v33, v46;
	[tilespmem:v50+s25+$0x0] =	vst.idx.add.f32.msk $0xffff, v37  }
0x201: {  	v53 =	vor.u32 v5, v15;
	v28 =	vld.idx.msk [tilespmem:v28+s19+$0x0], $0xffff  }
0x202: {  	v19 =	vmul.f32 v31, v19;
	[tilespmem:v25+s25+$0x0] =	vst.idx.add.f32.msk $0xffff, v33  }
0x203: {  	v55 =	vor.u32 v4, v42;
	v31 =	vld.idx.msk [tilespmem:v51+s19+$0x0], $0xffff  }
0x204: {  	[tilespmem:v29+s25+$0x0] =	vst.idx.add.f32.msk $0xffff, v19;
	v19 =	vor.u32 s18, v5;
	v25 =	vmul.f32 v52, v16  }
0x205: {  	v27 =	vmul.f32 v27, v11;
	v26 =	vld.idx.msk [tilespmem:v26+s19+$0x0], $0xffff;
	v29 =	vor.u32 v4, v44  }
0x206: {  	[tilespmem:v53+s25+$0x0] =	vst.idx.add.f32.msk $0xffff, v25;
	v25 =	vor.u32 s7, v5;
	v28 =	vmul.f32 v28, v45  }
0x207: {  	[tilespmem:v21+s25+$0x0] =	vst.idx.add.f32.msk $0xffff, v27  }
0x208: {  	v54 =	vor.u32 s0, v6;
	[tilespmem:v55+s25+$0x0] =	vst.idx.add.f32.msk $0xffff, v28;
	v28 =	vmul.f32 v31, v46  }
0x209: {  	v19 =	vld.idx.msk [tilespmem:v19+s19+$0x0], $0xffff  }
0x20a: {  	[tilespmem:v29+s25+$0x0] =	vst.idx.add.f32.msk $0xffff, v28  }
0x20b: {  	v28 =	vor.u32 v5, v42;
	v25 =	vld.idx.msk [tilespmem:v25+s19+$0x0], $0xffff  }
0x20c: {  	v20 =	vld.idx.msk [tilespmem:v20+s19+$0x0], $0xffff;
	v21 =	vmul.f32 v26, v12;
	v26 =	vor.u32 s18, v6  }
0x20d: {  	v27 =	vor.u32 v5, v44;
	v56 =	vld.idx.msk [tilespmem:v54+s19+$0x0], $0xffff  }
0x20e: {  	[tilespmem:v24+s25+$0x0] =	vst.idx.add.f32.msk $0xffff, v21;
	v29 =	vor.u32 s7, v6;
	v19 =	vmul.f32 v19, v39  }
0x20f: {  	v21 =	vor.u32 v6, v15;
	v22 =	vld.idx.msk [tilespmem:v22+s19+$0x0], $0xffff  }
0x210: {  	v24 =	vor.u32 s0, v7;
	[tilespmem:v28+s25+$0x0] =	vst.idx.add.f32.msk $0xffff, v19;
	v19 =	vmul.f32 v25, v40  }
0x211: {  	v25 =	vld.idx.msk [tilespmem:v26+s19+$0x0], $0xffff  }
0x212: {  	v26 =	vmul.f32 v56, v16;
	[tilespmem:v27+s25+$0x0] =	vst.idx.add.f32.msk $0xffff, v19  }
0x213: {  	v19 =	vor.u32 v6, v42;
	v27 =	vld.idx.msk [tilespmem:v29+s19+$0x0], $0xffff  }
0x214: {  	[tilespmem:v21+s25+$0x0] =	vst.idx.add.f32.msk $0xffff, v26;
	v21 =	vmul.f32 v22, v12;
	v22 =	vor.u32 s18, v7  }
0x215: {  	v26 =	vor.u32 v6, v44;
	v24 =	vld.idx.msk [tilespmem:v24+s19+$0x0], $0xffff  }
0x216: {  	v28 =	vor.u32 s7, v7;
	[tilespmem:v30+s25+$0x0] =	vst.idx.add.f32.msk $0xffff, v21;
	v21 =	vmul.f32 v25, v39  }
0x217: {  	v25 =	vor.u32 v7, v15;
	v23 =	vld.idx.msk [tilespmem:v23+s19+$0x0], $0xffff  }
0x218: {  	v29 =	vor.u32 s0, v8;
	[tilespmem:v19+s25+$0x0] =	vst.idx.add.f32.msk $0xffff, v21;
	v19 =	vmul.f32 v27, v40  }
0x219: {  	v21 =	vld.idx.msk [tilespmem:v22+s19+$0x0], $0xffff  }
0x21a: {  	v22 =	vmul.f32 v24, v16;
	[tilespmem:v26+s25+$0x0] =	vst.idx.add.f32.msk $0xffff, v19  }
0x21b: {  	v19 =	vor.u32 v7, v42;
	v24 =	vld.idx.msk [tilespmem:v28+s19+$0x0], $0xffff  }
0x21c: {  	[tilespmem:v25+s25+$0x0] =	vst.idx.add.f32.msk $0xffff, v22;
	v22 =	vmul.f32 v23, v12;
	v23 =	vor.u32 s18, v8  }
0x21d: {  	v25 =	vor.u32 v7, v44;
	v26 =	vld.idx.msk [tilespmem:v29+s19+$0x0], $0xffff  }
0x21e: {  	v27 =	vor.u32 s7, v8;
	[tilespmem:v18+s25+$0x0] =	vst.idx.add.f32.msk $0xffff, v22;
	v18 =	vmul.f32 v21, v39  }
0x21f: {  	v9 =	vor.u32 v8, v9;
	v17 =	vld.idx.msk [tilespmem:v17+s19+$0x0], $0xffff  }
0x220: {  	[tilespmem:v19+s25+$0x0] =	vst.idx.add.f32.msk $0xffff, v18;
	v18 =	vmul.f32 v24, v40  }
0x221: {  	v15 =	vor.u32 v8, v15;
	v19 =	vld.idx.msk [tilespmem:v23+s19+$0x0], $0xffff  }
0x222: {  	v10 =	vmul.f32 v32, v10;
	[tilespmem:v25+s25+$0x0] =	vst.idx.add.f32.msk $0xffff, v18  }
0x223: {  	v11 =	vmul.f32 v20, v11;
	v20 =	vor.u32 v8, v42;
	v18 =	vld.idx.msk [tilespmem:v27+s19+$0x0], $0xffff  }
0x224: {  	[tilespmem:v9+s25+$0x0] =	vst.idx.add.f32.msk $0xffff, v10;
	v10 =	vmul.f32 v26, v16  }
0x225: {  	v9 =	vor.u32 v8, v44;
	[tilespmem:v13+s25+$0x0] =	vst.idx.add.f32.msk $0xffff, v11;
	s7 =	sadd.s32 $0x0, s31;
	v11 =	vmul.f32 v17, v12  }
0x226: {  	s18 =	sadd.s32 $0x40, s7;
	[tilespmem:v15+s25+$0x0] =	vst.idx.add.f32.msk $0xffff, v10;
	v10 =	vmul.f32 v19, v39  }
0x227: {  	s11 =	sshll.u32 s1, $0x1;
	v12 =	vmov s18;
	[tilespmem:v14+s25+$0x0] =	vst.idx.add.f32.msk $0xffff, v11  }
0x228: {  	s0 =	smin.u32 s11, $0xA6;
	v11 =	vmul.f32 v18, v40;
	[tilespmem:v20+s25+$0x0] =	vst.idx.add.f32.msk $0xffff, v10;
	v10 =	vand.u32 $0xFFFFFFFE, v12  }
0x229: {  	s0 =	sshll.u32 s0, $0x6;
	v10 =	vbroadcast v10, $0x0  }
0x22a: {  	s11 =	sadd.s32 $0x5580, s0;
	s7 =	sadd.s32 $0x41, s7;
	[tilespmem:v9+s25+$0x0] =	vst.idx.add.f32.msk $0xffff, v11  }
0x22b: {  	[tilespmem:s19], [sflag:$0x1] =	stream.indirect.gather [hbm4b:s5+s17], $0x80, s11, s17, $0xb8;
	[tilespmem:$0x1E000] =	vst v63  }
0x22c: {  	s8 =	simm.s32 $0x0;
	v11 =	vmov s7;
	_ =	swait.ge [sflag:s26], $0x2000  }
0x22d: {  	v9 =	vor.u32 s8, v0;
	[sflag:s26] =	ssyncset.done $0x0  }
0x22e: {  	[sflag:s26] =	ssyncadd.s32 $0xFFFFE000  }
0x22f: {  	s11 =	simm.s32 $0x80;
	v12 =	vld.idx.msk [tilespmem:v10+s13+$0x0], $0xffff  }
0x230: {  	v14 =	vor.u32 s11, v0  }
0x231: {  	v13 =	vld.idx.msk [tilespmem:v11+s13+$0x0], $0xffff  }
0x232: {  	v15 =	vld.idx.msk [tilespmem:v9+s21+$0x0], $0xffff  }
0x233: {  	v16 =	vld.idx.msk [tilespmem:v10+s23+$0x0], $0xffff  }
0x234: {  	v9 =	vshll.u32 v12, $0x7  }
0x235: {  	v14 =	vld.idx.msk [tilespmem:v14+s21+$0x0], $0xffff;
	v17 =	vor.u32 v0, v9  }
0x236: {  	v18 =	vor.u32 s8, v2;
	v12 =	vld.idx.msk [tilespmem:v11+s23+$0x0], $0xffff  }
0x237: {  	v13 =	vshll.u32 v13, $0x7  }
0x238: {  	v15 =	vmul.f32 v15, v16;
	v19 =	vor.u32 v0, v13  }
0x239: {  	v20 =	vor.u32 s11, v2;
	v10 =	vld.idx.msk [tilespmem:v10+s24+$0x0], $0xffff  }
0x23a: {  	[tilespmem:v17+s25+$0x0] =	vst.idx.add.f32.msk $0xffff, v15  }
0x23b: {  	v14 =	vmul.f32 v14, v12;
	v15 =	vld.idx.msk [tilespmem:v18+s21+$0x0], $0xffff  }
0x23c: {  	v11 =	vld.idx.msk [tilespmem:v11+s24+$0x0], $0xffff  }
0x23d: {  	[tilespmem:v19+s25+$0x0] =	vst.idx.add.f32.msk $0xffff, v14;
	v14 =	vor.u32 v2, v9  }
0x23e: {  	v18 =	vor.u32 s8, v3;
	v17 =	vld.idx.msk [tilespmem:v20+s21+$0x0], $0xffff;
	_ =	sdelay $0x1  }
0x23f: {  	v19 =	vor.u32 v2, v13;
	v15 =	vmul.f32 v15, v16  }
0x240: {  	v20 =	vor.u32 s11, v3  }
0x241: {  	[tilespmem:v14+s25+$0x0] =	vst.idx.add.f32.msk $0xffff, v15  }
0x242: {  	v14 =	vmul.f32 v17, v12;
	v15 =	vld.idx.msk [tilespmem:v18+s21+$0x0], $0xffff  }
0x243: {  	s18 =	sadd.s32 $0x2, s31  }
0x244: {  	s7 =	sadd.s32 $0x41, s18;
	[tilespmem:v19+s25+$0x0] =	vst.idx.add.f32.msk $0xffff, v14;
	v14 =	vor.u32 v3, v9  }
0x245: {  	v22 =	vmov s7;
	s7 =	simm.s32 $0x100;
	v18 =	vor.u32 s8, v4;
	v17 =	vld.idx.msk [tilespmem:v20+s21+$0x0], $0xffff  }
0x246: {  	v23 =	vor.u32 s7, v0  }
0x247: {  	s28 =	sadd.s32 $0x40, s18;
	v19 =	vor.u32 v3, v13;
	v15 =	vmul.f32 v15, v16  }
0x248: {  	v21 =	vmov s28;
	v20 =	vor.u32 s11, v4  }
0x249: {  	[tilespmem:v14+s25+$0x0] =	vst.idx.add.f32.msk $0xffff, v15;
	v14 =	vand.u32 $0xFFFFFFFE, v21  }
0x24a: {  	v15 =	vmul.f32 v17, v12;
	v17 =	vld.idx.msk [tilespmem:v18+s21+$0x0], $0xffff;
	v14 =	vbroadcast v14, $0x0  }
0x24b: {  	v26 =	vld.idx.msk [tilespmem:v23+s21+$0x0], $0xffff  }
0x24c: {  	[tilespmem:v19+s25+$0x0] =	vst.idx.add.f32.msk $0xffff, v15;
	v15 =	vor.u32 v4, v9  }
0x24d: {  	v18 =	vld.idx.msk [tilespmem:v20+s21+$0x0], $0xffff;
	v20 =	vor.u32 s8, v5  }
0x24e: {  	v21 =	vld.idx.msk [tilespmem:v22+s13+$0x0], $0xffff  }
0x24f: {  	s28 =	simm.s32 $0x180;
	v19 =	vld.idx.msk [tilespmem:v22+s23+$0x0], $0xffff;
	v16 =	vmul.f32 v17, v16  }
0x250: {  	v17 =	vor.u32 s28, v0;
	v24 =	vld.idx.msk [tilespmem:v14+s13+$0x0], $0xffff  }
0x251: {  	[tilespmem:v15+s25+$0x0] =	vst.idx.add.f32.msk $0xffff, v16;
	v16 =	vor.u32 v4, v13  }
0x252: {  	v20 =	vld.idx.msk [tilespmem:v20+s21+$0x0], $0xffff  }
0x253: {  	v25 =	vor.u32 s11, v5;
	v23 =	vld.idx.msk [tilespmem:v14+s23+$0x0], $0xffff  }
0x254: {  	v27 =	vor.u32 v5, v9;
	v18 =	vmul.f32 v18, v12;
	v12 =	vld.idx.msk [tilespmem:v22+s24+$0x0], $0xffff  }
0x255: {  	v22 =	vor.u32 s8, v6;
	v17 =	vld.idx.msk [tilespmem:v17+s21+$0x0], $0xffff;
	v15 =	vshll.u32 v24, $0x7  }
0x256: {  	v24 =	vor.u32 v0, v15;
	[tilespmem:v16+s25+$0x0] =	vst.idx.add.f32.msk $0xffff, v18  }
0x257: {  	v31 =	vshll.u32 v21, $0x7;
	v18 =	vor.u32 s7, v2;
	v16 =	vld.idx.msk [tilespmem:v14+s24+$0x0], $0xffff;
	v20 =	vmul.f32 v20, v10  }
0x258: {  	v21 =	vld.idx.msk [tilespmem:v25+s21+$0x0], $0xffff;
	v25 =	vor.u32 v0, v31  }
0x259: {  	v26 =	vmul.f32 v26, v23;
	v14 =	vor.u32 s28, v2;
	[tilespmem:v27+s25+$0x0] =	vst.idx.add.f32.msk $0xffff, v20  }
0x25a: {  	v20 =	vor.u32 v5, v13;
	v22 =	vld.idx.msk [tilespmem:v22+s21+$0x0], $0xffff  }
0x25b: {  	v27 =	vor.u32 s11, v6;
	v17 =	vmul.f32 v17, v19;
	[tilespmem:v24+s25+$0x0] =	vst.idx.add.f32.msk $0xffff, v26  }
0x25c: {  	v24 =	vor.u32 v6, v9;
	v18 =	vld.idx.msk [tilespmem:v18+s21+$0x0], $0xffff  }
0x25d: {  	[tilespmem:v25+s25+$0x0] =	vst.idx.add.f32.msk $0xffff, v17;
	v17 =	vmul.f32 v21, v11;
	v21 =	vor.u32 s8, v7  }
0x25e: {  	v26 =	vor.u32 v2, v15;
	v14 =	vld.idx.msk [tilespmem:v14+s21+$0x0], $0xffff  }
0x25f: {  	[tilespmem:v20+s25+$0x0] =	vst.idx.add.f32.msk $0xffff, v17;
	v17 =	vor.u32 s7, v3;
	v20 =	vmul.f32 v22, v10  }
0x260: {  	v28 =	vor.u32 v2, v31;
	v27 =	vld.idx.msk [tilespmem:v27+s21+$0x0], $0xffff  }
0x261: {  	v57 =	vor.u32 s28, v3;
	v18 =	vmul.f32 v18, v23;
	[tilespmem:v24+s25+$0x0] =	vst.idx.add.f32.msk $0xffff, v20  }
0x262: {  	v33 =	vor.u32 s8, v8;
	v29 =	vor.u32 s28, v4;
	v59 =	vor.u32 v6, v13;
	v60 =	vld.idx.msk [tilespmem:v21+s21+$0x0], $0xffff  }
0x263: {  	v58 =	vor.u32 s11, v7;
	v62 =	vor.u32 v7, v9;
	v14 =	vmul.f32 v14, v19;
	[tilespmem:v26+s25+$0x0] =	vst.idx.add.f32.msk $0xffff, v18  }
0x264: {  	v30 =	vor.u32 v3, v31;
	v35 =	vor.u32 v3, v15;
	v25 =	vor.u32 v7, v13;
	v61 =	vld.idx.msk [tilespmem:v17+s21+$0x0], $0xffff  }
0x265: {  	v34 =	vor.u32 s7, v4;
	v13 =	vor.u32 v8, v13;
	[tilespmem:v28+s25+$0x0] =	vst.idx.add.f32.msk $0xffff, v14;
	v14 =	vmul.f32 v27, v11  }
0x266: {  	v22 =	vor.u32 s28, v6;
	v20 =	vor.u32 s11, v8;
	v24 =	vor.u32 v5, v31;
	v32 =	vld.idx.msk [tilespmem:v57+s21+$0x0], $0xffff  }
0x267: {  	v21 =	vor.u32 v6, v31;
	v26 =	vor.u32 s28, v5;
	[tilespmem:v59+s25+$0x0] =	vst.idx.add.f32.msk $0xffff, v14;
	v63 =	vmul.f32 v60, v10  }
0x268: {  	v27 =	vor.u32 v4, v31;
	v28 =	vor.u32 v7, v31;
	v14 =	vor.u32 v8, v31;
	v31 =	vld.idx.msk [tilespmem:v58+s21+$0x0], $0xffff  }
0x269: {  	s8 =	simm.s32 $0x4;
	s11 =	simm.s32 $0x6;
	v18 =	vor.u32 s28, v7;
	v17 =	vor.u32 s28, v8;
	s28 =	sadd.s32 $0x4, s31;
	v36 =	vmul.f32 v61, v23;
	[tilespmem:v62+s25+$0x0] =	vst.idx.add.f32.msk $0xffff, v63  }
.LBB2_16:
0x26a: {  	p0 =	slt.u32 s11, $0x3E;
	s18 =	sadd.s32 $0x40, s28;
	s28 =	sadd.s32 $0x41, s28;
	v33 =	vld.idx.msk [tilespmem:v33+s21+$0x0], $0xffff  }
0x26b: {  	v32 =	vmul.f32 v32, v19;
	v37 =	vmov s18;
	v38 =	vmov s28;
	[tilespmem:v35+s25+$0x0] =	vst.idx.add.f32.msk $0xffff, v36  }
0x26c: {  	v35 =	vand.u32 $0xFFFFFFFE, v37;
	v34 =	vld.idx.msk [tilespmem:v34+s21+$0x0], $0xffff  }
0x26d: {  	v31 =	vmul.f32 v31, v11;
	v35 =	vbroadcast v35, $0x0;
	[tilespmem:v30+s25+$0x0] =	vst.idx.add.f32.msk $0xffff, v32;
	v30 =	vor.u32 v8, v9  }
0x26e: {  	v9 =	vmov v15;
	v32 =	vld.idx.msk [tilespmem:v29+s21+$0x0], $0xffff  }
0x26f: {  	v15 =	vor.u32 v4, v9;
	[tilespmem:v25+s25+$0x0] =	vst.idx.add.f32.msk $0xffff, v31;
	v25 =	vmov v28  }
0x270: {  	s28 =	sshll.u32 s8, $0x7;
	s8 =	smov.u32 s11;
	v31 =	vor.u32 s7, v5;
	v29 =	vmul.f32 v33, v10;
	v10 =	vmov v16;
	v28 =	vld.idx.msk [tilespmem:v38+s13+$0x0], $0xffff  }
0x271: {  	s18 =	sadd.s32 $0x80, s28;
	v16 =	vor.u32 s28, v0;
	v33 =	vld.idx.msk [tilespmem:v38+s23+$0x0], $0xffff  }
0x272: {  	v36 =	vor.u32 s18, v0;
	v37 =	vor.u32 s18, v2;
	v23 =	vmul.f32 v34, v23;
	[tilespmem:v30+s25+$0x0] =	vst.idx.add.f32.msk $0xffff, v29  }
0x273: {  	v39 =	vor.u32 s18, v3;
	v40 =	vor.u32 s18, v5;
	v29 =	vor.u32 s18, v4;
	v34 =	vld.idx.msk [tilespmem:v35+s13+$0x0], $0xffff  }
0x274: {  	v41 =	vor.u32 s18, v6;
	v42 =	vor.u32 s18, v7;
	v32 =	vmul.f32 v32, v19;
	[tilespmem:v15+s25+$0x0] =	vst.idx.add.f32.msk $0xffff, v23  }
0x275: {  	v43 =	vor.u32 s18, v8;
	v31 =	vld.idx.msk [tilespmem:v31+s21+$0x0], $0xffff  }
0x276: {  	v44 =	vld.idx.msk [tilespmem:v16+s21+$0x0], $0xffff;
	v16 =	vshll.u32 v28, $0x7  }
0x277: {  	v23 =	vld.idx.msk [tilespmem:v35+s23+$0x0], $0xffff;
	v45 =	vor.u32 v0, v16;
	v46 =	vor.u32 v2, v16;
	v30 =	vor.u32 v3, v16  }
0x278: {  	v49 =	vor.u32 v5, v9;
	v47 =	vor.u32 v4, v16;
	v48 =	vor.u32 v5, v16;
	v36 =	vld.idx.msk [tilespmem:v36+s21+$0x0], $0xffff  }
0x279: {  	v50 =	vor.u32 s7, v6;
	v19 =	vmovc v33;
	v15 =	vshll.u32 v34, $0x7;
	v34 =	vld.idx.msk [tilespmem:v38+s24+$0x0], $0xffff;
	v38 =	vor.u32 v6, v16  }
0x27a: {  	v28 =	vor.u32 v7, v16;
	v33 =	vor.u32 v0, v15;
	[tilespmem:v27+s25+$0x0] =	vst.idx.add.f32.msk $0xffff, v32;
	v27 =	vmov v47  }
0x27b: {  	v32 =	vor.u32 s28, v2;
	v47 =	vor.u32 v8, v16;
	v31 =	vmul.f32 v31, v10;
	v51 =	vld.idx.msk [tilespmem:v26+s21+$0x0], $0xffff;
	v26 =	vmovc v40  }
0x27c: {  	v16 =	vld.idx.msk [tilespmem:v35+s24+$0x0], $0xffff  }
0x27d: {  	v35 =	vmul.f32 v44, v23;
	[tilespmem:v49+s25+$0x0] =	vst.idx.add.f32.msk $0xffff, v31  }
0x27e: {  	v31 =	vmul.f32 v36, v19;
	v36 =	vld.idx.msk [tilespmem:v50+s21+$0x0], $0xffff  }
0x27f: {  	[tilespmem:v33+s25+$0x0] =	vst.idx.add.f32.msk $0xffff, v35  }
0x280: {  	v32 =	vld.idx.msk [tilespmem:v32+s21+$0x0], $0xffff  }
0x281: {  	v33 =	vmul.f32 v51, v12;
	[tilespmem:v45+s25+$0x0] =	vst.idx.add.f32.msk $0xffff, v31;
	v31 =	vor.u32 v6, v9  }
0x282: {  	v35 =	vld.idx.msk [tilespmem:v37+s21+$0x0], $0xffff;
	v37 =	vor.u32 s7, v7  }
0x283: {  	v40 =	vor.u32 v2, v15;
	[tilespmem:v24+s25+$0x0] =	vst.idx.add.f32.msk $0xffff, v33;
	v24 =	vmov v48  }
0x284: {  	v33 =	vor.u32 s28, v3;
	v36 =	vmul.f32 v36, v10;
	v44 =	vld.idx.msk [tilespmem:v22+s21+$0x0], $0xffff;
	v22 =	vmov v41  }
0x285: {  	v41 =	vld.idx.msk [tilespmem:v20+s21+$0x0], $0xffff;
	v20 =	vmov v17;
	v17 =	vmov v43  }
0x286: {  	v32 =	vmul.f32 v32, v23;
	[tilespmem:v31+s25+$0x0] =	vst.idx.add.f32.msk $0xffff, v36  }
0x287: {  	v31 =	vld.idx.msk [tilespmem:v37+s21+$0x0], $0xffff  }
0x288: {  	[tilespmem:v40+s25+$0x0] =	vst.idx.add.f32.msk $0xffff, v32;
	v32 =	vmul.f32 v35, v19  }
0x289: {  	v36 =	vld.idx.msk [tilespmem:v33+s21+$0x0], $0xffff  }
0x28a: {  	v37 =	vor.u32 v7, v9;
	v40 =	vmul.f32 v44, v12;
	[tilespmem:v46+s25+$0x0] =	vst.idx.add.f32.msk $0xffff, v32  }
.Ltmp7:
0x28b: {  	v33 =	vor.u32 s7, v8;
	s7 =	smov.u32 s28;
	v32 =	vld.idx.msk [tilespmem:v39+s21+$0x0], $0xffff;
	v39 =	vmul.f32 v41, v11;
	v11 =	vmovc v12;
	v12 =	vmov v34;
	(pc) =	sbr.rel @p0 .LBB2_16-.Ltmp7, $4  }
0x28c: {  	v35 =	vor.u32 v3, v15;
	[tilespmem:v21+s25+$0x0] =	vst.idx.add.f32.msk $0xffff, v40;
	v21 =	vmov v38  }
0x28d: {  	v34 =	vor.u32 s7, v4;
	v38 =	vmul.f32 v31, v10;
	v31 =	vld.idx.msk [tilespmem:v18+s21+$0x0], $0xffff;
	v18 =	vmov v42  }
0x28e: {  	[tilespmem:v13+s25+$0x0] =	vst.idx.add.f32.msk $0xffff, v39;
	v13 =	vmov v14;
	v14 =	vmov v47  }
0x28f: {  	s11 =	sadd.s32 $0x2, s11;
	s28 =	sadd.s32 s8, s31;
	v36 =	vmul.f32 v36, v23;
	[tilespmem:v37+s25+$0x0] =	vst.idx.add.f32.msk $0xffff, v38  }
0x290: {  	s11 =	sadd.s32 $0x40, s28  }
0x291: {  	s18 =	sadd.s32 $0x41, s28;
	v37 =	vmov s11  }
0x292: {  	v38 =	vmov s18;
	v37 =	vand.u32 $0xFFFFFFFE, v37  }
0x293: {  	v37 =	vbroadcast v37, $0x0  }
0x294: {  	s28 =	sshll.u32 s8, $0x7  }
0x295: {  	s8 =	sadd.s32 $0x80, s28  }
0x296: {  	v41 =	vor.u32 s8, v0  }
0x297: {  	v39 =	vor.u32 s28, v0;
	v42 =	vld.idx.msk [tilespmem:v38+s13+$0x0], $0xffff;
	_ =	sdelay $0x1  }
0x298: {  	v40 =	vld.idx.msk [tilespmem:v37+s13+$0x0], $0xffff  }
0x299: {  	v44 =	vld.idx.msk [tilespmem:v38+s23+$0x0], $0xffff  }
0x29a: {  	v41 =	vld.idx.msk [tilespmem:v41+s21+$0x0], $0xffff  }
0x29b: {  	v39 =	vld.idx.msk [tilespmem:v39+s21+$0x0], $0xffff;
	v42 =	vshll.u32 v42, $0x7  }
0x29c: {  	v43 =	vld.idx.msk [tilespmem:v37+s23+$0x0], $0xffff;
	v47 =	vor.u32 v0, v42  }
0x29d: {  	v48 =	vor.u32 s8, v2;
	v40 =	vshll.u32 v40, $0x7  }
0x29e: {  	v45 =	vor.u32 v0, v40  }
0x29f: {  	v46 =	vor.u32 s28, v2;
	v38 =	vld.idx.msk [tilespmem:v38+s24+$0x0], $0xffff;
	v41 =	vmul.f32 v41, v44  }
0x2a0: {  	v37 =	vld.idx.msk [tilespmem:v37+s24+$0x0], $0xffff  }
0x2a1: {  	v39 =	vmul.f32 v39, v43;
	[tilespmem:v47+s25+$0x0] =	vst.idx.add.f32.msk $0xffff, v41  }
0x2a2: {  	v41 =	vld.idx.msk [tilespmem:v48+s21+$0x0], $0xffff  }
0x2a3: {  	[tilespmem:v45+s25+$0x0] =	vst.idx.add.f32.msk $0xffff, v39  }
0x2a4: {  	v56 =	vor.u32 v2, v42;
	v39 =	vld.idx.msk [tilespmem:v46+s21+$0x0], $0xffff  }
0x2a5: {  	v57 =	vor.u32 s8, v3  }
0x2a6: {  	v33 =	vld.idx.msk [tilespmem:v33+s21+$0x0], $0xffff;
	v54 =	vor.u32 v2, v40  }
0x2a7: {  	v55 =	vor.u32 s28, v3;
	[tilespmem:v35+s25+$0x0] =	vst.idx.add.f32.msk $0xffff, v36;
	v59 =	vmul.f32 v41, v44  }
0x2a8: {  	v34 =	vld.idx.msk [tilespmem:v34+s21+$0x0], $0xffff  }
0x2a9: {  	[tilespmem:v56+s25+$0x0] =	vst.idx.add.f32.msk $0xffff, v59;
	v58 =	vmul.f32 v39, v43  }
0x2aa: {  	v35 =	vld.idx.msk [tilespmem:v57+s21+$0x0], $0xffff  }
0x2ab: {  	v60 =	vor.u32 v4, v15;
	v32 =	vmul.f32 v32, v19;
	[tilespmem:v54+s25+$0x0] =	vst.idx.add.f32.msk $0xffff, v58  }
0x2ac: {  	v47 =	vor.u32 v3, v42;
	v61 =	vld.idx.msk [tilespmem:v55+s21+$0x0], $0xffff  }
0x2ad: {  	[tilespmem:v30+s25+$0x0] =	vst.idx.add.f32.msk $0xffff, v32;
	v31 =	vmul.f32 v31, v11;
	v48 =	vor.u32 s8, v4  }
0x2ae: {  	v29 =	vld.idx.msk [tilespmem:v29+s21+$0x0], $0xffff;
	v23 =	vmul.f32 v34, v23;
	v63 =	vor.u32 v3, v40  }
0x2af: {  	[tilespmem:v25+s25+$0x0] =	vst.idx.add.f32.msk $0xffff, v31;
	v46 =	vor.u32 s28, v4;
	v50 =	vmul.f32 v35, v44  }
0x2b0: {  	[tilespmem:v60+s25+$0x0] =	vst.idx.add.f32.msk $0xffff, v23  }
0x2b1: {  	[tilespmem:v47+s25+$0x0] =	vst.idx.add.f32.msk $0xffff, v50;
	v49 =	vmul.f32 v61, v43  }
0x2b2: {  	v23 =	vld.idx.msk [tilespmem:v48+s21+$0x0], $0xffff  }
0x2b3: {  	v62 =	vor.u32 s7, v5;
	v52 =	vmul.f32 v29, v19;
	[tilespmem:v63+s25+$0x0] =	vst.idx.add.f32.msk $0xffff, v49  }
0x2b4: {  	v55 =	vor.u32 v4, v42;
	v30 =	vld.idx.msk [tilespmem:v46+s21+$0x0], $0xffff  }
0x2b5: {  	[tilespmem:v27+s25+$0x0] =	vst.idx.add.f32.msk $0xffff, v52;
	v57 =	vor.u32 s8, v5  }
0x2b6: {  	v26 =	vld.idx.msk [tilespmem:v26+s21+$0x0], $0xffff;
	v53 =	vor.u32 v4, v40  }
0x2b7: {  	v20 =	vld.idx.msk [tilespmem:v20+s21+$0x0], $0xffff;
	v54 =	vor.u32 s28, v5;
	v59 =	vmul.f32 v23, v44  }
0x2b8: {  	v39 =	vld.idx.msk [tilespmem:v62+s21+$0x0], $0xffff  }
0x2b9: {  	[tilespmem:v55+s25+$0x0] =	vst.idx.add.f32.msk $0xffff, v59;
	v30 =	vmul.f32 v30, v43  }
0x2ba: {  	v51 =	vor.u32 v5, v15;
	v63 =	vld.idx.msk [tilespmem:v57+s21+$0x0], $0xffff  }
0x2bb: {  	v58 =	vor.u32 s7, v6;
	v61 =	vmul.f32 v26, v12;
	[tilespmem:v53+s25+$0x0] =	vst.idx.add.f32.msk $0xffff, v30  }
0x2bc: {  	v36 =	vor.u32 v5, v42;
	v60 =	vld.idx.msk [tilespmem:v54+s21+$0x0], $0xffff  }
0x2bd: {  	v56 =	vmul.f32 v39, v16;
	v39 =	vor.u32 s8, v6;
	[tilespmem:v24+s25+$0x0] =	vst.idx.add.f32.msk $0xffff, v61  }
0x2be: {  	v62 =	vor.u32 v5, v40;
	v22 =	vld.idx.msk [tilespmem:v22+s21+$0x0], $0xffff  }
0x2bf: {  	v35 =	vor.u32 s28, v6;
	[tilespmem:v51+s25+$0x0] =	vst.idx.add.f32.msk $0xffff, v56;
	v44 =	vmul.f32 v63, v38  }
0x2c0: {  	v34 =	vld.idx.msk [tilespmem:v58+s21+$0x0], $0xffff  }
0x2c1: {  	[tilespmem:v36+s25+$0x0] =	vst.idx.add.f32.msk $0xffff, v44;
	v23 =	vmul.f32 v60, v37  }
0x2c2: {  	v41 =	vor.u32 v6, v15;
	v19 =	vld.idx.msk [tilespmem:v39+s21+$0x0], $0xffff  }
0x2c3: {  	v43 =	vor.u32 s7, v7;
	v22 =	vmul.f32 v22, v12;
	[tilespmem:v62+s25+$0x0] =	vst.idx.add.f32.msk $0xffff, v23  }
0x2c4: {  	v48 =	vor.u32 v6, v42;
	v25 =	vld.idx.msk [tilespmem:v35+s21+$0x0], $0xffff  }
0x2c5: {  	v50 =	vor.u32 s8, v7;
	v45 =	vmul.f32 v34, v16;
	[tilespmem:v21+s25+$0x0] =	vst.idx.add.f32.msk $0xffff, v22  }
0x2c6: {  	v46 =	vor.u32 v6, v40;
	v18 =	vld.idx.msk [tilespmem:v18+s21+$0x0], $0xffff  }
0x2c7: {  	v47 =	vor.u32 s28, v7;
	[tilespmem:v41+s25+$0x0] =	vst.idx.add.f32.msk $0xffff, v45;
	v19 =	vmul.f32 v19, v38  }
0x2c8: {  	v49 =	vld.idx.msk [tilespmem:v43+s21+$0x0], $0xffff  }
0x2c9: {  	[tilespmem:v48+s25+$0x0] =	vst.idx.add.f32.msk $0xffff, v19;
	v51 =	vmul.f32 v25, v37  }
0x2ca: {  	v52 =	vor.u32 v7, v15;
	v56 =	vld.idx.msk [tilespmem:v50+s21+$0x0], $0xffff  }
0x2cb: {  	v53 =	vor.u32 s7, v8;
	v18 =	vmul.f32 v18, v12;
	[tilespmem:v46+s25+$0x0] =	vst.idx.add.f32.msk $0xffff, v51  }
0x2cc: {  	v58 =	vor.u32 v7, v42;
	v21 =	vld.idx.msk [tilespmem:v47+s21+$0x0], $0xffff  }
0x2cd: {  	v59 =	vor.u32 s8, v8;
	v54 =	vmul.f32 v49, v16;
	[tilespmem:v28+s25+$0x0] =	vst.idx.add.f32.msk $0xffff, v18  }
0x2ce: {  	v55 =	vor.u32 v7, v40;
	v17 =	vld.idx.msk [tilespmem:v17+s21+$0x0], $0xffff  }
0x2cf: {  	v57 =	vor.u32 s28, v8;
	[tilespmem:v52+s25+$0x0] =	vst.idx.add.f32.msk $0xffff, v54;
	v61 =	vmul.f32 v56, v38  }
0x2d0: {  	v9 =	vor.u32 v8, v9;
	v25 =	vld.idx.msk [tilespmem:v53+s21+$0x0], $0xffff  }
0x2d1: {  	[tilespmem:v58+s25+$0x0] =	vst.idx.add.f32.msk $0xffff, v61;
	v60 =	vmul.f32 v21, v37  }
0x2d2: {  	v18 =	vld.idx.msk [tilespmem:v59+s21+$0x0], $0xffff  }
0x2d3: {  	v10 =	vmul.f32 v33, v10;
	[tilespmem:v55+s25+$0x0] =	vst.idx.add.f32.msk $0xffff, v60  }
0x2d4: {  	v11 =	vmul.f32 v20, v11;
	v62 =	vor.u32 v8, v15;
	v19 =	vld.idx.msk [tilespmem:v57+s21+$0x0], $0xffff  }
0x2d5: {  	[tilespmem:v9+s25+$0x0] =	vst.idx.add.f32.msk $0xffff, v10;
	v9 =	vor.u32 v8, v42  }
0x2d6: {  	s1 =	sadd.s32 $0x1, s1;
	[tilespmem:v13+s25+$0x0] =	vst.idx.add.f32.msk $0xffff, v11;
	v63 =	vor.u32 v8, v40;
	v11 =	vmul.f32 v17, v12  }
0x2d7: {  	p0 =	sne.s32 s1, $0x55;
	v10 =	vmul.f32 v25, v16  }
.Ltmp8:
0x2d8: {  	[tilespmem:v14+s25+$0x0] =	vst.idx.add.f32.msk $0xffff, v11;
	v11 =	vmul.f32 v18, v38;
	(pc) =	sbr.rel @p0 .LBB2_13-.Ltmp8, $4  }
0x2d9: {  	[tilespmem:v62+s25+$0x0] =	vst.idx.add.f32.msk $0xffff, v10;
	v10 =	vmul.f32 v19, v37  }
0x2da: {  	[tilespmem:v9+s25+$0x0] =	vst.idx.add.f32.msk $0xffff, v11  }
0x2db: {  	s0 =	sadd.s32 $0x55C0, s0;
	s31 =	sadd.s32 $0x80, s31;
	[tilespmem:v63+s25+$0x0] =	vst.idx.add.f32.msk $0xffff, v10  }
0x2dc: {  	[tilespmem:s21], [sflag:$0x2] =	stream.indirect.gather [hbm4b:s5+s17], $0x80, s0, s17, $0xb8;
	[tilespmem:$0x1E000] =	vst v63  }
0x2dd: {  	_ =	swait.ge [sflag:s22], $0x2000  }
0x2de: {  	[sflag:s22] =	ssyncset.done $0x0  }
0x2df: {  	[sflag:s22] =	ssyncadd.s32 $0xFFFFE000  }
0x2e0: {  	s0 =	sadd.s32 s4, s30;
	s29 =	sadd.s32 $0x1, s29;
	_ =	swait.ge [sflag:s26], $0x2000  }
0x2e1: {  	s0 =	sshll.u32 s0, $0x4;
	p0 =	sne.s32 s29, $0x4;
	[sflag:s26] =	ssyncset.done $0x0  }
.Ltmp9:
0x2e2: {  	s0 =	sadd.s32 s6, s0;
	[sflag:s26] =	ssyncadd.s32 $0xFFFFE000;
	(pc) =	sbr.rel @p0 .LBB2_2-.Ltmp9, $4  }
0x2e3: {  	[hbm4b:s0+s2] =	stream.linear.scatter [tilespmem:s25], [sflag:$0x3], $0xA000, $0x38;
	[tilespmem:$0x1E000] =	vst v63  }
0x2e4: {  	_ =	swait.ge [sflag:s12], $0xA000  }
0x2e5: {  	[sflag:s12] =	ssyncset.done $0x0  }
0x2e6: {  	[sflag:s12] =	ssyncadd.s32 $0xFFFF6000  }
0x2e7: {  	s1 =	rddreg [dreg:$0x5]  }
0x2e8: {  	s0 =	rddreg [dreg:$0x4];
	s1 =	sadd.s32 $0x1, s1  }
0x2e9: {  	p0 =	sne.s32 s1, s0  }
.Ltmp10:
0x2ea: {  	_ = 	snop;
	(pc) =	sbr.rel @p0 .LBB2_1-.Ltmp10, $1  }
0x2eb: {  	_ =	sdelay $0x3  }
0x2ec: {  	_ =	sfence.sel $0x180000  }
0x2ed: {  	[bflag:$0x0] =	sbarrier.arrive $0xFFFF  }
0x2ee: {  	_ =	strace $0x9000004A  }
0x2ef: {  	s0 =	stileid.u32;
	[bflag:$0x2] =	sbarrier.arrive $0xFFFF  }
0x2f0: {  	p0 =	sne.s32 s0, $0x0;
	s0 =	rddreg [dreg:$0x1]  }
0x2f1: {  	s0 =	sadd.s32 @!p0 $0x100000, s0  }
0x2f2: {  	[sflag:s0] =	ssyncadd.tile.s32 @!p0 $0x1;
	_ =	shalt  }
.Lfunc_end2:
_tile_overlayer_lowered:
.L_overlay_start_2:
0x2f3: {  	(tag) =	ssettag $0x2  }
0x2f4: {  	s0 =	rddreg [dreg:$0x0];
	s2 =	stileid.u32  }
0x2f5: {  	s1 =	rddreg [dreg:$0x1];
	p0 =	sne.s32 s2, $0x0  }
0x2f6: {  	s3 =	rddreg [dreg:$0x2];
	[bflag:$0x3] =	sbarrier.arrive $0xFFFF;
	s2 =	simm.s32 @!p0 $0x1C03  }
0x2f7: {  	[timem:s3], [sflag:s2] =	dma.local @!p0 [hbm:s0], s1  }
0x2f8: {  	s0 =	simm.s32 @!p0 $0x3  }
0x2f9: {  	_ =	swait.ge @!p0 [sflag:s0], s1  }
0x2fa: {  	s1 =	ssub.s32 @!p0 $0x0, s1;
	[sflag:s0] =	ssyncset.done @!p0 $0x0  }
0x2fb: {  	[sflag:s0] =	ssyncadd.s32 @!p0 s1  }
0x2fc: {  	[bflag:$0x3] =	sbarrier.arrive $0xFFFF  }
0x2fd: {  	_ =	shalt  }

// kernel: kernel.16.cloned.1.call-start
scs
__scs_entry_jumppad:
0x0: {  	(pc) =	sbr.rel $0x88, $3  }
0x1: {  	(tag) =	ssettag $0x0;
	lr =	simm.s32 $0x1  }
0x2: {  	[smem:$0x3F93] =	sst lr;
	_ =	strace $0xD0000000  }
0x3: {  	_ = 	snop  }
0x4: {  	_ = 	snop  }
0x5: {  	_ = 	snop  }
0x6: {  	_ = 	snop  }
0x7: {  	_ = 	snop  }
__scs_overlays_trampoline_lowered:
0x8: {  	[smem:$0x3FA2] =	sst s0  }
0x9: {  	[smem:$0x3FA3] =	sst s1  }
0xa: {  	[smem:$0x3FA4] =	sst s2  }
0xb: {  	[smem:$0x3FA5] =	sst s3  }
0xc: {  	[smem:$0x3FA6] =	sst s4  }
0xd: {  	[smem:$0x3FA7] =	sst s5  }
0xe: {  	[smem:$0x3FA8] =	sst s6  }
0xf: {  	[smem:$0x3FA9] =	sst s7  }
0x10: {  	[smem:$0x3FAA] =	sst s8  }
0x11: {  	[smem:$0x3FAB] =	sst s9;
	s0 =	simm.s32 @!p0 $0x0  }
0x12: {  	s1 =	sld [smem:$0x3F91];
	s0 =	simm.s32 @p0 $0x1  }
0x13: {  	[smem:$0x3FAC] =	sst s0;
	s0 =	simm.s32 @!p1 $0x0  }
0x14: {  	s2 =	sld [smem:$0x3F90];
	s0 =	simm.s32 @p1 $0x1  }
0x15: {  	[smem:$0x3FAD] =	sst s0;
	s0 =	simm.s32 @!p2 $0x0  }
0x16: {  	s3 =	sld [smem:$0x3FDB];
	s0 =	simm.s32 @p2 $0x1  }
0x17: {  	s4 =	simm.s32 $0x1BF5;
	[smem:$0x3FAF] =	sst s0  }
0x18: {  	s0 =	sld [smem:$0x3F92];
	_ =	swait.ge [sflag:s4], $0x0  }
0x19: {  	s7 =	sld [smem:$0x3F93]  }
0x1a: {  	s8 =	sadd.s32 $0xFFFFE003, lr  }
0x1b: {  	s9 =	sadd.s32 $0xFFFFFEF7, lr;
	s5 =	simm.s32 $0xFFFFFFFF;
	p2 =	slt.u32 s8, $0xFFFFF086  }
0x1c: {  	p1 =	slt.u32 s9, $0xF7A;
	s5 =	simm.s32 @!p2 $0x0  }
0x1d: {  	s5 =	simm.s32 @p1 $0x1;
	p0 =	seq.s32 s7, s2  }
0x1e: {  	s7 =	smul.u32 @!p0 $0xF7A, s2;
	p2 =	seq.s32 @!p0 s5, $0x0  }
0x1f: {  	s9 =	smul.u32 $0xF7A, s1;
	s8 =	simm.s32 @!p0 $0x1BF5;
	p2 =	por !p2, p0  }
0x20: {  	[sflag:s8] =	ssyncset.s32 @!p0 $0xFFFFF086;
	s6 =	sadd.s32 @!p0 s3, s7;
	s7 =	simm.s32 @!p0 $0x108  }
0x21: {  	s3 =	sadd.s32 s3, s9;
	s6 =	sadd.s32 @!p0 $0x88, s6;
	s7 =	simm.s32 @p2 $0x1082  }
0x22: {  	[simem:s7], [sflag:s8] =	dma.local @!p0 [hbm:s6], $0xF7A  }
0x23: {  	s9 =	sor.u32 $0xD0000000, s2;
	s6 =	simm.s32 $0x108;
	_ =	swait.ge @!p0 [sflag:s8], $0x0  }
0x24: {  	s3 =	sadd.s32 $0x88, s3;
	s6 =	simm.s32 @!p1 $0x1082;
	[sflag:s4] =	ssyncset.s32 $0xFFFFF086  }
0x25: {  	[simem:s6], [sflag:s4] =	dma.local [hbm:s3], $0xF7A  }
0x26: {  	[smem:$0x3F93] =	sst s1;
	(tag) =	ssettag s2;
	_ =	strace s9  }
0x27: {  	s1 =	sld [smem:$0x3FA3]  }
0x28: {  	s2 =	sld [smem:$0x3FA4]  }
0x29: {  	s4 =	sld [smem:$0x3FA6]  }
0x2a: {  	p0 =	seq.s32 s5, $0x0;
	s5 =	sld [smem:$0x3FA7]  }
0x2b: {  	s6 =	sld [smem:$0x3FA8]  }
0x2c: {  	s7 =	sld [smem:$0x3FA9]  }
0x2d: {  	s3 =	simm.s32 $0x108;
	s8 =	sld [smem:$0x3FAA]  }
0x2e: {  	s3 =	simm.s32 @!p0 $0x1082;
	s9 =	sld [smem:$0x3FAB]  }
0x2f: {  	lr =	sadd.s32 s0, s3;
	s0 =	sld [smem:$0x3FA2]  }
0x30: {  	s3 =	sld [smem:$0x3FA5]  }
0x31: {  	[smem:$0x3FAE] =	sst s10  }
0x32: {  	s10 =	sld [smem:$0x3FAC];
	_ =	sdelay $0x3  }
0x33: {  	p0 =	seq.s32 s10, $0x1;
	s10 =	sld [smem:$0x3FAE];
	_ =	sdelay $0x3  }
0x34: {  	[smem:$0x3FAE] =	sst s10  }
0x35: {  	s10 =	sld [smem:$0x3FAD];
	_ =	sdelay $0x3  }
0x36: {  	p1 =	seq.s32 s10, $0x1;
	s10 =	sld [smem:$0x3FAE];
	_ =	sdelay $0x3  }
0x37: {  	[smem:$0x3FAE] =	sst s10  }
0x38: {  	s10 =	sld [smem:$0x3FAF]  }
0x39: {  	_ = 	snop;
	(pc) =	sbr.ind lr, $3  }
0x3a: {  	_ = 	snop  }
0x3b: {  	_ = 	snop  }
0x3c: {  	p2 =	seq.s32 s10, $0x1;
	s10 =	sld [smem:$0x3FAE]  }
0x3d: {  	_ =	shalt  }
0x3e: {  	_ =	shalt  }
0x3f: {  	_ =	shalt  }
0x40: {  	_ =	shalt  }
0x41: {  	_ =	shalt  }
0x42: {  	_ =	shalt  }
0x43: {  	_ =	shalt  }
0x44: {  	_ =	shalt  }
0x45: {  	_ =	shalt  }
0x46: {  	_ =	shalt  }
0x47: {  	_ =	shalt  }
0x48: {  	_ =	shalt  }
0x49: {  	_ =	shalt  }
0x4a: {  	_ =	shalt  }
0x4b: {  	_ =	shalt  }
0x4c: {  	_ =	shalt  }
0x4d: {  	_ =	shalt  }
0x4e: {  	_ =	shalt  }
0x4f: {  	_ =	shalt  }
0x50: {  	_ =	shalt  }
0x51: {  	_ =	shalt  }
0x52: {  	_ =	shalt  }
0x53: {  	_ =	shalt  }
0x54: {  	_ =	shalt  }
0x55: {  	_ =	shalt  }
0x56: {  	_ =	shalt  }
0x57: {  	_ =	shalt  }
0x58: {  	_ =	shalt  }
0x59: {  	_ =	shalt  }
0x5a: {  	_ =	shalt  }
0x5b: {  	_ =	shalt  }
0x5c: {  	_ =	shalt  }
0x5d: {  	_ =	shalt  }
0x5e: {  	_ =	shalt  }
0x5f: {  	_ =	shalt  }
0x60: {  	_ =	shalt  }
0x61: {  	_ =	shalt  }
0x62: {  	_ =	shalt  }
0x63: {  	_ =	shalt  }
0x64: {  	_ =	shalt  }
0x65: {  	_ =	shalt  }
0x66: {  	_ =	shalt  }
0x67: {  	_ =	shalt  }
0x68: {  	_ =	shalt  }
0x69: {  	_ =	shalt  }
0x6a: {  	_ =	shalt  }
0x6b: {  	_ =	shalt  }
0x6c: {  	_ =	shalt  }
0x6d: {  	_ =	shalt  }
0x6e: {  	_ =	shalt  }
0x6f: {  	_ =	shalt  }
0x70: {  	_ =	shalt  }
0x71: {  	_ =	shalt  }
0x72: {  	_ =	shalt  }
0x73: {  	_ =	shalt  }
0x74: {  	_ =	shalt  }
0x75: {  	_ =	shalt  }
0x76: {  	_ =	shalt  }
0x77: {  	_ =	shalt  }
0x78: {  	_ =	shalt  }
0x79: {  	_ =	shalt  }
0x7a: {  	_ =	shalt  }
0x7b: {  	_ =	shalt  }
0x7c: {  	_ =	shalt  }
0x7d: {  	_ =	shalt  }
0x7e: {  	_ =	shalt  }
0x7f: {  	_ =	shalt  }
0x80: {  	_ =	shalt  }
0x81: {  	_ =	shalt  }
0x82: {  	_ =	shalt  }
0x83: {  	_ =	shalt  }
0x84: {  	_ =	shalt  }
0x85: {  	_ =	shalt  }
0x86: {  	_ =	shalt  }
0x87: {  	_ =	shalt  }
.Lfunc_end0:
.L_simem_size_0:
called_computation.2_lowered:
.L_overlay_start_0:
0x88: {  	s2 =	sld [smem:$0x3FD9]  }
0x89: {  	s3 =	sld [smem:$0x3FFE];
	_ =	sdelay $0x1  }
0x8a: {  	s1 =	srdreg.scid  }
0x8b: {  	s0 =	sand.u32 $0x1, s1  }
0x8c: {  	s16 =	sshll.u32 s0, $0xA;
	s2 =	sadd.s32 s3, s2  }
0x8d: {  	s2 =	sadd.s32 s2, s16  }
0x8e: {  	[smem:$0x3FBA] =	sst s2  }
0x8f: {  	_ = 	snop  }
0x90: {  	(tm) =	ssettm $0x1  }
0x91: {  	s17 =	sld [smem:$0x3FFB];
	_ =	sdelay $0x3  }
0x92: {  	_ =	strace s17  }
0x93: {  	s2 =	sld [smem:$0x3FFC];
	_ =	sdelay $0x3  }
0x94: {  	_ =	strace s2  }
0x95: {  	s2 =	sld [smem:$0x3FFD];
	_ =	sdelay $0x3  }
0x96: {  	_ =	strace s2  }
0x97: {  	_ =	strace $0x8FFFFFFF  }
0x98: {  	s18 =	sld [smem:$0x3FDB];
	_ =	sdelay $0x1  }
0x99: {  	s19 =	simm.s32 $_scs_section_size  }
0x9a: {  	s4 =	simm.s32 $_size__tile_overlayer_lowered;
	s5 =	simm.s32 $_tile_overlayer_lowered  }
0x9b: {  	s22 =	simm.s32 $0x1BFF;
	s21 =	sshll.u32 s5, $0x1;
	s2 =	sadd.s32 s19, s18  }
0x9c: {  	s6 =	simm.s32 $0x0;
	s20 =	sshll.u32 s4, $0x1;
	s4 =	sadd.s32 s21, s2  }
0x9d: {  	[timem:s6], [sflag:s22] =	dma.local [hbm:s4], s20  }
0x9e: {  	_ =	swait.ge [sflag:s22], s20  }
0x9f: {  	s3 =	ssub.s32 $0x0, s20;
	[sflag:s22] =	ssyncset.done $0x0  }
0xa0: {  	[sflag:s22] =	ssyncadd.s32 s3;
	_ =	sdelay $0x1  }
0xa1: {  	s23 =	simm.s32 $0x1B8B  }
0xa2: {  	_ =	swait.ge [sflag:s23], $0x1  }
0xa3: {  	[sflag:s23] =	ssyncset.done $0x0  }
0xa4: {  	s25 =	simm.s32 $0x1B8E;
	s24 =	sld [smem:$0x3FFE];
	[sflag:s23] =	ssyncadd.s32 $0xFFFFFFFF  }
0xa5: {  	s26 =	simm.s32 $execute0_lowered;
	[smem:$0x3FD2] =	sst s25  }
0xa6: {  	s4 =	sshll.u32 s26, $0x1;
	_ =	strace $0x8000004C;
	[dreg:$0x1] =	wrdreg $0xFFFFFFFF  }
0xa7: {  	s28 =	simm.s32 $_size_execute0_lowered;
	s2 =	sadd.s32 s2, s4;
	[dreg:$0x0] =	wrdreg $0x0  }
0xa8: {  	s4 =	sshll.u32 s28, $0x1;
	[dreg:$0x2] =	wrdreg s2  }
0xa9: {  	[dreg:$0x3] =	wrdreg s4  }
0xaa: {  	[dreg:$0x4] =	wrdreg $0xC0  }
0xab: {  	_ =	task [dreg:s6], $0x5FFFF  }
0xac: {  	[dreg:$0x1] =	wrdreg $0xFFFFFFFF  }
0xad: {  	[dreg:$0x0] =	wrdreg $0x60  }
0xae: {  	[dreg:$0x2] =	wrdreg s24  }
0xaf: {  	[dreg:$0x3] =	wrdreg $0x9  }
0xb0: {  	_ =	task.clear_ibuf [dreg:s6], $0x4FFFF;
	_ =	strace $0x9000004C  }
0xb1: {  	s29 =	simm.s32 $0x9;
	_ =	strace $0x8000004E  }
0xb2: {  	_ =	swait.ge [sflag:s29], $0x1  }
0xb3: {  	[sflag:s29] =	ssyncadd.s32 $0xFFFFFFFF  }
0xb4: {  	_ =	strace $0x9000004E  }
0xb5: {  	_ =	sfence  }
0xb6: {  	s30 =	sld [smem:$0x0];
	_ =	sdelay $0x2  }
0xb7: {  	s31 =	sshll.u32 s1, $0xD;
	s1 =	sshrl.u32 s1, $0x2  }
0xb8: {  	s3 =	sand.u32 $0x4000, s31;
	s1 =	sadd.s32 s1, s30  }
0xb9: {  	s0 =	sor.u32 s3, s0;
	s1 =	sshll.u32 s1, $0x11  }
0xba: {  	s0 =	sor.u32 s1, s0  }
0xbb: {  	s0 =	sadd.s32 $0x8F2B, s0  }
0xbc: {  	[sflag:s0] =	ssyncadd.remote.s32 $0x1  }
0xbd: {  	_ =	sfence.sel $0xFFFF  }
0xbe: {  	[dreg:$0x0] =	wrdreg $0xFFFFFFFF;
	(pc) =	sbr.abs _section_cstart, $3  }
0xbf: {  	[dreg:$0x1] =	wrdreg $0xFFFFFFFF  }
0xc0: {  	_ =	task.clear_ibuf [dreg:s6], $0x2FFFF;
	_ =	strace $0x9FFFFFFF  }
0xc1: {  	(tm) =	ssettm $0x7FFFFFFF  }
tec
execute0_lowered:
.L_overlay_start_1:
0x0: {  	(tag) =	ssettag $0x1  }
0x1: {  	s0 =	srdreg.scid;
	s1 =	stileid.u32  }
0x2: {  	s6 =	rddreg [dreg:$0x0];
	s2 =	simm.s32 $0x0;
	s12 =	simm.s32 $0x3  }
0x3: {  	s13 =	simm.s32 $0x2A80;
	s14 =	simm.s32 $0xD480;
	s15 =	simm.s32 $0xFC80  }
0x4: {  	s16 =	simm.s32 $0xFE00;
	s17 =	simm.s32 $0x40;
	s19 =	simm.s32 $0x1A000  }
0x5: {  	s20 =	simm.s32 $0x5540;
	s21 =	simm.s32 $0x1C000;
	s22 =	simm.s32 $0x1  }
0x6: {  	s23 =	simm.s32 $0x7F80;
	s24 =	simm.s32 $0xAA00;
	s25 =	simm.s32 $0xFF80  }
0x7: {  	s26 =	simm.s32 $0x2;
	s0 =	sand.u32 $0x1, s0;
	s1 =	sshll.u32 s1, $0x1  }
0x8: {  	[smem:$0x7FF] =	sst s2;
	s1 =	sor.u32 s0, s1;
	s0 =	ssub.s32 $0x2, s0  }
0x9: {  	s5 =	sadd.s32 $0x2CA00, s6;
	s3 =	smul.u32 $0x550, s1;
	s8 =	sshrl.u32 s0, $0x1  }
0xa: {  	_ =	strace $0x8000004D;
	s4 =	smul.u32 $0x140, s1;
	s0 =	ssub.s32 s0, s8  }
0xb: {  	v0 =	vlaneseq.u32;
	s1 =	simm.s32 $0x0;
	s7 =	sadd.s32 s3, s6;
	s0 =	smax.u32 s0, $0x1  }
0xc: {  	v1 =	vimm.f32 $0.0e+00;
	v2 =	vor.u32 $0x10, v0;
	s3 =	sadd.s32 $0x3A00, s6;
	s30 =	sadd.s32 $0x17600, s7;
	[dreg:$0x4] =	wrdreg s0  }
0xd: {  	v3 =	vor.u32 $0x20, v0;
	v4 =	vor.u32 $0x30, v0;
	v5 =	vor.u32 $0x40, v0;
	s6 =	sadd.s32 $0xCCA00, s6;
	s31 =	sadd.s32 $0x22000, s7;
	[dreg:$0x2] =	wrdreg s30  }
0xe: {  	v6 =	vor.u32 $0x50, v0;
	v7 =	vor.u32 $0x60, v0;
	v8 =	vor.u32 $0x70, v0;
	s9 =	sor.u32 $0x14000, s4;
	s10 =	sadd.s32 $0x16800, s4;
	[dreg:$0x3] =	wrdreg s31  }
.LBB2_1:
0xf: {  	[dreg:$0x5] =	wrdreg s1  }
0x10: {  	s0 =	rddreg [dreg:$0x2]  }
0x11: {  	[tilespmem:s2], [sflag:$0x3] =	stream.linear.gather [hbm4b:s0+s2], $0x2A80, $0x38;
	[tilespmem:$0x1E000] =	vst v63  }
0x12: {  	_ =	swait.ge [sflag:s12], $0x2A80  }
0x13: {  	[sflag:s12] =	ssyncset.done $0x0  }
0x14: {  	s31 =	rddreg [dreg:$0x3];
	[sflag:s12] =	ssyncadd.s32 $0xFFFFD580  }
0x15: {  	[tilespmem:s13], [sflag:$0x3] =	stream.linear.gather [hbm4b:s31+s2], $0x2A80, $0x38;
	[tilespmem:$0x1E000] =	vst v63  }
0x16: {  	_ =	swait.ge [sflag:s12], $0x2A80  }
0x17: {  	[sflag:s12] =	ssyncset.done $0x0  }
0x18: {  	s29 =	simm.s32 $0x0;
	[sflag:s12] =	ssyncadd.s32 $0xFFFFD580  }
.LBB2_2:
0x19: {  	s0 =	smul.u32 $0xA00, s29;
	_ =	sdelay $0x1  }
0x1a: {  	s1 =	sadd.s32 s3, s0;
	s0 =	smul.u32 $0x5000, s29  }
0x1b: {  	[tilespmem:s14], [sflag:$0x3] =	stream.linear.gather [hbm4b:s1+s2], $0x2800, $0x38;
	[tilespmem:$0x1E000] =	vst v63  }
0x1c: {  	_ =	swait.ge [sflag:s12], $0x2800;
	s11 =	sadd.s32 s0, s9  }
0x1d: {  	[sflag:s12] =	ssyncset.done $0x0;
	s1 =	sshrl.u32 s11, $0x3  }
0x1e: {  	[sflag:s12] =	ssyncadd.s32 $0xFFFFD800;
	s1 =	sadd.s32 s3, s1  }
0x1f: {  	[tilespmem:s15], [sflag:$0x3] =	stream.linear.gather [hbm4b:s1+s2], $0x140, $0x38;
	[tilespmem:$0x1E000] =	vst v63  }
0x20: {  	_ =	swait.ge [sflag:s12], $0x140  }
0x21: {  	[sflag:s12] =	ssyncset.done $0x0  }
0x22: {  	[sflag:s12] =	ssyncadd.s32 $0xFFFFFEC0  }
0x23: {  	[tilespmem:$0xFDC0] =	vst v1  }
0x24: {  	[tilespmem:$0xFE00] =	vst v1  }
0x25: {  	[tilespmem:$0xFE10] =	vst v1  }
0x26: {  	[tilespmem:$0xFE20] =	vst v1  }
0x27: {  	[tilespmem:$0xFE30] =	vst v1  }
0x28: {  	[tilespmem:$0xFE40] =	vst v1  }
0x29: {  	[tilespmem:$0xFE50] =	vst v1  }
0x2a: {  	[tilespmem:$0xFE60] =	vst v1  }
0x2b: {  	[tilespmem:$0xFE70] =	vst v1  }
0x2c: {  	[tilespmem:$0xFE80] =	vst v1  }
0x2d: {  	[tilespmem:$0xFE90] =	vst v1  }
0x2e: {  	[tilespmem:$0xFEA0] =	vst v1  }
0x2f: {  	[tilespmem:$0xFEB0] =	vst v1  }
0x30: {  	[tilespmem:$0xFEC0] =	vst v1  }
0x31: {  	[tilespmem:$0xFED0] =	vst v1  }
0x32: {  	[tilespmem:$0xFEE0] =	vst v1  }
0x33: {  	[tilespmem:$0xFEF0] =	vst v1  }
0x34: {  	[tilespmem:$0xFF00] =	vst v1  }
0x35: {  	[tilespmem:$0xFF10] =	vst v1  }
0x36: {  	[tilespmem:$0xFF20] =	vst v1  }
0x37: {  	[tilespmem:$0xFF30] =	vst v1  }
0x38: {  	s18 =	simm.s32 $0x2A90;
	[tilespmem:$0xFF40] =	vst v1  }
0x39: {  	s7 =	simm.s32 $0x10;
	v10 =	vld [tilespmem:s18+$0x0]  }
0x3a: {  	v11 =	vld [tilespmem:s7+$0x0];
	_ =	sdelay $0x1  }
0x3b: {  	s30 =	smul.u32 $0x2800, s29;
	_ =	sdelay $0x1  }
0x3c: {  	v15 =	vmov s30;
	v13 =	vld [tilespmem:s7+$0xFFFFFFF0]  }
0x3d: {  	s8 =	simm.s32 $0x5510;
	v9 =	vld [tilespmem:s18+$0xFFFFFFF0];
	s18 =	simm.s32 $0x30;
	v12 =	vadd.s32 v15, v11  }
0x3e: {  	v16 =	vld [tilespmem:s18+$0x0];
	[tilespmem:s8+$0x0] =	vst v12  }
0x3f: {  	v12 =	vld.idx.msk [tilespmem:v10+s15+$0x0], $0xffff  }
0x40: {  	s11 =	simm.s32 $0x2AB0;
	v14 =	vld.idx.msk [tilespmem:v11+s14+$0x0], $0xffff  }
0x41: {  	v11 =	vld [tilespmem:s11+$0x0];
	_ =	sdelay $0x1  }
0x42: {  	v19 =	vld [tilespmem:s18+$0xFFFFFFF0];
	s18 =	simm.s32 $0x50;
	v17 =	vadd.s32 v15, v13  }
0x43: {  	v23 =	vld [tilespmem:s18+$0x0];
	[tilespmem:s8+$0xFFFFFFF0] =	vst v17  }
0x44: {  	v17 =	vld.idx.msk [tilespmem:v9+s15+$0x0], $0xffff;
	v14 =	vadd.f32 v12, v14  }
0x45: {  	s7 =	simm.s32 $0x5530;
	v18 =	vadd.s32 v15, v16;
	v20 =	vld.idx.msk [tilespmem:v13+s14+$0x0], $0xffff  }
0x46: {  	[tilespmem:s7+$0x0] =	vst v18;
	v12 =	vld [tilespmem:s11+$0xFFFFFFF0];
	v13 =	vmul.f32 $2.000000030e-01, v14  }
0x47: {  	v16 =	vld.idx.msk [tilespmem:v16+s14+$0x0], $0xffff  }
0x48: {  	v21 =	vld.idx.msk [tilespmem:v11+s15+$0x0], $0xffff;
	v14 =	vmax.f32 v14, v13  }
0x49: {  	s11 =	simm.s32 $0x2AD0;
	v14 =	vmul.f32 $1.442695020e+00, v14  }
0x4a: {  	v22 =	vadd.s32 v15, v19;
	v13 =	vld [tilespmem:s11+$0x0]  }
0x4b: {  	v18 =	vld [tilespmem:s18+$0xFFFFFFF0];
	[tilespmem:s7+$0xFFFFFFF0] =	vst v22;
	v17 =	vadd.f32 v17, v20;
	(erf) = vpow2.f32 v14  }
0x4c: {  	v26 =	vld.idx.msk [tilespmem:v19+s14+$0x0], $0xffff  }
0x4d: {  	s18 =	simm.s32 $0x5550;
	v22 =	vadd.s32 v15, v23;
	v14 =	vld [tilespmem:s11+$0xFFFFFFF0];
	v16 =	vadd.f32 v21, v16;
	v21 =	vmul.f32 $2.000000030e-01, v17  }
0x4e: {  	[tilespmem:s18+$0x0] =	vst v22;
	v24 =	vld.idx.msk [tilespmem:v12+s15+$0x0], $0xffff  }
0x4f: {  	v25 =	vld.idx.msk [tilespmem:v23+s14+$0x0], $0xffff;
	s11 =	simm.s32 $0x70;
	v27 =	vmul.f32 $2.000000030e-01, v16;
	v17 =	vmax.f32 v17, v21  }
0x50: {  	v19 =	vld [tilespmem:s11+$0x0];
	v17 =	vmul.f32 $1.442695020e+00, v17  }
0x51: {  	v20 =	vld [tilespmem:s11+$0xFFFFFFF0];
	v27 =	vmax.f32 v16, v27  }
0x52: {  	s8 =	simm.s32 $0x2AF0;
	v22 =	vld.idx.msk [tilespmem:v13+s15+$0x0], $0xffff;
	v27 =	vmul.f32 $1.442695020e+00, v27;
	(erf) = vpow2.f32 v17  }
0x53: {  	v21 =	vadd.s32 v15, v18;
	v16 =	vld [tilespmem:s8+$0x0];
	v23 =	vadd.f32 v24, v26  }
0x54: {  	s28 =	simm.s32 $0x6;
	s1 =	simm.s32 $0x7F90;
	[tilespmem:s18+$0xFFFFFFF0] =	vst v21;
	v17 =	vld [tilespmem:s8+$0xFFFFFFF0];
	v24 =	vpop (erf);
	(erf) = vpow2.f32 v27  }
0x55: {  	s31 =	simm.s32 $0x90;
	s7 =	simm.s32 $0x7F90;
	s11 =	simm.s32 $0x5570;
	v21 =	vld.idx.msk [tilespmem:v14+s15+$0x0], $0xffff;
	v26 =	vmul.f32 $2.000000030e-01, v23;
	[tilespmem:s1+$0x0] =	vst v24  }
.LBB2_3:
0x56: {  	s28 =	sadd.s32 $0x2, s28;
	v27 =	vld.idx.msk [tilespmem:v18+s14+$0x0], $0xffff;
	s1 =	sadd.s32 $0x20, s1;
	v18 =	vmov v20  }
0x57: {  	v29 =	vadd.f32 v22, v25;
	v28 =	vld [tilespmem:s31+$0x0];
	p0 =	slt.u32 s28, $0x2A6  }
0x58: {  	v22 =	vadd.s32 v15, v19;
	s8 =	sadd.s32 $0x20, s8;
	[tilespmem:v10+s16+$0x0] =	vst.idx.add.f32.msk $0xffff, v24;
	v10 =	vmovc v11;
	v11 =	vmov v13;
	v13 =	vmov v16  }
0x59: {  	v23 =	vmax.f32 v23, v26;
	v24 =	vmul.f32 $2.000000030e-01, v29;
	v20 =	vld [tilespmem:s31+$0xFFFFFFF0];
	[tilespmem:s11+$0x0] =	vst v22  }
0x5a: {  	v25 =	vadd.s32 v15, v18;
	v26 =	vmul.f32 $1.442695020e+00, v23;
	v22 =	vld.idx.msk [tilespmem:v16+s15+$0x0], $0xffff  }
.Ltmp0:
0x5b: {  	v30 =	vmax.f32 v29, v24;
	[tilespmem:s11+$0xFFFFFFF0] =	vst v25;
	v25 =	vld.idx.msk [tilespmem:v19+s14+$0x0], $0xffff;
	v29 =	vpop (erf);
	(pc) =	sbr.rel @p0 .LBB2_3-.Ltmp0, $4  }
0x5c: {  	v23 =	vadd.f32 v21, v27;
	v27 =	vmul.f32 $1.442695020e+00, v30;
	v16 =	vld [tilespmem:s8+$0x0];
	(erf) = vpow2.f32 v26;
	[tilespmem:s7+$0xFFFFFFF0] =	vst v29;
	v19 =	vmovc v28;
	s7 =	smov.u32 s1  }
0x5d: {  	v21 =	vld.idx.msk [tilespmem:v17+s15+$0x0], $0xffff;
	v24 =	vpop (erf)  }
0x5e: {  	s11 =	sadd.s32 $0x20, s11;
	v26 =	vmul.f32 $2.000000030e-01, v23;
	(erf) = vpow2.f32 v27;
	[tilespmem:v9+s16+$0x0] =	vst.idx.add.f32.msk $0xffff, v29;
	v9 =	vmovc v12;
	v12 =	vmovc v14;
	v14 =	vmov v17  }
0x5f: {  	s31 =	sadd.s32 $0x20, s31;
	v17 =	vld [tilespmem:s8+$0xFFFFFFF0];
	[tilespmem:s1+$0x0] =	vst v24  }
0x60: {  	_ =	sdelay $0x2  }
0x61: {  	v27 =	vadd.s32 v15, v19  }
0x62: {  	v18 =	vld.idx.msk [tilespmem:v18+s14+$0x0], $0xffff;
	[tilespmem:s11+$0x0] =	vst v27  }
0x63: {  	v15 =	vadd.s32 v15, v20;
	v27 =	vld.idx.msk [tilespmem:v16+s15+$0x0], $0xffff  }
0x64: {  	[tilespmem:s11+$0xFFFFFFF0] =	vst v15;
	v15 =	vld.idx.msk [tilespmem:v19+s14+$0x0], $0xffff  }
0x65: {  	v49 =	vadd.f32 v22, v25;
	v51 =	vld.idx.msk [tilespmem:v20+s14+$0x0], $0xffff  }
0x66: {  	v50 =	vld.idx.msk [tilespmem:v17+s15+$0x0], $0xffff  }
0x67: {  	v23 =	vmax.f32 v23, v26;
	v25 =	vmul.f32 $2.000000030e-01, v49;
	v18 =	vadd.f32 v21, v18  }
0x68: {  	v52 =	vmul.f32 $1.442695020e+00, v23  }
0x69: {  	v19 =	vmax.f32 v49, v25;
	v53 =	vmul.f32 $2.000000030e-01, v18;
	v15 =	vadd.f32 v27, v15  }
0x6a: {  	(erf) = vpow2.f32 v52;
	v19 =	vmul.f32 $1.442695020e+00, v19  }
0x6b: {  	v54 =	vmul.f32 $2.000000030e-01, v15;
	v18 =	vmax.f32 v18, v53;
	v20 =	vadd.f32 v50, v51  }
0x6c: {  	(erf) = vpow2.f32 v19;
	v18 =	vmul.f32 $1.442695020e+00, v18  }
0x6d: {  	v15 =	vmax.f32 v15, v54;
	v55 =	vmul.f32 $2.000000030e-01, v20  }
0x6e: {  	v15 =	vmul.f32 $1.442695020e+00, v15;
	(erf) = vpow2.f32 v18  }
0x6f: {  	[tilespmem:v10+s16+$0x0] =	vst.idx.add.f32.msk $0xffff, v24;
	v10 =	vpop (erf);
	v56 =	vmax.f32 v20, v55  }
0x70: {  	[tilespmem:s7+$0xFFFFFFF0] =	vst v10;
	(erf) = vpow2.f32 v15;
	v15 =	vmul.f32 $1.442695020e+00, v56  }
0x71: {  	s1 =	sadd.s32 $0x20, s1;
	v57 =	vpop (erf);
	[tilespmem:v9+s16+$0x0] =	vst.idx.add.f32.msk $0xffff, v10  }
0x72: {  	[tilespmem:s1+$0x0] =	vst v57;
	(erf) = vpow2.f32 v15  }
0x73: {  	[tilespmem:v11+s16+$0x0] =	vst.idx.add.f32.msk $0xffff, v57;
	v9 =	vpop (erf)  }
0x74: {  	[tilespmem:s1+$0xFFFFFFF0] =	vst v9  }
0x75: {  	s1 =	sadd.s32 $0x20, s1;
	[tilespmem:v12+s16+$0x0] =	vst.idx.add.f32.msk $0xffff, v9;
	v10 =	vpop (erf)  }
0x76: {  	[tilespmem:s1+$0x0] =	vst v10  }
0x77: {  	[tilespmem:v13+s16+$0x0] =	vst.idx.add.f32.msk $0xffff, v10;
	v9 =	vpop (erf)  }
0x78: {  	[tilespmem:s1+$0xFFFFFFF0] =	vst v9  }
0x79: {  	s1 =	sadd.s32 $0x20, s1;
	v10 =	vpop (erf);
	[tilespmem:v14+s16+$0x0] =	vst.idx.add.f32.msk $0xffff, v9  }
0x7a: {  	[tilespmem:s1+$0x0] =	vst v10  }
0x7b: {  	[tilespmem:v16+s16+$0x0] =	vst.idx.add.f32.msk $0xffff, v10;
	v9 =	vpop (erf)  }
0x7c: {  	[tilespmem:s1+$0xFFFFFFF0] =	vst v9  }
0x7d: {  	[tilespmem:v17+s16+$0x0] =	vst.idx.add.f32.msk $0xffff, v9  }
0x7e: {  	v9 =	vld [tilespmem:$0xFE00]  }
0x7f: {  	v10 =	vld [tilespmem:$0xFE10]  }
0x80: {  	v11 =	vld [tilespmem:$0xFE20]  }
0x81: {  	v12 =	vld [tilespmem:$0xFE30]  }
0x82: {  	v13 =	vld [tilespmem:$0xFE40]  }
0x83: {  	v14 =	vld [tilespmem:$0xFE50];
	v9 =	vadd.f32 $1.000000020e-16, v9  }
0x84: {  	v15 =	vld [tilespmem:$0xFE60];
	v10 =	vadd.f32 $1.000000020e-16, v10  }
0x85: {  	(erf) = vrcp.f32 v9;
	v9 =	vadd.f32 $1.000000020e-16, v11;
	v11 =	vld [tilespmem:$0xFE70]  }
0x86: {  	(erf) = vrcp.f32 v10;
	v10 =	vadd.f32 $1.000000020e-16, v12;
	v12 =	vld [tilespmem:$0xFE80]  }
0x87: {  	(erf) = vrcp.f32 v9;
	v9 =	vadd.f32 $1.000000020e-16, v13;
	v13 =	vld [tilespmem:$0xFE90]  }
0x88: {  	(erf) = vrcp.f32 v10;
	v10 =	vadd.f32 $1.000000020e-16, v14;
	v14 =	vld [tilespmem:$0xFEA0]  }
0x89: {  	(erf) = vrcp.f32 v9;
	v9 =	vadd.f32 $1.000000020e-16, v15;
	v15 =	vld [tilespmem:$0xFEB0]  }
0x8a: {  	(erf) = vrcp.f32 v10;
	v10 =	vadd.f32 $1.000000020e-16, v11;
	v11 =	vld [tilespmem:$0xFEC0]  }
0x8b: {  	(erf) = vrcp.f32 v9;
	v9 =	vadd.f32 $1.000000020e-16, v12;
	v12 =	vld [tilespmem:$0xFED0]  }
0x8c: {  	(erf) = vrcp.f32 v10;
	v10 =	vadd.f32 $1.000000020e-16, v13;
	v13 =	vld [tilespmem:$0xFEE0]  }
0x8d: {  	(erf) = vrcp.f32 v9;
	v9 =	vadd.f32 $1.000000020e-16, v14;
	v14 =	vld [tilespmem:$0xFEF0]  }
0x8e: {  	v58 =	vpop (erf);
	(erf) = vrcp.f32 v10;
	v10 =	vadd.f32 $1.000000020e-16, v15;
	v15 =	vld [tilespmem:$0xFF00]  }
0x8f: {  	v59 =	vpop (erf);
	(erf) = vrcp.f32 v9;
	v9 =	vadd.f32 $1.000000020e-16, v11;
	v11 =	vld [tilespmem:$0xFF10]  }
0x90: {  	[tilespmem:$0xFE00] =	vst v58;
	v60 =	vpop (erf);
	(erf) = vrcp.f32 v10;
	v10 =	vadd.f32 $1.000000020e-16, v12;
	v12 =	vld [tilespmem:$0xFF20]  }
0x91: {  	[tilespmem:$0xFE10] =	vst v59;
	v61 =	vpop (erf);
	(erf) = vrcp.f32 v9;
	v9 =	vadd.f32 $1.000000020e-16, v13;
	v13 =	vld [tilespmem:$0xFF30]  }
0x92: {  	[tilespmem:$0xFE20] =	vst v60;
	v62 =	vpop (erf);
	(erf) = vrcp.f32 v10;
	v10 =	vadd.f32 $1.000000020e-16, v14;
	v14 =	vld [tilespmem:$0xFF40]  }
0x93: {  	[tilespmem:$0xFE30] =	vst v61;
	v63 =	vpop (erf);
	(erf) = vrcp.f32 v9;
	v9 =	vadd.f32 $1.000000020e-16, v15  }
0x94: {  	[tilespmem:$0xFE40] =	vst v62;
	v15 =	vpop (erf);
	(erf) = vrcp.f32 v10;
	v10 =	vadd.f32 $1.000000020e-16, v11  }
0x95: {  	[tilespmem:$0xFE50] =	vst v63;
	v11 =	vpop (erf);
	(erf) = vrcp.f32 v9;
	v9 =	vadd.f32 $1.000000020e-16, v12  }
0x96: {  	[tilespmem:$0xFE70] =	vst v11;
	v11 =	vpop (erf);
	(erf) = vrcp.f32 v10;
	v10 =	vadd.f32 $1.000000020e-16, v13  }
0x97: {  	[tilespmem:$0xFE80] =	vst v11;
	v11 =	vpop (erf);
	(erf) = vrcp.f32 v9;
	v9 =	vadd.f32 $1.000000020e-16, v14  }
0x98: {  	[tilespmem:$0xFE60] =	vst v15  }
0x99: {  	[tilespmem:$0xFE90] =	vst v11;
	v11 =	vpop (erf);
	(erf) = vrcp.f32 v10  }
0x9a: {  	[tilespmem:$0xFEA0] =	vst v11;
	v10 =	vpop (erf);
	(erf) = vrcp.f32 v9  }
0x9b: {  	v9 =	vpop (erf);
	[tilespmem:$0xFEB0] =	vst v10  }
0x9c: {  	v10 =	vpop (erf);
	[tilespmem:$0xFEC0] =	vst v9  }
0x9d: {  	v9 =	vpop (erf);
	[tilespmem:$0xFED0] =	vst v10  }
0x9e: {  	v10 =	vpop (erf);
	[tilespmem:$0xFEE0] =	vst v9  }
0x9f: {  	v9 =	vpop (erf);
	[tilespmem:$0xFEF0] =	vst v10  }
0xa0: {  	v10 =	vpop (erf);
	[tilespmem:$0xFF00] =	vst v9  }
0xa1: {  	v9 =	vpop (erf);
	[tilespmem:$0xFF10] =	vst v10  }
0xa2: {  	[tilespmem:$0xFF20] =	vst v9;
	v9 =	vpop (erf)  }
0xa3: {  	[tilespmem:$0xFF30] =	vst v9;
	v9 =	vpop (erf)  }
0xa4: {  	s28 =	simm.s32 $0x2A90;
	[tilespmem:$0xFF40] =	vst v9  }
0xa5: {  	v9 =	vld [tilespmem:s28+$0x0]  }
0xa6: {  	v10 =	vld [tilespmem:s28+$0xFFFFFFF0];
	_ =	sdelay $0x2  }
0xa7: {  	s1 =	simm.s32 $0x7F90  }
0xa8: {  	s31 =	simm.s32 $0x2AB0;
	v11 =	vld [tilespmem:s1+$0x0]  }
0xa9: {  	v12 =	vld [tilespmem:s31+$0x0]  }
0xaa: {  	v14 =	vld [tilespmem:s1+$0xFFFFFFF0]  }
0xab: {  	v9 =	vld.idx.msk [tilespmem:v9+s16+$0x0], $0xffff  }
0xac: {  	v13 =	vld.idx.msk [tilespmem:v10+s16+$0x0], $0xffff  }
0xad: {  	v10 =	vld [tilespmem:s31+$0xFFFFFFF0];
	_ =	sdelay $0x2  }
0xae: {  	s7 =	simm.s32 $0x7FB0;
	v11 =	vmul.f32 v9, v11  }
0xaf: {  	v9 =	vld [tilespmem:s7+$0x0]  }
0xb0: {  	s8 =	simm.s32 $0x2;
	s11 =	simm.s32 $0x2AD0;
	[tilespmem:s1+$0x0] =	vst v11;
	v11 =	vld.idx.msk [tilespmem:v12+s16+$0x0], $0xffff;
	v12 =	vmul.f32 v13, v14  }
.LBB2_5:
0xb1: {  	v13 =	vld [tilespmem:s11+$0x0];
	s8 =	sadd.s32 $0x2, s8  }
0xb2: {  	v14 =	vld [tilespmem:s11+$0xFFFFFFF0];
	p0 =	slt.u32 s8, $0x2A6;
	[tilespmem:s1+$0xFFFFFFF0] =	vst v12;
	s1 =	smov.u32 s7  }
0xb3: {  	v12 =	vld.idx.msk [tilespmem:v10+s16+$0x0], $0xffff  }
0xb4: {  	v15 =	vld [tilespmem:s7+$0xFFFFFFF0]  }
.Ltmp1:
0xb5: {  	(pc) =	sbr.rel @p0 .LBB2_5-.Ltmp1, $4  }
0xb6: {  	v11 =	vmul.f32 v11, v9  }
0xb7: {  	s7 =	sadd.s32 $0x20, s7;
	v10 =	vmov v14  }
0xb8: {  	v9 =	vld [tilespmem:s7+$0x0];
	[tilespmem:s1+$0x0] =	vst v11  }
0xb9: {  	s11 =	sadd.s32 $0x20, s11;
	v11 =	vld.idx.msk [tilespmem:v13+s16+$0x0], $0xffff;
	v12 =	vmul.f32 v12, v15  }
0xba: {  	_ =	sdelay $0x3  }
0xbb: {  	v10 =	vld.idx.msk [tilespmem:v10+s16+$0x0], $0xffff  }
0xbc: {  	v13 =	vld [tilespmem:s7+$0xFFFFFFF0];
	_ =	sdelay $0x3  }
0xbd: {  	v9 =	vmul.f32 v11, v9  }
0xbe: {  	s28 =	sshrl.u32 s0, $0x3;
	[tilespmem:s1+$0xFFFFFFF0] =	vst v12;
	v10 =	vmul.f32 v10, v13  }
0xbf: {  	s1 =	sadd.s32 s3, s28;
	[tilespmem:s7+$0x0] =	vst v9  }
0xc0: {  	s1 =	sadd.s32 $0x500, s1;
	[tilespmem:s7+$0xFFFFFFF0] =	vst v10  }
0xc1: {  	[tilespmem:s14], [sflag:$0x3] =	stream.linear.gather [hbm4b:s1+s2], $0x2800, $0x38;
	[tilespmem:$0x1E000] =	vst v63  }
0xc2: {  	s31 =	sadd.s32 s0, s10;
	_ =	swait.ge [sflag:s12], $0x2800  }
0xc3: {  	s0 =	sshrl.u32 s31, $0x3;
	[sflag:s12] =	ssyncset.done $0x0  }
0xc4: {  	s0 =	sadd.s32 s3, s0;
	[sflag:s12] =	ssyncadd.s32 $0xFFFFD800  }
0xc5: {  	[tilespmem:s15], [sflag:$0x3] =	stream.linear.gather [hbm4b:s0+s2], $0x140, $0x38;
	[tilespmem:$0x1E000] =	vst v63  }
0xc6: {  	_ =	swait.ge [sflag:s12], $0x140  }
0xc7: {  	[sflag:s12] =	ssyncset.done $0x0  }
0xc8: {  	[sflag:s12] =	ssyncadd.s32 $0xFFFFFEC0  }
0xc9: {  	[tilespmem:$0xFDC0] =	vst v1  }
0xca: {  	[tilespmem:$0xFE00] =	vst v1  }
0xcb: {  	[tilespmem:$0xFE10] =	vst v1  }
0xcc: {  	[tilespmem:$0xFE20] =	vst v1  }
0xcd: {  	[tilespmem:$0xFE30] =	vst v1  }
0xce: {  	[tilespmem:$0xFE40] =	vst v1  }
0xcf: {  	[tilespmem:$0xFE50] =	vst v1  }
0xd0: {  	[tilespmem:$0xFE60] =	vst v1  }
0xd1: {  	[tilespmem:$0xFE70] =	vst v1  }
0xd2: {  	[tilespmem:$0xFE80] =	vst v1  }
0xd3: {  	[tilespmem:$0xFE90] =	vst v1  }
0xd4: {  	[tilespmem:$0xFEA0] =	vst v1  }
0xd5: {  	[tilespmem:$0xFEB0] =	vst v1  }
0xd6: {  	[tilespmem:$0xFEC0] =	vst v1  }
0xd7: {  	[tilespmem:$0xFED0] =	vst v1  }
0xd8: {  	[tilespmem:$0xFEE0] =	vst v1  }
0xd9: {  	[tilespmem:$0xFEF0] =	vst v1  }
0xda: {  	[tilespmem:$0xFF00] =	vst v1  }
0xdb: {  	[tilespmem:$0xFF10] =	vst v1  }
0xdc: {  	[tilespmem:$0xFF20] =	vst v1  }
0xdd: {  	[tilespmem:$0xFF30] =	vst v1  }
0xde: {  	s1 =	simm.s32 $0x10;
	[tilespmem:$0xFF40] =	vst v1  }
0xdf: {  	s7 =	simm.s32 $0x2A90;
	v10 =	vld [tilespmem:s1+$0x0]  }
0xe0: {  	v16 =	vld [tilespmem:s7+$0x0];
	_ =	sdelay $0x3  }
0xe1: {  	v12 =	vld [tilespmem:s1+$0xFFFFFFF0]  }
0xe2: {  	v9 =	vld [tilespmem:s7+$0xFFFFFFF0];
	_ =	sdelay $0x1  }
0xe3: {  	v10 =	vld.idx.msk [tilespmem:v10+s14+$0x0], $0xffff  }
0xe4: {  	s8 =	simm.s32 $0x30;
	v13 =	vld.idx.msk [tilespmem:v16+s15+$0x0], $0xffff  }
0xe5: {  	s11 =	simm.s32 $0x2AB0;
	v14 =	vld [tilespmem:s8+$0x0]  }
0xe6: {  	v11 =	vld [tilespmem:s11+$0x0]  }
0xe7: {  	v17 =	vld [tilespmem:s8+$0xFFFFFFF0]  }
0xe8: {  	v12 =	vld.idx.msk [tilespmem:v12+s14+$0x0], $0xffff  }
0xe9: {  	v15 =	vld.idx.msk [tilespmem:v9+s15+$0x0], $0xffff;
	v13 =	vadd.f32 v13, v10  }
0xea: {  	v10 =	vld [tilespmem:s11+$0xFFFFFFF0]  }
0xeb: {  	v18 =	vmul.f32 $2.000000030e-01, v13;
	_ =	sdelay $0x1  }
0xec: {  	v14 =	vld.idx.msk [tilespmem:v14+s14+$0x0], $0xffff;
	v13 =	vmax.f32 v13, v18  }
0xed: {  	v20 =	vld.idx.msk [tilespmem:v11+s15+$0x0], $0xffff;
	v15 =	vadd.f32 v15, v12;
	v19 =	vmul.f32 $1.442695020e+00, v13  }
0xee: {  	s18 =	simm.s32 $0x50;
	v17 =	vld.idx.msk [tilespmem:v17+s14+$0x0], $0xffff  }
0xef: {  	s28 =	simm.s32 $0x2AD0;
	v18 =	vld [tilespmem:s18+$0x0];
	(erf) = vpow2.f32 v19;
	v19 =	vmul.f32 $2.000000030e-01, v15  }
0xf0: {  	v13 =	vld [tilespmem:s28+$0x0]  }
0xf1: {  	v15 =	vmax.f32 v15, v19;
	v19 =	vld.idx.msk [tilespmem:v10+s15+$0x0], $0xffff;
	_ =	sdelay $0x2  }
0xf2: {  	v20 =	vadd.f32 v20, v14  }
0xf3: {  	s31 =	simm.s32 $0x70;
	v21 =	vld [tilespmem:s18+$0xFFFFFFF0]  }
0xf4: {  	v23 =	vld [tilespmem:s31+$0x0];
	v15 =	vmul.f32 $1.442695020e+00, v15;
	v19 =	vadd.f32 v19, v17;
	v17 =	vmul.f32 $2.000000030e-01, v20  }
0xf5: {  	v12 =	vld [tilespmem:s28+$0xFFFFFFF0]  }
0xf6: {  	v18 =	vld.idx.msk [tilespmem:v18+s14+$0x0], $0xffff;
	(erf) = vpow2.f32 v15;
	v17 =	vmax.f32 v20, v17  }
0xf7: {  	s1 =	simm.s32 $0x2AF0;
	v22 =	vld.idx.msk [tilespmem:v13+s15+$0x0], $0xffff;
	v63 =	vmul.f32 $1.442695020e+00, v17  }
0xf8: {  	s0 =	simm.s32 $0xAA10;
	v15 =	vld [tilespmem:s1+$0x0];
	v24 =	vpop (erf)  }
0xf9: {  	[tilespmem:s0+$0x0] =	vst v24;
	(erf) = vpow2.f32 v63  }
0xfa: {  	[tilespmem:v16+s16+$0x0] =	vst.idx.add.f32.msk $0xffff, v24;
	v16 =	vmul.f32 $2.000000030e-01, v19  }
0xfb: {  	v14 =	vld [tilespmem:s1+$0xFFFFFFF0]  }
0xfc: {  	v20 =	vld [tilespmem:s31+$0xFFFFFFF0];
	v22 =	vadd.f32 v22, v18;
	v16 =	vmax.f32 v19, v16  }
0xfd: {  	v17 =	vld.idx.msk [tilespmem:v21+s14+$0x0], $0xffff  }
0xfe: {  	v18 =	vld.idx.msk [tilespmem:v12+s15+$0x0], $0xffff;
	v25 =	vmul.f32 $2.000000030e-01, v22;
	v26 =	vmul.f32 $1.442695020e+00, v16  }
0xff: {  	v19 =	vld.idx.msk [tilespmem:v23+s14+$0x0], $0xffff;
	v16 =	vpop (erf)  }
0x100: {  	s7 =	simm.s32 $0x6;
	s8 =	simm.s32 $0x90;
	v21 =	vld.idx.msk [tilespmem:v15+s15+$0x0], $0xffff;
	v22 =	vmax.f32 v22, v25;
	(erf) = vpow2.f32 v26;
	[tilespmem:s0+$0xFFFFFFF0] =	vst v16  }
.LBB2_7:
0x101: {  	v23 =	vld [tilespmem:s8+$0x0];
	s1 =	sadd.s32 $0x20, s1;
	v22 =	vmul.f32 $1.442695020e+00, v22  }
0x102: {  	s0 =	sadd.s32 $0x20, s0;
	v24 =	vld [tilespmem:s1+$0x0];
	v25 =	vpop (erf)  }
0x103: {  	s7 =	sadd.s32 $0x2, s7;
	v27 =	vadd.f32 v18, v17;
	v26 =	vld [tilespmem:s1+$0xFFFFFFF0];
	(erf) = vpow2.f32 v22;
	[tilespmem:s0+$0x0] =	vst v25  }
0x104: {  	p0 =	slt.u32 s7, $0x2A6;
	[tilespmem:v11+s16+$0x0] =	vst.idx.add.f32.msk $0xffff, v25;
	v11 =	vmov v13;
	v13 =	vmov v15  }
0x105: {  	v22 =	vmul.f32 $2.000000030e-01, v27;
	v25 =	vld [tilespmem:s8+$0xFFFFFFF0]  }
.Ltmp2:
0x106: {  	v17 =	vld.idx.msk [tilespmem:v20+s14+$0x0], $0xffff;
	v20 =	vadd.f32 v21, v19;
	(pc) =	sbr.rel @p0 .LBB2_7-.Ltmp2, $4  }
0x107: {  	v19 =	vmax.f32 v27, v22;
	v18 =	vld.idx.msk [tilespmem:v14+s15+$0x0], $0xffff;
	v15 =	vmov v24  }
0x108: {  	v27 =	vmul.f32 $1.442695020e+00, v19;
	v22 =	vmul.f32 $2.000000030e-01, v20;
	[tilespmem:v9+s16+$0x0] =	vst.idx.add.f32.msk $0xffff, v16;
	v9 =	vmovc v10;
	v10 =	vmovc v12;
	v12 =	vmov v14  }
0x109: {  	v14 =	vmov v26;
	v19 =	vld.idx.msk [tilespmem:v23+s14+$0x0], $0xffff;
	v16 =	vpop (erf)  }
0x10a: {  	s8 =	sadd.s32 $0x20, s8;
	v21 =	vld.idx.msk [tilespmem:v24+s15+$0x0], $0xffff;
	v22 =	vmax.f32 v20, v22;
	(erf) = vpow2.f32 v27;
	[tilespmem:s0+$0xFFFFFFF0] =	vst v16;
	v20 =	vmov v25  }
0x10b: {  	_ =	sdelay $0x3  }
0x10c: {  	v20 =	vld.idx.msk [tilespmem:v20+s14+$0x0], $0xffff  }
0x10d: {  	v23 =	vld.idx.msk [tilespmem:v14+s15+$0x0], $0xffff  }
0x10e: {  	v17 =	vadd.f32 v18, v17;
	_ =	sdelay $0x1  }
0x10f: {  	v53 =	vmul.f32 $2.000000030e-01, v17;
	v51 =	vadd.f32 v21, v19  }
0x110: {  	v52 =	vmul.f32 $1.442695020e+00, v22  }
0x111: {  	v17 =	vmax.f32 v17, v53;
	v55 =	vadd.f32 v23, v20;
	v54 =	vmul.f32 $2.000000030e-01, v51  }
0x112: {  	(erf) = vpow2.f32 v52;
	v17 =	vmul.f32 $1.442695020e+00, v17  }
0x113: {  	v20 =	vmul.f32 $2.000000030e-01, v55;
	v18 =	vmax.f32 v51, v54  }
0x114: {  	(erf) = vpow2.f32 v17;
	v18 =	vmul.f32 $1.442695020e+00, v18  }
0x115: {  	v56 =	vmax.f32 v55, v20  }
0x116: {  	v17 =	vmul.f32 $1.442695020e+00, v56;
	(erf) = vpow2.f32 v18  }
0x117: {  	s0 =	sadd.s32 $0x20, s0;
	[tilespmem:v9+s16+$0x0] =	vst.idx.add.f32.msk $0xffff, v16;
	v57 =	vpop (erf)  }
0x118: {  	[tilespmem:s0+$0x0] =	vst v57;
	(erf) = vpow2.f32 v17  }
0x119: {  	[tilespmem:v11+s16+$0x0] =	vst.idx.add.f32.msk $0xffff, v57;
	v9 =	vpop (erf)  }
0x11a: {  	[tilespmem:s0+$0xFFFFFFF0] =	vst v9  }
0x11b: {  	s0 =	sadd.s32 $0x20, s0;
	[tilespmem:v10+s16+$0x0] =	vst.idx.add.f32.msk $0xffff, v9;
	v11 =	vpop (erf)  }
0x11c: {  	[tilespmem:s0+$0x0] =	vst v11  }
0x11d: {  	[tilespmem:v13+s16+$0x0] =	vst.idx.add.f32.msk $0xffff, v11;
	v9 =	vpop (erf)  }
0x11e: {  	[tilespmem:s0+$0xFFFFFFF0] =	vst v9  }
0x11f: {  	s0 =	sadd.s32 $0x20, s0;
	[tilespmem:v12+s16+$0x0] =	vst.idx.add.f32.msk $0xffff, v9;
	v10 =	vpop (erf)  }
0x120: {  	[tilespmem:s0+$0x0] =	vst v10  }
0x121: {  	v9 =	vpop (erf);
	[tilespmem:v15+s16+$0x0] =	vst.idx.add.f32.msk $0xffff, v10  }
0x122: {  	[tilespmem:s0+$0xFFFFFFF0] =	vst v9  }
0x123: {  	[tilespmem:v14+s16+$0x0] =	vst.idx.add.f32.msk $0xffff, v9  }
0x124: {  	v9 =	vld [tilespmem:$0xFE00]  }
0x125: {  	v10 =	vld [tilespmem:$0xFE10]  }
0x126: {  	v11 =	vld [tilespmem:$0xFE20]  }
0x127: {  	v12 =	vld [tilespmem:$0xFE30]  }
0x128: {  	v13 =	vld [tilespmem:$0xFE40]  }
0x129: {  	v14 =	vld [tilespmem:$0xFE50];
	v9 =	vadd.f32 $1.000000020e-16, v9  }
0x12a: {  	v15 =	vld [tilespmem:$0xFE60];
	v10 =	vadd.f32 $1.000000020e-16, v10  }
0x12b: {  	(erf) = vrcp.f32 v9;
	v9 =	vadd.f32 $1.000000020e-16, v11;
	v11 =	vld [tilespmem:$0xFE70]  }
0x12c: {  	(erf) = vrcp.f32 v10;
	v10 =	vadd.f32 $1.000000020e-16, v12;
	v12 =	vld [tilespmem:$0xFE80]  }
0x12d: {  	(erf) = vrcp.f32 v9;
	v9 =	vadd.f32 $1.000000020e-16, v13;
	v13 =	vld [tilespmem:$0xFE90]  }
0x12e: {  	(erf) = vrcp.f32 v10;
	v10 =	vadd.f32 $1.000000020e-16, v14;
	v14 =	vld [tilespmem:$0xFEA0]  }
0x12f: {  	(erf) = vrcp.f32 v9;
	v9 =	vadd.f32 $1.000000020e-16, v15;
	v15 =	vld [tilespmem:$0xFEB0]  }
0x130: {  	(erf) = vrcp.f32 v10;
	v10 =	vadd.f32 $1.000000020e-16, v11;
	v11 =	vld [tilespmem:$0xFEC0]  }
0x131: {  	(erf) = vrcp.f32 v9;
	v9 =	vadd.f32 $1.000000020e-16, v12;
	v12 =	vld [tilespmem:$0xFED0]  }
0x132: {  	(erf) = vrcp.f32 v10;
	v10 =	vadd.f32 $1.000000020e-16, v13;
	v13 =	vld [tilespmem:$0xFEE0]  }
0x133: {  	(erf) = vrcp.f32 v9;
	v9 =	vadd.f32 $1.000000020e-16, v14;
	v14 =	vld [tilespmem:$0xFEF0]  }
0x134: {  	v58 =	vpop (erf);
	(erf) = vrcp.f32 v10;
	v10 =	vadd.f32 $1.000000020e-16, v15;
	v15 =	vld [tilespmem:$0xFF00]  }
0x135: {  	v59 =	vpop (erf);
	(erf) = vrcp.f32 v9;
	v9 =	vadd.f32 $1.000000020e-16, v11;
	v11 =	vld [tilespmem:$0xFF10]  }
0x136: {  	[tilespmem:$0xFE00] =	vst v58;
	v60 =	vpop (erf);
	(erf) = vrcp.f32 v10;
	v10 =	vadd.f32 $1.000000020e-16, v12;
	v12 =	vld [tilespmem:$0xFF20]  }
0x137: {  	[tilespmem:$0xFE10] =	vst v59;
	v61 =	vpop (erf);
	(erf) = vrcp.f32 v9;
	v9 =	vadd.f32 $1.000000020e-16, v13;
	v13 =	vld [tilespmem:$0xFF30]  }
0x138: {  	[tilespmem:$0xFE20] =	vst v60;
	v62 =	vpop (erf);
	(erf) = vrcp.f32 v10;
	v10 =	vadd.f32 $1.000000020e-16, v14;
	v14 =	vld [tilespmem:$0xFF40]  }
0x139: {  	[tilespmem:$0xFE30] =	vst v61;
	v63 =	vpop (erf);
	(erf) = vrcp.f32 v9;
	v9 =	vadd.f32 $1.000000020e-16, v15  }
0x13a: {  	[tilespmem:$0xFE40] =	vst v62;
	v15 =	vpop (erf);
	(erf) = vrcp.f32 v10;
	v10 =	vadd.f32 $1.000000020e-16, v11  }
0x13b: {  	[tilespmem:$0xFE50] =	vst v63;
	v11 =	vpop (erf);
	(erf) = vrcp.f32 v9;
	v9 =	vadd.f32 $1.000000020e-16, v12  }
0x13c: {  	[tilespmem:$0xFE70] =	vst v11;
	v11 =	vpop (erf);
	(erf) = vrcp.f32 v10;
	v10 =	vadd.f32 $1.000000020e-16, v13  }
0x13d: {  	[tilespmem:$0xFE80] =	vst v11;
	v11 =	vpop (erf);
	(erf) = vrcp.f32 v9;
	v9 =	vadd.f32 $1.000000020e-16, v14  }
0x13e: {  	[tilespmem:$0xFE60] =	vst v15  }
0x13f: {  	[tilespmem:$0xFE90] =	vst v11;
	v11 =	vpop (erf);
	(erf) = vrcp.f32 v10  }
0x140: {  	[tilespmem:$0xFEA0] =	vst v11;
	v10 =	vpop (erf);
	(erf) = vrcp.f32 v9  }
0x141: {  	v9 =	vpop (erf);
	[tilespmem:$0xFEB0] =	vst v10  }
0x142: {  	v10 =	vpop (erf);
	[tilespmem:$0xFEC0] =	vst v9  }
0x143: {  	v9 =	vpop (erf);
	[tilespmem:$0xFED0] =	vst v10  }
0x144: {  	v10 =	vpop (erf);
	[tilespmem:$0xFEE0] =	vst v9  }
0x145: {  	v9 =	vpop (erf);
	[tilespmem:$0xFEF0] =	vst v10  }
0x146: {  	v10 =	vpop (erf);
	[tilespmem:$0xFF00] =	vst v9  }
0x147: {  	v9 =	vpop (erf);
	[tilespmem:$0xFF10] =	vst v10  }
0x148: {  	[tilespmem:$0xFF20] =	vst v9;
	v9 =	vpop (erf)  }
0x149: {  	[tilespmem:$0xFF30] =	vst v9;
	v9 =	vpop (erf)  }
0x14a: {  	s31 =	simm.s32 $0x2A90;
	[tilespmem:$0xFF40] =	vst v9  }
0x14b: {  	v9 =	vld [tilespmem:s31+$0x0]  }
0x14c: {  	v10 =	vld [tilespmem:s31+$0xFFFFFFF0];
	_ =	sdelay $0x2  }
0x14d: {  	s0 =	simm.s32 $0xAA10  }
0x14e: {  	s1 =	simm.s32 $0x2AB0;
	v11 =	vld [tilespmem:s0+$0x0]  }
0x14f: {  	v12 =	vld [tilespmem:s1+$0x0]  }
0x150: {  	v14 =	vld [tilespmem:s0+$0xFFFFFFF0]  }
0x151: {  	v9 =	vld.idx.msk [tilespmem:v9+s16+$0x0], $0xffff  }
0x152: {  	v13 =	vld.idx.msk [tilespmem:v10+s16+$0x0], $0xffff  }
0x153: {  	v10 =	vld [tilespmem:s1+$0xFFFFFFF0];
	_ =	sdelay $0x2  }
0x154: {  	s1 =	simm.s32 $0xAA30;
	v11 =	vmul.f32 v9, v11  }
0x155: {  	v9 =	vld [tilespmem:s1+$0x0]  }
0x156: {  	s7 =	simm.s32 $0x2;
	s8 =	simm.s32 $0x2AD0;
	[tilespmem:s0+$0x0] =	vst v11;
	v11 =	vld.idx.msk [tilespmem:v12+s16+$0x0], $0xffff;
	v12 =	vmul.f32 v13, v14  }
.LBB2_9:
0x157: {  	v13 =	vld [tilespmem:s8+$0x0];
	s7 =	sadd.s32 $0x2, s7  }
0x158: {  	v14 =	vld [tilespmem:s8+$0xFFFFFFF0];
	p0 =	slt.u32 s7, $0x2A6;
	[tilespmem:s0+$0xFFFFFFF0] =	vst v12;
	s0 =	smov.u32 s1  }
0x159: {  	v12 =	vld.idx.msk [tilespmem:v10+s16+$0x0], $0xffff  }
0x15a: {  	v15 =	vld [tilespmem:s1+$0xFFFFFFF0]  }
.Ltmp3:
0x15b: {  	(pc) =	sbr.rel @p0 .LBB2_9-.Ltmp3, $4  }
0x15c: {  	v11 =	vmul.f32 v11, v9  }
0x15d: {  	s1 =	sadd.s32 $0x20, s1;
	v10 =	vmov v14  }
0x15e: {  	v9 =	vld [tilespmem:s1+$0x0];
	[tilespmem:s0+$0x0] =	vst v11  }
0x15f: {  	s8 =	sadd.s32 $0x20, s8;
	v11 =	vld.idx.msk [tilespmem:v13+s16+$0x0], $0xffff;
	v12 =	vmul.f32 v12, v15  }
0x160: {  	_ =	sdelay $0x3  }
0x161: {  	v10 =	vld.idx.msk [tilespmem:v10+s16+$0x0], $0xffff  }
0x162: {  	v13 =	vld [tilespmem:s1+$0xFFFFFFF0];
	_ =	sdelay $0x1  }
0x163: {  	p0 =	por $0x1, $0x1  }
.Ltmp4:
0x164: {  	_ = 	snop;
	(pc) =	sbr.rel @!p0 .LBB2_12-.Ltmp4, $4  }
0x165: {  	v9 =	vmul.f32 v11, v9  }
0x166: {  	[tilespmem:s0+$0xFFFFFFF0] =	vst v12;
	v10 =	vmul.f32 v10, v13  }
0x167: {  	[tilespmem:s1+$0x0] =	vst v9  }
0x168: {  	s31 =	simm.s32 $0x0;
	s0 =	simm.s32 $0x40;
	[tilespmem:s1+$0xFFFFFFF0] =	vst v10;
	s1 =	simm.s32 $0x0  }
.LBB2_11:
0x169: {  	p0 =	sne.s32 s0, $0x281C0;
	[tilespmem:s1+$0xFF80] =	vst v1;
	s1 =	smov.u32 s0;
	s0 =	sadd.s32 $0x40, s0  }
.Ltmp5:
0x16a: {  	(pc) =	sbr.rel @p0 .LBB2_11-.Ltmp5, $2  }
0x16b: {  	_ =	sdelay $0x2  }
0x16c: {  	s1 =	sshra.s32 s1, $0x2  }
.LBB2_12:
0x16d: {  	[tilespmem:s1+$0xFF80] =	vst v1;
	s0 =	simm.s32 $0x5500  }
0x16e: {  	[tilespmem:s19], [sflag:$0x1] =	stream.indirect.gather [hbm4b:s5+s17], $0x80, s0, s17, $0xb8;
	[tilespmem:$0x1E000] =	vst v63  }
0x16f: {  	s1 =	simm.s32 $0x0  }
0x170: {  	[tilespmem:s21], [sflag:$0x2] =	stream.indirect.gather [hbm4b:s5+s17], $0x80, s20, s17, $0xb8;
	[tilespmem:$0x1E000] =	vst v63  }
.LBB2_13:
0x171: {  	s0 =	sadd.s32 $0x0, s31  }
0x172: {  	v9 =	vmov s0  }
0x173: {  	v9 =	vand.u32 $0xFFFFFFFE, v9  }
0x174: {  	v10 =	vbroadcast v9, $0x0;
	_ =	sdelay $0x1  }
0x175: {  	s0 =	sadd.s32 $0x1, s0  }
0x176: {  	_ =	swait.ge [sflag:s22], $0x2000;
	s7 =	simm.s32 $0x0;
	v11 =	vmov s0  }
0x177: {  	[sflag:s22] =	ssyncset.done $0x0;
	v9 =	vor.u32 s7, v0  }
0x178: {  	[sflag:s22] =	ssyncadd.s32 $0xFFFFE000  }
0x179: {  	v12 =	vld.idx.msk [tilespmem:v10+s13+$0x0], $0xffff  }
0x17a: {  	s8 =	simm.s32 $0x80  }
0x17b: {  	v14 =	vor.u32 s8, v0;
	v13 =	vld.idx.msk [tilespmem:v11+s13+$0x0], $0xffff  }
0x17c: {  	v15 =	vld.idx.msk [tilespmem:v9+s19+$0x0], $0xffff  }
0x17d: {  	v16 =	vld.idx.msk [tilespmem:v10+s23+$0x0], $0xffff  }
0x17e: {  	v9 =	vshll.u32 v12, $0x7  }
0x17f: {  	v12 =	vor.u32 v0, v9  }
0x180: {  	v18 =	vor.u32 s7, v2;
	v14 =	vld.idx.msk [tilespmem:v14+s19+$0x0], $0xffff  }
0x181: {  	v17 =	vld.idx.msk [tilespmem:v11+s23+$0x0], $0xffff  }
0x182: {  	v13 =	vshll.u32 v13, $0x7;
	v15 =	vmul.f32 v15, v16  }
0x183: {  	v10 =	vld.idx.msk [tilespmem:v10+s24+$0x0], $0xffff;
	v19 =	vor.u32 v0, v13  }
0x184: {  	v20 =	vor.u32 s8, v2;
	[tilespmem:v12+s25+$0x0] =	vst.idx.add.f32.msk $0xffff, v15  }
0x185: {  	v12 =	vld.idx.msk [tilespmem:v18+s19+$0x0], $0xffff  }
0x186: {  	v14 =	vmul.f32 v14, v17  }
0x187: {  	v11 =	vld.idx.msk [tilespmem:v11+s24+$0x0], $0xffff;
	v15 =	vor.u32 v2, v9  }
0x188: {  	[tilespmem:v19+s25+$0x0] =	vst.idx.add.f32.msk $0xffff, v14;
	v14 =	vor.u32 s7, v3  }
0x189: {  	v18 =	vld.idx.msk [tilespmem:v20+s19+$0x0], $0xffff  }
0x18a: {  	v12 =	vmul.f32 v12, v16  }
0x18b: {  	v19 =	vor.u32 v2, v13  }
0x18c: {  	v20 =	vor.u32 s8, v3;
	[tilespmem:v15+s25+$0x0] =	vst.idx.add.f32.msk $0xffff, v12  }
0x18d: {  	v12 =	vld.idx.msk [tilespmem:v14+s19+$0x0], $0xffff  }
0x18e: {  	v14 =	vmul.f32 v18, v17  }
0x18f: {  	v15 =	vor.u32 v3, v9  }
0x190: {  	[tilespmem:v19+s25+$0x0] =	vst.idx.add.f32.msk $0xffff, v14;
	v14 =	vor.u32 s7, v4  }
0x191: {  	v18 =	vld.idx.msk [tilespmem:v20+s19+$0x0], $0xffff  }
0x192: {  	s28 =	sadd.s32 $0x2, s31;
	v12 =	vmul.f32 v12, v16  }
0x193: {  	v19 =	vor.u32 v3, v13;
	v20 =	vmov s28  }
0x194: {  	v21 =	vor.u32 s8, v4;
	s0 =	sadd.s32 $0x1, s28;
	[tilespmem:v15+s25+$0x0] =	vst.idx.add.f32.msk $0xffff, v12;
	v12 =	vand.u32 $0xFFFFFFFE, v20  }
0x195: {  	v20 =	vmov s0;
	v14 =	vld.idx.msk [tilespmem:v14+s19+$0x0], $0xffff;
	v22 =	vbroadcast v12, $0x0  }
0x196: {  	v12 =	vmul.f32 v18, v17  }
0x197: {  	v15 =	vor.u32 v4, v9  }
0x198: {  	s11 =	simm.s32 $0x180;
	[tilespmem:v19+s25+$0x0] =	vst.idx.add.f32.msk $0xffff, v12;
	v12 =	vor.u32 s7, v5  }
0x199: {  	v23 =	vor.u32 s11, v0;
	v18 =	vld.idx.msk [tilespmem:v21+s19+$0x0], $0xffff  }
0x19a: {  	s0 =	simm.s32 $0x100;
	v21 =	vld.idx.msk [tilespmem:v20+s13+$0x0], $0xffff;
	v14 =	vmul.f32 v14, v16  }
0x19b: {  	v19 =	vor.u32 s0, v0;
	v16 =	vld.idx.msk [tilespmem:v22+s13+$0x0], $0xffff  }
0x19c: {  	[tilespmem:v15+s25+$0x0] =	vst.idx.add.f32.msk $0xffff, v14  }
0x19d: {  	v14 =	vld.idx.msk [tilespmem:v12+s19+$0x0], $0xffff  }
0x19e: {  	v23 =	vld.idx.msk [tilespmem:v23+s19+$0x0], $0xffff  }
0x19f: {  	v26 =	vor.u32 v5, v9;
	v25 =	vld.idx.msk [tilespmem:v22+s23+$0x0], $0xffff  }
0x1a0: {  	v27 =	vor.u32 s7, v6;
	v24 =	vld.idx.msk [tilespmem:v19+s19+$0x0], $0xffff  }
0x1a1: {  	v19 =	vld.idx.msk [tilespmem:v20+s23+$0x0], $0xffff;
	v15 =	vshll.u32 v16, $0x7  }
0x1a2: {  	v32 =	vshll.u32 v21, $0x7;
	v28 =	vor.u32 v0, v15;
	v14 =	vmul.f32 v14, v10  }
0x1a3: {  	v12 =	vld.idx.msk [tilespmem:v20+s24+$0x0], $0xffff;
	v21 =	vor.u32 v0, v32  }
0x1a4: {  	v20 =	vor.u32 s0, v2;
	[tilespmem:v26+s25+$0x0] =	vst.idx.add.f32.msk $0xffff, v14  }
0x1a5: {  	v24 =	vmul.f32 v24, v25;
	v14 =	vor.u32 v4, v13;
	v26 =	vld.idx.msk [tilespmem:v27+s19+$0x0], $0xffff  }
0x1a6: {  	v16 =	vld.idx.msk [tilespmem:v22+s24+$0x0], $0xffff;
	v22 =	vor.u32 s11, v2;
	v23 =	vmul.f32 v23, v19  }
0x1a7: {  	[tilespmem:v28+s25+$0x0] =	vst.idx.add.f32.msk $0xffff, v24;
	v24 =	vor.u32 v6, v9  }
0x1a8: {  	v17 =	vmul.f32 v18, v17;
	v18 =	vor.u32 s7, v7;
	[tilespmem:v21+s25+$0x0] =	vst.idx.add.f32.msk $0xffff, v23  }
0x1a9: {  	v27 =	vor.u32 s8, v5;
	v20 =	vld.idx.msk [tilespmem:v20+s19+$0x0], $0xffff  }
0x1aa: {  	[tilespmem:v14+s25+$0x0] =	vst.idx.add.f32.msk $0xffff, v17;
	v17 =	vmul.f32 v26, v10  }
0x1ab: {  	v21 =	vld.idx.msk [tilespmem:v22+s19+$0x0], $0xffff;
	v22 =	vor.u32 v2, v15  }
0x1ac: {  	v14 =	vor.u32 s0, v3;
	[tilespmem:v24+s25+$0x0] =	vst.idx.add.f32.msk $0xffff, v17  }
0x1ad: {  	v23 =	vor.u32 v2, v32;
	v18 =	vld.idx.msk [tilespmem:v18+s19+$0x0], $0xffff  }
0x1ae: {  	v29 =	vor.u32 s11, v3;
	v26 =	vld.idx.msk [tilespmem:v27+s19+$0x0], $0xffff;
	v28 =	vmul.f32 v20, v25  }
0x1af: {  	v36 =	vor.u32 v7, v9  }
0x1b0: {  	v24 =	vor.u32 v5, v13;
	[tilespmem:v22+s25+$0x0] =	vst.idx.add.f32.msk $0xffff, v28;
	v22 =	vmul.f32 v21, v19  }
0x1b1: {  	v39 =	vor.u32 s7, v8;
	v17 =	vor.u32 s8, v6;
	v38 =	vld.idx.msk [tilespmem:v14+s19+$0x0], $0xffff  }
0x1b2: {  	v31 =	vor.u32 s11, v4;
	v33 =	vor.u32 v3, v32;
	[tilespmem:v23+s25+$0x0] =	vst.idx.add.f32.msk $0xffff, v22;
	v37 =	vmul.f32 v18, v10  }
0x1b3: {  	v30 =	vor.u32 v6, v32;
	v27 =	vor.u32 s8, v7;
	v14 =	vmul.f32 v26, v11;
	v35 =	vld.idx.msk [tilespmem:v29+s19+$0x0], $0xffff  }
0x1b4: {  	v20 =	vor.u32 s8, v8;
	v28 =	vor.u32 v6, v13;
	[tilespmem:v36+s25+$0x0] =	vst.idx.add.f32.msk $0xffff, v37;
	v37 =	vor.u32 v3, v15  }
0x1b5: {  	v21 =	vor.u32 v7, v13;
	v13 =	vor.u32 v8, v13;
	[tilespmem:v24+s25+$0x0] =	vst.idx.add.f32.msk $0xffff, v14;
	v36 =	vor.u32 s0, v4  }
0x1b6: {  	v26 =	vor.u32 s11, v5;
	v22 =	vor.u32 s11, v6;
	v23 =	vor.u32 s11, v7;
	v34 =	vld.idx.msk [tilespmem:v17+s19+$0x0], $0xffff  }
0x1b7: {  	v29 =	vor.u32 v4, v32;
	v24 =	vor.u32 v5, v32;
	v38 =	vmul.f32 v38, v25  }
0x1b8: {  	s7 =	simm.s32 $0x4;
	s8 =	simm.s32 $0x6;
	v14 =	vor.u32 v8, v32;
	v17 =	vor.u32 s11, v8;
	v18 =	vor.u32 v7, v32;
	s11 =	sadd.s32 $0x4, s31;
	v32 =	vld.idx.msk [tilespmem:v39+s19+$0x0], $0xffff  }
.LBB2_14:
0x1b9: {  	p0 =	slt.u32 s8, $0x3E;
	v39 =	vmov s11;
	s11 =	sadd.s32 $0x1, s11;
	[tilespmem:v37+s25+$0x0] =	vst.idx.add.f32.msk $0xffff, v38;
	v35 =	vmul.f32 v35, v19  }
0x1ba: {  	v37 =	vand.u32 $0xFFFFFFFE, v39;
	v38 =	vmov s11;
	v36 =	vld.idx.msk [tilespmem:v36+s19+$0x0], $0xffff  }
0x1bb: {  	v34 =	vmul.f32 v34, v11;
	v37 =	vbroadcast v37, $0x0;
	[tilespmem:v33+s25+$0x0] =	vst.idx.add.f32.msk $0xffff, v35;
	v33 =	vor.u32 v8, v9  }
0x1bc: {  	v9 =	vmov v15;
	v35 =	vld.idx.msk [tilespmem:v31+s19+$0x0], $0xffff  }
0x1bd: {  	v15 =	vor.u32 v4, v9;
	[tilespmem:v28+s25+$0x0] =	vst.idx.add.f32.msk $0xffff, v34;
	v28 =	vmov v30  }
0x1be: {  	s11 =	sshll.u32 s7, $0x7;
	s7 =	smov.u32 s8;
	v30 =	vor.u32 s0, v5;
	v31 =	vmul.f32 v32, v10;
	v10 =	vmovc v16;
	v32 =	vld.idx.msk [tilespmem:v27+s19+$0x0], $0xffff;
	v27 =	vmov v23  }
0x1bf: {  	s28 =	sadd.s32 $0x80, s11;
	v16 =	vor.u32 s11, v0;
	v34 =	vld.idx.msk [tilespmem:v38+s13+$0x0], $0xffff  }
0x1c0: {  	v39 =	vor.u32 s28, v0;
	v40 =	vor.u32 s28, v2;
	v25 =	vmul.f32 v36, v25;
	[tilespmem:v33+s25+$0x0] =	vst.idx.add.f32.msk $0xffff, v31  }
0x1c1: {  	v41 =	vor.u32 s28, v5;
	v36 =	vor.u32 s28, v3;
	v31 =	vor.u32 s28, v4;
	v33 =	vld.idx.msk [tilespmem:v37+s13+$0x0], $0xffff  }
0x1c2: {  	v42 =	vor.u32 s28, v6;
	v23 =	vor.u32 s28, v7;
	v35 =	vmul.f32 v35, v19;
	[tilespmem:v15+s25+$0x0] =	vst.idx.add.f32.msk $0xffff, v25  }
0x1c3: {  	v43 =	vor.u32 s28, v8;
	v44 =	vld.idx.msk [tilespmem:v30+s19+$0x0], $0xffff  }
0x1c4: {  	v32 =	vmul.f32 v32, v11;
	v45 =	vld.idx.msk [tilespmem:v16+s19+$0x0], $0xffff  }
0x1c5: {  	v34 =	vshll.u32 v34, $0x7;
	v25 =	vld.idx.msk [tilespmem:v37+s23+$0x0], $0xffff  }
0x1c6: {  	v48 =	vor.u32 v5, v9;
	v46 =	vor.u32 v0, v34;
	v47 =	vor.u32 v2, v34;
	v19 =	vld.idx.msk [tilespmem:v38+s23+$0x0], $0xffff  }
0x1c7: {  	v49 =	vor.u32 s0, v6;
	v15 =	vshll.u32 v33, $0x7;
	v33 =	vor.u32 v3, v34;
	v39 =	vld.idx.msk [tilespmem:v39+s19+$0x0], $0xffff  }
0x1c8: {  	v51 =	vor.u32 v4, v34;
	v52 =	vor.u32 v5, v34;
	v50 =	vor.u32 v0, v15;
	v38 =	vld.idx.msk [tilespmem:v38+s24+$0x0], $0xffff  }
0x1c9: {  	v53 =	vor.u32 s11, v2;
	v30 =	vor.u32 v6, v34;
	v44 =	vmul.f32 v44, v10;
	[tilespmem:v29+s25+$0x0] =	vst.idx.add.f32.msk $0xffff, v35  }
0x1ca: {  	v54 =	vor.u32 v8, v34;
	v35 =	vor.u32 v7, v34;
	v29 =	vmov v51;
	v16 =	vld.idx.msk [tilespmem:v37+s24+$0x0], $0xffff  }
0x1cb: {  	v34 =	vmul.f32 v45, v25;
	[tilespmem:v48+s25+$0x0] =	vst.idx.add.f32.msk $0xffff, v44  }
0x1cc: {  	v37 =	vld.idx.msk [tilespmem:v49+s19+$0x0], $0xffff  }
0x1cd: {  	[tilespmem:v50+s25+$0x0] =	vst.idx.add.f32.msk $0xffff, v34;
	v34 =	vmul.f32 v39, v19  }
0x1ce: {  	v39 =	vld.idx.msk [tilespmem:v53+s19+$0x0], $0xffff  }
0x1cf: {  	[tilespmem:v46+s25+$0x0] =	vst.idx.add.f32.msk $0xffff, v34;
	v34 =	vor.u32 v6, v9  }
0x1d0: {  	v44 =	vor.u32 s0, v7;
	v40 =	vld.idx.msk [tilespmem:v40+s19+$0x0], $0xffff  }
0x1d1: {  	v45 =	vor.u32 v2, v15;
	v46 =	vld.idx.msk [tilespmem:v26+s19+$0x0], $0xffff;
	v26 =	vmov v41  }
0x1d2: {  	v41 =	vor.u32 s11, v3;
	v37 =	vmul.f32 v37, v10;
	[tilespmem:v21+s25+$0x0] =	vst.idx.add.f32.msk $0xffff, v32;
	v21 =	vmovc v18;
	v18 =	vmov v35  }
0x1d3: {  	v32 =	vld.idx.msk [tilespmem:v20+s19+$0x0], $0xffff;
	v20 =	vmov v17;
	v17 =	vmov v43  }
0x1d4: {  	v35 =	vmul.f32 v39, v25;
	[tilespmem:v34+s25+$0x0] =	vst.idx.add.f32.msk $0xffff, v37  }
0x1d5: {  	v34 =	vld.idx.msk [tilespmem:v44+s19+$0x0], $0xffff  }
0x1d6: {  	[tilespmem:v45+s25+$0x0] =	vst.idx.add.f32.msk $0xffff, v35;
	v35 =	vmul.f32 v40, v19  }
0x1d7: {  	v40 =	vmul.f32 v46, v12;
	v39 =	vld.idx.msk [tilespmem:v41+s19+$0x0], $0xffff  }
0x1d8: {  	v41 =	vor.u32 v7, v9;
	[tilespmem:v47+s25+$0x0] =	vst.idx.add.f32.msk $0xffff, v35  }
0x1d9: {  	v43 =	vor.u32 s0, v8;
	s0 =	smov.u32 s11;
	v32 =	vmul.f32 v32, v11;
	v11 =	vmovc v12;
	v12 =	vmov v38;
	v35 =	vld.idx.msk [tilespmem:v36+s19+$0x0], $0xffff  }
.Ltmp6:
0x1da: {  	v37 =	vor.u32 v3, v15;
	[tilespmem:v24+s25+$0x0] =	vst.idx.add.f32.msk $0xffff, v40;
	v24 =	vmov v52;
	(pc) =	sbr.rel @p0 .LBB2_14-.Ltmp6, $4  }
0x1db: {  	v36 =	vor.u32 s0, v4;
	v40 =	vmul.f32 v34, v10;
	v34 =	vld.idx.msk [tilespmem:v22+s19+$0x0], $0xffff;
	v22 =	vmov v42  }
0x1dc: {  	[tilespmem:v13+s25+$0x0] =	vst.idx.add.f32.msk $0xffff, v32;
	v13 =	vmov v14;
	v14 =	vmov v54  }
0x1dd: {  	v38 =	vmul.f32 v39, v25;
	[tilespmem:v41+s25+$0x0] =	vst.idx.add.f32.msk $0xffff, v40  }
0x1de: {  	s8 =	sadd.s32 $0x2, s8;
	s11 =	sadd.s32 s7, s31;
	v32 =	vld.idx.msk [tilespmem:v43+s19+$0x0], $0xffff  }
0x1df: {  	v39 =	vmov s11  }
0x1e0: {  	v39 =	vand.u32 $0xFFFFFFFE, v39  }
0x1e1: {  	v39 =	vbroadcast v39, $0x0;
	_ =	sdelay $0x1  }
0x1e2: {  	s8 =	sadd.s32 $0x1, s11  }
0x1e3: {  	s18 =	sshll.u32 s7, $0x7;
	v40 =	vmov s8  }
0x1e4: {  	v41 =	vor.u32 s18, v0;
	_ =	sdelay $0x1  }
0x1e5: {  	s7 =	sadd.s32 $0x80, s18;
	v42 =	vld.idx.msk [tilespmem:v39+s13+$0x0], $0xffff  }
0x1e6: {  	v43 =	vor.u32 s7, v0  }
0x1e7: {  	v44 =	vld.idx.msk [tilespmem:v40+s13+$0x0], $0xffff  }
0x1e8: {  	v41 =	vld.idx.msk [tilespmem:v41+s19+$0x0], $0xffff  }
0x1e9: {  	v45 =	vld.idx.msk [tilespmem:v39+s23+$0x0], $0xffff  }
0x1ea: {  	v46 =	vld.idx.msk [tilespmem:v40+s23+$0x0], $0xffff;
	v42 =	vshll.u32 v42, $0x7  }
0x1eb: {  	v43 =	vld.idx.msk [tilespmem:v43+s19+$0x0], $0xffff;
	v47 =	vor.u32 v0, v42  }
0x1ec: {  	v48 =	vor.u32 s18, v2;
	v44 =	vshll.u32 v44, $0x7  }
0x1ed: {  	v49 =	vor.u32 v0, v44  }
0x1ee: {  	v50 =	vor.u32 s7, v2;
	v40 =	vld.idx.msk [tilespmem:v40+s24+$0x0], $0xffff;
	v41 =	vmul.f32 v41, v45  }
0x1ef: {  	v39 =	vld.idx.msk [tilespmem:v39+s24+$0x0], $0xffff  }
0x1f0: {  	v56 =	vmul.f32 v43, v46;
	[tilespmem:v47+s25+$0x0] =	vst.idx.add.f32.msk $0xffff, v41  }
0x1f1: {  	v57 =	vld.idx.msk [tilespmem:v48+s19+$0x0], $0xffff  }
0x1f2: {  	[tilespmem:v49+s25+$0x0] =	vst.idx.add.f32.msk $0xffff, v56  }
0x1f3: {  	v58 =	vor.u32 v2, v42;
	v41 =	vld.idx.msk [tilespmem:v50+s19+$0x0], $0xffff  }
0x1f4: {  	[tilespmem:v37+s25+$0x0] =	vst.idx.add.f32.msk $0xffff, v38;
	v35 =	vmul.f32 v35, v19;
	v59 =	vor.u32 s18, v3  }
0x1f5: {  	v36 =	vld.idx.msk [tilespmem:v36+s19+$0x0], $0xffff;
	v60 =	vor.u32 v2, v44  }
0x1f6: {  	[tilespmem:v33+s25+$0x0] =	vst.idx.add.f32.msk $0xffff, v35;
	v61 =	vor.u32 s7, v3;
	v62 =	vmul.f32 v57, v45  }
0x1f7: {  	v31 =	vld.idx.msk [tilespmem:v31+s19+$0x0], $0xffff  }
0x1f8: {  	v63 =	vor.u32 v4, v15;
	v48 =	vmul.f32 v41, v46;
	[tilespmem:v58+s25+$0x0] =	vst.idx.add.f32.msk $0xffff, v62  }
0x1f9: {  	v37 =	vld.idx.msk [tilespmem:v59+s19+$0x0], $0xffff  }
0x1fa: {  	v34 =	vmul.f32 v34, v11;
	v49 =	vor.u32 s0, v5;
	[tilespmem:v60+s25+$0x0] =	vst.idx.add.f32.msk $0xffff, v48  }
0x1fb: {  	v25 =	vmul.f32 v36, v25;
	v50 =	vor.u32 v3, v42;
	v33 =	vld.idx.msk [tilespmem:v61+s19+$0x0], $0xffff  }
0x1fc: {  	[tilespmem:v28+s25+$0x0] =	vst.idx.add.f32.msk $0xffff, v34;
	v28 =	vor.u32 s18, v4  }
0x1fd: {  	[tilespmem:v63+s25+$0x0] =	vst.idx.add.f32.msk $0xffff, v25;
	v25 =	vor.u32 v3, v44  }
0x1fe: {  	v51 =	vor.u32 s7, v4;
	v27 =	vld.idx.msk [tilespmem:v27+s19+$0x0], $0xffff;
	v37 =	vmul.f32 v37, v45  }
0x1ff: {  	v52 =	vld.idx.msk [tilespmem:v49+s19+$0x0], $0xffff  }
0x200: {  	v33 =	vmul.f32 v33, v46;
	[tilespmem:v50+s25+$0x0] =	vst.idx.add.f32.msk $0xffff, v37  }
0x201: {  	v53 =	vor.u32 v5, v15;
	v28 =	vld.idx.msk [tilespmem:v28+s19+$0x0], $0xffff  }
0x202: {  	v19 =	vmul.f32 v31, v19;
	[tilespmem:v25+s25+$0x0] =	vst.idx.add.f32.msk $0xffff, v33  }
0x203: {  	v55 =	vor.u32 v4, v42;
	v31 =	vld.idx.msk [tilespmem:v51+s19+$0x0], $0xffff  }
0x204: {  	[tilespmem:v29+s25+$0x0] =	vst.idx.add.f32.msk $0xffff, v19;
	v19 =	vor.u32 s18, v5;
	v25 =	vmul.f32 v52, v16  }
0x205: {  	v27 =	vmul.f32 v27, v11;
	v26 =	vld.idx.msk [tilespmem:v26+s19+$0x0], $0xffff;
	v29 =	vor.u32 v4, v44  }
0x206: {  	[tilespmem:v53+s25+$0x0] =	vst.idx.add.f32.msk $0xffff, v25;
	v25 =	vor.u32 s7, v5;
	v28 =	vmul.f32 v28, v45  }
0x207: {  	[tilespmem:v21+s25+$0x0] =	vst.idx.add.f32.msk $0xffff, v27  }
0x208: {  	v54 =	vor.u32 s0, v6;
	[tilespmem:v55+s25+$0x0] =	vst.idx.add.f32.msk $0xffff, v28;
	v28 =	vmul.f32 v31, v46  }
0x209: {  	v19 =	vld.idx.msk [tilespmem:v19+s19+$0x0], $0xffff  }
0x20a: {  	[tilespmem:v29+s25+$0x0] =	vst.idx.add.f32.msk $0xffff, v28  }
0x20b: {  	v28 =	vor.u32 v5, v42;
	v25 =	vld.idx.msk [tilespmem:v25+s19+$0x0], $0xffff  }
0x20c: {  	v20 =	vld.idx.msk [tilespmem:v20+s19+$0x0], $0xffff;
	v21 =	vmul.f32 v26, v12;
	v26 =	vor.u32 s18, v6  }
0x20d: {  	v27 =	vor.u32 v5, v44;
	v56 =	vld.idx.msk [tilespmem:v54+s19+$0x0], $0xffff  }
0x20e: {  	[tilespmem:v24+s25+$0x0] =	vst.idx.add.f32.msk $0xffff, v21;
	v29 =	vor.u32 s7, v6;
	v19 =	vmul.f32 v19, v39  }
0x20f: {  	v21 =	vor.u32 v6, v15;
	v22 =	vld.idx.msk [tilespmem:v22+s19+$0x0], $0xffff  }
0x210: {  	v24 =	vor.u32 s0, v7;
	[tilespmem:v28+s25+$0x0] =	vst.idx.add.f32.msk $0xffff, v19;
	v19 =	vmul.f32 v25, v40  }
0x211: {  	v25 =	vld.idx.msk [tilespmem:v26+s19+$0x0], $0xffff  }
0x212: {  	v26 =	vmul.f32 v56, v16;
	[tilespmem:v27+s25+$0x0] =	vst.idx.add.f32.msk $0xffff, v19  }
0x213: {  	v19 =	vor.u32 v6, v42;
	v27 =	vld.idx.msk [tilespmem:v29+s19+$0x0], $0xffff  }
0x214: {  	[tilespmem:v21+s25+$0x0] =	vst.idx.add.f32.msk $0xffff, v26;
	v21 =	vmul.f32 v22, v12;
	v22 =	vor.u32 s18, v7  }
0x215: {  	v26 =	vor.u32 v6, v44;
	v24 =	vld.idx.msk [tilespmem:v24+s19+$0x0], $0xffff  }
0x216: {  	v28 =	vor.u32 s7, v7;
	[tilespmem:v30+s25+$0x0] =	vst.idx.add.f32.msk $0xffff, v21;
	v21 =	vmul.f32 v25, v39  }
0x217: {  	v25 =	vor.u32 v7, v15;
	v23 =	vld.idx.msk [tilespmem:v23+s19+$0x0], $0xffff  }
0x218: {  	v29 =	vor.u32 s0, v8;
	[tilespmem:v19+s25+$0x0] =	vst.idx.add.f32.msk $0xffff, v21;
	v19 =	vmul.f32 v27, v40  }
0x219: {  	v21 =	vld.idx.msk [tilespmem:v22+s19+$0x0], $0xffff  }
0x21a: {  	v22 =	vmul.f32 v24, v16;
	[tilespmem:v26+s25+$0x0] =	vst.idx.add.f32.msk $0xffff, v19  }
0x21b: {  	v19 =	vor.u32 v7, v42;
	v24 =	vld.idx.msk [tilespmem:v28+s19+$0x0], $0xffff  }
0x21c: {  	[tilespmem:v25+s25+$0x0] =	vst.idx.add.f32.msk $0xffff, v22;
	v22 =	vmul.f32 v23, v12;
	v23 =	vor.u32 s18, v8  }
0x21d: {  	v25 =	vor.u32 v7, v44;
	v26 =	vld.idx.msk [tilespmem:v29+s19+$0x0], $0xffff  }
0x21e: {  	v27 =	vor.u32 s7, v8;
	[tilespmem:v18+s25+$0x0] =	vst.idx.add.f32.msk $0xffff, v22;
	v18 =	vmul.f32 v21, v39  }
0x21f: {  	v9 =	vor.u32 v8, v9;
	v17 =	vld.idx.msk [tilespmem:v17+s19+$0x0], $0xffff  }
0x220: {  	[tilespmem:v19+s25+$0x0] =	vst.idx.add.f32.msk $0xffff, v18;
	v18 =	vmul.f32 v24, v40  }
0x221: {  	v15 =	vor.u32 v8, v15;
	v19 =	vld.idx.msk [tilespmem:v23+s19+$0x0], $0xffff  }
0x222: {  	v10 =	vmul.f32 v32, v10;
	[tilespmem:v25+s25+$0x0] =	vst.idx.add.f32.msk $0xffff, v18  }
0x223: {  	v11 =	vmul.f32 v20, v11;
	v20 =	vor.u32 v8, v42;
	v18 =	vld.idx.msk [tilespmem:v27+s19+$0x0], $0xffff  }
0x224: {  	[tilespmem:v9+s25+$0x0] =	vst.idx.add.f32.msk $0xffff, v10;
	v10 =	vmul.f32 v26, v16  }
0x225: {  	v9 =	vor.u32 v8, v44;
	[tilespmem:v13+s25+$0x0] =	vst.idx.add.f32.msk $0xffff, v11;
	s7 =	sadd.s32 $0x0, s31;
	v11 =	vmul.f32 v17, v12  }
0x226: {  	s18 =	sadd.s32 $0x40, s7;
	[tilespmem:v15+s25+$0x0] =	vst.idx.add.f32.msk $0xffff, v10;
	v10 =	vmul.f32 v19, v39  }
0x227: {  	s11 =	sshll.u32 s1, $0x1;
	v12 =	vmov s18;
	[tilespmem:v14+s25+$0x0] =	vst.idx.add.f32.msk $0xffff, v11  }
0x228: {  	s0 =	smin.u32 s11, $0xA6;
	v11 =	vmul.f32 v18, v40;
	[tilespmem:v20+s25+$0x0] =	vst.idx.add.f32.msk $0xffff, v10;
	v10 =	vand.u32 $0xFFFFFFFE, v12  }
0x229: {  	s0 =	sshll.u32 s0, $0x6;
	v10 =	vbroadcast v10, $0x0  }
0x22a: {  	s11 =	sadd.s32 $0x5580, s0;
	s7 =	sadd.s32 $0x41, s7;
	[tilespmem:v9+s25+$0x0] =	vst.idx.add.f32.msk $0xffff, v11  }
0x22b: {  	[tilespmem:s19], [sflag:$0x1] =	stream.indirect.gather [hbm4b:s5+s17], $0x80, s11, s17, $0xb8;
	[tilespmem:$0x1E000] =	vst v63  }
0x22c: {  	s8 =	simm.s32 $0x0;
	v11 =	vmov s7;
	_ =	swait.ge [sflag:s26], $0x2000  }
0x22d: {  	v9 =	vor.u32 s8, v0;
	[sflag:s26] =	ssyncset.done $0x0  }
0x22e: {  	[sflag:s26] =	ssyncadd.s32 $0xFFFFE000  }
0x22f: {  	s11 =	simm.s32 $0x80;
	v12 =	vld.idx.msk [tilespmem:v10+s13+$0x0], $0xffff  }
0x230: {  	v14 =	vor.u32 s11, v0  }
0x231: {  	v13 =	vld.idx.msk [tilespmem:v11+s13+$0x0], $0xffff  }
0x232: {  	v15 =	vld.idx.msk [tilespmem:v9+s21+$0x0], $0xffff  }
0x233: {  	v16 =	vld.idx.msk [tilespmem:v10+s23+$0x0], $0xffff  }
0x234: {  	v9 =	vshll.u32 v12, $0x7  }
0x235: {  	v14 =	vld.idx.msk [tilespmem:v14+s21+$0x0], $0xffff;
	v17 =	vor.u32 v0, v9  }
0x236: {  	v18 =	vor.u32 s8, v2;
	v12 =	vld.idx.msk [tilespmem:v11+s23+$0x0], $0xffff  }
0x237: {  	v13 =	vshll.u32 v13, $0x7  }
0x238: {  	v15 =	vmul.f32 v15, v16;
	v19 =	vor.u32 v0, v13  }
0x239: {  	v20 =	vor.u32 s11, v2;
	v10 =	vld.idx.msk [tilespmem:v10+s24+$0x0], $0xffff  }
0x23a: {  	[tilespmem:v17+s25+$0x0] =	vst.idx.add.f32.msk $0xffff, v15  }
0x23b: {  	v14 =	vmul.f32 v14, v12;
	v15 =	vld.idx.msk [tilespmem:v18+s21+$0x0], $0xffff  }
0x23c: {  	v11 =	vld.idx.msk [tilespmem:v11+s24+$0x0], $0xffff  }
0x23d: {  	[tilespmem:v19+s25+$0x0] =	vst.idx.add.f32.msk $0xffff, v14;
	v14 =	vor.u32 v2, v9  }
0x23e: {  	v18 =	vor.u32 s8, v3;
	v17 =	vld.idx.msk [tilespmem:v20+s21+$0x0], $0xffff;
	_ =	sdelay $0x1  }
0x23f: {  	v19 =	vor.u32 v2, v13;
	v15 =	vmul.f32 v15, v16  }
0x240: {  	v20 =	vor.u32 s11, v3  }
0x241: {  	[tilespmem:v14+s25+$0x0] =	vst.idx.add.f32.msk $0xffff, v15  }
0x242: {  	v14 =	vmul.f32 v17, v12;
	v15 =	vld.idx.msk [tilespmem:v18+s21+$0x0], $0xffff  }
0x243: {  	s18 =	sadd.s32 $0x2, s31  }
0x244: {  	s7 =	sadd.s32 $0x41, s18;
	[tilespmem:v19+s25+$0x0] =	vst.idx.add.f32.msk $0xffff, v14;
	v14 =	vor.u32 v3, v9  }
0x245: {  	v22 =	vmov s7;
	s7 =	simm.s32 $0x100;
	v18 =	vor.u32 s8, v4;
	v17 =	vld.idx.msk [tilespmem:v20+s21+$0x0], $0xffff  }
0x246: {  	v23 =	vor.u32 s7, v0  }
0x247: {  	s28 =	sadd.s32 $0x40, s18;
	v19 =	vor.u32 v3, v13;
	v15 =	vmul.f32 v15, v16  }
0x248: {  	v21 =	vmov s28;
	v20 =	vor.u32 s11, v4  }
0x249: {  	[tilespmem:v14+s25+$0x0] =	vst.idx.add.f32.msk $0xffff, v15;
	v14 =	vand.u32 $0xFFFFFFFE, v21  }
0x24a: {  	v15 =	vmul.f32 v17, v12;
	v17 =	vld.idx.msk [tilespmem:v18+s21+$0x0], $0xffff;
	v14 =	vbroadcast v14, $0x0  }
0x24b: {  	v26 =	vld.idx.msk [tilespmem:v23+s21+$0x0], $0xffff  }
0x24c: {  	[tilespmem:v19+s25+$0x0] =	vst.idx.add.f32.msk $0xffff, v15;
	v15 =	vor.u32 v4, v9  }
0x24d: {  	v18 =	vld.idx.msk [tilespmem:v20+s21+$0x0], $0xffff;
	v20 =	vor.u32 s8, v5  }
0x24e: {  	v21 =	vld.idx.msk [tilespmem:v22+s13+$0x0], $0xffff  }
0x24f: {  	s28 =	simm.s32 $0x180;
	v19 =	vld.idx.msk [tilespmem:v22+s23+$0x0], $0xffff;
	v16 =	vmul.f32 v17, v16  }
0x250: {  	v17 =	vor.u32 s28, v0;
	v24 =	vld.idx.msk [tilespmem:v14+s13+$0x0], $0xffff  }
0x251: {  	[tilespmem:v15+s25+$0x0] =	vst.idx.add.f32.msk $0xffff, v16;
	v16 =	vor.u32 v4, v13  }
0x252: {  	v20 =	vld.idx.msk [tilespmem:v20+s21+$0x0], $0xffff  }
0x253: {  	v25 =	vor.u32 s11, v5;
	v23 =	vld.idx.msk [tilespmem:v14+s23+$0x0], $0xffff  }
0x254: {  	v27 =	vor.u32 v5, v9;
	v18 =	vmul.f32 v18, v12;
	v12 =	vld.idx.msk [tilespmem:v22+s24+$0x0], $0xffff  }
0x255: {  	v22 =	vor.u32 s8, v6;
	v17 =	vld.idx.msk [tilespmem:v17+s21+$0x0], $0xffff;
	v15 =	vshll.u32 v24, $0x7  }
0x256: {  	v24 =	vor.u32 v0, v15;
	[tilespmem:v16+s25+$0x0] =	vst.idx.add.f32.msk $0xffff, v18  }
0x257: {  	v31 =	vshll.u32 v21, $0x7;
	v18 =	vor.u32 s7, v2;
	v16 =	vld.idx.msk [tilespmem:v14+s24+$0x0], $0xffff;
	v20 =	vmul.f32 v20, v10  }
0x258: {  	v21 =	vld.idx.msk [tilespmem:v25+s21+$0x0], $0xffff;
	v25 =	vor.u32 v0, v31  }
0x259: {  	v26 =	vmul.f32 v26, v23;
	v14 =	vor.u32 s28, v2;
	[tilespmem:v27+s25+$0x0] =	vst.idx.add.f32.msk $0xffff, v20  }
0x25a: {  	v20 =	vor.u32 v5, v13;
	v22 =	vld.idx.msk [tilespmem:v22+s21+$0x0], $0xffff  }
0x25b: {  	v27 =	vor.u32 s11, v6;
	v17 =	vmul.f32 v17, v19;
	[tilespmem:v24+s25+$0x0] =	vst.idx.add.f32.msk $0xffff, v26  }
0x25c: {  	v24 =	vor.u32 v6, v9;
	v18 =	vld.idx.msk [tilespmem:v18+s21+$0x0], $0xffff  }
0x25d: {  	[tilespmem:v25+s25+$0x0] =	vst.idx.add.f32.msk $0xffff, v17;
	v17 =	vmul.f32 v21, v11;
	v21 =	vor.u32 s8, v7  }
0x25e: {  	v26 =	vor.u32 v2, v15;
	v14 =	vld.idx.msk [tilespmem:v14+s21+$0x0], $0xffff  }
0x25f: {  	[tilespmem:v20+s25+$0x0] =	vst.idx.add.f32.msk $0xffff, v17;
	v17 =	vor.u32 s7, v3;
	v20 =	vmul.f32 v22, v10  }
0x260: {  	v28 =	vor.u32 v2, v31;
	v27 =	vld.idx.msk [tilespmem:v27+s21+$0x0], $0xffff  }
0x261: {  	v57 =	vor.u32 s28, v3;
	v18 =	vmul.f32 v18, v23;
	[tilespmem:v24+s25+$0x0] =	vst.idx.add.f32.msk $0xffff, v20  }
0x262: {  	v33 =	vor.u32 s8, v8;
	v29 =	vor.u32 s28, v4;
	v59 =	vor.u32 v6, v13;
	v60 =	vld.idx.msk [tilespmem:v21+s21+$0x0], $0xffff  }
0x263: {  	v58 =	vor.u32 s11, v7;
	v62 =	vor.u32 v7, v9;
	v14 =	vmul.f32 v14, v19;
	[tilespmem:v26+s25+$0x0] =	vst.idx.add.f32.msk $0xffff, v18  }
0x264: {  	v30 =	vor.u32 v3, v31;
	v35 =	vor.u32 v3, v15;
	v25 =	vor.u32 v7, v13;
	v61 =	vld.idx.msk [tilespmem:v17+s21+$0x0], $0xffff  }
0x265: {  	v34 =	vor.u32 s7, v4;
	v13 =	vor.u32 v8, v13;
	[tilespmem:v28+s25+$0x0] =	vst.idx.add.f32.msk $0xffff, v14;
	v14 =	vmul.f32 v27, v11  }
0x266: {  	v22 =	vor.u32 s28, v6;
	v20 =	vor.u32 s11, v8;
	v24 =	vor.u32 v5, v31;
	v32 =	vld.idx.msk [tilespmem:v57+s21+$0x0], $0xffff  }
0x267: {  	v21 =	vor.u32 v6, v31;
	v26 =	vor.u32 s28, v5;
	[tilespmem:v59+s25+$0x0] =	vst.idx.add.f32.msk $0xffff, v14;
	v63 =	vmul.f32 v60, v10  }
0x268: {  	v27 =	vor.u32 v4, v31;
	v28 =	vor.u32 v7, v31;
	v14 =	vor.u32 v8, v31;
	v31 =	vld.idx.msk [tilespmem:v58+s21+$0x0], $0xffff  }
0x269: {  	s8 =	simm.s32 $0x4;
	s11 =	simm.s32 $0x6;
	v18 =	vor.u32 s28, v7;
	v17 =	vor.u32 s28, v8;
	s28 =	sadd.s32 $0x4, s31;
	v36 =	vmul.f32 v61, v23;
	[tilespmem:v62+s25+$0x0] =	vst.idx.add.f32.msk $0xffff, v63  }
.LBB2_16:
0x26a: {  	p0 =	slt.u32 s11, $0x3E;
	s18 =	sadd.s32 $0x40, s28;
	s28 =	sadd.s32 $0x41, s28;
	v33 =	vld.idx.msk [tilespmem:v33+s21+$0x0], $0xffff  }
0x26b: {  	v32 =	vmul.f32 v32, v19;
	v37 =	vmov s18;
	v38 =	vmov s28;
	[tilespmem:v35+s25+$0x0] =	vst.idx.add.f32.msk $0xffff, v36  }
0x26c: {  	v35 =	vand.u32 $0xFFFFFFFE, v37;
	v34 =	vld.idx.msk [tilespmem:v34+s21+$0x0], $0xffff  }
0x26d: {  	v31 =	vmul.f32 v31, v11;
	v35 =	vbroadcast v35, $0x0;
	[tilespmem:v30+s25+$0x0] =	vst.idx.add.f32.msk $0xffff, v32;
	v30 =	vor.u32 v8, v9  }
0x26e: {  	v9 =	vmov v15;
	v32 =	vld.idx.msk [tilespmem:v29+s21+$0x0], $0xffff  }
0x26f: {  	v15 =	vor.u32 v4, v9;
	[tilespmem:v25+s25+$0x0] =	vst.idx.add.f32.msk $0xffff, v31;
	v25 =	vmov v28  }
0x270: {  	s28 =	sshll.u32 s8, $0x7;
	s8 =	smov.u32 s11;
	v31 =	vor.u32 s7, v5;
	v29 =	vmul.f32 v33, v10;
	v10 =	vmov v16;
	v28 =	vld.idx.msk [tilespmem:v38+s13+$0x0], $0xffff  }
0x271: {  	s18 =	sadd.s32 $0x80, s28;
	v16 =	vor.u32 s28, v0;
	v33 =	vld.idx.msk [tilespmem:v38+s23+$0x0], $0xffff  }
0x272: {  	v36 =	vor.u32 s18, v0;
	v37 =	vor.u32 s18, v2;
	v23 =	vmul.f32 v34, v23;
	[tilespmem:v30+s25+$0x0] =	vst.idx.add.f32.msk $0xffff, v29  }
0x273: {  	v39 =	vor.u32 s18, v3;
	v40 =	vor.u32 s18, v5;
	v29 =	vor.u32 s18, v4;
	v34 =	vld.idx.msk [tilespmem:v35+s13+$0x0], $0xffff  }
0x274: {  	v41 =	vor.u32 s18, v6;
	v42 =	vor.u32 s18, v7;
	v32 =	vmul.f32 v32, v19;
	[tilespmem:v15+s25+$0x0] =	vst.idx.add.f32.msk $0xffff, v23  }
0x275: {  	v43 =	vor.u32 s18, v8;
	v31 =	vld.idx.msk [tilespmem:v31+s21+$0x0], $0xffff  }
0x276: {  	v44 =	vld.idx.msk [tilespmem:v16+s21+$0x0], $0xffff;
	v16 =	vshll.u32 v28, $0x7  }
0x277: {  	v23 =	vld.idx.msk [tilespmem:v35+s23+$0x0], $0xffff;
	v45 =	vor.u32 v0, v16;
	v46 =	vor.u32 v2, v16;
	v30 =	vor.u32 v3, v16  }
0x278: {  	v49 =	vor.u32 v5, v9;
	v47 =	vor.u32 v4, v16;
	v48 =	vor.u32 v5, v16;
	v36 =	vld.idx.msk [tilespmem:v36+s21+$0x0], $0xffff  }
0x279: {  	v50 =	vor.u32 s7, v6;
	v19 =	vmovc v33;
	v15 =	vshll.u32 v34, $0x7;
	v34 =	vld.idx.msk [tilespmem:v38+s24+$0x0], $0xffff;
	v38 =	vor.u32 v6, v16  }
0x27a: {  	v28 =	vor.u32 v7, v16;
	v33 =	vor.u32 v0, v15;
	[tilespmem:v27+s25+$0x0] =	vst.idx.add.f32.msk $0xffff, v32;
	v27 =	vmov v47  }
0x27b: {  	v32 =	vor.u32 s28, v2;
	v47 =	vor.u32 v8, v16;
	v31 =	vmul.f32 v31, v10;
	v51 =	vld.idx.msk [tilespmem:v26+s21+$0x0], $0xffff;
	v26 =	vmovc v40  }
0x27c: {  	v16 =	vld.idx.msk [tilespmem:v35+s24+$0x0], $0xffff  }
0x27d: {  	v35 =	vmul.f32 v44, v23;
	[tilespmem:v49+s25+$0x0] =	vst.idx.add.f32.msk $0xffff, v31  }
0x27e: {  	v31 =	vmul.f32 v36, v19;
	v36 =	vld.idx.msk [tilespmem:v50+s21+$0x0], $0xffff  }
0x27f: {  	[tilespmem:v33+s25+$0x0] =	vst.idx.add.f32.msk $0xffff, v35  }
0x280: {  	v32 =	vld.idx.msk [tilespmem:v32+s21+$0x0], $0xffff  }
0x281: {  	v33 =	vmul.f32 v51, v12;
	[tilespmem:v45+s25+$0x0] =	vst.idx.add.f32.msk $0xffff, v31;
	v31 =	vor.u32 v6, v9  }
0x282: {  	v35 =	vld.idx.msk [tilespmem:v37+s21+$0x0], $0xffff;
	v37 =	vor.u32 s7, v7  }
0x283: {  	v40 =	vor.u32 v2, v15;
	[tilespmem:v24+s25+$0x0] =	vst.idx.add.f32.msk $0xffff, v33;
	v24 =	vmov v48  }
0x284: {  	v33 =	vor.u32 s28, v3;
	v36 =	vmul.f32 v36, v10;
	v44 =	vld.idx.msk [tilespmem:v22+s21+$0x0], $0xffff;
	v22 =	vmov v41  }
0x285: {  	v41 =	vld.idx.msk [tilespmem:v20+s21+$0x0], $0xffff;
	v20 =	vmov v17;
	v17 =	vmov v43  }
0x286: {  	v32 =	vmul.f32 v32, v23;
	[tilespmem:v31+s25+$0x0] =	vst.idx.add.f32.msk $0xffff, v36  }
0x287: {  	v31 =	vld.idx.msk [tilespmem:v37+s21+$0x0], $0xffff  }
0x288: {  	[tilespmem:v40+s25+$0x0] =	vst.idx.add.f32.msk $0xffff, v32;
	v32 =	vmul.f32 v35, v19  }
0x289: {  	v36 =	vld.idx.msk [tilespmem:v33+s21+$0x0], $0xffff  }
0x28a: {  	v37 =	vor.u32 v7, v9;
	v40 =	vmul.f32 v44, v12;
	[tilespmem:v46+s25+$0x0] =	vst.idx.add.f32.msk $0xffff, v32  }
.Ltmp7:
0x28b: {  	v33 =	vor.u32 s7, v8;
	s7 =	smov.u32 s28;
	v32 =	vld.idx.msk [tilespmem:v39+s21+$0x0], $0xffff;
	v39 =	vmul.f32 v41, v11;
	v11 =	vmovc v12;
	v12 =	vmov v34;
	(pc) =	sbr.rel @p0 .LBB2_16-.Ltmp7, $4  }
0x28c: {  	v35 =	vor.u32 v3, v15;
	[tilespmem:v21+s25+$0x0] =	vst.idx.add.f32.msk $0xffff, v40;
	v21 =	vmov v38  }
0x28d: {  	v34 =	vor.u32 s7, v4;
	v38 =	vmul.f32 v31, v10;
	v31 =	vld.idx.msk [tilespmem:v18+s21+$0x0], $0xffff;
	v18 =	vmov v42  }
0x28e: {  	[tilespmem:v13+s25+$0x0] =	vst.idx.add.f32.msk $0xffff, v39;
	v13 =	vmov v14;
	v14 =	vmov v47  }
0x28f: {  	s11 =	sadd.s32 $0x2, s11;
	s28 =	sadd.s32 s8, s31;
	v36 =	vmul.f32 v36, v23;
	[tilespmem:v37+s25+$0x0] =	vst.idx.add.f32.msk $0xffff, v38  }
0x290: {  	s11 =	sadd.s32 $0x40, s28  }
0x291: {  	s18 =	sadd.s32 $0x41, s28;
	v37 =	vmov s11  }
0x292: {  	v38 =	vmov s18;
	v37 =	vand.u32 $0xFFFFFFFE, v37  }
0x293: {  	v37 =	vbroadcast v37, $0x0  }
0x294: {  	s28 =	sshll.u32 s8, $0x7  }
0x295: {  	s8 =	sadd.s32 $0x80, s28  }
0x296: {  	v41 =	vor.u32 s8, v0  }
0x297: {  	v39 =	vor.u32 s28, v0;
	v42 =	vld.idx.msk [tilespmem:v38+s13+$0x0], $0xffff;
	_ =	sdelay $0x1  }
0x298: {  	v40 =	vld.idx.msk [tilespmem:v37+s13+$0x0], $0xffff  }
0x299: {  	v44 =	vld.idx.msk [tilespmem:v38+s23+$0x0], $0xffff  }
0x29a: {  	v41 =	vld.idx.msk [tilespmem:v41+s21+$0x0], $0xffff  }
0x29b: {  	v39 =	vld.idx.msk [tilespmem:v39+s21+$0x0], $0xffff;
	v42 =	vshll.u32 v42, $0x7  }
0x29c: {  	v43 =	vld.idx.msk [tilespmem:v37+s23+$0x0], $0xffff;
	v47 =	vor.u32 v0, v42  }
0x29d: {  	v48 =	vor.u32 s8, v2;
	v40 =	vshll.u32 v40, $0x7  }
0x29e: {  	v45 =	vor.u32 v0, v40  }
0x29f: {  	v46 =	vor.u32 s28, v2;
	v38 =	vld.idx.msk [tilespmem:v38+s24+$0x0], $0xffff;
	v41 =	vmul.f32 v41, v44  }
0x2a0: {  	v37 =	vld.idx.msk [tilespmem:v37+s24+$0x0], $0xffff  }
0x2a1: {  	v39 =	vmul.f32 v39, v43;
	[tilespmem:v47+s25+$0x0] =	vst.idx.add.f32.msk $0xffff, v41  }
0x2a2: {  	v41 =	vld.idx.msk [tilespmem:v48+s21+$0x0], $0xffff  }
0x2a3: {  	[tilespmem:v45+s25+$0x0] =	vst.idx.add.f32.msk $0xffff, v39  }
0x2a4: {  	v56 =	vor.u32 v2, v42;
	v39 =	vld.idx.msk [tilespmem:v46+s21+$0x0], $0xffff  }
0x2a5: {  	v57 =	vor.u32 s8, v3  }
0x2a6: {  	v33 =	vld.idx.msk [tilespmem:v33+s21+$0x0], $0xffff;
	v54 =	vor.u32 v2, v40  }
0x2a7: {  	v55 =	vor.u32 s28, v3;
	[tilespmem:v35+s25+$0x0] =	vst.idx.add.f32.msk $0xffff, v36;
	v59 =	vmul.f32 v41, v44  }
0x2a8: {  	v34 =	vld.idx.msk [tilespmem:v34+s21+$0x0], $0xffff  }
0x2a9: {  	[tilespmem:v56+s25+$0x0] =	vst.idx.add.f32.msk $0xffff, v59;
	v58 =	vmul.f32 v39, v43  }
0x2aa: {  	v35 =	vld.idx.msk [tilespmem:v57+s21+$0x0], $0xffff  }
0x2ab: {  	v60 =	vor.u32 v4, v15;
	v32 =	vmul.f32 v32, v19;
	[tilespmem:v54+s25+$0x0] =	vst.idx.add.f32.msk $0xffff, v58  }
0x2ac: {  	v47 =	vor.u32 v3, v42;
	v61 =	vld.idx.msk [tilespmem:v55+s21+$0x0], $0xffff  }
0x2ad: {  	[tilespmem:v30+s25+$0x0] =	vst.idx.add.f32.msk $0xffff, v32;
	v31 =	vmul.f32 v31, v11;
	v48 =	vor.u32 s8, v4  }
0x2ae: {  	v29 =	vld.idx.msk [tilespmem:v29+s21+$0x0], $0xffff;
	v23 =	vmul.f32 v34, v23;
	v63 =	vor.u32 v3, v40  }
0x2af: {  	[tilespmem:v25+s25+$0x0] =	vst.idx.add.f32.msk $0xffff, v31;
	v46 =	vor.u32 s28, v4;
	v50 =	vmul.f32 v35, v44  }
0x2b0: {  	[tilespmem:v60+s25+$0x0] =	vst.idx.add.f32.msk $0xffff, v23  }
0x2b1: {  	[tilespmem:v47+s25+$0x0] =	vst.idx.add.f32.msk $0xffff, v50;
	v49 =	vmul.f32 v61, v43  }
0x2b2: {  	v23 =	vld.idx.msk [tilespmem:v48+s21+$0x0], $0xffff  }
0x2b3: {  	v62 =	vor.u32 s7, v5;
	v52 =	vmul.f32 v29, v19;
	[tilespmem:v63+s25+$0x0] =	vst.idx.add.f32.msk $0xffff, v49  }
0x2b4: {  	v55 =	vor.u32 v4, v42;
	v30 =	vld.idx.msk [tilespmem:v46+s21+$0x0], $0xffff  }
0x2b5: {  	[tilespmem:v27+s25+$0x0] =	vst.idx.add.f32.msk $0xffff, v52;
	v57 =	vor.u32 s8, v5  }
0x2b6: {  	v26 =	vld.idx.msk [tilespmem:v26+s21+$0x0], $0xffff;
	v53 =	vor.u32 v4, v40  }
0x2b7: {  	v20 =	vld.idx.msk [tilespmem:v20+s21+$0x0], $0xffff;
	v54 =	vor.u32 s28, v5;
	v59 =	vmul.f32 v23, v44  }
0x2b8: {  	v39 =	vld.idx.msk [tilespmem:v62+s21+$0x0], $0xffff  }
0x2b9: {  	[tilespmem:v55+s25+$0x0] =	vst.idx.add.f32.msk $0xffff, v59;
	v30 =	vmul.f32 v30, v43  }
0x2ba: {  	v51 =	vor.u32 v5, v15;
	v63 =	vld.idx.msk [tilespmem:v57+s21+$0x0], $0xffff  }
0x2bb: {  	v58 =	vor.u32 s7, v6;
	v61 =	vmul.f32 v26, v12;
	[tilespmem:v53+s25+$0x0] =	vst.idx.add.f32.msk $0xffff, v30  }
0x2bc: {  	v36 =	vor.u32 v5, v42;
	v60 =	vld.idx.msk [tilespmem:v54+s21+$0x0], $0xffff  }
0x2bd: {  	v56 =	vmul.f32 v39, v16;
	v39 =	vor.u32 s8, v6;
	[tilespmem:v24+s25+$0x0] =	vst.idx.add.f32.msk $0xffff, v61  }
0x2be: {  	v62 =	vor.u32 v5, v40;
	v22 =	vld.idx.msk [tilespmem:v22+s21+$0x0], $0xffff  }
0x2bf: {  	v35 =	vor.u32 s28, v6;
	[tilespmem:v51+s25+$0x0] =	vst.idx.add.f32.msk $0xffff, v56;
	v44 =	vmul.f32 v63, v38  }
0x2c0: {  	v34 =	vld.idx.msk [tilespmem:v58+s21+$0x0], $0xffff  }
0x2c1: {  	[tilespmem:v36+s25+$0x0] =	vst.idx.add.f32.msk $0xffff, v44;
	v23 =	vmul.f32 v60, v37  }
0x2c2: {  	v41 =	vor.u32 v6, v15;
	v19 =	vld.idx.msk [tilespmem:v39+s21+$0x0], $0xffff  }
0x2c3: {  	v43 =	vor.u32 s7, v7;
	v22 =	vmul.f32 v22, v12;
	[tilespmem:v62+s25+$0x0] =	vst.idx.add.f32.msk $0xffff, v23  }
0x2c4: {  	v48 =	vor.u32 v6, v42;
	v25 =	vld.idx.msk [tilespmem:v35+s21+$0x0], $0xffff  }
0x2c5: {  	v50 =	vor.u32 s8, v7;
	v45 =	vmul.f32 v34, v16;
	[tilespmem:v21+s25+$0x0] =	vst.idx.add.f32.msk $0xffff, v22  }
0x2c6: {  	v46 =	vor.u32 v6, v40;
	v18 =	vld.idx.msk [tilespmem:v18+s21+$0x0], $0xffff  }
0x2c7: {  	v47 =	vor.u32 s28, v7;
	[tilespmem:v41+s25+$0x0] =	vst.idx.add.f32.msk $0xffff, v45;
	v19 =	vmul.f32 v19, v38  }
0x2c8: {  	v49 =	vld.idx.msk [tilespmem:v43+s21+$0x0], $0xffff  }
0x2c9: {  	[tilespmem:v48+s25+$0x0] =	vst.idx.add.f32.msk $0xffff, v19;
	v51 =	vmul.f32 v25, v37  }
0x2ca: {  	v52 =	vor.u32 v7, v15;
	v56 =	vld.idx.msk [tilespmem:v50+s21+$0x0], $0xffff  }
0x2cb: {  	v53 =	vor.u32 s7, v8;
	v18 =	vmul.f32 v18, v12;
	[tilespmem:v46+s25+$0x0] =	vst.idx.add.f32.msk $0xffff, v51  }
0x2cc: {  	v58 =	vor.u32 v7, v42;
	v21 =	vld.idx.msk [tilespmem:v47+s21+$0x0], $0xffff  }
0x2cd: {  	v59 =	vor.u32 s8, v8;
	v54 =	vmul.f32 v49, v16;
	[tilespmem:v28+s25+$0x0] =	vst.idx.add.f32.msk $0xffff, v18  }
0x2ce: {  	v55 =	vor.u32 v7, v40;
	v17 =	vld.idx.msk [tilespmem:v17+s21+$0x0], $0xffff  }
0x2cf: {  	v57 =	vor.u32 s28, v8;
	[tilespmem:v52+s25+$0x0] =	vst.idx.add.f32.msk $0xffff, v54;
	v61 =	vmul.f32 v56, v38  }
0x2d0: {  	v9 =	vor.u32 v8, v9;
	v25 =	vld.idx.msk [tilespmem:v53+s21+$0x0], $0xffff  }
0x2d1: {  	[tilespmem:v58+s25+$0x0] =	vst.idx.add.f32.msk $0xffff, v61;
	v60 =	vmul.f32 v21, v37  }
0x2d2: {  	v18 =	vld.idx.msk [tilespmem:v59+s21+$0x0], $0xffff  }
0x2d3: {  	v10 =	vmul.f32 v33, v10;
	[tilespmem:v55+s25+$0x0] =	vst.idx.add.f32.msk $0xffff, v60  }
0x2d4: {  	v11 =	vmul.f32 v20, v11;
	v62 =	vor.u32 v8, v15;
	v19 =	vld.idx.msk [tilespmem:v57+s21+$0x0], $0xffff  }
0x2d5: {  	[tilespmem:v9+s25+$0x0] =	vst.idx.add.f32.msk $0xffff, v10;
	v9 =	vor.u32 v8, v42  }
0x2d6: {  	s1 =	sadd.s32 $0x1, s1;
	[tilespmem:v13+s25+$0x0] =	vst.idx.add.f32.msk $0xffff, v11;
	v63 =	vor.u32 v8, v40;
	v11 =	vmul.f32 v17, v12  }
0x2d7: {  	p0 =	sne.s32 s1, $0x55;
	v10 =	vmul.f32 v25, v16  }
.Ltmp8:
0x2d8: {  	[tilespmem:v14+s25+$0x0] =	vst.idx.add.f32.msk $0xffff, v11;
	v11 =	vmul.f32 v18, v38;
	(pc) =	sbr.rel @p0 .LBB2_13-.Ltmp8, $4  }
0x2d9: {  	[tilespmem:v62+s25+$0x0] =	vst.idx.add.f32.msk $0xffff, v10;
	v10 =	vmul.f32 v19, v37  }
0x2da: {  	[tilespmem:v9+s25+$0x0] =	vst.idx.add.f32.msk $0xffff, v11  }
0x2db: {  	s0 =	sadd.s32 $0x55C0, s0;
	s31 =	sadd.s32 $0x80, s31;
	[tilespmem:v63+s25+$0x0] =	vst.idx.add.f32.msk $0xffff, v10  }
0x2dc: {  	[tilespmem:s21], [sflag:$0x2] =	stream.indirect.gather [hbm4b:s5+s17], $0x80, s0, s17, $0xb8;
	[tilespmem:$0x1E000] =	vst v63  }
0x2dd: {  	_ =	swait.ge [sflag:s22], $0x2000  }
0x2de: {  	[sflag:s22] =	ssyncset.done $0x0  }
0x2df: {  	[sflag:s22] =	ssyncadd.s32 $0xFFFFE000  }
0x2e0: {  	s0 =	sadd.s32 s4, s30;
	s29 =	sadd.s32 $0x1, s29;
	_ =	swait.ge [sflag:s26], $0x2000  }
0x2e1: {  	s0 =	sshll.u32 s0, $0x4;
	p0 =	sne.s32 s29, $0x4;
	[sflag:s26] =	ssyncset.done $0x0  }
.Ltmp9:
0x2e2: {  	s0 =	sadd.s32 s6, s0;
	[sflag:s26] =	ssyncadd.s32 $0xFFFFE000;
	(pc) =	sbr.rel @p0 .LBB2_2-.Ltmp9, $4  }
0x2e3: {  	[hbm4b:s0+s2] =	stream.linear.scatter [tilespmem:s25], [sflag:$0x3], $0xA000, $0x38;
	[tilespmem:$0x1E000] =	vst v63  }
0x2e4: {  	_ =	swait.ge [sflag:s12], $0xA000  }
0x2e5: {  	[sflag:s12] =	ssyncset.done $0x0  }
0x2e6: {  	[sflag:s12] =	ssyncadd.s32 $0xFFFF6000  }
0x2e7: {  	s1 =	rddreg [dreg:$0x5]  }
0x2e8: {  	s0 =	rddreg [dreg:$0x4];
	s1 =	sadd.s32 $0x1, s1  }
0x2e9: {  	p0 =	sne.s32 s1, s0  }
.Ltmp10:
0x2ea: {  	_ = 	snop;
	(pc) =	sbr.rel @p0 .LBB2_1-.Ltmp10, $1  }
0x2eb: {  	_ =	sdelay $0x3  }
0x2ec: {  	_ =	sfence.sel $0x180000  }
0x2ed: {  	[bflag:$0x0] =	sbarrier.arrive $0xFFFF  }
0x2ee: {  	_ =	strace $0x9000004D  }
0x2ef: {  	s0 =	stileid.u32;
	[bflag:$0x2] =	sbarrier.arrive $0xFFFF  }
0x2f0: {  	p0 =	sne.s32 s0, $0x0;
	s0 =	rddreg [dreg:$0x1]  }
0x2f1: {  	s0 =	sadd.s32 @!p0 $0x100000, s0  }
0x2f2: {  	[sflag:s0] =	ssyncadd.tile.s32 @!p0 $0x1;
	_ =	shalt  }
.Lfunc_end2:
_tile_overlayer_lowered:
.L_overlay_start_2:
0x2f3: {  	(tag) =	ssettag $0x2  }
0x2f4: {  	s0 =	rddreg [dreg:$0x0];
	s2 =	stileid.u32  }
0x2f5: {  	s1 =	rddreg [dreg:$0x1];
	p0 =	sne.s32 s2, $0x0  }
0x2f6: {  	s3 =	rddreg [dreg:$0x2];
	[bflag:$0x3] =	sbarrier.arrive $0xFFFF;
	s2 =	simm.s32 @!p0 $0x1C03  }
0x2f7: {  	[timem:s3], [sflag:s2] =	dma.local @!p0 [hbm:s0], s1  }
0x2f8: {  	s0 =	simm.s32 @!p0 $0x3  }
0x2f9: {  	_ =	swait.ge @!p0 [sflag:s0], s1  }
0x2fa: {  	s1 =	ssub.s32 @!p0 $0x0, s1;
	[sflag:s0] =	ssyncset.done @!p0 $0x0  }
0x2fb: {  	[sflag:s0] =	ssyncadd.s32 @!p0 s1  }
0x2fc: {  	[bflag:$0x3] =	sbarrier.arrive $0xFFFF  }
0x2fd: {  	_ =	shalt  }

// kernel: kernel.19.cloned.1.call-start
scs
__scs_entry_jumppad:
0x0: {  	(pc) =	sbr.rel $0x88, $3  }
0x1: {  	(tag) =	ssettag $0x0;
	lr =	simm.s32 $0x1  }
0x2: {  	[smem:$0x3F93] =	sst lr;
	_ =	strace $0xD0000000  }
0x3: {  	_ = 	snop  }
0x4: {  	_ = 	snop  }
0x5: {  	_ = 	snop  }
0x6: {  	_ = 	snop  }
0x7: {  	_ = 	snop  }
__scs_overlays_trampoline_lowered:
0x8: {  	[smem:$0x3FA2] =	sst s0  }
0x9: {  	[smem:$0x3FA3] =	sst s1  }
0xa: {  	[smem:$0x3FA4] =	sst s2  }
0xb: {  	[smem:$0x3FA5] =	sst s3  }
0xc: {  	[smem:$0x3FA6] =	sst s4  }
0xd: {  	[smem:$0x3FA7] =	sst s5  }
0xe: {  	[smem:$0x3FA8] =	sst s6  }
0xf: {  	[smem:$0x3FA9] =	sst s7  }
0x10: {  	[smem:$0x3FAA] =	sst s8  }
0x11: {  	[smem:$0x3FAB] =	sst s9;
	s0 =	simm.s32 @!p0 $0x0  }
0x12: {  	s1 =	sld [smem:$0x3F91];
	s0 =	simm.s32 @p0 $0x1  }
0x13: {  	[smem:$0x3FAC] =	sst s0;
	s0 =	simm.s32 @!p1 $0x0  }
0x14: {  	s2 =	sld [smem:$0x3F90];
	s0 =	simm.s32 @p1 $0x1  }
0x15: {  	[smem:$0x3FAD] =	sst s0;
	s0 =	simm.s32 @!p2 $0x0  }
0x16: {  	s3 =	sld [smem:$0x3FDB];
	s0 =	simm.s32 @p2 $0x1  }
0x17: {  	s4 =	simm.s32 $0x1BF5;
	[smem:$0x3FAF] =	sst s0  }
0x18: {  	s0 =	sld [smem:$0x3F92];
	_ =	swait.ge [sflag:s4], $0x0  }
0x19: {  	s7 =	sld [smem:$0x3F93]  }
0x1a: {  	s8 =	sadd.s32 $0xFFFFE003, lr  }
0x1b: {  	s9 =	sadd.s32 $0xFFFFFEF7, lr;
	s5 =	simm.s32 $0xFFFFFFFF;
	p2 =	slt.u32 s8, $0xFFFFF086  }
0x1c: {  	p1 =	slt.u32 s9, $0xF7A;
	s5 =	simm.s32 @!p2 $0x0  }
0x1d: {  	s5 =	simm.s32 @p1 $0x1;
	p0 =	seq.s32 s7, s2  }
0x1e: {  	s7 =	smul.u32 @!p0 $0xF7A, s2;
	p2 =	seq.s32 @!p0 s5, $0x0  }
0x1f: {  	s9 =	smul.u32 $0xF7A, s1;
	s8 =	simm.s32 @!p0 $0x1BF5;
	p2 =	por !p2, p0  }
0x20: {  	[sflag:s8] =	ssyncset.s32 @!p0 $0xFFFFF086;
	s6 =	sadd.s32 @!p0 s3, s7;
	s7 =	simm.s32 @!p0 $0x108  }
0x21: {  	s3 =	sadd.s32 s3, s9;
	s6 =	sadd.s32 @!p0 $0x88, s6;
	s7 =	simm.s32 @p2 $0x1082  }
0x22: {  	[simem:s7], [sflag:s8] =	dma.local @!p0 [hbm:s6], $0xF7A  }
0x23: {  	s9 =	sor.u32 $0xD0000000, s2;
	s6 =	simm.s32 $0x108;
	_ =	swait.ge @!p0 [sflag:s8], $0x0  }
0x24: {  	s3 =	sadd.s32 $0x88, s3;
	s6 =	simm.s32 @!p1 $0x1082;
	[sflag:s4] =	ssyncset.s32 $0xFFFFF086  }
0x25: {  	[simem:s6], [sflag:s4] =	dma.local [hbm:s3], $0xF7A  }
0x26: {  	[smem:$0x3F93] =	sst s1;
	(tag) =	ssettag s2;
	_ =	strace s9  }
0x27: {  	s1 =	sld [smem:$0x3FA3]  }
0x28: {  	s2 =	sld [smem:$0x3FA4]  }
0x29: {  	s4 =	sld [smem:$0x3FA6]  }
0x2a: {  	p0 =	seq.s32 s5, $0x0;
	s5 =	sld [smem:$0x3FA7]  }
0x2b: {  	s6 =	sld [smem:$0x3FA8]  }
0x2c: {  	s7 =	sld [smem:$0x3FA9]  }
0x2d: {  	s3 =	simm.s32 $0x108;
	s8 =	sld [smem:$0x3FAA]  }
0x2e: {  	s3 =	simm.s32 @!p0 $0x1082;
	s9 =	sld [smem:$0x3FAB]  }
0x2f: {  	lr =	sadd.s32 s0, s3;
	s0 =	sld [smem:$0x3FA2]  }
0x30: {  	s3 =	sld [smem:$0x3FA5]  }
0x31: {  	[smem:$0x3FAE] =	sst s10  }
0x32: {  	s10 =	sld [smem:$0x3FAC];
	_ =	sdelay $0x3  }
0x33: {  	p0 =	seq.s32 s10, $0x1;
	s10 =	sld [smem:$0x3FAE];
	_ =	sdelay $0x3  }
0x34: {  	[smem:$0x3FAE] =	sst s10  }
0x35: {  	s10 =	sld [smem:$0x3FAD];
	_ =	sdelay $0x3  }
0x36: {  	p1 =	seq.s32 s10, $0x1;
	s10 =	sld [smem:$0x3FAE];
	_ =	sdelay $0x3  }
0x37: {  	[smem:$0x3FAE] =	sst s10  }
0x38: {  	s10 =	sld [smem:$0x3FAF]  }
0x39: {  	_ = 	snop;
	(pc) =	sbr.ind lr, $3  }
0x3a: {  	_ = 	snop  }
0x3b: {  	_ = 	snop  }
0x3c: {  	p2 =	seq.s32 s10, $0x1;
	s10 =	sld [smem:$0x3FAE]  }
0x3d: {  	_ =	shalt  }
0x3e: {  	_ =	shalt  }
0x3f: {  	_ =	shalt  }
0x40: {  	_ =	shalt  }
0x41: {  	_ =	shalt  }
0x42: {  	_ =	shalt  }
0x43: {  	_ =	shalt  }
0x44: {  	_ =	shalt  }
0x45: {  	_ =	shalt  }
0x46: {  	_ =	shalt  }
0x47: {  	_ =	shalt  }
0x48: {  	_ =	shalt  }
0x49: {  	_ =	shalt  }
0x4a: {  	_ =	shalt  }
0x4b: {  	_ =	shalt  }
0x4c: {  	_ =	shalt  }
0x4d: {  	_ =	shalt  }
0x4e: {  	_ =	shalt  }
0x4f: {  	_ =	shalt  }
0x50: {  	_ =	shalt  }
0x51: {  	_ =	shalt  }
0x52: {  	_ =	shalt  }
0x53: {  	_ =	shalt  }
0x54: {  	_ =	shalt  }
0x55: {  	_ =	shalt  }
0x56: {  	_ =	shalt  }
0x57: {  	_ =	shalt  }
0x58: {  	_ =	shalt  }
0x59: {  	_ =	shalt  }
0x5a: {  	_ =	shalt  }
0x5b: {  	_ =	shalt  }
0x5c: {  	_ =	shalt  }
0x5d: {  	_ =	shalt  }
0x5e: {  	_ =	shalt  }
0x5f: {  	_ =	shalt  }
0x60: {  	_ =	shalt  }
0x61: {  	_ =	shalt  }
0x62: {  	_ =	shalt  }
0x63: {  	_ =	shalt  }
0x64: {  	_ =	shalt  }
0x65: {  	_ =	shalt  }
0x66: {  	_ =	shalt  }
0x67: {  	_ =	shalt  }
0x68: {  	_ =	shalt  }
0x69: {  	_ =	shalt  }
0x6a: {  	_ =	shalt  }
0x6b: {  	_ =	shalt  }
0x6c: {  	_ =	shalt  }
0x6d: {  	_ =	shalt  }
0x6e: {  	_ =	shalt  }
0x6f: {  	_ =	shalt  }
0x70: {  	_ =	shalt  }
0x71: {  	_ =	shalt  }
0x72: {  	_ =	shalt  }
0x73: {  	_ =	shalt  }
0x74: {  	_ =	shalt  }
0x75: {  	_ =	shalt  }
0x76: {  	_ =	shalt  }
0x77: {  	_ =	shalt  }
0x78: {  	_ =	shalt  }
0x79: {  	_ =	shalt  }
0x7a: {  	_ =	shalt  }
0x7b: {  	_ =	shalt  }
0x7c: {  	_ =	shalt  }
0x7d: {  	_ =	shalt  }
0x7e: {  	_ =	shalt  }
0x7f: {  	_ =	shalt  }
0x80: {  	_ =	shalt  }
0x81: {  	_ =	shalt  }
0x82: {  	_ =	shalt  }
0x83: {  	_ =	shalt  }
0x84: {  	_ =	shalt  }
0x85: {  	_ =	shalt  }
0x86: {  	_ =	shalt  }
0x87: {  	_ =	shalt  }
.Lfunc_end0:
.L_simem_size_0:
called_computation.3_lowered:
.L_overlay_start_0:
0x88: {  	s2 =	sld [smem:$0x3FD9]  }
0x89: {  	s3 =	sld [smem:$0x3FFE];
	_ =	sdelay $0x1  }
0x8a: {  	s1 =	srdreg.scid  }
0x8b: {  	s0 =	sand.u32 $0x1, s1  }
0x8c: {  	s16 =	sshll.u32 s0, $0xA;
	s2 =	sadd.s32 s3, s2  }
0x8d: {  	s2 =	sadd.s32 s2, s16  }
0x8e: {  	[smem:$0x3FBA] =	sst s2  }
0x8f: {  	_ = 	snop  }
0x90: {  	(tm) =	ssettm $0x1  }
0x91: {  	s17 =	sld [smem:$0x3FFB];
	_ =	sdelay $0x3  }
0x92: {  	_ =	strace s17  }
0x93: {  	s2 =	sld [smem:$0x3FFC];
	_ =	sdelay $0x3  }
0x94: {  	_ =	strace s2  }
0x95: {  	s2 =	sld [smem:$0x3FFD];
	_ =	sdelay $0x3  }
0x96: {  	_ =	strace s2  }
0x97: {  	_ =	strace $0x8FFFFFFF  }
0x98: {  	s18 =	sld [smem:$0x3FDB];
	_ =	sdelay $0x1  }
0x99: {  	s19 =	simm.s32 $_scs_section_size  }
0x9a: {  	s4 =	simm.s32 $_size__tile_overlayer_lowered;
	s5 =	simm.s32 $_tile_overlayer_lowered  }
0x9b: {  	s22 =	simm.s32 $0x1BFF;
	s21 =	sshll.u32 s5, $0x1;
	s2 =	sadd.s32 s19, s18  }
0x9c: {  	s6 =	simm.s32 $0x0;
	s20 =	sshll.u32 s4, $0x1;
	s4 =	sadd.s32 s21, s2  }
0x9d: {  	[timem:s6], [sflag:s22] =	dma.local [hbm:s4], s20  }
0x9e: {  	_ =	swait.ge [sflag:s22], s20  }
0x9f: {  	s3 =	ssub.s32 $0x0, s20;
	[sflag:s22] =	ssyncset.done $0x0  }
0xa0: {  	[sflag:s22] =	ssyncadd.s32 s3;
	_ =	sdelay $0x1  }
0xa1: {  	s23 =	simm.s32 $0x1B8B  }
0xa2: {  	_ =	swait.ge [sflag:s23], $0x1  }
0xa3: {  	[sflag:s23] =	ssyncset.done $0x0  }
0xa4: {  	s25 =	simm.s32 $0x1B8E;
	s24 =	sld [smem:$0x3FFE];
	[sflag:s23] =	ssyncadd.s32 $0xFFFFFFFF  }
0xa5: {  	s26 =	simm.s32 $execute0_lowered;
	[smem:$0x3FD2] =	sst s25  }
0xa6: {  	s4 =	sshll.u32 s26, $0x1;
	_ =	strace $0x8000004F;
	[dreg:$0x1] =	wrdreg $0xFFFFFFFF  }
0xa7: {  	s28 =	simm.s32 $_size_execute0_lowered;
	s2 =	sadd.s32 s2, s4;
	[dreg:$0x0] =	wrdreg $0x0  }
0xa8: {  	s4 =	sshll.u32 s28, $0x1;
	[dreg:$0x2] =	wrdreg s2  }
0xa9: {  	[dreg:$0x3] =	wrdreg s4  }
0xaa: {  	[dreg:$0x4] =	wrdreg $0xC0  }
0xab: {  	_ =	task [dreg:s6], $0x5FFFF  }
0xac: {  	[dreg:$0x1] =	wrdreg $0xFFFFFFFF  }
0xad: {  	[dreg:$0x0] =	wrdreg $0x60  }
0xae: {  	[dreg:$0x2] =	wrdreg s24  }
0xaf: {  	[dreg:$0x3] =	wrdreg $0x9  }
0xb0: {  	_ =	task.clear_ibuf [dreg:s6], $0x4FFFF;
	_ =	strace $0x9000004F  }
0xb1: {  	s29 =	simm.s32 $0x9;
	_ =	strace $0x80000051  }
0xb2: {  	_ =	swait.ge [sflag:s29], $0x1  }
0xb3: {  	[sflag:s29] =	ssyncadd.s32 $0xFFFFFFFF  }
0xb4: {  	_ =	strace $0x90000051  }
0xb5: {  	_ =	sfence  }
0xb6: {  	s30 =	sld [smem:$0x0];
	_ =	sdelay $0x2  }
0xb7: {  	s31 =	sshll.u32 s1, $0xD;
	s1 =	sshrl.u32 s1, $0x2  }
0xb8: {  	s3 =	sand.u32 $0x4000, s31;
	s1 =	sadd.s32 s1, s30  }
0xb9: {  	s0 =	sor.u32 s3, s0;
	s1 =	sshll.u32 s1, $0x11  }
0xba: {  	s0 =	sor.u32 s1, s0  }
0xbb: {  	s0 =	sadd.s32 $0x8F2B, s0  }
0xbc: {  	[sflag:s0] =	ssyncadd.remote.s32 $0x1  }
0xbd: {  	_ =	sfence.sel $0xFFFF  }
0xbe: {  	[dreg:$0x0] =	wrdreg $0xFFFFFFFF;
	(pc) =	sbr.abs _section_cstart, $3  }
0xbf: {  	[dreg:$0x1] =	wrdreg $0xFFFFFFFF  }
0xc0: {  	_ =	task.clear_ibuf [dreg:s6], $0x2FFFF;
	_ =	strace $0x9FFFFFFF  }
0xc1: {  	(tm) =	ssettm $0x7FFFFFFF  }
tec
execute0_lowered:
.L_overlay_start_1:
0x0: {  	(tag) =	ssettag $0x1  }
0x1: {  	s0 =	srdreg.scid  }
0x2: {  	s2 =	stileid.u32;
	s1 =	rddreg [dreg:$0x0];
	s10 =	simm.s32 $0x3  }
0x3: {  	s11 =	simm.s32 $0x2A80;
	s12 =	simm.s32 $0xAA00;
	s13 =	simm.s32 $0xD200  }
0x4: {  	s14 =	simm.s32 $0xD380;
	s15 =	simm.s32 $0x40;
	s17 =	simm.s32 $0x17580  }
0x5: {  	s18 =	simm.s32 $0x5540;
	s19 =	simm.s32 $0x19580;
	s20 =	simm.s32 $0x1  }
0x6: {  	s21 =	simm.s32 $0x7F80;
	s0 =	sand.u32 $0x1, s0;
	s3 =	sshll.u32 s2, $0x1  }
0x7: {  	s22 =	simm.s32 $0xD500;
	s23 =	simm.s32 $0x2;
	s3 =	sor.u32 s0, s3  }
0x8: {  	s24 =	simm.s32 $0x0;
	s2 =	simm.s32 $0x0;
	s4 =	smul.u32 $0x550, s3  }
0x9: {  	[smem:$0x7FF] =	sst s2;
	s0 =	ssub.s32 $0x2, s0;
	s5 =	smul.u32 $0x1400, s3  }
0xa: {  	_ =	strace $0x80000050;
	s7 =	smul.u32 $0x140, s3;
	s8 =	sshrl.u32 s0, $0x1  }
0xb: {  	v0 =	vlaneseq.u32;
	s3 =	sadd.s32 $0x3A00, s1;
	s0 =	ssub.s32 s0, s8;
	s6 =	sadd.s32 s4, s1  }
0xc: {  	v1 =	vimm.f32 $0.0e+00;
	v2 =	vor.u32 $0x10, v0;
	s4 =	sadd.s32 $0x2CA00, s1;
	s1 =	sadd.s32 s5, s1;
	s7 =	sshrl.u32 s7, $0x3  }
0xd: {  	v3 =	vor.u32 $0x20, v0;
	v4 =	vor.u32 $0x30, v0;
	v5 =	vor.u32 $0x40, v0;
	s9 =	smax.u32 s0, $0x1;
	s5 =	sadd.s32 $0x17600, s6;
	s7 =	sadd.s32 s3, s7  }
0xe: {  	v6 =	vor.u32 $0x50, v0;
	v7 =	vor.u32 $0x60, v0;
	v8 =	vor.u32 $0x70, v0;
	s6 =	sadd.s32 $0x22000, s6;
	s8 =	sadd.s32 $0x54A00, s1;
	s7 =	sadd.s32 $0x500, s7  }
.LBB2_1:
0xf: {  	[tilespmem:s2], [sflag:$0x3] =	stream.linear.gather [hbm4b:s5+s2], $0x2A80, $0x38;
	[tilespmem:$0x1B580] =	vst v63  }
0x10: {  	_ =	swait.ge [sflag:s10], $0x2A80  }
0x11: {  	[sflag:s10] =	ssyncset.done $0x0  }
0x12: {  	[sflag:s10] =	ssyncadd.s32 $0xFFFFD580  }
0x13: {  	[tilespmem:s11], [sflag:$0x3] =	stream.linear.gather [hbm4b:s6+s2], $0x2A80, $0x38;
	[tilespmem:$0x1B580] =	vst v63  }
0x14: {  	_ =	swait.ge [sflag:s10], $0x2A80  }
0x15: {  	[sflag:s10] =	ssyncset.done $0x0  }
0x16: {  	[sflag:s10] =	ssyncadd.s32 $0xFFFFD580  }
0x17: {  	[tilespmem:s12], [sflag:$0x3] =	stream.linear.gather [hbm4b:s3+s2], $0x2800, $0x38;
	[tilespmem:$0x1B580] =	vst v63  }
0x18: {  	_ =	swait.ge [sflag:s10], $0x2800  }
0x19: {  	[sflag:s10] =	ssyncset.done $0x0  }
0x1a: {  	[sflag:s10] =	ssyncadd.s32 $0xFFFFD800  }
0x1b: {  	[tilespmem:s13], [sflag:$0x3] =	stream.linear.gather [hbm4b:s7+s2], $0x140, $0x38;
	[tilespmem:$0x1B580] =	vst v63  }
0x1c: {  	_ =	swait.ge [sflag:s10], $0x140  }
0x1d: {  	[sflag:s10] =	ssyncset.done $0x0  }
0x1e: {  	[sflag:s10] =	ssyncadd.s32 $0xFFFFFEC0  }
0x1f: {  	[tilespmem:$0xD340] =	vst v1  }
0x20: {  	[tilespmem:$0xD380] =	vst v1  }
0x21: {  	[tilespmem:$0xD390] =	vst v1  }
0x22: {  	[tilespmem:$0xD3A0] =	vst v1  }
0x23: {  	[tilespmem:$0xD3B0] =	vst v1  }
0x24: {  	[tilespmem:$0xD3C0] =	vst v1  }
0x25: {  	[tilespmem:$0xD3D0] =	vst v1  }
0x26: {  	[tilespmem:$0xD3E0] =	vst v1  }
0x27: {  	[tilespmem:$0xD3F0] =	vst v1  }
0x28: {  	[tilespmem:$0xD400] =	vst v1  }
0x29: {  	[tilespmem:$0xD410] =	vst v1  }
0x2a: {  	[tilespmem:$0xD420] =	vst v1  }
0x2b: {  	[tilespmem:$0xD430] =	vst v1  }
0x2c: {  	[tilespmem:$0xD440] =	vst v1  }
0x2d: {  	[tilespmem:$0xD450] =	vst v1  }
0x2e: {  	[tilespmem:$0xD460] =	vst v1  }
0x2f: {  	[tilespmem:$0xD470] =	vst v1  }
0x30: {  	[tilespmem:$0xD480] =	vst v1  }
0x31: {  	[tilespmem:$0xD490] =	vst v1  }
0x32: {  	[tilespmem:$0xD4A0] =	vst v1  }
0x33: {  	[tilespmem:$0xD4B0] =	vst v1  }
0x34: {  	s0 =	simm.s32 $0x10;
	[tilespmem:$0xD4C0] =	vst v1  }
0x35: {  	s1 =	simm.s32 $0x2A90;
	v12 =	vld [tilespmem:s0+$0x0]  }
0x36: {  	v10 =	vld [tilespmem:s1+$0xFFFFFFF0]  }
0x37: {  	v14 =	vld [tilespmem:s0+$0xFFFFFFF0]  }
0x38: {  	v13 =	vld [tilespmem:s1+$0x0];
	_ =	sdelay $0x1  }
0x39: {  	s30 =	simm.s32 $0x2AB0  }
0x3a: {  	s31 =	simm.s32 $0x30;
	s25 =	simm.s32 $0x5510;
	v11 =	vld [tilespmem:s30+$0xFFFFFFF0]  }
0x3b: {  	v16 =	vld [tilespmem:s31+$0xFFFFFFF0];
	[tilespmem:s25+$0x0] =	vst v12  }
0x3c: {  	[tilespmem:s25+$0xFFFFFFF0] =	vst v14;
	v17 =	vld.idx.msk [tilespmem:v12+s12+$0x0], $0xffff  }
0x3d: {  	v18 =	vld.idx.msk [tilespmem:v10+s13+$0x0], $0xffff  }
0x3e: {  	v19 =	vld.idx.msk [tilespmem:v14+s12+$0x0], $0xffff  }
0x3f: {  	v20 =	vld.idx.msk [tilespmem:v13+s13+$0x0], $0xffff  }
0x40: {  	s26 =	simm.s32 $0x5530;
	v15 =	vld [tilespmem:s31+$0x0]  }
0x41: {  	v9 =	vld [tilespmem:s30+$0x0];
	[tilespmem:s26+$0xFFFFFFF0] =	vst v16  }
0x42: {  	v23 =	vld.idx.msk [tilespmem:v11+s13+$0x0], $0xffff  }
0x43: {  	s25 =	simm.s32 $0x50;
	v16 =	vld.idx.msk [tilespmem:v16+s12+$0x0], $0xffff;
	v19 =	vadd.f32 v18, v19  }
0x44: {  	v21 =	vld [tilespmem:s25+$0x0];
	v20 =	vadd.f32 v20, v17  }
0x45: {  	s16 =	simm.s32 $0x2AD0;
	v22 =	vld [tilespmem:s25+$0xFFFFFFF0];
	v17 =	vmul.f32 $2.000000030e-01, v19  }
0x46: {  	v12 =	vld [tilespmem:s16+$0x0];
	v26 =	vmul.f32 $2.000000030e-01, v20  }
0x47: {  	[tilespmem:s26+$0x0] =	vst v15;
	v14 =	vld [tilespmem:s16+$0xFFFFFFF0];
	v19 =	vmax.f32 v19, v17  }
0x48: {  	v24 =	vld.idx.msk [tilespmem:v15+s12+$0x0], $0xffff;
	v27 =	vadd.f32 v23, v16;
	v20 =	vmax.f32 v20, v26;
	v16 =	vmul.f32 $1.442695020e+00, v19  }
0x49: {  	s26 =	simm.s32 $0x2AF0;
	v25 =	vld.idx.msk [tilespmem:v9+s13+$0x0], $0xffff;
	v23 =	vmul.f32 $1.442695020e+00, v20  }
0x4a: {  	s30 =	simm.s32 $0x70;
	s31 =	simm.s32 $0x5550;
	v15 =	vld [tilespmem:s26+$0x0];
	(erf) = vpow2.f32 v16  }
0x4b: {  	[tilespmem:s31+$0x0] =	vst v21;
	v18 =	vld [tilespmem:s30+$0x0];
	(erf) = vpow2.f32 v23  }
0x4c: {  	v19 =	vld.idx.msk [tilespmem:v21+s12+$0x0], $0xffff  }
0x4d: {  	[tilespmem:s31+$0xFFFFFFF0] =	vst v22;
	v17 =	vld [tilespmem:s30+$0xFFFFFFF0]  }
0x4e: {  	v22 =	vld.idx.msk [tilespmem:v22+s12+$0x0], $0xffff;
	v21 =	vadd.f32 v25, v24;
	v24 =	vmul.f32 $2.000000030e-01, v27  }
0x4f: {  	s28 =	simm.s32 $0x5570;
	s29 =	simm.s32 $0x90;
	v20 =	vld.idx.msk [tilespmem:v14+s13+$0x0], $0xffff  }
0x50: {  	s1 =	simm.s32 $0x7F90;
	s0 =	simm.s32 $0x6;
	s25 =	simm.s32 $0x7F90;
	v16 =	vld [tilespmem:s26+$0xFFFFFFF0];
	v24 =	vmax.f32 v27, v24;
	v23 =	vmul.f32 $2.000000030e-01, v21  }
.LBB2_2:
0x51: {  	s0 =	sadd.s32 $0x2, s0;
	s26 =	sadd.s32 $0x20, s26;
	v25 =	vld.idx.msk [tilespmem:v12+s13+$0x0], $0xffff;
	s1 =	sadd.s32 $0x20, s1;
	v26 =	vmov v19  }
0x52: {  	v19 =	vmul.f32 $1.442695020e+00, v24;
	v21 =	vmax.f32 v21, v23;
	v27 =	vld [tilespmem:s26+$0x0];
	p0 =	slt.u32 s0, $0x2A6;
	[tilespmem:s28+$0xFFFFFFF0] =	vst v17  }
0x53: {  	v21 =	vmul.f32 $1.442695020e+00, v21;
	v23 =	vld [tilespmem:s29+$0x0];
	[tilespmem:s28+$0x0] =	vst v18;
	v24 =	vpop (erf)  }
0x54: {  	v28 =	vld [tilespmem:s29+$0xFFFFFFF0];
	(erf) = vpow2.f32 v19;
	[tilespmem:s25+$0xFFFFFFF0] =	vst v24;
	v29 =	vpop (erf)  }
0x55: {  	v19 =	vld.idx.msk [tilespmem:v18+s12+$0x0], $0xffff;
	(erf) = vpow2.f32 v21;
	[tilespmem:s25+$0x0] =	vst v29;
	s25 =	smov.u32 s1  }
.Ltmp0:
0x56: {  	v30 =	vadd.f32 v20, v22;
	[tilespmem:v13+s14+$0x0] =	vst.idx.add.f32.msk $0xffff, v29;
	v13 =	vmovc v9;
	v9 =	vmov v12;
	v12 =	vmov v15;
	(pc) =	sbr.rel @p0 .LBB2_2-.Ltmp0, $4  }
0x57: {  	v21 =	vadd.f32 v25, v26;
	[tilespmem:v10+s14+$0x0] =	vst.idx.add.f32.msk $0xffff, v24;
	v15 =	vmovc v27;
	v10 =	vmov v11;
	v11 =	vmov v14  }
0x58: {  	v24 =	vmul.f32 $2.000000030e-01, v30;
	v14 =	vmov v16;
	v20 =	vld.idx.msk [tilespmem:v16+s13+$0x0], $0xffff;
	v18 =	vmov v23  }
0x59: {  	s28 =	sadd.s32 $0x20, s28;
	v23 =	vmul.f32 $2.000000030e-01, v21;
	v16 =	vld [tilespmem:s26+$0xFFFFFFF0]  }
0x5a: {  	s29 =	sadd.s32 $0x20, s29;
	v24 =	vmax.f32 v30, v24;
	v22 =	vld.idx.msk [tilespmem:v17+s12+$0x0], $0xffff;
	v17 =	vmov v28  }
0x5b: {  	_ =	sdelay $0x3  }
0x5c: {  	v25 =	vld.idx.msk [tilespmem:v12+s13+$0x0], $0xffff;
	[tilespmem:s28+$0x0] =	vst v18  }
0x5d: {  	[tilespmem:s28+$0xFFFFFFF0] =	vst v17;
	v18 =	vld.idx.msk [tilespmem:v18+s12+$0x0], $0xffff  }
0x5e: {  	v17 =	vld.idx.msk [tilespmem:v17+s12+$0x0], $0xffff  }
0x5f: {  	v26 =	vld.idx.msk [tilespmem:v16+s13+$0x0], $0xffff  }
0x60: {  	v50 =	vld.idx.msk [tilespmem:v15+s13+$0x0], $0xffff;
	v20 =	vadd.f32 v20, v22  }
0x61: {  	v21 =	vmax.f32 v21, v23;
	v51 =	vmul.f32 $1.442695020e+00, v24;
	v19 =	vadd.f32 v25, v19  }
0x62: {  	v21 =	vmul.f32 $1.442695020e+00, v21;
	v52 =	vmul.f32 $2.000000030e-01, v20  }
0x63: {  	(erf) = vpow2.f32 v51;
	v53 =	vmul.f32 $2.000000030e-01, v19  }
0x64: {  	(erf) = vpow2.f32 v21;
	v20 =	vmax.f32 v20, v52;
	v17 =	vadd.f32 v26, v17  }
0x65: {  	v18 =	vadd.f32 v50, v18;
	v20 =	vmul.f32 $1.442695020e+00, v20;
	v19 =	vmax.f32 v19, v53  }
0x66: {  	v19 =	vmul.f32 $1.442695020e+00, v19;
	v54 =	vmul.f32 $2.000000030e-01, v17  }
0x67: {  	v55 =	vmul.f32 $2.000000030e-01, v18;
	(erf) = vpow2.f32 v20  }
0x68: {  	v56 =	vpop (erf);
	(erf) = vpow2.f32 v19;
	v17 =	vmax.f32 v17, v54  }
0x69: {  	[tilespmem:s25+$0xFFFFFFF0] =	vst v56;
	v57 =	vpop (erf);
	v18 =	vmax.f32 v18, v55;
	v17 =	vmul.f32 $1.442695020e+00, v17  }
0x6a: {  	[tilespmem:s25+$0x0] =	vst v57;
	v18 =	vmul.f32 $1.442695020e+00, v18  }
0x6b: {  	[tilespmem:v10+s14+$0x0] =	vst.idx.add.f32.msk $0xffff, v56;
	(erf) = vpow2.f32 v17  }
0x6c: {  	s0 =	sadd.s32 $0x20, s1;
	[tilespmem:v13+s14+$0x0] =	vst.idx.add.f32.msk $0xffff, v57;
	v10 =	vpop (erf);
	(erf) = vpow2.f32 v18  }
0x6d: {  	[tilespmem:s0+$0xFFFFFFF0] =	vst v10;
	v13 =	vpop (erf)  }
0x6e: {  	[tilespmem:s0+$0x0] =	vst v13  }
0x6f: {  	[tilespmem:v11+s14+$0x0] =	vst.idx.add.f32.msk $0xffff, v10  }
0x70: {  	s0 =	sadd.s32 $0x20, s0;
	[tilespmem:v9+s14+$0x0] =	vst.idx.add.f32.msk $0xffff, v13;
	v9 =	vpop (erf)  }
0x71: {  	[tilespmem:s0+$0xFFFFFFF0] =	vst v9;
	v10 =	vpop (erf)  }
0x72: {  	[tilespmem:s0+$0x0] =	vst v10  }
0x73: {  	[tilespmem:v14+s14+$0x0] =	vst.idx.add.f32.msk $0xffff, v9  }
0x74: {  	s0 =	sadd.s32 $0x20, s0;
	[tilespmem:v12+s14+$0x0] =	vst.idx.add.f32.msk $0xffff, v10;
	v9 =	vpop (erf)  }
0x75: {  	[tilespmem:s0+$0xFFFFFFF0] =	vst v9;
	v10 =	vpop (erf)  }
0x76: {  	[tilespmem:s0+$0x0] =	vst v10  }
0x77: {  	[tilespmem:v16+s14+$0x0] =	vst.idx.add.f32.msk $0xffff, v9  }
0x78: {  	[tilespmem:v15+s14+$0x0] =	vst.idx.add.f32.msk $0xffff, v10  }
0x79: {  	v9 =	vld [tilespmem:$0xD380]  }
0x7a: {  	v10 =	vld [tilespmem:$0xD390]  }
0x7b: {  	v11 =	vld [tilespmem:$0xD3A0]  }
0x7c: {  	v12 =	vld [tilespmem:$0xD3B0]  }
0x7d: {  	v13 =	vld [tilespmem:$0xD3C0]  }
0x7e: {  	v14 =	vld [tilespmem:$0xD3D0];
	v9 =	vadd.f32 $1.000000020e-16, v9  }
0x7f: {  	v15 =	vld [tilespmem:$0xD3E0];
	v10 =	vadd.f32 $1.000000020e-16, v10  }
0x80: {  	(erf) = vrcp.f32 v9;
	v9 =	vadd.f32 $1.000000020e-16, v11;
	v11 =	vld [tilespmem:$0xD3F0]  }
0x81: {  	(erf) = vrcp.f32 v10;
	v10 =	vadd.f32 $1.000000020e-16, v12;
	v12 =	vld [tilespmem:$0xD400]  }
0x82: {  	(erf) = vrcp.f32 v9;
	v9 =	vadd.f32 $1.000000020e-16, v13;
	v13 =	vld [tilespmem:$0xD410]  }
0x83: {  	(erf) = vrcp.f32 v10;
	v10 =	vadd.f32 $1.000000020e-16, v14;
	v14 =	vld [tilespmem:$0xD420]  }
0x84: {  	(erf) = vrcp.f32 v9;
	v9 =	vadd.f32 $1.000000020e-16, v15;
	v15 =	vld [tilespmem:$0xD430]  }
0x85: {  	(erf) = vrcp.f32 v10;
	v10 =	vadd.f32 $1.000000020e-16, v11;
	v11 =	vld [tilespmem:$0xD440]  }
0x86: {  	(erf) = vrcp.f32 v9;
	v9 =	vadd.f32 $1.000000020e-16, v12;
	v12 =	vld [tilespmem:$0xD450]  }
0x87: {  	(erf) = vrcp.f32 v10;
	v10 =	vadd.f32 $1.000000020e-16, v13;
	v13 =	vld [tilespmem:$0xD460]  }
0x88: {  	(erf) = vrcp.f32 v9;
	v9 =	vadd.f32 $1.000000020e-16, v14;
	v14 =	vld [tilespmem:$0xD470]  }
0x89: {  	v58 =	vpop (erf);
	(erf) = vrcp.f32 v10;
	v10 =	vadd.f32 $1.000000020e-16, v15;
	v15 =	vld [tilespmem:$0xD480]  }
0x8a: {  	v59 =	vpop (erf);
	(erf) = vrcp.f32 v9;
	v9 =	vadd.f32 $1.000000020e-16, v11;
	v11 =	vld [tilespmem:$0xD490]  }
0x8b: {  	[tilespmem:$0xD380] =	vst v58;
	v60 =	vpop (erf);
	(erf) = vrcp.f32 v10;
	v10 =	vadd.f32 $1.000000020e-16, v12;
	v12 =	vld [tilespmem:$0xD4A0]  }
0x8c: {  	[tilespmem:$0xD390] =	vst v59;
	v61 =	vpop (erf);
	(erf) = vrcp.f32 v9;
	v9 =	vadd.f32 $1.000000020e-16, v13;
	v13 =	vld [tilespmem:$0xD4B0]  }
0x8d: {  	[tilespmem:$0xD3A0] =	vst v60;
	v62 =	vpop (erf);
	(erf) = vrcp.f32 v10;
	v10 =	vadd.f32 $1.000000020e-16, v14;
	v14 =	vld [tilespmem:$0xD4C0]  }
0x8e: {  	[tilespmem:$0xD3B0] =	vst v61;
	v63 =	vpop (erf);
	(erf) = vrcp.f32 v9;
	v9 =	vadd.f32 $1.000000020e-16, v15  }
0x8f: {  	[tilespmem:$0xD3C0] =	vst v62;
	v15 =	vpop (erf);
	(erf) = vrcp.f32 v10;
	v10 =	vadd.f32 $1.000000020e-16, v11  }
0x90: {  	[tilespmem:$0xD3D0] =	vst v63;
	v11 =	vpop (erf);
	(erf) = vrcp.f32 v9;
	v9 =	vadd.f32 $1.000000020e-16, v12  }
0x91: {  	[tilespmem:$0xD3F0] =	vst v11;
	v11 =	vpop (erf);
	(erf) = vrcp.f32 v10;
	v10 =	vadd.f32 $1.000000020e-16, v13  }
0x92: {  	[tilespmem:$0xD400] =	vst v11;
	v11 =	vpop (erf);
	(erf) = vrcp.f32 v9;
	v9 =	vadd.f32 $1.000000020e-16, v14  }
0x93: {  	[tilespmem:$0xD3E0] =	vst v15  }
0x94: {  	[tilespmem:$0xD410] =	vst v11;
	v11 =	vpop (erf);
	(erf) = vrcp.f32 v10  }
0x95: {  	[tilespmem:$0xD420] =	vst v11;
	v10 =	vpop (erf);
	(erf) = vrcp.f32 v9  }
0x96: {  	v9 =	vpop (erf);
	[tilespmem:$0xD430] =	vst v10  }
0x97: {  	v10 =	vpop (erf);
	[tilespmem:$0xD440] =	vst v9  }
0x98: {  	v9 =	vpop (erf);
	[tilespmem:$0xD450] =	vst v10  }
0x99: {  	v10 =	vpop (erf);
	[tilespmem:$0xD460] =	vst v9  }
0x9a: {  	v9 =	vpop (erf);
	[tilespmem:$0xD470] =	vst v10  }
0x9b: {  	v10 =	vpop (erf);
	[tilespmem:$0xD480] =	vst v9  }
0x9c: {  	v9 =	vpop (erf);
	[tilespmem:$0xD490] =	vst v10  }
0x9d: {  	[tilespmem:$0xD4A0] =	vst v9;
	v9 =	vpop (erf)  }
0x9e: {  	[tilespmem:$0xD4B0] =	vst v9;
	v9 =	vpop (erf)  }
0x9f: {  	s30 =	simm.s32 $0x2A90;
	[tilespmem:$0xD4C0] =	vst v9  }
0xa0: {  	v9 =	vld [tilespmem:s30+$0x0]  }
0xa1: {  	v10 =	vld [tilespmem:s30+$0xFFFFFFF0];
	_ =	sdelay $0x2  }
0xa2: {  	s0 =	simm.s32 $0x7F90  }
0xa3: {  	s31 =	simm.s32 $0x2AB0;
	v11 =	vld [tilespmem:s0+$0x0]  }
0xa4: {  	v12 =	vld [tilespmem:s31+$0x0]  }
0xa5: {  	v14 =	vld [tilespmem:s0+$0xFFFFFFF0]  }
0xa6: {  	v9 =	vld.idx.msk [tilespmem:v9+s14+$0x0], $0xffff  }
0xa7: {  	v13 =	vld.idx.msk [tilespmem:v10+s14+$0x0], $0xffff  }
0xa8: {  	v10 =	vld [tilespmem:s31+$0xFFFFFFF0];
	_ =	sdelay $0x2  }
0xa9: {  	s1 =	simm.s32 $0x7FB0;
	v11 =	vmul.f32 v9, v11  }
0xaa: {  	v9 =	vld [tilespmem:s1+$0x0]  }
0xab: {  	s26 =	simm.s32 $0x2AD0;
	s25 =	simm.s32 $0x2;
	[tilespmem:s0+$0x0] =	vst v11;
	v11 =	vld.idx.msk [tilespmem:v12+s14+$0x0], $0xffff;
	v12 =	vmul.f32 v13, v14  }
.LBB2_4:
0xac: {  	v13 =	vld [tilespmem:s26+$0x0];
	s25 =	sadd.s32 $0x2, s25  }
0xad: {  	v14 =	vld [tilespmem:s26+$0xFFFFFFF0];
	p0 =	slt.u32 s25, $0x2A6;
	[tilespmem:s0+$0xFFFFFFF0] =	vst v12;
	s0 =	smov.u32 s1  }
0xae: {  	v12 =	vld.idx.msk [tilespmem:v10+s14+$0x0], $0xffff  }
0xaf: {  	v15 =	vld [tilespmem:s1+$0xFFFFFFF0]  }
.Ltmp1:
0xb0: {  	(pc) =	sbr.rel @p0 .LBB2_4-.Ltmp1, $4  }
0xb1: {  	v11 =	vmul.f32 v11, v9  }
0xb2: {  	s1 =	sadd.s32 $0x20, s1;
	v10 =	vmov v14  }
0xb3: {  	v9 =	vld [tilespmem:s1+$0x0];
	[tilespmem:s0+$0x0] =	vst v11  }
0xb4: {  	s26 =	sadd.s32 $0x20, s26;
	v11 =	vld.idx.msk [tilespmem:v13+s14+$0x0], $0xffff;
	v12 =	vmul.f32 v12, v15  }
0xb5: {  	_ =	sdelay $0x3  }
0xb6: {  	v10 =	vld.idx.msk [tilespmem:v10+s14+$0x0], $0xffff  }
0xb7: {  	v13 =	vld [tilespmem:s1+$0xFFFFFFF0];
	_ =	sdelay $0x1  }
0xb8: {  	p0 =	por $0x1, $0x1  }
.Ltmp2:
0xb9: {  	_ = 	snop;
	(pc) =	sbr.rel @!p0 .LBB2_7-.Ltmp2, $4  }
0xba: {  	v9 =	vmul.f32 v11, v9  }
0xbb: {  	[tilespmem:s0+$0xFFFFFFF0] =	vst v12;
	v10 =	vmul.f32 v10, v13  }
0xbc: {  	[tilespmem:s1+$0x0] =	vst v9  }
0xbd: {  	s25 =	simm.s32 $0x0;
	s0 =	simm.s32 $0x40;
	[tilespmem:s1+$0xFFFFFFF0] =	vst v10;
	s1 =	simm.s32 $0x0  }
.LBB2_6:
0xbe: {  	p0 =	sne.s32 s0, $0x281C0;
	[tilespmem:s1+$0xD500] =	vst v1;
	s1 =	smov.u32 s0;
	s0 =	sadd.s32 $0x40, s0  }
.Ltmp3:
0xbf: {  	(pc) =	sbr.rel @p0 .LBB2_6-.Ltmp3, $2  }
0xc0: {  	_ =	sdelay $0x2  }
0xc1: {  	s1 =	sshra.s32 s1, $0x2  }
.LBB2_7:
0xc2: {  	[tilespmem:s1+$0xD500] =	vst v1;
	s0 =	simm.s32 $0x5500  }
0xc3: {  	[tilespmem:s17], [sflag:$0x1] =	stream.indirect.gather [hbm4b:s4+s15], $0x80, s0, s15, $0xb8;
	[tilespmem:$0x1B580] =	vst v63  }
0xc4: {  	s26 =	simm.s32 $0x0  }
0xc5: {  	[tilespmem:s19], [sflag:$0x2] =	stream.indirect.gather [hbm4b:s4+s15], $0x80, s18, s15, $0xb8;
	[tilespmem:$0x1B580] =	vst v63  }
.LBB2_8:
0xc6: {  	s0 =	sadd.s32 $0x0, s25  }
0xc7: {  	v9 =	vmov s0  }
0xc8: {  	v9 =	vand.u32 $0xFFFFFFFE, v9  }
0xc9: {  	v9 =	vbroadcast v9, $0x0;
	_ =	sdelay $0x2  }
0xca: {  	_ =	swait.ge [sflag:s20], $0x2000;
	s28 =	simm.s32 $0x0  }
0xcb: {  	[sflag:s20] =	ssyncset.done $0x0;
	v10 =	vor.u32 s28, v0  }
0xcc: {  	[sflag:s20] =	ssyncadd.s32 $0xFFFFE000  }
0xcd: {  	v11 =	vld.idx.msk [tilespmem:v9+s11+$0x0], $0xffff;
	_ =	sdelay $0x2  }
0xce: {  	v10 =	vld.idx.msk [tilespmem:v10+s17+$0x0], $0xffff  }
0xcf: {  	s0 =	sadd.s32 $0x1, s0;
	v16 =	vld.idx.msk [tilespmem:v9+s21+$0x0], $0xffff  }
0xd0: {  	v9 =	vmov s0;
	v14 =	vshll.u32 v11, $0x7  }
0xd1: {  	v11 =	vor.u32 v0, v14  }
0xd2: {  	v12 =	vor.u32 s28, v2  }
0xd3: {  	s30 =	simm.s32 $0x80  }
0xd4: {  	v13 =	vor.u32 s30, v0;
	v10 =	vmul.f32 v10, v16  }
0xd5: {  	v15 =	vld.idx.msk [tilespmem:v9+s11+$0x0], $0xffff  }
0xd6: {  	[tilespmem:v11+s22+$0x0] =	vst.idx.add.f32.msk $0xffff, v10  }
0xd7: {  	v10 =	vld.idx.msk [tilespmem:v12+s17+$0x0], $0xffff  }
0xd8: {  	v9 =	vld.idx.msk [tilespmem:v9+s21+$0x0], $0xffff  }
0xd9: {  	v11 =	vld.idx.msk [tilespmem:v13+s17+$0x0], $0xffff;
	v12 =	vor.u32 v2, v14  }
0xda: {  	v15 =	vshll.u32 v15, $0x7;
	v13 =	vor.u32 s28, v3  }
0xdb: {  	v17 =	vor.u32 v0, v15  }
0xdc: {  	v18 =	vor.u32 s30, v2;
	v10 =	vmul.f32 v10, v16;
	_ =	sdelay $0x1  }
0xdd: {  	v11 =	vmul.f32 v11, v9;
	[tilespmem:v12+s22+$0x0] =	vst.idx.add.f32.msk $0xffff, v10  }
0xde: {  	v10 =	vld.idx.msk [tilespmem:v13+s17+$0x0], $0xffff  }
0xdf: {  	s29 =	sadd.s32 $0x2, s25;
	[tilespmem:v17+s22+$0x0] =	vst.idx.add.f32.msk $0xffff, v11  }
0xe0: {  	v11 =	vld.idx.msk [tilespmem:v18+s17+$0x0], $0xffff;
	v12 =	vor.u32 v3, v14;
	v13 =	vmov s29  }
0xe1: {  	v17 =	vor.u32 s28, v4;
	v13 =	vand.u32 $0xFFFFFFFE, v13  }
0xe2: {  	v18 =	vor.u32 v2, v15;
	v13 =	vbroadcast v13, $0x0  }
0xe3: {  	s0 =	sadd.s32 $0x1, s29;
	v10 =	vmul.f32 v10, v16  }
0xe4: {  	v20 =	vmov s0  }
0xe5: {  	v19 =	vor.u32 s30, v3;
	v11 =	vmul.f32 v11, v9;
	[tilespmem:v12+s22+$0x0] =	vst.idx.add.f32.msk $0xffff, v10  }
0xe6: {  	s29 =	simm.s32 $0x100;
	v10 =	vld.idx.msk [tilespmem:v17+s17+$0x0], $0xffff  }
0xe7: {  	[tilespmem:v18+s22+$0x0] =	vst.idx.add.f32.msk $0xffff, v11;
	v12 =	vor.u32 s29, v0  }
0xe8: {  	v17 =	vor.u32 v4, v14;
	v18 =	vld.idx.msk [tilespmem:v13+s11+$0x0], $0xffff  }
0xe9: {  	v21 =	vor.u32 s28, v5;
	v22 =	vld.idx.msk [tilespmem:v20+s11+$0x0], $0xffff  }
0xea: {  	s1 =	simm.s32 $0x180;
	v19 =	vld.idx.msk [tilespmem:v19+s17+$0x0], $0xffff  }
0xeb: {  	v23 =	vor.u32 s1, v0;
	v11 =	vld.idx.msk [tilespmem:v13+s21+$0x0], $0xffff;
	v10 =	vmul.f32 v10, v16  }
0xec: {  	v25 =	vor.u32 v3, v15;
	v24 =	vld.idx.msk [tilespmem:v12+s17+$0x0], $0xffff  }
0xed: {  	v13 =	vor.u32 s30, v4;
	v12 =	vshll.u32 v18, $0x7;
	[tilespmem:v17+s22+$0x0] =	vst.idx.add.f32.msk $0xffff, v10  }
0xee: {  	v18 =	vor.u32 v0, v12;
	v17 =	vld.idx.msk [tilespmem:v21+s17+$0x0], $0xffff  }
0xef: {  	v19 =	vmul.f32 v19, v9;
	v10 =	vld.idx.msk [tilespmem:v20+s21+$0x0], $0xffff;
	v20 =	vor.u32 s29, v2  }
0xf0: {  	v21 =	vld.idx.msk [tilespmem:v23+s17+$0x0], $0xffff;
	v23 =	vor.u32 v5, v14  }
0xf1: {  	[tilespmem:v25+s22+$0x0] =	vst.idx.add.f32.msk $0xffff, v19;
	v19 =	vshll.u32 v22, $0x7;
	v22 =	vmul.f32 v24, v11;
	v24 =	vor.u32 s28, v6  }
0xf2: {  	v25 =	vor.u32 v0, v19;
	v13 =	vld.idx.msk [tilespmem:v13+s17+$0x0], $0xffff  }
0xf3: {  	v26 =	vor.u32 s1, v2;
	[tilespmem:v18+s22+$0x0] =	vst.idx.add.f32.msk $0xffff, v22;
	v17 =	vmul.f32 v17, v16  }
0xf4: {  	v18 =	vor.u32 v4, v15;
	v20 =	vld.idx.msk [tilespmem:v20+s17+$0x0], $0xffff  }
0xf5: {  	v22 =	vor.u32 s30, v5;
	v21 =	vmul.f32 v21, v10;
	[tilespmem:v23+s22+$0x0] =	vst.idx.add.f32.msk $0xffff, v17  }
0xf6: {  	v23 =	vor.u32 v2, v12;
	v17 =	vld.idx.msk [tilespmem:v24+s17+$0x0], $0xffff  }
0xf7: {  	v13 =	vmul.f32 v13, v9;
	[tilespmem:v25+s22+$0x0] =	vst.idx.add.f32.msk $0xffff, v21;
	v21 =	vor.u32 s29, v3  }
0xf8: {  	v25 =	vor.u32 v6, v14;
	v24 =	vld.idx.msk [tilespmem:v26+s17+$0x0], $0xffff  }
0xf9: {  	[tilespmem:v18+s22+$0x0] =	vst.idx.add.f32.msk $0xffff, v13;
	v18 =	vor.u32 s28, v7;
	v13 =	vmul.f32 v20, v11  }
0xfa: {  	v20 =	vor.u32 v2, v19;
	v22 =	vld.idx.msk [tilespmem:v22+s17+$0x0], $0xffff  }
0xfb: {  	v26 =	vor.u32 s1, v3;
	[tilespmem:v23+s22+$0x0] =	vst.idx.add.f32.msk $0xffff, v13;
	v13 =	vmul.f32 v17, v16  }
0xfc: {  	v17 =	vor.u32 v5, v15;
	v21 =	vld.idx.msk [tilespmem:v21+s17+$0x0], $0xffff  }
0xfd: {  	v23 =	vor.u32 s30, v6;
	v24 =	vmul.f32 v24, v10;
	[tilespmem:v25+s22+$0x0] =	vst.idx.add.f32.msk $0xffff, v13  }
0xfe: {  	v13 =	vld.idx.msk [tilespmem:v18+s17+$0x0], $0xffff;
	v18 =	vor.u32 v3, v12  }
0xff: {  	s31 =	sadd.s32 $0x4, s25;
	[tilespmem:v20+s22+$0x0] =	vst.idx.add.f32.msk $0xffff, v24;
	v20 =	vmul.f32 v22, v9;
	v22 =	vor.u32 s29, v4  }
0x100: {  	s0 =	sadd.s32 $0x1, s31;
	v25 =	vor.u32 v7, v14;
	v24 =	vld.idx.msk [tilespmem:v26+s17+$0x0], $0xffff  }
0x101: {  	v26 =	vmov s0;
	[tilespmem:v17+s22+$0x0] =	vst.idx.add.f32.msk $0xffff, v20;
	v17 =	vmov s31;
	v20 =	vmul.f32 v21, v11  }
0x102: {  	v21 =	vor.u32 s28, v8;
	v23 =	vld.idx.msk [tilespmem:v23+s17+$0x0], $0xffff;
	v17 =	vand.u32 $0xFFFFFFFE, v17  }
0x103: {  	v17 =	vbroadcast v17, $0x0;
	[tilespmem:v18+s22+$0x0] =	vst.idx.add.f32.msk $0xffff, v20;
	v13 =	vmul.f32 v13, v16  }
0x104: {  	v18 =	vld.idx.msk [tilespmem:v22+s17+$0x0], $0xffff  }
0x105: {  	v20 =	vor.u32 v3, v19;
	[tilespmem:v25+s22+$0x0] =	vst.idx.add.f32.msk $0xffff, v13  }
0x106: {  	s28 =	simm.s32 $0x200;
	v25 =	vld.idx.msk [tilespmem:v26+s11+$0x0], $0xffff  }
0x107: {  	v22 =	vor.u32 s28, v0;
	v21 =	vld.idx.msk [tilespmem:v21+s17+$0x0], $0xffff  }
0x108: {  	v24 =	vmul.f32 v24, v10;
	v13 =	vld.idx.msk [tilespmem:v26+s21+$0x0], $0xffff;
	v26 =	vor.u32 v4, v12  }
0x109: {  	s16 =	simm.s32 $0x280;
	v28 =	vor.u32 v8, v14;
	v27 =	vld.idx.msk [tilespmem:v17+s11+$0x0], $0xffff  }
0x10a: {  	[tilespmem:v20+s22+$0x0] =	vst.idx.add.f32.msk $0xffff, v24;
	v20 =	vor.u32 s16, v0  }
0x10b: {  	v29 =	vor.u32 s29, v5;
	v14 =	vld.idx.msk [tilespmem:v17+s21+$0x0], $0xffff;
	v18 =	vmul.f32 v18, v11  }
0x10c: {  	v17 =	vor.u32 v6, v15;
	v22 =	vld.idx.msk [tilespmem:v22+s17+$0x0], $0xffff;
	v16 =	vmul.f32 v21, v16  }
0x10d: {  	v24 =	vor.u32 s1, v4;
	[tilespmem:v26+s22+$0x0] =	vst.idx.add.f32.msk $0xffff, v18  }
0x10e: {  	v18 =	vor.u32 s30, v7;
	[tilespmem:v28+s22+$0x0] =	vst.idx.add.f32.msk $0xffff, v16;
	v16 =	vshll.u32 v27, $0x7  }
0x10f: {  	v23 =	vmul.f32 v23, v9;
	v20 =	vld.idx.msk [tilespmem:v20+s17+$0x0], $0xffff;
	v26 =	vor.u32 v0, v16  }
0x110: {  	v33 =	vshll.u32 v25, $0x7;
	v21 =	vld.idx.msk [tilespmem:v29+s17+$0x0], $0xffff;
	v27 =	vor.u32 s28, v2  }
0x111: {  	[tilespmem:v17+s22+$0x0] =	vst.idx.add.f32.msk $0xffff, v23;
	v23 =	vor.u32 v0, v33  }
0x112: {  	v24 =	vld.idx.msk [tilespmem:v24+s17+$0x0], $0xffff;
	v28 =	vor.u32 v5, v12;
	v17 =	vmul.f32 v22, v14  }
0x113: {  	v22 =	vor.u32 s29, v6;
	v18 =	vld.idx.msk [tilespmem:v18+s17+$0x0], $0xffff  }
0x114: {  	v25 =	vor.u32 s16, v2;
	v20 =	vmul.f32 v20, v13;
	[tilespmem:v26+s22+$0x0] =	vst.idx.add.f32.msk $0xffff, v17  }
0x115: {  	v17 =	vmul.f32 v21, v11;
	v21 =	vor.u32 v4, v19;
	v26 =	vld.idx.msk [tilespmem:v27+s17+$0x0], $0xffff  }
0x116: {  	v27 =	vor.u32 s1, v5;
	[tilespmem:v23+s22+$0x0] =	vst.idx.add.f32.msk $0xffff, v20  }
0x117: {  	[tilespmem:v28+s22+$0x0] =	vst.idx.add.f32.msk $0xffff, v17;
	v17 =	vor.u32 v7, v15  }
0x118: {  	v29 =	vor.u32 v2, v16;
	v24 =	vmul.f32 v24, v10;
	v22 =	vld.idx.msk [tilespmem:v22+s17+$0x0], $0xffff  }
0x119: {  	v44 =	vor.u32 s30, v8;
	v23 =	vor.u32 s28, v3;
	v32 =	vld.idx.msk [tilespmem:v25+s17+$0x0], $0xffff  }
0x11a: {  	v35 =	vor.u32 s1, v6;
	v34 =	vor.u32 v6, v12;
	v18 =	vmul.f32 v18, v9;
	[tilespmem:v21+s22+$0x0] =	vst.idx.add.f32.msk $0xffff, v24  }
0x11b: {  	v39 =	vor.u32 v5, v19;
	v21 =	vmul.f32 v26, v14;
	v26 =	vor.u32 s29, v7;
	v36 =	vld.idx.msk [tilespmem:v27+s17+$0x0], $0xffff  }
0x11c: {  	v31 =	vor.u32 s16, v4;
	v30 =	vor.u32 v6, v19;
	v38 =	vor.u32 v2, v33;
	[tilespmem:v17+s22+$0x0] =	vst.idx.add.f32.msk $0xffff, v18  }
0x11d: {  	s31 =	sadd.s32 $0x6, s25;
	v41 =	vor.u32 s28, v4;
	v18 =	vor.u32 s16, v3;
	[tilespmem:v29+s22+$0x0] =	vst.idx.add.f32.msk $0xffff, v21;
	v21 =	vmul.f32 v22, v11  }
0x11e: {  	v63 =	vmov s31;
	v42 =	vor.u32 v3, v16;
	v20 =	vor.u32 s1, v8;
	v40 =	vld.idx.msk [tilespmem:v23+s17+$0x0], $0xffff  }
0x11f: {  	v15 =	vor.u32 v8, v15;
	v28 =	vor.u32 s1, v7;
	v23 =	vmul.f32 v32, v13;
	[tilespmem:v34+s22+$0x0] =	vst.idx.add.f32.msk $0xffff, v21  }
0x120: {  	v25 =	vor.u32 v7, v19;
	v24 =	vor.u32 s16, v6;
	v17 =	vor.u32 v8, v19;
	v37 =	vld.idx.msk [tilespmem:v26+s17+$0x0], $0xffff  }
0x121: {  	v27 =	vor.u32 s16, v5;
	v29 =	vor.u32 v4, v33;
	[tilespmem:v38+s22+$0x0] =	vst.idx.add.f32.msk $0xffff, v23;
	v62 =	vmul.f32 v36, v10  }
0x122: {  	v32 =	vor.u32 v3, v33;
	v21 =	vor.u32 v7, v33;
	v26 =	vor.u32 v5, v33;
	v38 =	vld.idx.msk [tilespmem:v18+s17+$0x0], $0xffff  }
0x123: {  	v19 =	vor.u32 s16, v8;
	v23 =	vor.u32 v6, v33;
	[tilespmem:v39+s22+$0x0] =	vst.idx.add.f32.msk $0xffff, v62;
	v39 =	vor.u32 v7, v12  }
0x124: {  	s0 =	sadd.s32 $0x1, s31;
	v18 =	vor.u32 v8, v33;
	v33 =	vld.idx.msk [tilespmem:v44+s17+$0x0], $0xffff;
	v43 =	vmul.f32 v40, v14;
	v40 =	vor.u32 s29, v8  }
0x125: {  	s30 =	simm.s32 $0x6;
	s1 =	simm.s32 $0x8;
	v22 =	vor.u32 s16, v7;
	v34 =	vmov s0;
	v36 =	vld.idx.msk [tilespmem:v35+s17+$0x0], $0xffff;
	v35 =	vand.u32 $0xFFFFFFFE, v63  }
.LBB2_9:
0x126: {  	p0 =	slt.u32 s1, $0x3E;
	v35 =	vbroadcast v35, $0x0;
	[tilespmem:v42+s22+$0x0] =	vst.idx.add.f32.msk $0xffff, v43;
	v37 =	vmul.f32 v37, v11  }
0x127: {  	v41 =	vld.idx.msk [tilespmem:v41+s17+$0x0], $0xffff  }
0x128: {  	s29 =	sshll.u32 s30, $0x7;
	s30 =	smov.u32 s1;
	v38 =	vmul.f32 v38, v13;
	[tilespmem:v39+s22+$0x0] =	vst.idx.add.f32.msk $0xffff, v37  }
0x129: {  	s0 =	sadd.s32 $0x80, s29;
	v37 =	vor.u32 s29, v0;
	v39 =	vld.idx.msk [tilespmem:v40+s17+$0x0], $0xffff  }
0x12a: {  	v42 =	vor.u32 s0, v0;
	v43 =	vor.u32 s0, v2;
	v44 =	vor.u32 s0, v3;
	v40 =	vld.idx.msk [tilespmem:v34+s11+$0x0], $0xffff  }
0x12b: {  	v47 =	vor.u32 v4, v16;
	v45 =	vor.u32 s0, v4;
	v46 =	vor.u32 s0, v5;
	v34 =	vld.idx.msk [tilespmem:v34+s21+$0x0], $0xffff  }
0x12c: {  	v50 =	vor.u32 v8, v12;
	v12 =	vmovc v16;
	v49 =	vor.u32 s0, v6;
	v36 =	vmul.f32 v36, v10;
	v48 =	vld.idx.msk [tilespmem:v35+s11+$0x0], $0xffff  }
0x12d: {  	v53 =	vor.u32 s28, v5;
	v51 =	vor.u32 s0, v7;
	v52 =	vor.u32 s0, v8;
	[tilespmem:v32+s22+$0x0] =	vst.idx.add.f32.msk $0xffff, v38  }
0x12e: {  	v33 =	vmul.f32 v33, v9;
	v9 =	vmovc v10;
	v10 =	vmov v13;
	v16 =	vmul.f32 v41, v14;
	v37 =	vld.idx.msk [tilespmem:v37+s17+$0x0], $0xffff  }
0x12f: {  	v32 =	vmul.f32 v39, v11;
	v11 =	vmov v14;
	v14 =	vld.idx.msk [tilespmem:v35+s21+$0x0], $0xffff  }
0x130: {  	v35 =	vshll.u32 v40, $0x7;
	[tilespmem:v47+s22+$0x0] =	vst.idx.add.f32.msk $0xffff, v16  }
0x131: {  	v38 =	vor.u32 v0, v35;
	v39 =	vor.u32 v2, v35;
	v13 =	vmov v34;
	[tilespmem:v50+s22+$0x0] =	vst.idx.add.f32.msk $0xffff, v32  }
0x132: {  	v34 =	vor.u32 v4, v35;
	v16 =	vshll.u32 v48, $0x7;
	v32 =	vor.u32 v3, v35;
	v40 =	vld.idx.msk [tilespmem:v53+s17+$0x0], $0xffff  }
0x133: {  	v47 =	vor.u32 v5, v35;
	v48 =	vor.u32 v6, v35;
	v41 =	vor.u32 v0, v16;
	v42 =	vld.idx.msk [tilespmem:v42+s17+$0x0], $0xffff  }
0x134: {  	v50 =	vor.u32 s29, v2;
	v53 =	vor.u32 v7, v35;
	v35 =	vor.u32 v8, v35;
	v54 =	vld.idx.msk [tilespmem:v31+s17+$0x0], $0xffff;
	v31 =	vmovc v45  }
0x135: {  	v45 =	vor.u32 v5, v12;
	[tilespmem:v30+s22+$0x0] =	vst.idx.add.f32.msk $0xffff, v36;
	v30 =	vmov v23;
	v23 =	vmov v48  }
0x136: {  	v36 =	vmul.f32 v37, v14;
	v37 =	vor.u32 s28, v6;
	v48 =	vld.idx.msk [tilespmem:v28+s17+$0x0], $0xffff;
	v28 =	vmovc v22;
	v22 =	vmov v51  }
0x137: {  	[tilespmem:v15+s22+$0x0] =	vst.idx.add.f32.msk $0xffff, v33;
	v15 =	vmov v17;
	v17 =	vmov v18;
	v18 =	vmov v35  }
0x138: {  	v33 =	vmul.f32 v40, v11;
	[tilespmem:v41+s22+$0x0] =	vst.idx.add.f32.msk $0xffff, v36  }
0x139: {  	v36 =	vmul.f32 v42, v13;
	v35 =	vld.idx.msk [tilespmem:v50+s17+$0x0], $0xffff  }
0x13a: {  	[tilespmem:v45+s22+$0x0] =	vst.idx.add.f32.msk $0xffff, v33;
	v33 =	vmul.f32 v54, v10  }
0x13b: {  	v37 =	vld.idx.msk [tilespmem:v37+s17+$0x0], $0xffff  }
0x13c: {  	v40 =	vor.u32 v2, v16;
	[tilespmem:v38+s22+$0x0] =	vst.idx.add.f32.msk $0xffff, v36;
	v36 =	vmul.f32 v48, v9  }
0x13d: {  	v38 =	vor.u32 s29, v3;
	v41 =	vld.idx.msk [tilespmem:v43+s17+$0x0], $0xffff  }
0x13e: {  	v42 =	vor.u32 v6, v12;
	[tilespmem:v29+s22+$0x0] =	vst.idx.add.f32.msk $0xffff, v33;
	v29 =	vmov v34  }
0x13f: {  	v33 =	vmul.f32 v35, v14;
	v34 =	vor.u32 s28, v7;
	v35 =	vld.idx.msk [tilespmem:v27+s17+$0x0], $0xffff;
	v27 =	vmov v46  }
0x140: {  	[tilespmem:v25+s22+$0x0] =	vst.idx.add.f32.msk $0xffff, v36;
	v25 =	vmov v21;
	v21 =	vmov v53  }
0x141: {  	[tilespmem:v40+s22+$0x0] =	vst.idx.add.f32.msk $0xffff, v33;
	v33 =	vmul.f32 v37, v11  }
0x142: {  	v36 =	vld.idx.msk [tilespmem:v38+s17+$0x0], $0xffff  }
0x143: {  	v38 =	vmul.f32 v41, v13;
	[tilespmem:v42+s22+$0x0] =	vst.idx.add.f32.msk $0xffff, v33  }
0x144: {  	v37 =	vld.idx.msk [tilespmem:v34+s17+$0x0], $0xffff  }
.Ltmp4:
0x145: {  	v42 =	vor.u32 v3, v16;
	v33 =	vmul.f32 v35, v10;
	[tilespmem:v39+s22+$0x0] =	vst.idx.add.f32.msk $0xffff, v38;
	(pc) =	sbr.rel @p0 .LBB2_9-.Ltmp4, $4  }
0x146: {  	v41 =	vor.u32 s29, v4;
	v38 =	vld.idx.msk [tilespmem:v44+s17+$0x0], $0xffff  }
0x147: {  	s0 =	sadd.s32 s1, s25;
	v39 =	vor.u32 v7, v12;
	[tilespmem:v26+s22+$0x0] =	vst.idx.add.f32.msk $0xffff, v33;
	v26 =	vmov v47  }
0x148: {  	v40 =	vor.u32 s28, v8;
	s28 =	smov.u32 s29;
	v33 =	vmov s0;
	s0 =	sadd.s32 $0x1, s0;
	v43 =	vmul.f32 v36, v14;
	v36 =	vld.idx.msk [tilespmem:v24+s17+$0x0], $0xffff;
	v24 =	vmovc v49  }
0x149: {  	s1 =	sadd.s32 $0x2, s1;
	v35 =	vand.u32 $0xFFFFFFFE, v33;
	v34 =	vmov s0;
	v33 =	vld.idx.msk [tilespmem:v20+s17+$0x0], $0xffff;
	v20 =	vmovc v19;
	v19 =	vmov v52  }
0x14a: {  	v35 =	vbroadcast v35, $0x0;
	_ =	sdelay $0x2  }
0x14b: {  	s29 =	sshll.u32 s30, $0x7  }
0x14c: {  	v44 =	vor.u32 s29, v0;
	_ =	sdelay $0x1  }
0x14d: {  	s1 =	sadd.s32 $0x80, s29;
	v45 =	vld.idx.msk [tilespmem:v35+s11+$0x0], $0xffff  }
0x14e: {  	v46 =	vor.u32 s1, v0  }
0x14f: {  	v47 =	vld.idx.msk [tilespmem:v34+s11+$0x0], $0xffff  }
0x150: {  	v44 =	vld.idx.msk [tilespmem:v44+s17+$0x0], $0xffff  }
0x151: {  	v35 =	vld.idx.msk [tilespmem:v35+s21+$0x0], $0xffff  }
0x152: {  	v34 =	vld.idx.msk [tilespmem:v34+s21+$0x0], $0xffff;
	v45 =	vshll.u32 v45, $0x7  }
0x153: {  	v46 =	vld.idx.msk [tilespmem:v46+s17+$0x0], $0xffff;
	v48 =	vor.u32 v0, v45  }
0x154: {  	v49 =	vor.u32 s29, v2;
	v47 =	vshll.u32 v47, $0x7  }
0x155: {  	v50 =	vor.u32 v0, v47  }
0x156: {  	[tilespmem:v42+s22+$0x0] =	vst.idx.add.f32.msk $0xffff, v43;
	v60 =	vor.u32 s1, v2;
	v61 =	vmul.f32 v44, v35  }
0x157: {  	v41 =	vld.idx.msk [tilespmem:v41+s17+$0x0], $0xffff  }
0x158: {  	v62 =	vmul.f32 v46, v34;
	[tilespmem:v48+s22+$0x0] =	vst.idx.add.f32.msk $0xffff, v61  }
0x159: {  	v63 =	vld.idx.msk [tilespmem:v49+s17+$0x0], $0xffff  }
0x15a: {  	v37 =	vmul.f32 v37, v11;
	[tilespmem:v50+s22+$0x0] =	vst.idx.add.f32.msk $0xffff, v62  }
0x15b: {  	v38 =	vmul.f32 v38, v13;
	v53 =	vor.u32 v2, v45;
	v42 =	vld.idx.msk [tilespmem:v60+s17+$0x0], $0xffff  }
0x15c: {  	v54 =	vor.u32 s29, v3;
	[tilespmem:v39+s22+$0x0] =	vst.idx.add.f32.msk $0xffff, v37  }
0x15d: {  	[tilespmem:v32+s22+$0x0] =	vst.idx.add.f32.msk $0xffff, v38;
	v36 =	vmul.f32 v36, v10;
	v56 =	vor.u32 v2, v47  }
0x15e: {  	v57 =	vor.u32 s1, v3;
	v31 =	vld.idx.msk [tilespmem:v31+s17+$0x0], $0xffff;
	v58 =	vmul.f32 v63, v35  }
0x15f: {  	[tilespmem:v30+s22+$0x0] =	vst.idx.add.f32.msk $0xffff, v36  }
0x160: {  	v52 =	vor.u32 v4, v16;
	v60 =	vmul.f32 v42, v34;
	[tilespmem:v53+s22+$0x0] =	vst.idx.add.f32.msk $0xffff, v58  }
0x161: {  	v59 =	vor.u32 s28, v5;
	v37 =	vld.idx.msk [tilespmem:v54+s17+$0x0], $0xffff  }
0x162: {  	[tilespmem:v56+s22+$0x0] =	vst.idx.add.f32.msk $0xffff, v60  }
0x163: {  	v55 =	vmul.f32 v41, v14;
	v61 =	vor.u32 v3, v45;
	v62 =	vld.idx.msk [tilespmem:v57+s17+$0x0], $0xffff  }
0x164: {  	v28 =	vld.idx.msk [tilespmem:v28+s17+$0x0], $0xffff;
	v63 =	vor.u32 s29, v4  }
0x165: {  	[tilespmem:v52+s22+$0x0] =	vst.idx.add.f32.msk $0xffff, v55;
	v31 =	vmul.f32 v31, v13;
	v46 =	vor.u32 v3, v47  }
0x166: {  	v38 =	vld.idx.msk [tilespmem:v59+s17+$0x0], $0xffff;
	v48 =	vor.u32 s1, v4;
	v30 =	vmul.f32 v37, v35  }
0x167: {  	[tilespmem:v29+s22+$0x0] =	vst.idx.add.f32.msk $0xffff, v31  }
0x168: {  	[tilespmem:v61+s22+$0x0] =	vst.idx.add.f32.msk $0xffff, v30;
	v30 =	vmul.f32 v62, v34  }
0x169: {  	v49 =	vor.u32 v5, v16;
	v32 =	vld.idx.msk [tilespmem:v63+s17+$0x0], $0xffff  }
0x16a: {  	v50 =	vor.u32 s28, v6;
	[tilespmem:v46+s22+$0x0] =	vst.idx.add.f32.msk $0xffff, v30  }
0x16b: {  	v28 =	vmul.f32 v28, v10;
	v30 =	vor.u32 v4, v45;
	v51 =	vld.idx.msk [tilespmem:v48+s17+$0x0], $0xffff  }
0x16c: {  	v52 =	vor.u32 s29, v5;
	v27 =	vld.idx.msk [tilespmem:v27+s17+$0x0], $0xffff;
	v38 =	vmul.f32 v38, v14  }
0x16d: {  	[tilespmem:v25+s22+$0x0] =	vst.idx.add.f32.msk $0xffff, v28;
	v53 =	vor.u32 v4, v47  }
0x16e: {  	[tilespmem:v49+s22+$0x0] =	vst.idx.add.f32.msk $0xffff, v38;
	v54 =	vor.u32 s1, v5;
	v29 =	vmul.f32 v32, v35  }
0x16f: {  	v37 =	vld.idx.msk [tilespmem:v50+s17+$0x0], $0xffff  }
0x170: {  	[tilespmem:v30+s22+$0x0] =	vst.idx.add.f32.msk $0xffff, v29;
	v29 =	vmul.f32 v51, v34  }
0x171: {  	v31 =	vor.u32 v6, v16;
	v30 =	vld.idx.msk [tilespmem:v52+s17+$0x0], $0xffff  }
0x172: {  	v25 =	vmul.f32 v27, v13;
	[tilespmem:v53+s22+$0x0] =	vst.idx.add.f32.msk $0xffff, v29  }
0x173: {  	v55 =	vor.u32 v5, v45;
	v56 =	vld.idx.msk [tilespmem:v54+s17+$0x0], $0xffff  }
0x174: {  	v27 =	vor.u32 s29, v6;
	[tilespmem:v26+s22+$0x0] =	vst.idx.add.f32.msk $0xffff, v25;
	v29 =	vmul.f32 v37, v14  }
0x175: {  	v28 =	vor.u32 v5, v47;
	v24 =	vld.idx.msk [tilespmem:v24+s17+$0x0], $0xffff  }
0x176: {  	[tilespmem:v31+s22+$0x0] =	vst.idx.add.f32.msk $0xffff, v29;
	v29 =	vor.u32 s1, v6;
	v25 =	vmul.f32 v30, v35  }
0x177: {  	v39 =	vld.idx.msk [tilespmem:v40+s17+$0x0], $0xffff  }
0x178: {  	v26 =	vor.u32 s28, v7;
	[tilespmem:v55+s22+$0x0] =	vst.idx.add.f32.msk $0xffff, v25;
	v25 =	vmul.f32 v56, v34  }
0x179: {  	v27 =	vld.idx.msk [tilespmem:v27+s17+$0x0], $0xffff  }
0x17a: {  	v24 =	vmul.f32 v24, v13;
	[tilespmem:v28+s22+$0x0] =	vst.idx.add.f32.msk $0xffff, v25  }
0x17b: {  	v25 =	vor.u32 v6, v45;
	v28 =	vld.idx.msk [tilespmem:v29+s17+$0x0], $0xffff  }
0x17c: {  	[tilespmem:v23+s22+$0x0] =	vst.idx.add.f32.msk $0xffff, v24;
	v29 =	vor.u32 s29, v7  }
0x17d: {  	v26 =	vld.idx.msk [tilespmem:v26+s17+$0x0], $0xffff;
	v30 =	vor.u32 v6, v47  }
0x17e: {  	v22 =	vld.idx.msk [tilespmem:v22+s17+$0x0], $0xffff;
	v31 =	vor.u32 s1, v7;
	v23 =	vmul.f32 v27, v35  }
0x17f: {  	v20 =	vld.idx.msk [tilespmem:v20+s17+$0x0], $0xffff;
	v24 =	vor.u32 v7, v16  }
0x180: {  	[tilespmem:v25+s22+$0x0] =	vst.idx.add.f32.msk $0xffff, v23;
	v23 =	vmul.f32 v28, v34  }
0x181: {  	v25 =	vld.idx.msk [tilespmem:v29+s17+$0x0], $0xffff  }
0x182: {  	v26 =	vmul.f32 v26, v14;
	v27 =	vor.u32 s28, v8;
	[tilespmem:v30+s22+$0x0] =	vst.idx.add.f32.msk $0xffff, v23  }
0x183: {  	v22 =	vmul.f32 v22, v13;
	v23 =	vor.u32 v7, v45;
	v28 =	vld.idx.msk [tilespmem:v31+s17+$0x0], $0xffff  }
0x184: {  	[tilespmem:v24+s22+$0x0] =	vst.idx.add.f32.msk $0xffff, v26;
	v24 =	vor.u32 s29, v8  }
0x185: {  	[tilespmem:v21+s22+$0x0] =	vst.idx.add.f32.msk $0xffff, v22;
	v26 =	vor.u32 v7, v47  }
0x186: {  	v19 =	vld.idx.msk [tilespmem:v19+s17+$0x0], $0xffff;
	v29 =	vor.u32 s1, v8;
	v21 =	vmul.f32 v25, v35  }
0x187: {  	v27 =	vld.idx.msk [tilespmem:v27+s17+$0x0], $0xffff  }
0x188: {  	v12 =	vor.u32 v8, v12;
	[tilespmem:v23+s22+$0x0] =	vst.idx.add.f32.msk $0xffff, v21;
	v21 =	vmul.f32 v28, v34  }
0x189: {  	v22 =	vld.idx.msk [tilespmem:v24+s17+$0x0], $0xffff  }
0x18a: {  	v9 =	vmul.f32 v33, v9;
	v16 =	vor.u32 v8, v16;
	[tilespmem:v26+s22+$0x0] =	vst.idx.add.f32.msk $0xffff, v21  }
0x18b: {  	v11 =	vmul.f32 v39, v11;
	v21 =	vor.u32 v8, v45;
	v23 =	vld.idx.msk [tilespmem:v29+s17+$0x0], $0xffff  }
0x18c: {  	[tilespmem:v15+s22+$0x0] =	vst.idx.add.f32.msk $0xffff, v9;
	v9 =	vmul.f32 v20, v10  }
0x18d: {  	s0 =	sadd.s32 $0x0, s25;
	[tilespmem:v12+s22+$0x0] =	vst.idx.add.f32.msk $0xffff, v11;
	v12 =	vor.u32 v8, v47;
	v11 =	vmul.f32 v27, v14  }
0x18e: {  	s16 =	sadd.s32 $0x40, s0;
	[tilespmem:v17+s22+$0x0] =	vst.idx.add.f32.msk $0xffff, v9;
	v10 =	vmul.f32 v22, v35  }
0x18f: {  	v9 =	vmul.f32 v19, v13;
	s28 =	sshll.u32 s26, $0x1;
	[tilespmem:v16+s22+$0x0] =	vst.idx.add.f32.msk $0xffff, v11;
	v11 =	vmov s16  }
0x190: {  	s30 =	smin.u32 s28, $0xA6;
	v11 =	vand.u32 $0xFFFFFFFE, v11;
	[tilespmem:v21+s22+$0x0] =	vst.idx.add.f32.msk $0xffff, v10;
	v10 =	vmul.f32 v23, v34  }
0x191: {  	[tilespmem:v18+s22+$0x0] =	vst.idx.add.f32.msk $0xffff, v9;
	s28 =	sshll.u32 s30, $0x6;
	v9 =	vbroadcast v11, $0x0  }
0x192: {  	s1 =	sadd.s32 $0x5580, s28;
	[tilespmem:v12+s22+$0x0] =	vst.idx.add.f32.msk $0xffff, v10  }
0x193: {  	[tilespmem:s17], [sflag:$0x1] =	stream.indirect.gather [hbm4b:s4+s15], $0x80, s1, s15, $0xb8;
	[tilespmem:$0x1B580] =	vst v63  }
0x194: {  	s29 =	simm.s32 $0x0;
	_ =	swait.ge [sflag:s23], $0x2000  }
0x195: {  	v10 =	vor.u32 s29, v0;
	[sflag:s23] =	ssyncset.done $0x0  }
0x196: {  	[sflag:s23] =	ssyncadd.s32 $0xFFFFE000  }
0x197: {  	v11 =	vld.idx.msk [tilespmem:v9+s11+$0x0], $0xffff;
	_ =	sdelay $0x2  }
0x198: {  	v10 =	vld.idx.msk [tilespmem:v10+s19+$0x0], $0xffff  }
0x199: {  	s0 =	sadd.s32 $0x41, s0;
	v16 =	vld.idx.msk [tilespmem:v9+s21+$0x0], $0xffff  }
0x19a: {  	v9 =	vmov s0;
	v14 =	vshll.u32 v11, $0x7  }
0x19b: {  	v11 =	vor.u32 v0, v14  }
0x19c: {  	v12 =	vor.u32 s29, v2  }
0x19d: {  	s31 =	simm.s32 $0x80  }
0x19e: {  	v13 =	vor.u32 s31, v0;
	v10 =	vmul.f32 v10, v16  }
0x19f: {  	v15 =	vld.idx.msk [tilespmem:v9+s11+$0x0], $0xffff  }
0x1a0: {  	[tilespmem:v11+s22+$0x0] =	vst.idx.add.f32.msk $0xffff, v10  }
0x1a1: {  	v10 =	vld.idx.msk [tilespmem:v12+s19+$0x0], $0xffff  }
0x1a2: {  	v9 =	vld.idx.msk [tilespmem:v9+s21+$0x0], $0xffff  }
0x1a3: {  	v11 =	vld.idx.msk [tilespmem:v13+s19+$0x0], $0xffff;
	v12 =	vor.u32 v2, v14  }
0x1a4: {  	v15 =	vshll.u32 v15, $0x7;
	v13 =	vor.u32 s29, v3  }
0x1a5: {  	v17 =	vor.u32 v0, v15  }
0x1a6: {  	v18 =	vor.u32 s31, v2;
	v10 =	vmul.f32 v10, v16;
	_ =	sdelay $0x1  }
0x1a7: {  	v11 =	vmul.f32 v11, v9;
	[tilespmem:v12+s22+$0x0] =	vst.idx.add.f32.msk $0xffff, v10  }
0x1a8: {  	s16 =	sadd.s32 $0x2, s25;
	v10 =	vld.idx.msk [tilespmem:v13+s19+$0x0], $0xffff  }
0x1a9: {  	s30 =	sadd.s32 $0x40, s16;
	[tilespmem:v17+s22+$0x0] =	vst.idx.add.f32.msk $0xffff, v11  }
0x1aa: {  	v11 =	vld.idx.msk [tilespmem:v18+s19+$0x0], $0xffff;
	v12 =	vor.u32 v3, v14;
	v13 =	vmov s30  }
0x1ab: {  	v17 =	vor.u32 s29, v4;
	v13 =	vand.u32 $0xFFFFFFFE, v13  }
0x1ac: {  	v18 =	vor.u32 v2, v15;
	v13 =	vbroadcast v13, $0x0  }
0x1ad: {  	s0 =	sadd.s32 $0x41, s16;
	v10 =	vmul.f32 v10, v16  }
0x1ae: {  	v20 =	vmov s0  }
0x1af: {  	v19 =	vor.u32 s31, v3;
	v11 =	vmul.f32 v11, v9;
	[tilespmem:v12+s22+$0x0] =	vst.idx.add.f32.msk $0xffff, v10  }
0x1b0: {  	s30 =	simm.s32 $0x100;
	v10 =	vld.idx.msk [tilespmem:v17+s19+$0x0], $0xffff  }
0x1b1: {  	[tilespmem:v18+s22+$0x0] =	vst.idx.add.f32.msk $0xffff, v11;
	v12 =	vor.u32 s30, v0  }
0x1b2: {  	v17 =	vor.u32 v4, v14;
	v18 =	vld.idx.msk [tilespmem:v13+s11+$0x0], $0xffff  }
0x1b3: {  	v21 =	vor.u32 s29, v5;
	v22 =	vld.idx.msk [tilespmem:v20+s11+$0x0], $0xffff  }
0x1b4: {  	s1 =	simm.s32 $0x180;
	v19 =	vld.idx.msk [tilespmem:v19+s19+$0x0], $0xffff  }
0x1b5: {  	v23 =	vor.u32 s1, v0;
	v11 =	vld.idx.msk [tilespmem:v13+s21+$0x0], $0xffff;
	v10 =	vmul.f32 v10, v16  }
0x1b6: {  	v25 =	vor.u32 v3, v15;
	v24 =	vld.idx.msk [tilespmem:v12+s19+$0x0], $0xffff  }
0x1b7: {  	v13 =	vor.u32 s31, v4;
	v12 =	vshll.u32 v18, $0x7;
	[tilespmem:v17+s22+$0x0] =	vst.idx.add.f32.msk $0xffff, v10  }
0x1b8: {  	v18 =	vor.u32 v0, v12;
	v17 =	vld.idx.msk [tilespmem:v21+s19+$0x0], $0xffff  }
0x1b9: {  	v19 =	vmul.f32 v19, v9;
	v10 =	vld.idx.msk [tilespmem:v20+s21+$0x0], $0xffff;
	v20 =	vor.u32 s30, v2  }
0x1ba: {  	v21 =	vld.idx.msk [tilespmem:v23+s19+$0x0], $0xffff;
	v23 =	vor.u32 v5, v14  }
0x1bb: {  	v22 =	vshll.u32 v22, $0x7;
	[tilespmem:v25+s22+$0x0] =	vst.idx.add.f32.msk $0xffff, v19;
	v19 =	vmul.f32 v24, v11;
	v24 =	vor.u32 s29, v6  }
0x1bc: {  	v25 =	vor.u32 v0, v22;
	v13 =	vld.idx.msk [tilespmem:v13+s19+$0x0], $0xffff  }
0x1bd: {  	v26 =	vor.u32 s1, v2;
	[tilespmem:v18+s22+$0x0] =	vst.idx.add.f32.msk $0xffff, v19;
	v17 =	vmul.f32 v17, v16  }
0x1be: {  	v18 =	vor.u32 v4, v15;
	v19 =	vld.idx.msk [tilespmem:v20+s19+$0x0], $0xffff  }
0x1bf: {  	v20 =	vor.u32 s31, v5;
	v21 =	vmul.f32 v21, v10;
	[tilespmem:v23+s22+$0x0] =	vst.idx.add.f32.msk $0xffff, v17  }
0x1c0: {  	v23 =	vor.u32 v2, v12;
	v17 =	vld.idx.msk [tilespmem:v24+s19+$0x0], $0xffff  }
0x1c1: {  	v13 =	vmul.f32 v13, v9;
	[tilespmem:v25+s22+$0x0] =	vst.idx.add.f32.msk $0xffff, v21;
	v21 =	vor.u32 s30, v3  }
0x1c2: {  	v25 =	vor.u32 v6, v14;
	v24 =	vld.idx.msk [tilespmem:v26+s19+$0x0], $0xffff  }
0x1c3: {  	[tilespmem:v18+s22+$0x0] =	vst.idx.add.f32.msk $0xffff, v13;
	v18 =	vor.u32 s29, v7;
	v13 =	vmul.f32 v19, v11  }
0x1c4: {  	v19 =	vor.u32 v2, v22;
	v20 =	vld.idx.msk [tilespmem:v20+s19+$0x0], $0xffff  }
0x1c5: {  	v26 =	vor.u32 s1, v3;
	[tilespmem:v23+s22+$0x0] =	vst.idx.add.f32.msk $0xffff, v13;
	v13 =	vmul.f32 v17, v16  }
0x1c6: {  	v17 =	vor.u32 v5, v15;
	v21 =	vld.idx.msk [tilespmem:v21+s19+$0x0], $0xffff  }
0x1c7: {  	v23 =	vor.u32 s31, v6;
	v24 =	vmul.f32 v24, v10;
	[tilespmem:v25+s22+$0x0] =	vst.idx.add.f32.msk $0xffff, v13  }
0x1c8: {  	v13 =	vld.idx.msk [tilespmem:v18+s19+$0x0], $0xffff;
	v18 =	vor.u32 v3, v12  }
0x1c9: {  	s0 =	sadd.s32 $0x4, s25;
	[tilespmem:v19+s22+$0x0] =	vst.idx.add.f32.msk $0xffff, v24;
	v19 =	vmul.f32 v20, v9;
	v20 =	vor.u32 s30, v4  }
0x1ca: {  	s16 =	sadd.s32 $0x40, s0;
	v25 =	vor.u32 v7, v14;
	v24 =	vld.idx.msk [tilespmem:v26+s19+$0x0], $0xffff  }
0x1cb: {  	s0 =	sadd.s32 $0x41, s0;
	v26 =	vmov s16;
	[tilespmem:v17+s22+$0x0] =	vst.idx.add.f32.msk $0xffff, v19;
	v17 =	vmul.f32 v21, v11;
	v19 =	vor.u32 s29, v8  }
0x1cc: {  	v21 =	vld.idx.msk [tilespmem:v23+s19+$0x0], $0xffff;
	v23 =	vand.u32 $0xFFFFFFFE, v26;
	v26 =	vmov s0  }
0x1cd: {  	v23 =	vbroadcast v23, $0x0;
	[tilespmem:v18+s22+$0x0] =	vst.idx.add.f32.msk $0xffff, v17;
	v13 =	vmul.f32 v13, v16  }
0x1ce: {  	v17 =	vld.idx.msk [tilespmem:v20+s19+$0x0], $0xffff  }
0x1cf: {  	v18 =	vor.u32 v3, v22;
	[tilespmem:v25+s22+$0x0] =	vst.idx.add.f32.msk $0xffff, v13  }
0x1d0: {  	s29 =	simm.s32 $0x200;
	v19 =	vld.idx.msk [tilespmem:v19+s19+$0x0], $0xffff  }
0x1d1: {  	v20 =	vor.u32 s29, v0;
	v25 =	vld.idx.msk [tilespmem:v26+s11+$0x0], $0xffff  }
0x1d2: {  	v24 =	vmul.f32 v24, v10;
	v13 =	vld.idx.msk [tilespmem:v26+s21+$0x0], $0xffff;
	v26 =	vor.u32 v4, v12  }
0x1d3: {  	v28 =	vor.u32 v8, v14;
	v27 =	vld.idx.msk [tilespmem:v23+s11+$0x0], $0xffff  }
0x1d4: {  	v29 =	vor.u32 s30, v5;
	s16 =	simm.s32 $0x280;
	[tilespmem:v18+s22+$0x0] =	vst.idx.add.f32.msk $0xffff, v24  }
0x1d5: {  	v18 =	vor.u32 s16, v0;
	v14 =	vld.idx.msk [tilespmem:v23+s21+$0x0], $0xffff;
	v17 =	vmul.f32 v17, v11  }
0x1d6: {  	v24 =	vor.u32 s1, v4;
	v20 =	vld.idx.msk [tilespmem:v20+s19+$0x0], $0xffff;
	v16 =	vmul.f32 v19, v16  }
0x1d7: {  	v19 =	vor.u32 v6, v15;
	[tilespmem:v26+s22+$0x0] =	vst.idx.add.f32.msk $0xffff, v17  }
0x1d8: {  	v17 =	vor.u32 s31, v7;
	[tilespmem:v28+s22+$0x0] =	vst.idx.add.f32.msk $0xffff, v16;
	v16 =	vshll.u32 v27, $0x7  }
0x1d9: {  	v23 =	vld.idx.msk [tilespmem:v29+s19+$0x0], $0xffff;
	v26 =	vor.u32 v0, v16  }
0x1da: {  	v21 =	vmul.f32 v21, v9;
	v18 =	vld.idx.msk [tilespmem:v18+s19+$0x0], $0xffff;
	v27 =	vor.u32 s29, v2  }
0x1db: {  	v57 =	vshll.u32 v25, $0x7;
	v24 =	vld.idx.msk [tilespmem:v24+s19+$0x0], $0xffff;
	v28 =	vor.u32 v5, v12  }
0x1dc: {  	[tilespmem:v19+s22+$0x0] =	vst.idx.add.f32.msk $0xffff, v21;
	v19 =	vmul.f32 v20, v14;
	v21 =	vor.u32 v0, v57  }
0x1dd: {  	v20 =	vor.u32 s30, v6;
	v17 =	vld.idx.msk [tilespmem:v17+s19+$0x0], $0xffff  }
0x1de: {  	v25 =	vor.u32 s16, v2;
	[tilespmem:v26+s22+$0x0] =	vst.idx.add.f32.msk $0xffff, v19;
	v19 =	vmul.f32 v23, v11  }
0x1df: {  	v18 =	vmul.f32 v18, v13;
	v23 =	vor.u32 v4, v22;
	v26 =	vld.idx.msk [tilespmem:v27+s19+$0x0], $0xffff  }
0x1e0: {  	v29 =	vor.u32 v7, v15;
	[tilespmem:v28+s22+$0x0] =	vst.idx.add.f32.msk $0xffff, v19  }
0x1e1: {  	v27 =	vor.u32 s1, v5;
	[tilespmem:v21+s22+$0x0] =	vst.idx.add.f32.msk $0xffff, v18  }
0x1e2: {  	v19 =	vmul.f32 v24, v10;
	v24 =	vor.u32 v2, v16;
	v20 =	vld.idx.msk [tilespmem:v20+s19+$0x0], $0xffff  }
0x1e3: {  	v32 =	vor.u32 s31, v8;
	v18 =	vor.u32 s29, v3;
	v21 =	vld.idx.msk [tilespmem:v25+s19+$0x0], $0xffff;
	v17 =	vmul.f32 v17, v9  }
0x1e4: {  	v58 =	vor.u32 s1, v6;
	v60 =	vor.u32 v5, v22;
	v25 =	vor.u32 v6, v12;
	[tilespmem:v23+s22+$0x0] =	vst.idx.add.f32.msk $0xffff, v19  }
0x1e5: {  	v30 =	vor.u32 v6, v22;
	[tilespmem:v29+s22+$0x0] =	vst.idx.add.f32.msk $0xffff, v17;
	v23 =	vmul.f32 v26, v14;
	v26 =	vor.u32 s30, v7  }
0x1e6: {  	v42 =	vor.u32 s30, v8;
	v39 =	vor.u32 v7, v12;
	v61 =	vor.u32 v2, v57;
	v59 =	vld.idx.msk [tilespmem:v27+s19+$0x0], $0xffff  }
0x1e7: {  	v62 =	vor.u32 s16, v3;
	v31 =	vor.u32 s16, v4;
	[tilespmem:v24+s22+$0x0] =	vst.idx.add.f32.msk $0xffff, v23;
	v20 =	vmul.f32 v20, v11  }
0x1e8: {  	v41 =	vor.u32 s29, v4;
	v15 =	vor.u32 v8, v15;
	v33 =	vor.u32 v3, v57;
	v63 =	vld.idx.msk [tilespmem:v18+s19+$0x0], $0xffff  }
0x1e9: {  	v40 =	vor.u32 v3, v16;
	v28 =	vor.u32 s1, v7;
	v18 =	vmul.f32 v21, v13;
	[tilespmem:v25+s22+$0x0] =	vst.idx.add.f32.msk $0xffff, v20  }
0x1ea: {  	v19 =	vor.u32 s1, v8;
	v17 =	vor.u32 v8, v22;
	v29 =	vor.u32 v4, v57;
	v37 =	vld.idx.msk [tilespmem:v26+s19+$0x0], $0xffff  }
0x1eb: {  	v27 =	vor.u32 s16, v5;
	v24 =	vor.u32 v7, v22;
	[tilespmem:v61+s22+$0x0] =	vst.idx.add.f32.msk $0xffff, v18;
	v36 =	vmul.f32 v59, v10  }
0x1ec: {  	s1 =	sadd.s32 $0x6, s25;
	v23 =	vor.u32 s16, v6;
	v22 =	vor.u32 v6, v57;
	v21 =	vor.u32 s16, v7;
	v38 =	vld.idx.msk [tilespmem:v62+s19+$0x0], $0xffff  }
0x1ed: {  	v25 =	vor.u32 s16, v8;
	v20 =	vor.u32 v7, v57;
	s16 =	sadd.s32 $0x40, s1;
	v26 =	vor.u32 v5, v57;
	[tilespmem:v60+s22+$0x0] =	vst.idx.add.f32.msk $0xffff, v36  }
0x1ee: {  	s31 =	simm.s32 $0x6;
	s0 =	sadd.s32 $0x41, s1;
	s1 =	simm.s32 $0x8;
	v18 =	vor.u32 v8, v57;
	v34 =	vmov s16;
	v43 =	vmul.f32 v63, v14;
	v36 =	vld.idx.msk [tilespmem:v58+s19+$0x0], $0xffff  }
.LBB2_11:
0x1ef: {  	p0 =	slt.u32 s1, $0x3E;
	v34 =	vand.u32 $0xFFFFFFFE, v34;
	v35 =	vmov s0;
	v44 =	vld.idx.msk [tilespmem:v32+s19+$0x0], $0xffff;
	v32 =	vmovc v19;
	v19 =	vmov v25  }
0x1f0: {  	v25 =	vmul.f32 v37, v11;
	v34 =	vbroadcast v34, $0x0;
	[tilespmem:v40+s22+$0x0] =	vst.idx.add.f32.msk $0xffff, v43  }
0x1f1: {  	v37 =	vld.idx.msk [tilespmem:v41+s19+$0x0], $0xffff  }
0x1f2: {  	s30 =	sshll.u32 s31, $0x7;
	s31 =	smov.u32 s1;
	v38 =	vmul.f32 v38, v13;
	[tilespmem:v39+s22+$0x0] =	vst.idx.add.f32.msk $0xffff, v25  }
0x1f3: {  	s0 =	sadd.s32 $0x80, s30;
	v39 =	vor.u32 s30, v0;
	v40 =	vld.idx.msk [tilespmem:v42+s19+$0x0], $0xffff  }
0x1f4: {  	v43 =	vor.u32 s0, v2;
	v45 =	vor.u32 s0, v3;
	v42 =	vor.u32 s0, v0;
	v41 =	vld.idx.msk [tilespmem:v35+s11+$0x0], $0xffff  }
0x1f5: {  	v48 =	vor.u32 v4, v16;
	v46 =	vor.u32 s0, v4;
	v47 =	vor.u32 s0, v5;
	v35 =	vld.idx.msk [tilespmem:v35+s21+$0x0], $0xffff  }
0x1f6: {  	v51 =	vor.u32 v8, v12;
	v12 =	vmovc v16;
	v50 =	vor.u32 s0, v6;
	v36 =	vmul.f32 v36, v10;
	v49 =	vld.idx.msk [tilespmem:v34+s11+$0x0], $0xffff  }
0x1f7: {  	v53 =	vor.u32 s29, v5;
	v52 =	vor.u32 s0, v7;
	v25 =	vor.u32 s0, v8;
	[tilespmem:v33+s22+$0x0] =	vst.idx.add.f32.msk $0xffff, v38  }
0x1f8: {  	v16 =	vmul.f32 v37, v14;
	v37 =	vmul.f32 v44, v9;
	v9 =	vmovc v10;
	v10 =	vmov v13;
	v38 =	vld.idx.msk [tilespmem:v39+s19+$0x0], $0xffff  }
0x1f9: {  	v33 =	vmul.f32 v40, v11;
	v11 =	vmov v14;
	v14 =	vld.idx.msk [tilespmem:v34+s21+$0x0], $0xffff  }
0x1fa: {  	v34 =	vshll.u32 v41, $0x7;
	[tilespmem:v48+s22+$0x0] =	vst.idx.add.f32.msk $0xffff, v16  }
0x1fb: {  	v39 =	vor.u32 v0, v34;
	v41 =	vor.u32 v2, v34;
	v13 =	vmov v35;
	[tilespmem:v51+s22+$0x0] =	vst.idx.add.f32.msk $0xffff, v33  }
0x1fc: {  	v35 =	vor.u32 v4, v34;
	v16 =	vshll.u32 v49, $0x7;
	v33 =	vor.u32 v3, v34;
	v40 =	vld.idx.msk [tilespmem:v53+s19+$0x0], $0xffff  }
0x1fd: {  	v48 =	vor.u32 v5, v34;
	v49 =	vor.u32 v6, v34;
	v44 =	vor.u32 v0, v16;
	v42 =	vld.idx.msk [tilespmem:v42+s19+$0x0], $0xffff  }
0x1fe: {  	v51 =	vor.u32 s30, v2;
	v53 =	vor.u32 v7, v34;
	v34 =	vor.u32 v8, v34;
	v54 =	vld.idx.msk [tilespmem:v31+s19+$0x0], $0xffff;
	v31 =	vmovc v46  }
0x1ff: {  	v46 =	vor.u32 v5, v12;
	[tilespmem:v30+s22+$0x0] =	vst.idx.add.f32.msk $0xffff, v36;
	v30 =	vmov v22;
	v22 =	vmov v49  }
0x200: {  	v36 =	vmul.f32 v38, v14;
	v38 =	vor.u32 s29, v6;
	v49 =	vld.idx.msk [tilespmem:v28+s19+$0x0], $0xffff;
	v28 =	vmovc v21;
	v21 =	vmov v52  }
0x201: {  	[tilespmem:v15+s22+$0x0] =	vst.idx.add.f32.msk $0xffff, v37;
	v15 =	vmov v17;
	v17 =	vmov v18;
	v18 =	vmov v34  }
0x202: {  	v34 =	vmul.f32 v40, v11;
	[tilespmem:v44+s22+$0x0] =	vst.idx.add.f32.msk $0xffff, v36  }
0x203: {  	v37 =	vmul.f32 v42, v13;
	v36 =	vld.idx.msk [tilespmem:v51+s19+$0x0], $0xffff  }
0x204: {  	[tilespmem:v46+s22+$0x0] =	vst.idx.add.f32.msk $0xffff, v34;
	v34 =	vmul.f32 v54, v10  }
0x205: {  	v38 =	vld.idx.msk [tilespmem:v38+s19+$0x0], $0xffff  }
0x206: {  	v40 =	vor.u32 v2, v16;
	[tilespmem:v39+s22+$0x0] =	vst.idx.add.f32.msk $0xffff, v37;
	v37 =	vmul.f32 v49, v9  }
0x207: {  	v39 =	vor.u32 s30, v3;
	v42 =	vld.idx.msk [tilespmem:v43+s19+$0x0], $0xffff  }
0x208: {  	v43 =	vor.u32 v6, v12;
	[tilespmem:v29+s22+$0x0] =	vst.idx.add.f32.msk $0xffff, v34;
	v29 =	vmov v35  }
0x209: {  	v34 =	vmul.f32 v36, v14;
	v35 =	vor.u32 s29, v7;
	v36 =	vld.idx.msk [tilespmem:v27+s19+$0x0], $0xffff;
	v27 =	vmov v47  }
0x20a: {  	[tilespmem:v24+s22+$0x0] =	vst.idx.add.f32.msk $0xffff, v37;
	v24 =	vmov v20;
	v20 =	vmov v53  }
0x20b: {  	[tilespmem:v40+s22+$0x0] =	vst.idx.add.f32.msk $0xffff, v34;
	v34 =	vmul.f32 v38, v11  }
0x20c: {  	v44 =	vld.idx.msk [tilespmem:v39+s19+$0x0], $0xffff  }
0x20d: {  	v38 =	vmul.f32 v42, v13;
	[tilespmem:v43+s22+$0x0] =	vst.idx.add.f32.msk $0xffff, v34  }
.Ltmp5:
0x20e: {  	v37 =	vld.idx.msk [tilespmem:v35+s19+$0x0], $0xffff;
	(pc) =	sbr.rel @p0 .LBB2_11-.Ltmp5, $4  }
0x20f: {  	v40 =	vor.u32 v3, v16;
	v34 =	vmul.f32 v36, v10;
	[tilespmem:v41+s22+$0x0] =	vst.idx.add.f32.msk $0xffff, v38  }
0x210: {  	s0 =	sadd.s32 s1, s25;
	v41 =	vor.u32 s30, v4;
	v38 =	vld.idx.msk [tilespmem:v45+s19+$0x0], $0xffff  }
0x211: {  	s16 =	sadd.s32 $0x40, s0;
	s0 =	sadd.s32 $0x41, s0;
	v39 =	vor.u32 v7, v12;
	[tilespmem:v26+s22+$0x0] =	vst.idx.add.f32.msk $0xffff, v34;
	v26 =	vmov v48  }
0x212: {  	s1 =	sadd.s32 $0x2, s1;
	v42 =	vor.u32 s29, v8;
	s29 =	smov.u32 s30;
	v34 =	vmov s16;
	v43 =	vmul.f32 v44, v14;
	v36 =	vld.idx.msk [tilespmem:v23+s19+$0x0], $0xffff;
	v23 =	vmovc v50  }
0x213: {  	v34 =	vand.u32 $0xFFFFFFFE, v34  }
0x214: {  	v34 =	vbroadcast v34, $0x0;
	_ =	sdelay $0x2  }
0x215: {  	v44 =	vmov s0;
	s30 =	sshll.u32 s31, $0x7  }
0x216: {  	v35 =	vor.u32 s30, v0;
	_ =	sdelay $0x1  }
0x217: {  	s1 =	sadd.s32 $0x80, s30;
	v45 =	vld.idx.msk [tilespmem:v34+s11+$0x0], $0xffff  }
0x218: {  	v46 =	vor.u32 s1, v0  }
0x219: {  	v47 =	vld.idx.msk [tilespmem:v44+s11+$0x0], $0xffff  }
0x21a: {  	v48 =	vld.idx.msk [tilespmem:v35+s19+$0x0], $0xffff  }
0x21b: {  	v35 =	vld.idx.msk [tilespmem:v34+s21+$0x0], $0xffff  }
0x21c: {  	v34 =	vld.idx.msk [tilespmem:v44+s21+$0x0], $0xffff;
	v44 =	vshll.u32 v45, $0x7  }
0x21d: {  	v46 =	vld.idx.msk [tilespmem:v46+s19+$0x0], $0xffff;
	v45 =	vor.u32 v0, v44  }
0x21e: {  	v32 =	vld.idx.msk [tilespmem:v32+s19+$0x0], $0xffff;
	v49 =	vor.u32 s30, v2;
	v47 =	vshll.u32 v47, $0x7  }
0x21f: {  	v37 =	vmul.f32 v37, v11;
	[tilespmem:v40+s22+$0x0] =	vst.idx.add.f32.msk $0xffff, v43;
	v50 =	vor.u32 v0, v47  }
0x220: {  	v63 =	vor.u32 s1, v2;
	v41 =	vld.idx.msk [tilespmem:v41+s19+$0x0], $0xffff;
	v48 =	vmul.f32 v48, v35  }
0x221: {  	[tilespmem:v39+s22+$0x0] =	vst.idx.add.f32.msk $0xffff, v37  }
0x222: {  	v51 =	vmul.f32 v46, v34;
	[tilespmem:v45+s22+$0x0] =	vst.idx.add.f32.msk $0xffff, v48  }
0x223: {  	v45 =	vld.idx.msk [tilespmem:v49+s19+$0x0], $0xffff  }
0x224: {  	[tilespmem:v50+s22+$0x0] =	vst.idx.add.f32.msk $0xffff, v51  }
0x225: {  	v38 =	vmul.f32 v38, v13;
	v53 =	vor.u32 v2, v44;
	v40 =	vld.idx.msk [tilespmem:v63+s19+$0x0], $0xffff  }
0x226: {  	v54 =	vor.u32 s30, v3;
	v39 =	vld.idx.msk [tilespmem:v42+s19+$0x0], $0xffff  }
0x227: {  	[tilespmem:v33+s22+$0x0] =	vst.idx.add.f32.msk $0xffff, v38;
	v36 =	vmul.f32 v36, v10;
	v55 =	vor.u32 v2, v47  }
0x228: {  	v56 =	vor.u32 s1, v3;
	v31 =	vld.idx.msk [tilespmem:v31+s19+$0x0], $0xffff;
	v57 =	vmul.f32 v45, v35  }
0x229: {  	[tilespmem:v30+s22+$0x0] =	vst.idx.add.f32.msk $0xffff, v36  }
0x22a: {  	v59 =	vmul.f32 v40, v34;
	[tilespmem:v53+s22+$0x0] =	vst.idx.add.f32.msk $0xffff, v57  }
0x22b: {  	v52 =	vor.u32 v4, v16;
	v37 =	vld.idx.msk [tilespmem:v54+s19+$0x0], $0xffff  }
0x22c: {  	v58 =	vor.u32 s29, v5;
	[tilespmem:v55+s22+$0x0] =	vst.idx.add.f32.msk $0xffff, v59  }
0x22d: {  	v9 =	vmul.f32 v32, v9;
	v60 =	vor.u32 v3, v44;
	v61 =	vld.idx.msk [tilespmem:v56+s19+$0x0], $0xffff  }
0x22e: {  	v62 =	vor.u32 s30, v4;
	v41 =	vmul.f32 v41, v14;
	v28 =	vld.idx.msk [tilespmem:v28+s19+$0x0], $0xffff  }
0x22f: {  	[tilespmem:v15+s22+$0x0] =	vst.idx.add.f32.msk $0xffff, v9;
	v63 =	vor.u32 v3, v47  }
0x230: {  	[tilespmem:v52+s22+$0x0] =	vst.idx.add.f32.msk $0xffff, v41;
	v45 =	vor.u32 s1, v4;
	v46 =	vmul.f32 v37, v35  }
0x231: {  	v38 =	vld.idx.msk [tilespmem:v58+s19+$0x0], $0xffff  }
0x232: {  	v50 =	vmul.f32 v61, v34;
	[tilespmem:v60+s22+$0x0] =	vst.idx.add.f32.msk $0xffff, v46  }
0x233: {  	v48 =	vor.u32 v5, v16;
	v33 =	vld.idx.msk [tilespmem:v62+s19+$0x0], $0xffff  }
0x234: {  	v31 =	vmul.f32 v31, v13;
	v49 =	vor.u32 s29, v6;
	[tilespmem:v63+s22+$0x0] =	vst.idx.add.f32.msk $0xffff, v50  }
0x235: {  	v51 =	vor.u32 v4, v44;
	v52 =	vld.idx.msk [tilespmem:v45+s19+$0x0], $0xffff  }
0x236: {  	[tilespmem:v29+s22+$0x0] =	vst.idx.add.f32.msk $0xffff, v31;
	v38 =	vmul.f32 v38, v14;
	v53 =	vor.u32 s30, v5  }
0x237: {  	v27 =	vld.idx.msk [tilespmem:v27+s19+$0x0], $0xffff;
	v54 =	vor.u32 v4, v47  }
0x238: {  	[tilespmem:v48+s22+$0x0] =	vst.idx.add.f32.msk $0xffff, v38;
	v55 =	vor.u32 s1, v5;
	v56 =	vmul.f32 v33, v35  }
0x239: {  	v37 =	vld.idx.msk [tilespmem:v49+s19+$0x0], $0xffff  }
0x23a: {  	v58 =	vmul.f32 v52, v34;
	[tilespmem:v51+s22+$0x0] =	vst.idx.add.f32.msk $0xffff, v56  }
0x23b: {  	v30 =	vld.idx.msk [tilespmem:v53+s19+$0x0], $0xffff  }
0x23c: {  	v28 =	vmul.f32 v28, v10;
	v57 =	vor.u32 v6, v16;
	[tilespmem:v54+s22+$0x0] =	vst.idx.add.f32.msk $0xffff, v58  }
0x23d: {  	v60 =	vor.u32 v5, v44;
	v62 =	vmul.f32 v27, v13;
	v61 =	vld.idx.msk [tilespmem:v55+s19+$0x0], $0xffff  }
0x23e: {  	[tilespmem:v24+s22+$0x0] =	vst.idx.add.f32.msk $0xffff, v28;
	v63 =	vor.u32 s30, v6  }
0x23f: {  	v59 =	vmul.f32 v37, v14;
	v37 =	vor.u32 v5, v47;
	[tilespmem:v26+s22+$0x0] =	vst.idx.add.f32.msk $0xffff, v62  }
0x240: {  	v38 =	vor.u32 s1, v6;
	v23 =	vld.idx.msk [tilespmem:v23+s19+$0x0], $0xffff;
	v40 =	vmul.f32 v30, v35  }
0x241: {  	v41 =	vor.u32 s29, v7;
	[tilespmem:v57+s22+$0x0] =	vst.idx.add.f32.msk $0xffff, v59  }
0x242: {  	v42 =	vmul.f32 v61, v34;
	[tilespmem:v60+s22+$0x0] =	vst.idx.add.f32.msk $0xffff, v40  }
0x243: {  	v27 =	vld.idx.msk [tilespmem:v63+s19+$0x0], $0xffff  }
0x244: {  	[tilespmem:v37+s22+$0x0] =	vst.idx.add.f32.msk $0xffff, v42  }
0x245: {  	v43 =	vor.u32 v6, v44;
	v23 =	vmul.f32 v23, v13;
	v28 =	vld.idx.msk [tilespmem:v38+s19+$0x0], $0xffff  }
0x246: {  	v45 =	vor.u32 s30, v7;
	v26 =	vld.idx.msk [tilespmem:v41+s19+$0x0], $0xffff  }
0x247: {  	v46 =	vor.u32 v6, v47;
	[tilespmem:v22+s22+$0x0] =	vst.idx.add.f32.msk $0xffff, v23  }
0x248: {  	v48 =	vor.u32 s1, v7;
	v21 =	vld.idx.msk [tilespmem:v21+s19+$0x0], $0xffff;
	v49 =	vmul.f32 v27, v35  }
0x249: {  	v19 =	vld.idx.msk [tilespmem:v19+s19+$0x0], $0xffff;
	v50 =	vor.u32 v7, v16  }
0x24a: {  	v52 =	vmul.f32 v28, v34;
	[tilespmem:v43+s22+$0x0] =	vst.idx.add.f32.msk $0xffff, v49  }
0x24b: {  	v24 =	vld.idx.msk [tilespmem:v45+s19+$0x0], $0xffff  }
0x24c: {  	v51 =	vor.u32 s29, v8;
	v26 =	vmul.f32 v26, v14;
	[tilespmem:v46+s22+$0x0] =	vst.idx.add.f32.msk $0xffff, v52  }
0x24d: {  	v53 =	vor.u32 v7, v44;
	v21 =	vmul.f32 v21, v13;
	v54 =	vld.idx.msk [tilespmem:v48+s19+$0x0], $0xffff  }
0x24e: {  	v55 =	vor.u32 s30, v8;
	[tilespmem:v50+s22+$0x0] =	vst.idx.add.f32.msk $0xffff, v26  }
0x24f: {  	v56 =	vor.u32 v7, v47;
	[tilespmem:v20+s22+$0x0] =	vst.idx.add.f32.msk $0xffff, v21  }
0x250: {  	v57 =	vor.u32 s1, v8;
	v21 =	vld.idx.msk [tilespmem:v25+s19+$0x0], $0xffff;
	v58 =	vmul.f32 v24, v35  }
0x251: {  	v27 =	vld.idx.msk [tilespmem:v51+s19+$0x0], $0xffff  }
0x252: {  	v59 =	vmul.f32 v54, v34;
	[tilespmem:v53+s22+$0x0] =	vst.idx.add.f32.msk $0xffff, v58  }
0x253: {  	v12 =	vor.u32 v8, v12;
	v22 =	vld.idx.msk [tilespmem:v55+s19+$0x0], $0xffff  }
0x254: {  	[tilespmem:v56+s22+$0x0] =	vst.idx.add.f32.msk $0xffff, v59  }
0x255: {  	v9 =	vmul.f32 v19, v10;
	v61 =	vor.u32 v8, v44;
	v62 =	vld.idx.msk [tilespmem:v57+s19+$0x0], $0xffff  }
0x256: {  	v11 =	vmul.f32 v39, v11;
	v60 =	vor.u32 v8, v16  }
0x257: {  	s26 =	sadd.s32 $0x1, s26;
	[tilespmem:v17+s22+$0x0] =	vst.idx.add.f32.msk $0xffff, v9;
	v63 =	vor.u32 v8, v47;
	v9 =	vmul.f32 v21, v13  }
0x258: {  	p0 =	sne.s32 s26, $0x55;
	[tilespmem:v12+s22+$0x0] =	vst.idx.add.f32.msk $0xffff, v11;
	v10 =	vmul.f32 v22, v35  }
.Ltmp6:
0x259: {  	v11 =	vmul.f32 v27, v14;
	[tilespmem:v18+s22+$0x0] =	vst.idx.add.f32.msk $0xffff, v9;
	(pc) =	sbr.rel @p0 .LBB2_8-.Ltmp6, $4  }
0x25a: {  	[tilespmem:v61+s22+$0x0] =	vst.idx.add.f32.msk $0xffff, v10;
	v10 =	vmul.f32 v62, v34  }
0x25b: {  	[tilespmem:v60+s22+$0x0] =	vst.idx.add.f32.msk $0xffff, v11  }
0x25c: {  	s31 =	sadd.s32 $0x55C0, s28;
	s25 =	sadd.s32 $0x80, s25;
	[tilespmem:v63+s22+$0x0] =	vst.idx.add.f32.msk $0xffff, v10  }
0x25d: {  	[tilespmem:s19], [sflag:$0x2] =	stream.indirect.gather [hbm4b:s4+s15], $0x80, s31, s15, $0xb8;
	[tilespmem:$0x1B580] =	vst v63  }
0x25e: {  	_ =	swait.ge [sflag:s20], $0x2000  }
0x25f: {  	[sflag:s20] =	ssyncset.done $0x0  }
0x260: {  	[sflag:s20] =	ssyncadd.s32 $0xFFFFE000  }
0x261: {  	s24 =	sadd.s32 $0x1, s24;
	_ =	swait.ge [sflag:s23], $0x2000  }
0x262: {  	p0 =	sne.s32 s24, s9;
	[sflag:s23] =	ssyncset.done $0x0  }
.Ltmp7:
0x263: {  	[sflag:s23] =	ssyncadd.s32 $0xFFFFE000;
	(pc) =	sbr.rel @p0 .LBB2_1-.Ltmp7, $4  }
0x264: {  	[hbm4b:s8+s2] =	stream.linear.scatter [tilespmem:s22], [sflag:$0x3], $0xA000, $0x38;
	[tilespmem:$0x1B580] =	vst v63  }
0x265: {  	_ =	swait.ge [sflag:s10], $0xA000  }
0x266: {  	[sflag:s10] =	ssyncset.done $0x0  }
0x267: {  	[sflag:s10] =	ssyncadd.s32 $0xFFFF6000  }
0x268: {  	_ =	sfence.sel $0x180000  }
0x269: {  	[bflag:$0x0] =	sbarrier.arrive $0xFFFF  }
0x26a: {  	_ =	strace $0x90000050  }
0x26b: {  	s0 =	stileid.u32;
	[bflag:$0x2] =	sbarrier.arrive $0xFFFF  }
0x26c: {  	p0 =	sne.s32 s0, $0x0;
	s0 =	rddreg [dreg:$0x1]  }
0x26d: {  	s0 =	sadd.s32 @!p0 $0x100000, s0  }
0x26e: {  	[sflag:s0] =	ssyncadd.tile.s32 @!p0 $0x1;
	_ =	shalt  }
.Lfunc_end2:
_tile_overlayer_lowered:
.L_overlay_start_2:
0x26f: {  	(tag) =	ssettag $0x2  }
0x270: {  	s0 =	rddreg [dreg:$0x0];
	s2 =	stileid.u32  }
0x271: {  	s1 =	rddreg [dreg:$0x1];
	p0 =	sne.s32 s2, $0x0  }
0x272: {  	s3 =	rddreg [dreg:$0x2];
	[bflag:$0x3] =	sbarrier.arrive $0xFFFF;
	s2 =	simm.s32 @!p0 $0x1C03  }
0x273: {  	[timem:s3], [sflag:s2] =	dma.local @!p0 [hbm:s0], s1  }
0x274: {  	s0 =	simm.s32 @!p0 $0x3  }
0x275: {  	_ =	swait.ge @!p0 [sflag:s0], s1  }
0x276: {  	s1 =	ssub.s32 @!p0 $0x0, s1;
	[sflag:s0] =	ssyncset.done @!p0 $0x0  }
0x277: {  	[sflag:s0] =	ssyncadd.s32 @!p0 s1  }
0x278: {  	[bflag:$0x3] =	sbarrier.arrive $0xFFFF  }
0x279: {  	_ =	shalt  }

</sc_bundles>
